<compile_context>
chip_gen: v7x
topology: tpu7x:2x2x1
jax: 0.10.2.dev20260603
libtpu: 0.0.44.dev20260713+nightly
codegen_flags: <defaults>
</compile_context>

<pallas_src>
import functools

import jax
import jax.numpy as jnp
from jax import lax
from jax.experimental import pallas as pl
from jax.experimental.pallas import tpu as pltpu
from jax.experimental.pallas import tpu_sc as plsc

_EPS = 1e-5
_NC = 2
_NS = 16
_T = 3


def kernel(x, edge_seq, edge_knn, edge_dis, Wc, bc, Wf, bf, gamma, beta):
    N, D = x.shape
    E = edge_seq.shape[1]
    L = Wc.shape[0]
    H = D // 2
    ET = _T * E
    assert ET % _NS == 0
    per_sub = ET // _NS
    CH = 1024
    K = CH // 128
    per_sub_p = -(-per_sub // CH) * CH
    NCH = per_sub_p // CH
    RPS = per_sub_p // 128
    RT = _NS * RPS
    TN = _T * N
    assert TN % _NS == 0
    RO = TN // _NS
    ARP = TN + 16
    ZRP = ARP // _NS
    ARD = TN + 16
    ZRD = ARD // _NS

    s_all = jnp.concatenate(
        [edge_seq[0], edge_knn[0], edge_dis[0]]).astype(jnp.int32)
    d_all = jnp.concatenate(
        [edge_seq[1], edge_knn[1], edge_dis[1]]).astype(jnp.int32)
    toff = jnp.repeat(jnp.arange(_T, dtype=jnp.int32), E)
    gsrc = s_all + toff * N
    gdst = d_all + toff * N

    def lay(v, padval):
        v2 = v.reshape(_NS, per_sub)
        pad = jnp.full((_NS, per_sub_p - per_sub), padval, jnp.int32)
        return jnp.concatenate([v2, pad], axis=1).reshape(RT, 128)

    gidx = jnp.concatenate([lay(gsrc, 0), lay(gsrc + TN, 0)], axis=0)
    sidx = lay(gdst, TN)
    degidx = jnp.concatenate([lay(gsrc, TN), lay(gdst, TN)], axis=0)
    zeros_h = jnp.zeros((ZRP, H), jnp.float32)
    zeros_16 = jnp.zeros((ZRD, 16), jnp.float32)
    onehot = jnp.zeros((128, 16), jnp.float32).at[:, 0].set(1.0)

    mesh = plsc.VectorSubcoreMesh(
        core_axis_name="c", subcore_axis_name="s",
        num_cores=_NC, num_subcores=_NS)
    cp_sc = pltpu.CompilerParams(use_tc_tiling_on_sc=False)

    @functools.partial(
        pl.kernel,
        out_type=jax.ShapeDtypeStruct((_NC, TN, 16), jnp.float32),
        mesh=mesh,
        scratch_types=[
            pltpu.VMEM((K, 128), jnp.int32),
            pltpu.VMEM((128, 16), jnp.float32),
            pltpu.VMEM_SHARED((ARD, 16), jnp.float32),
        ],
        compiler_params=cp_sc,
    )
    def deg_kernel(idx_hbm, one_hbm, z16_hbm, out_hbm, idxb, oneb, acc):
        c = lax.axis_index("c")
        s = lax.axis_index("s")
        pltpu.sync_copy(z16_hbm, acc.at[pl.ds(s * ZRD, ZRD)])
        pltpu.sync_copy(one_hbm, oneb)
        plsc.subcore_barrier()
        rbase = c * RT + s * RPS

        def body(k, carry):
            pltpu.sync_copy(idx_hbm.at[pl.ds(rbase + k * K, K)], idxb)
            for j in range(K):
                pltpu.sync_copy(oneb, acc.at[idxb.at[j]], add=True)
            return carry

        lax.fori_loop(0, NCH, body, 0)
        plsc.subcore_barrier()
        pltpu.sync_copy(acc.at[pl.ds(s * RO, RO)],
                        out_hbm.at[c, pl.ds(s * RO, RO)])

    @functools.partial(
        pl.kernel,
        out_type=jax.ShapeDtypeStruct((_NC, TN, H), jnp.float32),
        mesh=mesh,
        scratch_types=[
            pltpu.VMEM((K, 128), jnp.int32),
            pltpu.VMEM((K, 128), jnp.int32),
            pltpu.VMEM((128, H), jnp.float32),
            pltpu.VMEM_SHARED((ARP, H), jnp.float32),
            pltpu.SemaphoreType.DMA,
        ],
        compiler_params=cp_sc,
    )
    def prop_kernel(gidx_hbm, sidx_hbm, tab_hbm, zh_hbm, out_hbm,
                    gb, sb, rows, acc, sem):
        c = lax.axis_index("c")
        s = lax.axis_index("s")
        pltpu.sync_copy(zh_hbm, acc.at[pl.ds(s * ZRP, ZRP)])
        plsc.subcore_barrier()
        gbase = c * RT + s * RPS
        sbase = s * RPS

        def body(k, carry):
            pltpu.sync_copy(gidx_hbm.at[pl.ds(gbase + k * K, K)], gb)
            pltpu.sync_copy(sidx_hbm.at[pl.ds(sbase + k * K, K)], sb)
            for j in range(K):
                pltpu.async_copy(tab_hbm.at[gb.at[j]], rows, sem).wait()
                pltpu.sync_copy(rows, acc.at[sb.at[j]], add=True)
            return carry

        lax.fori_loop(0, NCH, body, 0)
        plsc.subcore_barrier()
        pltpu.sync_copy(acc.at[pl.ds(s * RO, RO)],
                        out_hbm.at[c, pl.ds(s * RO, RO)])

    BN = 2000
    GB = N // BN
    assert N % BN == 0
    f32 = jnp.float32

    def norm_of(v):
        return jnp.where(v > 0, lax.rsqrt(jnp.maximum(v, 1e-12)), 0.0)

    def src_norms(deg):
        return [norm_of(deg[t, :, 0]) for t in range(_T)]

    def dst_norms(deg):
        return [norm_of(deg[_T + t, :, 0]) for t in range(_T)]

    def emit_tables(m_ref, h, ns, wc_ref):
        hb = h.astype(jnp.bfloat16)
        for t in range(_T):
            mt = jnp.dot(hb, wc_ref[t].astype(jnp.bfloat16),
                         preferred_element_type=f32)
            mt = mt * ns[t][:, None]
            m_ref[t] = mt[:, :H]
            m_ref[_T + t] = mt[:, H:]

    deg_spec = pl.BlockSpec((2 * _T, BN, 16), lambda b: (0, b, 0))
    mu_spec = pl.BlockSpec((_NC * _T, BN, H), lambda b: (0, b, 0))

    def tc_table(x_ref, deg_ref, wc_ref, m_ref):
        emit_tables(m_ref, x_ref[...], src_norms(deg_ref[...]), wc_ref)

    tc_table_call = pl.pallas_call(
        tc_table,
        grid=(GB,),
        in_specs=[pl.BlockSpec((BN, D), lambda b: (b, 0)),
                  deg_spec,
                  pl.BlockSpec((_T, D, D), lambda b: (0, 0, 0))],
        out_specs=mu_spec,
        out_shape=jax.ShapeDtypeStruct((_NC * _T, N, H), f32))

    def tc_fc(u_ref, deg_ref, bc_ref, wf_ref, bf_ref, z_ref, st_ref):
        b = pl.program_id(0)
        u = u_ref[...]
        nd = dst_norms(deg_ref[...])
        h0 = nd[0][:, None] * u[0]
        h1 = nd[0][:, None] * u[_T]
        for t in range(1, _T):
            h0 = h0 + nd[t][:, None] * u[t]
            h1 = h1 + nd[t][:, None] * u[_T + t]
        agg = jnp.concatenate([h0, h1], axis=1)
        agg = agg + jnp.sum(bc_ref[...], axis=0)
        z = jnp.dot(agg.astype(jnp.bfloat16),
                    wf_ref[...].T.astype(jnp.bfloat16),
                    preferred_element_type=f32)
        z = jnp.maximum(z + bf_ref[...], 0.0)
        z_ref[...] = z
        st = jnp.concatenate(
            [jnp.sum(z, axis=0, keepdims=True),
             jnp.sum(z * z, axis=0, keepdims=True),
             jnp.zeros((6, D), f32)], axis=0)

        @pl.when(b == 0)
        def _():
            st_ref[...] = st

        @pl.when(b > 0)
        def _():
            st_ref[...] = st_ref[...] + st

    tc_fc_call = pl.pallas_call(
        tc_fc,
        grid=(GB,),
        in_specs=[mu_spec,
                  deg_spec,
                  pl.BlockSpec((_T, D), lambda b: (0, 0)),
                  pl.BlockSpec((D, D), lambda b: (0, 0)),
                  pl.BlockSpec((1, D), lambda b: (0, 0))],
        out_specs=[pl.BlockSpec((BN, D), lambda b: (b, 0)),
                   pl.BlockSpec((8, D), lambda b: (0, 0))],
        out_shape=[jax.ShapeDtypeStruct((N, D), f32),
                   jax.ShapeDtypeStruct((8, D), f32)])

    def bn_apply(z, st_ref, g_ref, be_ref):
        st = st_ref[...]
        mean = st[0] / N
        var = st[1] / N - mean * mean
        return (z - mean) * lax.rsqrt(var + _EPS) * g_ref[...] + be_ref[...]

    def tc_bn_table(z_ref, st_ref, g_ref, be_ref, deg_ref, wc_ref, m_ref):
        h = bn_apply(z_ref[...], st_ref, g_ref, be_ref)
        emit_tables(m_ref, h, src_norms(deg_ref[...]), wc_ref)

    tc_bn_table_call = pl.pallas_call(
        tc_bn_table,
        grid=(GB,),
        in_specs=[pl.BlockSpec((BN, D), lambda b: (b, 0)),
                  pl.BlockSpec((8, D), lambda b: (0, 0)),
                  pl.BlockSpec((1, D), lambda b: (0, 0)),
                  pl.BlockSpec((1, D), lambda b: (0, 0)),
                  deg_spec,
                  pl.BlockSpec((_T, D, D), lambda b: (0, 0, 0))],
        out_specs=mu_spec,
        out_shape=jax.ShapeDtypeStruct((_NC * _T, N, H), f32))

    def tc_bn(z_ref, st_ref, g_ref, be_ref, h_ref):
        h_ref[...] = bn_apply(z_ref[...], st_ref, g_ref, be_ref)

    tc_bn_call = pl.pallas_call(
        tc_bn,
        grid=(GB,),
        in_specs=[pl.BlockSpec((BN, D), lambda b: (b, 0)),
                  pl.BlockSpec((8, D), lambda b: (0, 0)),
                  pl.BlockSpec((1, D), lambda b: (0, 0)),
                  pl.BlockSpec((1, D), lambda b: (0, 0))],
        out_specs=pl.BlockSpec((BN, D), lambda b: (b, 0)),
        out_shape=jax.ShapeDtypeStruct((N, D), f32))

    degs = deg_kernel(degidx, onehot, zeros_16)
    degr = degs.reshape(_NC * _T, N, 16)
    m = tc_table_call(x, degr, Wc[0])
    h = None
    for l in range(L):
        u = prop_kernel(gidx, sidx, m.reshape(_NC * TN, H), zeros_h)
        u = u.reshape(_NC * _T, N, H)
        z, st = tc_fc_call(u, degr, bc[l], Wf[l], bf[l].reshape(1, D))
        if l < L - 1:
            m = tc_bn_table_call(z, st, gamma[l].reshape(1, D),
                                 beta[l].reshape(1, D), degr, Wc[l + 1])
        else:
            h = tc_bn_call(z, st, gamma[l].reshape(1, D),
                           beta[l].reshape(1, D))
    return h

# --- scband reference (transcript-rebuilt; emitter-appended) ---
"""Pipeline reference for scband-encoder-53412213293256 (READ-ONLY COPY).

The authoritative reference and input builder live on the scoring server;
editing this copy changes nothing except your own understanding.
"""

import jax, jax.numpy as jnp
import numpy as np

N = 10000
E = 320000
D = 128
L = 3
T = 3
EPS = 1e-5


def setup_inputs(seed: int = 0) -> dict:
    key = jax.random.key(seed)
    ks = jax.random.split(key, 8)
    x = jax.random.normal(ks[0], (N, D), dtype=jnp.float32)
    edge_seq = jax.random.randint(ks[1], (2, E), 0, N).astype(jnp.int64)
    edge_knn = jax.random.randint(ks[2], (2, E), 0, N).astype(jnp.int64)
    edge_dis = jax.random.randint(ks[3], (2, E), 0, N).astype(jnp.int64)
    Wc = jax.random.normal(ks[4], (L, T, D, D), dtype=jnp.float32) * 0.05
    bc = jnp.zeros((L, T, D), dtype=jnp.float32)
    Wf = jax.random.normal(ks[5], (L, D, D), dtype=jnp.float32) * 0.05
    bf = jnp.zeros((L, D), dtype=jnp.float32)
    gamma = jnp.ones((L, D), dtype=jnp.float32)
    beta = jnp.zeros((L, D), dtype=jnp.float32)
    return {"x": x, "edge_seq": edge_seq, "edge_knn": edge_knn, "edge_dis": edge_dis,
            "Wc": Wc, "bc": bc, "Wf": Wf, "bf": bf, "gamma": gamma, "beta": beta}


def _graph_conv(h, W, b, src, dst):
    # DGL GraphConv with norm='both': D_dst^{-1/2} A D_src^{-1/2} h W + b
    n = h.shape[0]
    deg_out = jnp.zeros((n,), jnp.float32).at[src].add(1.0)
    deg_in = jnp.zeros((n,), jnp.float32).at[dst].add(1.0)
    norm_src = jnp.where(deg_out > 0, jax.lax.rsqrt(jnp.maximum(deg_out, 1e-12)), 0.0)
    norm_dst = jnp.where(deg_in > 0, jax.lax.rsqrt(jnp.maximum(deg_in, 1e-12)), 0.0)
    m = h @ W                              # [n, d_out]
    m = jnp.take(m, src, axis=0) * norm_src[src][:, None]   # gather per-edge
    s = jnp.zeros((n, W.shape[1]), jnp.float32).at[dst].add(m)  # scatter-add
    return s * norm_dst[:, None] + b


def reference(x, edge_seq, edge_knn, edge_dis, Wc, bc, Wf, bf, gamma, beta):
    edges = [edge_seq, edge_knn, edge_dis]
    h = x
    for l in range(L):
        agg = jnp.zeros((h.shape[0], D), jnp.float32)
        for t in range(T):
            agg = agg + _graph_conv(h, Wc[l, t], bc[l, t], edges[t][0], edges[t][1])
        # HeteroGraphConv aggregate='sum' done above; then fc -> relu -> BatchNorm1d
        h = agg @ Wf[l].T + bf[l]
        h = jax.nn.relu(h)
        mean = jnp.mean(h, axis=0)
        var = jnp.var(h, axis=0)
        h = (h - mean) * jax.lax.rsqrt(var + EPS) * gamma[l] + beta[l]
        # dropout is identity in eval mode
    return h

if __name__ == "__main__":
    import jax
    _d = setup_inputs()
    print(jax.jit(kernel)(*tuple(_d.values())))

</pallas_src>

<mosaic_0001>
#map = affine_map<(d0, d1) -> (0, 0)>
#map1 = affine_map<(d0, d1) -> (0, 0, 0)>
module attributes {stable_mosaic.version = 14 : i64} {
  func.func @prop_kernel(%arg0: i32, %arg1: i32, %arg2: memref<15104x128xi32, #tpu.memory_space<hbm>>, %arg3: memref<7552x128xi32, #tpu.memory_space<hbm>>, %arg4: memref<60000x64xf32, #tpu.memory_space<hbm>>, %arg5: memref<1876x64xf32, #tpu.memory_space<hbm>>, %arg6: memref<2x30000x64xf32, #tpu.memory_space<hbm>>, %arg7: memref<8x128xi32, #tpu.memory_space<vmem>>, %arg8: memref<8x128xi32, #tpu.memory_space<vmem>>, %arg9: memref<128x64xf32, #tpu.memory_space<vmem>>, %arg10: memref<30016x64xf32, #tpu.memory_space<vmem_shared>>, %arg11: memref<!tpu.dma_semaphore, #tpu.memory_space<semaphore_mem>>) attributes {dimension_semantics = [#tpu.dimension_semantics<core_parallel>, #tpu.dimension_semantics<subcore_parallel>], iteration_bounds = array<i64: 2, 16>, scalar_prefetch = 0 : i64, scratch_operands = 5 : i64, tpu.core_type = #tpu.core_type<sc_vector_subcore>, window_params = [{transform_indices = #map}, {transform_indices = #map}, {transform_indices = #map}, {transform_indices = #map}, {transform_indices = #map1}]} {
    %mul3A = arith.constant 1876 : i32
    %mul3A_0 = arith.muli %arg1, %mul3A : i32
    "tpu.region"() ({
      %run_scoped3A = tpu.sem_alloc : memref<!tpu.dma_semaphore, #tpu.memory_space<semaphore_mem>>
      %dma_start3A = arith.constant 0 : i32
      %dma_start3A_17 = tpu.memref_slice %arg10[%mul3A_0, %dma_start3A] : memref<30016x64xf32, #tpu.memory_space<vmem_shared>> -> memref<1876x64xf32, #tpu.memory_space<vmem_shared>>
      tpu.enqueue_dma source(%arg5 : memref<1876x64xf32, #tpu.memory_space<hbm>>) target(%dma_start3A_17 : memref<1876x64xf32, #tpu.memory_space<vmem_shared>>) target_semaphore(%run_scoped3A : memref<!tpu.dma_semaphore, #tpu.memory_space<semaphore_mem>>)
      %dma_wait3A = arith.constant 0 : i32
      %dma_wait3A_18 = tpu.memref_slice %arg10[%mul3A_0, %dma_wait3A] : memref<30016x64xf32, #tpu.memory_space<vmem_shared>> -> memref<1876x64xf32, #tpu.memory_space<vmem_shared>>
      tpu.wait_dma2 semaphore(%run_scoped3A : memref<!tpu.dma_semaphore, #tpu.memory_space<semaphore_mem>>) src(%arg5 : memref<1876x64xf32, #tpu.memory_space<hbm>>) dst(%dma_wait3A_18 : memref<1876x64xf32, #tpu.memory_space<vmem_shared>>)
      tpu.yield
    }) : () -> ()
    %barrier3A = arith.constant 0 : index
    tpu.barrier barrier_id(%barrier3A)
    %mul3A_1 = arith.constant 7552 : i32
    %mul3A_2 = arith.muli %arg0, %mul3A_1 : i32
    %mul3A_3 = arith.constant 472 : i32
    %mul3A_4 = arith.muli %arg1, %mul3A_3 : i32
    %add3A = arith.addi %mul3A_2, %mul3A_4 : i32
    %mul3A_5 = arith.constant 472 : i32
    %mul3A_6 = arith.muli %arg1, %mul3A_5 : i32
    %scan3A = arith.constant 0 : i32
    %scan3A_7 = arith.constant 0 : i32
    %scan3A_8 = arith.constant 59 : i32
    %scan3A_9 = arith.addi %scan3A_7, %scan3A_8 : i32
    %scan3A_10 = arith.constant 1 : i32
    scf.for %scan3A_17 = %scan3A_7 to %scan3A_9 step %scan3A_10  : i32 {
      %mul3A_18 = arith.constant 8 : i32
      %mul3A_19 = arith.muli %scan3A_17, %mul3A_18 : i32
      %add3A_20 = arith.addi %add3A, %mul3A_19 : i32
      "tpu.region"() ({
        %run_scoped3A_141 = tpu.sem_alloc : memref<!tpu.dma_semaphore, #tpu.memory_space<semaphore_mem>>
        %dma_start3A_142 = arith.constant 0 : i32
        %dma_start3A_143 = tpu.memref_slice %arg2[%add3A_20, %dma_start3A_142] : memref<15104x128xi32, #tpu.memory_space<hbm>> -> memref<8x128xi32, #tpu.memory_space<hbm>>
        %dma_start3A_144 = arith.constant 0 : i32
        %dma_start3A_145 = tpu.memref_slice %arg2[%add3A_20, %dma_start3A_144] : memref<15104x128xi32, #tpu.memory_space<hbm>> -> memref<8x128xi32, #tpu.memory_space<hbm>>
        tpu.enqueue_dma source(%dma_start3A_145 : memref<8x128xi32, #tpu.memory_space<hbm>>) target(%arg7 : memref<8x128xi32, #tpu.memory_space<vmem>>) target_semaphore(%run_scoped3A_141 : memref<!tpu.dma_semaphore, #tpu.memory_space<semaphore_mem>>)
        %dma_wait3A_146 = arith.constant 0 : i32
        %dma_wait3A_147 = tpu.memref_slice %arg2[%add3A_20, %dma_wait3A_146] : memref<15104x128xi32, #tpu.memory_space<hbm>> -> memref<8x128xi32, #tpu.memory_space<hbm>>
        %dma_wait3A_148 = arith.constant 0 : i32
        %dma_wait3A_149 = tpu.memref_slice %arg2[%add3A_20, %dma_wait3A_148] : memref<15104x128xi32, #tpu.memory_space<hbm>> -> memref<8x128xi32, #tpu.memory_space<hbm>>
        tpu.wait_dma2 semaphore(%run_scoped3A_141 : memref<!tpu.dma_semaphore, #tpu.memory_space<semaphore_mem>>) src(%dma_wait3A_149 : memref<8x128xi32, #tpu.memory_space<hbm>>) dst(%arg7 : memref<8x128xi32, #tpu.memory_space<vmem>>)
        tpu.yield
      }) : () -> ()
      %mul3A_21 = arith.constant 8 : i32
      %mul3A_22 = arith.muli %scan3A_17, %mul3A_21 : i32
      %add3A_23 = arith.addi %mul3A_6, %mul3A_22 : i32
      "tpu.region"() ({
        %run_scoped3A_141 = tpu.sem_alloc : memref<!tpu.dma_semaphore, #tpu.memory_space<semaphore_mem>>
        %dma_start3A_142 = arith.constant 0 : i32
        %dma_start3A_143 = tpu.memref_slice %arg3[%add3A_23, %dma_start3A_142] : memref<7552x128xi32, #tpu.memory_space<hbm>> -> memref<8x128xi32, #tpu.memory_space<hbm>>
        %dma_start3A_144 = arith.constant 0 : i32
        %dma_start3A_145 = tpu.memref_slice %arg3[%add3A_23, %dma_start3A_144] : memref<7552x128xi32, #tpu.memory_space<hbm>> -> memref<8x128xi32, #tpu.memory_space<hbm>>
        tpu.enqueue_dma source(%dma_start3A_145 : memref<8x128xi32, #tpu.memory_space<hbm>>) target(%arg8 : memref<8x128xi32, #tpu.memory_space<vmem>>) target_semaphore(%run_scoped3A_141 : memref<!tpu.dma_semaphore, #tpu.memory_space<semaphore_mem>>)
        %dma_wait3A_146 = arith.constant 0 : i32
        %dma_wait3A_147 = tpu.memref_slice %arg3[%add3A_23, %dma_wait3A_146] : memref<7552x128xi32, #tpu.memory_space<hbm>> -> memref<8x128xi32, #tpu.memory_space<hbm>>
        %dma_wait3A_148 = arith.constant 0 : i32
        %dma_wait3A_149 = tpu.memref_slice %arg3[%add3A_23, %dma_wait3A_148] : memref<7552x128xi32, #tpu.memory_space<hbm>> -> memref<8x128xi32, #tpu.memory_space<hbm>>
        tpu.wait_dma2 semaphore(%run_scoped3A_141 : memref<!tpu.dma_semaphore, #tpu.memory_space<semaphore_mem>>) src(%dma_wait3A_149 : memref<8x128xi32, #tpu.memory_space<hbm>>) dst(%arg8 : memref<8x128xi32, #tpu.memory_space<vmem>>)
        tpu.yield
      }) : () -> ()
      %dma_start3A = arith.constant 0 : i32
      %dma_start3A_24 = arith.constant 0 : i32
      %dma_start3A_25 = tpu.memref_slice %arg7[%dma_start3A, %dma_start3A_24] : memref<8x128xi32, #tpu.memory_space<vmem>> -> memref<1x128xi32, #tpu.memory_space<vmem>>
      %dma_start3A_26 = tpu.memref_squeeze %dma_start3A_25 : memref<1x128xi32, #tpu.memory_space<vmem>> -> memref<128xi32, #tpu.memory_space<vmem>>
      %dma_start3A_27 = arith.constant 0 : i32
      %dma_start3A_28 = arith.constant 0 : i32
      %dma_start3A_29 = tpu.memref_slice %arg4[%dma_start3A_27, %dma_start3A_28] : memref<60000x64xf32, #tpu.memory_space<hbm>> -> memref<60000x64xf32, #tpu.memory_space<hbm>>
      tpu.enqueue_indirect_dma source(%dma_start3A_29 : memref<60000x64xf32, #tpu.memory_space<hbm>>) target(%arg9 : memref<128x64xf32, #tpu.memory_space<vmem>>) offsets(%dma_start3A_26 : memref<128xi32, #tpu.memory_space<vmem>>) semaphore(%arg11 : memref<!tpu.dma_semaphore, #tpu.memory_space<semaphore_mem>>)
      %dma_wait3A = arith.constant 0 : i32
      %dma_wait3A_30 = arith.constant 0 : i32
      %dma_wait3A_31 = tpu.memref_slice %arg7[%dma_wait3A, %dma_wait3A_30] : memref<8x128xi32, #tpu.memory_space<vmem>> -> memref<1x128xi32, #tpu.memory_space<vmem>>
      %dma_wait3A_32 = tpu.memref_squeeze %dma_wait3A_31 : memref<1x128xi32, #tpu.memory_space<vmem>> -> memref<128xi32, #tpu.memory_space<vmem>>
      %dma_wait3A_33 = arith.constant 0 : i32
      %dma_wait3A_34 = arith.constant 0 : i32
      %dma_wait3A_35 = tpu.memref_slice %arg4[%dma_wait3A_33, %dma_wait3A_34] : memref<60000x64xf32, #tpu.memory_space<hbm>> -> memref<60000x64xf32, #tpu.memory_space<hbm>>
      tpu.wait_indirect_dma semaphore(%arg11 : memref<!tpu.dma_semaphore, #tpu.memory_space<semaphore_mem>>) src(%dma_wait3A_35 : memref<60000x64xf32, #tpu.memory_space<hbm>>) dst(%arg9 : memref<128x64xf32, #tpu.memory_space<vmem>>)
      %run_scoped3A = arith.constant 0 : i32
      "tpu.region"() ({
        %run_scoped3A_141 = tpu.sem_alloc : memref<!tpu.dma_semaphore, #tpu.memory_space<semaphore_mem>>
        %dma_start3A_142 = arith.constant 0 : i32
        %dma_start3A_143 = tpu.memref_slice %arg8[%run_scoped3A, %dma_start3A_142] : memref<8x128xi32, #tpu.memory_space<vmem>> -> memref<1x128xi32, #tpu.memory_space<vmem>>
        %dma_start3A_144 = tpu.memref_squeeze %dma_start3A_143 : memref<1x128xi32, #tpu.memory_space<vmem>> -> memref<128xi32, #tpu.memory_space<vmem>>
        %dma_start3A_145 = arith.constant 0 : i32
        %dma_start3A_146 = arith.constant 0 : i32
        %dma_start3A_147 = tpu.memref_slice %arg10[%dma_start3A_145, %dma_start3A_146] : memref<30016x64xf32, #tpu.memory_space<vmem_shared>> -> memref<30016x64xf32, #tpu.memory_space<vmem_shared>>
        tpu.enqueue_indirect_dma source(%arg9 : memref<128x64xf32, #tpu.memory_space<vmem>>) target(%dma_start3A_147 : memref<30016x64xf32, #tpu.memory_space<vmem_shared>>) offsets(%dma_start3A_144 : memref<128xi32, #tpu.memory_space<vmem>>) semaphore(%run_scoped3A_141 : memref<!tpu.dma_semaphore, #tpu.memory_space<semaphore_mem>>) {add = true}
        %dma_wait3A_148 = arith.constant 0 : i32
        %dma_wait3A_149 = tpu.memref_slice %arg8[%run_scoped3A, %dma_wait3A_148] : memref<8x128xi32, #tpu.memory_space<vmem>> -> memref<1x128xi32, #tpu.memory_space<vmem>>
        %dma_wait3A_150 = tpu.memref_squeeze %dma_wait3A_149 : memref<1x128xi32, #tpu.memory_space<vmem>> -> memref<128xi32, #tpu.memory_space<vmem>>
        %dma_wait3A_151 = arith.constant 0 : i32
        %dma_wait3A_152 = arith.constant 0 : i32
        %dma_wait3A_153 = tpu.memref_slice %arg10[%dma_wait3A_151, %dma_wait3A_152] : memref<30016x64xf32, #tpu.memory_space<vmem_shared>> -> memref<30016x64xf32, #tpu.memory_space<vmem_shared>>
        tpu.wait_indirect_dma semaphore(%run_scoped3A_141 : memref<!tpu.dma_semaphore, #tpu.memory_space<semaphore_mem>>) src(%arg9 : memref<128x64xf32, #tpu.memory_space<vmem>>) dst(%dma_wait3A_153 : memref<30016x64xf32, #tpu.memory_space<vmem_shared>>)
        tpu.yield
      }) : () -> ()
      %dma_start3A_36 = arith.constant 1 : i32
      %dma_start3A_37 = arith.constant 0 : i32
      %dma_start3A_38 = tpu.memref_slice %arg7[%dma_start3A_36, %dma_start3A_37] : memref<8x128xi32, #tpu.memory_space<vmem>> -> memref<1x128xi32, #tpu.memory_space<vmem>>
      %dma_start3A_39 = tpu.memref_squeeze %dma_start3A_38 : memref<1x128xi32, #tpu.memory_space<vmem>> -> memref<128xi32, #tpu.memory_space<vmem>>
      %dma_start3A_40 = arith.constant 0 : i32
      %dma_start3A_41 = arith.constant 0 : i32
      %dma_start3A_42 = tpu.memref_slice %arg4[%dma_start3A_40, %dma_start3A_41] : memref<60000x64xf32, #tpu.memory_space<hbm>> -> memref<60000x64xf32, #tpu.memory_space<hbm>>
      tpu.enqueue_indirect_dma source(%dma_start3A_42 : memref<60000x64xf32, #tpu.memory_space<hbm>>) target(%arg9 : memref<128x64xf32, #tpu.memory_space<vmem>>) offsets(%dma_start3A_39 : memref<128xi32, #tpu.memory_space<vmem>>) semaphore(%arg11 : memref<!tpu.dma_semaphore, #tpu.memory_space<semaphore_mem>>)
      %dma_wait3A_43 = arith.constant 1 : i32
      %dma_wait3A_44 = arith.constant 0 : i32
      %dma_wait3A_45 = tpu.memref_slice %arg7[%dma_wait3A_43, %dma_wait3A_44] : memref<8x128xi32, #tpu.memory_space<vmem>> -> memref<1x128xi32, #tpu.memory_space<vmem>>
      %dma_wait3A_46 = tpu.memref_squeeze %dma_wait3A_45 : memref<1x128xi32, #tpu.memory_space<vmem>> -> memref<128xi32, #tpu.memory_space<vmem>>
      %dma_wait3A_47 = arith.constant 0 : i32
      %dma_wait3A_48 = arith.constant 0 : i32
      %dma_wait3A_49 = tpu.memref_slice %arg4[%dma_wait3A_47, %dma_wait3A_48] : memref<60000x64xf32, #tpu.memory_space<hbm>> -> memref<60000x64xf32, #tpu.memory_space<hbm>>
      tpu.wait_indirect_dma semaphore(%arg11 : memref<!tpu.dma_semaphore, #tpu.memory_space<semaphore_mem>>) src(%dma_wait3A_49 : memref<60000x64xf32, #tpu.memory_space<hbm>>) dst(%arg9 : memref<128x64xf32, #tpu.memory_space<vmem>>)
      %run_scoped3A_50 = arith.constant 1 : i32
      "tpu.region"() ({
        %run_scoped3A_141 = tpu.sem_alloc : memref<!tpu.dma_semaphore, #tpu.memory_space<semaphore_mem>>
        %dma_start3A_142 = arith.constant 0 : i32
        %dma_start3A_143 = tpu.memref_slice %arg8[%run_scoped3A_50, %dma_start3A_142] : memref<8x128xi32, #tpu.memory_space<vmem>> -> memref<1x128xi32, #tpu.memory_space<vmem>>
        %dma_start3A_144 = tpu.memref_squeeze %dma_start3A_143 : memref<1x128xi32, #tpu.memory_space<vmem>> -> memref<128xi32, #tpu.memory_space<vmem>>
        %dma_start3A_145 = arith.constant 0 : i32
        %dma_start3A_146 = arith.constant 0 : i32
        %dma_start3A_147 = tpu.memref_slice %arg10[%dma_start3A_145, %dma_start3A_146] : memref<30016x64xf32, #tpu.memory_space<vmem_shared>> -> memref<30016x64xf32, #tpu.memory_space<vmem_shared>>
        tpu.enqueue_indirect_dma source(%arg9 : memref<128x64xf32, #tpu.memory_space<vmem>>) target(%dma_start3A_147 : memref<30016x64xf32, #tpu.memory_space<vmem_shared>>) offsets(%dma_start3A_144 : memref<128xi32, #tpu.memory_space<vmem>>) semaphore(%run_scoped3A_141 : memref<!tpu.dma_semaphore, #tpu.memory_space<semaphore_mem>>) {add = true}
        %dma_wait3A_148 = arith.constant 0 : i32
        %dma_wait3A_149 = tpu.memref_slice %arg8[%run_scoped3A_50, %dma_wait3A_148] : memref<8x128xi32, #tpu.memory_space<vmem>> -> memref<1x128xi32, #tpu.memory_space<vmem>>
        %dma_wait3A_150 = tpu.memref_squeeze %dma_wait3A_149 : memref<1x128xi32, #tpu.memory_space<vmem>> -> memref<128xi32, #tpu.memory_space<vmem>>
        %dma_wait3A_151 = arith.constant 0 : i32
        %dma_wait3A_152 = arith.constant 0 : i32
        %dma_wait3A_153 = tpu.memref_slice %arg10[%dma_wait3A_151, %dma_wait3A_152] : memref<30016x64xf32, #tpu.memory_space<vmem_shared>> -> memref<30016x64xf32, #tpu.memory_space<vmem_shared>>
        tpu.wait_indirect_dma semaphore(%run_scoped3A_141 : memref<!tpu.dma_semaphore, #tpu.memory_space<semaphore_mem>>) src(%arg9 : memref<128x64xf32, #tpu.memory_space<vmem>>) dst(%dma_wait3A_153 : memref<30016x64xf32, #tpu.memory_space<vmem_shared>>)
        tpu.yield
      }) : () -> ()
      %dma_start3A_51 = arith.constant 2 : i32
      %dma_start3A_52 = arith.constant 0 : i32
      %dma_start3A_53 = tpu.memref_slice %arg7[%dma_start3A_51, %dma_start3A_52] : memref<8x128xi32, #tpu.memory_space<vmem>> -> memref<1x128xi32, #tpu.memory_space<vmem>>
      %dma_start3A_54 = tpu.memref_squeeze %dma_start3A_53 : memref<1x128xi32, #tpu.memory_space<vmem>> -> memref<128xi32, #tpu.memory_space<vmem>>
      %dma_start3A_55 = arith.constant 0 : i32
      %dma_start3A_56 = arith.constant 0 : i32
      %dma_start3A_57 = tpu.memref_slice %arg4[%dma_start3A_55, %dma_start3A_56] : memref<60000x64xf32, #tpu.memory_space<hbm>> -> memref<60000x64xf32, #tpu.memory_space<hbm>>
      tpu.enqueue_indirect_dma source(%dma_start3A_57 : memref<60000x64xf32, #tpu.memory_space<hbm>>) target(%arg9 : memref<128x64xf32, #tpu.memory_space<vmem>>) offsets(%dma_start3A_54 : memref<128xi32, #tpu.memory_space<vmem>>) semaphore(%arg11 : memref<!tpu.dma_semaphore, #tpu.memory_space<semaphore_mem>>)
      %dma_wait3A_58 = arith.constant 2 : i32
      %dma_wait3A_59 = arith.constant 0 : i32
      %dma_wait3A_60 = tpu.memref_slice %arg7[%dma_wait3A_58, %dma_wait3A_59] : memref<8x128xi32, #tpu.memory_space<vmem>> -> memref<1x128xi32, #tpu.memory_space<vmem>>
      %dma_wait3A_61 = tpu.memref_squeeze %dma_wait3A_60 : memref<1x128xi32, #tpu.memory_space<vmem>> -> memref<128xi32, #tpu.memory_space<vmem>>
      %dma_wait3A_62 = arith.constant 0 : i32
      %dma_wait3A_63 = arith.constant 0 : i32
      %dma_wait3A_64 = tpu.memref_slice %arg4[%dma_wait3A_62, %dma_wait3A_63] : memref<60000x64xf32, #tpu.memory_space<hbm>> -> memref<60000x64xf32, #tpu.memory_space<hbm>>
      tpu.wait_indirect_dma semaphore(%arg11 : memref<!tpu.dma_semaphore, #tpu.memory_space<semaphore_mem>>) src(%dma_wait3A_64 : memref<60000x64xf32, #tpu.memory_space<hbm>>) dst(%arg9 : memref<128x64xf32, #tpu.memory_space<vmem>>)
      %run_scoped3A_65 = arith.constant 2 : i32
      "tpu.region"() ({
        %run_scoped3A_141 = tpu.sem_alloc : memref<!tpu.dma_semaphore, #tpu.memory_space<semaphore_mem>>
        %dma_start3A_142 = arith.constant 0 : i32
        %dma_start3A_143 = tpu.memref_slice %arg8[%run_scoped3A_65, %dma_start3A_142] : memref<8x128xi32, #tpu.memory_space<vmem>> -> memref<1x128xi32, #tpu.memory_space<vmem>>
        %dma_start3A_144 = tpu.memref_squeeze %dma_start3A_143 : memref<1x128xi32, #tpu.memory_space<vmem>> -> memref<128xi32, #tpu.memory_space<vmem>>
        %dma_start3A_145 = arith.constant 0 : i32
        %dma_start3A_146 = arith.constant 0 : i32
        %dma_start3A_147 = tpu.memref_slice %arg10[%dma_start3A_145, %dma_start3A_146] : memref<30016x64xf32, #tpu.memory_space<vmem_shared>> -> memref<30016x64xf32, #tpu.memory_space<vmem_shared>>
        tpu.enqueue_indirect_dma source(%arg9 : memref<128x64xf32, #tpu.memory_space<vmem>>) target(%dma_start3A_147 : memref<30016x64xf32, #tpu.memory_space<vmem_shared>>) offsets(%dma_start3A_144 : memref<128xi32, #tpu.memory_space<vmem>>) semaphore(%run_scoped3A_141 : memref<!tpu.dma_semaphore, #tpu.memory_space<semaphore_mem>>) {add = true}
        %dma_wait3A_148 = arith.constant 0 : i32
        %dma_wait3A_149 = tpu.memref_slice %arg8[%run_scoped3A_65, %dma_wait3A_148] : memref<8x128xi32, #tpu.memory_space<vmem>> -> memref<1x128xi32, #tpu.memory_space<vmem>>
        %dma_wait3A_150 = tpu.memref_squeeze %dma_wait3A_149 : memref<1x128xi32, #tpu.memory_space<vmem>> -> memref<128xi32, #tpu.memory_space<vmem>>
        %dma_wait3A_151 = arith.constant 0 : i32
        %dma_wait3A_152 = arith.constant 0 : i32
        %dma_wait3A_153 = tpu.memref_slice %arg10[%dma_wait3A_151, %dma_wait3A_152] : memref<30016x64xf32, #tpu.memory_space<vmem_shared>> -> memref<30016x64xf32, #tpu.memory_space<vmem_shared>>
        tpu.wait_indirect_dma semaphore(%run_scoped3A_141 : memref<!tpu.dma_semaphore, #tpu.memory_space<semaphore_mem>>) src(%arg9 : memref<128x64xf32, #tpu.memory_space<vmem>>) dst(%dma_wait3A_153 : memref<30016x64xf32, #tpu.memory_space<vmem_shared>>)
        tpu.yield
      }) : () -> ()
      %dma_start3A_66 = arith.constant 3 : i32
      %dma_start3A_67 = arith.constant 0 : i32
      %dma_start3A_68 = tpu.memref_slice %arg7[%dma_start3A_66, %dma_start3A_67] : memref<8x128xi32, #tpu.memory_space<vmem>> -> memref<1x128xi32, #tpu.memory_space<vmem>>
      %dma_start3A_69 = tpu.memref_squeeze %dma_start3A_68 : memref<1x128xi32, #tpu.memory_space<vmem>> -> memref<128xi32, #tpu.memory_space<vmem>>
      %dma_start3A_70 = arith.constant 0 : i32
      %dma_start3A_71 = arith.constant 0 : i32
      %dma_start3A_72 = tpu.memref_slice %arg4[%dma_start3A_70, %dma_start3A_71] : memref<60000x64xf32, #tpu.memory_space<hbm>> -> memref<60000x64xf32, #tpu.memory_space<hbm>>
      tpu.enqueue_indirect_dma source(%dma_start3A_72 : memref<60000x64xf32, #tpu.memory_space<hbm>>) target(%arg9 : memref<128x64xf32, #tpu.memory_space<vmem>>) offsets(%dma_start3A_69 : memref<128xi32, #tpu.memory_space<vmem>>) semaphore(%arg11 : memref<!tpu.dma_semaphore, #tpu.memory_space<semaphore_mem>>)
      %dma_wait3A_73 = arith.constant 3 : i32
      %dma_wait3A_74 = arith.constant 0 : i32
      %dma_wait3A_75 = tpu.memref_slice %arg7[%dma_wait3A_73, %dma_wait3A_74] : memref<8x128xi32, #tpu.memory_space<vmem>> -> memref<1x128xi32, #tpu.memory_space<vmem>>
      %dma_wait3A_76 = tpu.memref_squeeze %dma_wait3A_75 : memref<1x128xi32, #tpu.memory_space<vmem>> -> memref<128xi32, #tpu.memory_space<vmem>>
      %dma_wait3A_77 = arith.constant 0 : i32
      %dma_wait3A_78 = arith.constant 0 : i32
      %dma_wait3A_79 = tpu.memref_slice %arg4[%dma_wait3A_77, %dma_wait3A_78] : memref<60000x64xf32, #tpu.memory_space<hbm>> -> memref<60000x64xf32, #tpu.memory_space<hbm>>
      tpu.wait_indirect_dma semaphore(%arg11 : memref<!tpu.dma_semaphore, #tpu.memory_space<semaphore_mem>>) src(%dma_wait3A_79 : memref<60000x64xf32, #tpu.memory_space<hbm>>) dst(%arg9 : memref<128x64xf32, #tpu.memory_space<vmem>>)
      %run_scoped3A_80 = arith.constant 3 : i32
      "tpu.region"() ({
        %run_scoped3A_141 = tpu.sem_alloc : memref<!tpu.dma_semaphore, #tpu.memory_space<semaphore_mem>>
        %dma_start3A_142 = arith.constant 0 : i32
        %dma_start3A_143 = tpu.memref_slice %arg8[%run_scoped3A_80, %dma_start3A_142] : memref<8x128xi32, #tpu.memory_space<vmem>> -> memref<1x128xi32, #tpu.memory_space<vmem>>
        %dma_start3A_144 = tpu.memref_squeeze %dma_start3A_143 : memref<1x128xi32, #tpu.memory_space<vmem>> -> memref<128xi32, #tpu.memory_space<vmem>>
        %dma_start3A_145 = arith.constant 0 : i32
        %dma_start3A_146 = arith.constant 0 : i32
        %dma_start3A_147 = tpu.memref_slice %arg10[%dma_start3A_145, %dma_start3A_146] : memref<30016x64xf32, #tpu.memory_space<vmem_shared>> -> memref<30016x64xf32, #tpu.memory_space<vmem_shared>>
        tpu.enqueue_indirect_dma source(%arg9 : memref<128x64xf32, #tpu.memory_space<vmem>>) target(%dma_start3A_147 : memref<30016x64xf32, #tpu.memory_space<vmem_shared>>) offsets(%dma_start3A_144 : memref<128xi32, #tpu.memory_space<vmem>>) semaphore(%run_scoped3A_141 : memref<!tpu.dma_semaphore, #tpu.memory_space<semaphore_mem>>) {add = true}
        %dma_wait3A_148 = arith.constant 0 : i32
        %dma_wait3A_149 = tpu.memref_slice %arg8[%run_scoped3A_80, %dma_wait3A_148] : memref<8x128xi32, #tpu.memory_space<vmem>> -> memref<1x128xi32, #tpu.memory_space<vmem>>
        %dma_wait3A_150 = tpu.memref_squeeze %dma_wait3A_149 : memref<1x128xi32, #tpu.memory_space<vmem>> -> memref<128xi32, #tpu.memory_space<vmem>>
        %dma_wait3A_151 = arith.constant 0 : i32
        %dma_wait3A_152 = arith.constant 0 : i32
        %dma_wait3A_153 = tpu.memref_slice %arg10[%dma_wait3A_151, %dma_wait3A_152] : memref<30016x64xf32, #tpu.memory_space<vmem_shared>> -> memref<30016x64xf32, #tpu.memory_space<vmem_shared>>
        tpu.wait_indirect_dma semaphore(%run_scoped3A_141 : memref<!tpu.dma_semaphore, #tpu.memory_space<semaphore_mem>>) src(%arg9 : memref<128x64xf32, #tpu.memory_space<vmem>>) dst(%dma_wait3A_153 : memref<30016x64xf32, #tpu.memory_space<vmem_shared>>)
        tpu.yield
      }) : () -> ()
      %dma_start3A_81 = arith.constant 4 : i32
      %dma_start3A_82 = arith.constant 0 : i32
      %dma_start3A_83 = tpu.memref_slice %arg7[%dma_start3A_81, %dma_start3A_82] : memref<8x128xi32, #tpu.memory_space<vmem>> -> memref<1x128xi32, #tpu.memory_space<vmem>>
      %dma_start3A_84 = tpu.memref_squeeze %dma_start3A_83 : memref<1x128xi32, #tpu.memory_space<vmem>> -> memref<128xi32, #tpu.memory_space<vmem>>
      %dma_start3A_85 = arith.constant 0 : i32
      %dma_start3A_86 = arith.constant 0 : i32
      %dma_start3A_87 = tpu.memref_slice %arg4[%dma_start3A_85, %dma_start3A_86] : memref<60000x64xf32, #tpu.memory_space<hbm>> -> memref<60000x64xf32, #tpu.memory_space<hbm>>
      tpu.enqueue_indirect_dma source(%dma_start3A_87 : memref<60000x64xf32, #tpu.memory_space<hbm>>) target(%arg9 : memref<128x64xf32, #tpu.memory_space<vmem>>) offsets(%dma_start3A_84 : memref<128xi32, #tpu.memory_space<vmem>>) semaphore(%arg11 : memref<!tpu.dma_semaphore, #tpu.memory_space<semaphore_mem>>)
      %dma_wait3A_88 = arith.constant 4 : i32
      %dma_wait3A_89 = arith.constant 0 : i32
      %dma_wait3A_90 = tpu.memref_slice %arg7[%dma_wait3A_88, %dma_wait3A_89] : memref<8x128xi32, #tpu.memory_space<vmem>> -> memref<1x128xi32, #tpu.memory_space<vmem>>
      %dma_wait3A_91 = tpu.memref_squeeze %dma_wait3A_90 : memref<1x128xi32, #tpu.memory_space<vmem>> -> memref<128xi32, #tpu.memory_space<vmem>>
      %dma_wait3A_92 = arith.constant 0 : i32
      %dma_wait3A_93 = arith.constant 0 : i32
      %dma_wait3A_94 = tpu.memref_slice %arg4[%dma_wait3A_92, %dma_wait3A_93] : memref<60000x64xf32, #tpu.memory_space<hbm>> -> memref<60000x64xf32, #tpu.memory_space<hbm>>
      tpu.wait_indirect_dma semaphore(%arg11 : memref<!tpu.dma_semaphore, #tpu.memory_space<semaphore_mem>>) src(%dma_wait3A_94 : memref<60000x64xf32, #tpu.memory_space<hbm>>) dst(%arg9 : memref<128x64xf32, #tpu.memory_space<vmem>>)
      %run_scoped3A_95 = arith.constant 4 : i32
      "tpu.region"() ({
        %run_scoped3A_141 = tpu.sem_alloc : memref<!tpu.dma_semaphore, #tpu.memory_space<semaphore_mem>>
        %dma_start3A_142 = arith.constant 0 : i32
        %dma_start3A_143 = tpu.memref_slice %arg8[%run_scoped3A_95, %dma_start3A_142] : memref<8x128xi32, #tpu.memory_space<vmem>> -> memref<1x128xi32, #tpu.memory_space<vmem>>
        %dma_start3A_144 = tpu.memref_squeeze %dma_start3A_143 : memref<1x128xi32, #tpu.memory_space<vmem>> -> memref<128xi32, #tpu.memory_space<vmem>>
        %dma_start3A_145 = arith.constant 0 : i32
        %dma_start3A_146 = arith.constant 0 : i32
        %dma_start3A_147 = tpu.memref_slice %arg10[%dma_start3A_145, %dma_start3A_146] : memref<30016x64xf32, #tpu.memory_space<vmem_shared>> -> memref<30016x64xf32, #tpu.memory_space<vmem_shared>>
        tpu.enqueue_indirect_dma source(%arg9 : memref<128x64xf32, #tpu.memory_space<vmem>>) target(%dma_start3A_147 : memref<30016x64xf32, #tpu.memory_space<vmem_shared>>) offsets(%dma_start3A_144 : memref<128xi32, #tpu.memory_space<vmem>>) semaphore(%run_scoped3A_141 : memref<!tpu.dma_semaphore, #tpu.memory_space<semaphore_mem>>) {add = true}
        %dma_wait3A_148 = arith.constant 0 : i32
        %dma_wait3A_149 = tpu.memref_slice %arg8[%run_scoped3A_95, %dma_wait3A_148] : memref<8x128xi32, #tpu.memory_space<vmem>> -> memref<1x128xi32, #tpu.memory_space<vmem>>
        %dma_wait3A_150 = tpu.memref_squeeze %dma_wait3A_149 : memref<1x128xi32, #tpu.memory_space<vmem>> -> memref<128xi32, #tpu.memory_space<vmem>>
        %dma_wait3A_151 = arith.constant 0 : i32
        %dma_wait3A_152 = arith.constant 0 : i32
        %dma_wait3A_153 = tpu.memref_slice %arg10[%dma_wait3A_151, %dma_wait3A_152] : memref<30016x64xf32, #tpu.memory_space<vmem_shared>> -> memref<30016x64xf32, #tpu.memory_space<vmem_shared>>
        tpu.wait_indirect_dma semaphore(%run_scoped3A_141 : memref<!tpu.dma_semaphore, #tpu.memory_space<semaphore_mem>>) src(%arg9 : memref<128x64xf32, #tpu.memory_space<vmem>>) dst(%dma_wait3A_153 : memref<30016x64xf32, #tpu.memory_space<vmem_shared>>)
        tpu.yield
      }) : () -> ()
      %dma_start3A_96 = arith.constant 5 : i32
      %dma_start3A_97 = arith.constant 0 : i32
      %dma_start3A_98 = tpu.memref_slice %arg7[%dma_start3A_96, %dma_start3A_97] : memref<8x128xi32, #tpu.memory_space<vmem>> -> memref<1x128xi32, #tpu.memory_space<vmem>>
      %dma_start3A_99 = tpu.memref_squeeze %dma_start3A_98 : memref<1x128xi32, #tpu.memory_space<vmem>> -> memref<128xi32, #tpu.memory_space<vmem>>
      %dma_start3A_100 = arith.constant 0 : i32
      %dma_start3A_101 = arith.constant 0 : i32
      %dma_start3A_102 = tpu.memref_slice %arg4[%dma_start3A_100, %dma_start3A_101] : memref<60000x64xf32, #tpu.memory_space<hbm>> -> memref<60000x64xf32, #tpu.memory_space<hbm>>
      tpu.enqueue_indirect_dma source(%dma_start3A_102 : memref<60000x64xf32, #tpu.memory_space<hbm>>) target(%arg9 : memref<128x64xf32, #tpu.memory_space<vmem>>) offsets(%dma_start3A_99 : memref<128xi32, #tpu.memory_space<vmem>>) semaphore(%arg11 : memref<!tpu.dma_semaphore, #tpu.memory_space<semaphore_mem>>)
      %dma_wait3A_103 = arith.constant 5 : i32
      %dma_wait3A_104 = arith.constant 0 : i32
      %dma_wait3A_105 = tpu.memref_slice %arg7[%dma_wait3A_103, %dma_wait3A_104] : memref<8x128xi32, #tpu.memory_space<vmem>> -> memref<1x128xi32, #tpu.memory_space<vmem>>
      %dma_wait3A_106 = tpu.memref_squeeze %dma_wait3A_105 : memref<1x128xi32, #tpu.memory_space<vmem>> -> memref<128xi32, #tpu.memory_space<vmem>>
      %dma_wait3A_107 = arith.constant 0 : i32
      %dma_wait3A_108 = arith.constant 0 : i32
      %dma_wait3A_109 = tpu.memref_slice %arg4[%dma_wait3A_107, %dma_wait3A_108] : memref<60000x64xf32, #tpu.memory_space<hbm>> -> memref<60000x64xf32, #tpu.memory_space<hbm>>
      tpu.wait_indirect_dma semaphore(%arg11 : memref<!tpu.dma_semaphore, #tpu.memory_space<semaphore_mem>>) src(%dma_wait3A_109 : memref<60000x64xf32, #tpu.memory_space<hbm>>) dst(%arg9 : memref<128x64xf32, #tpu.memory_space<vmem>>)
      %run_scoped3A_110 = arith.constant 5 : i32
      "tpu.region"() ({
        %run_scoped3A_141 = tpu.sem_alloc : memref<!tpu.dma_semaphore, #tpu.memory_space<semaphore_mem>>
        %dma_start3A_142 = arith.constant 0 : i32
        %dma_start3A_143 = tpu.memref_slice %arg8[%run_scoped3A_110, %dma_start3A_142] : memref<8x128xi32, #tpu.memory_space<vmem>> -> memref<1x128xi32, #tpu.memory_space<vmem>>
        %dma_start3A_144 = tpu.memref_squeeze %dma_start3A_143 : memref<1x128xi32, #tpu.memory_space<vmem>> -> memref<128xi32, #tpu.memory_space<vmem>>
        %dma_start3A_145 = arith.constant 0 : i32
        %dma_start3A_146 = arith.constant 0 : i32
        %dma_start3A_147 = tpu.memref_slice %arg10[%dma_start3A_145, %dma_start3A_146] : memref<30016x64xf32, #tpu.memory_space<vmem_shared>> -> memref<30016x64xf32, #tpu.memory_space<vmem_shared>>
        tpu.enqueue_indirect_dma source(%arg9 : memref<128x64xf32, #tpu.memory_space<vmem>>) target(%dma_start3A_147 : memref<30016x64xf32, #tpu.memory_space<vmem_shared>>) offsets(%dma_start3A_144 : memref<128xi32, #tpu.memory_space<vmem>>) semaphore(%run_scoped3A_141 : memref<!tpu.dma_semaphore, #tpu.memory_space<semaphore_mem>>) {add = true}
        %dma_wait3A_148 = arith.constant 0 : i32
        %dma_wait3A_149 = tpu.memref_slice %arg8[%run_scoped3A_110, %dma_wait3A_148] : memref<8x128xi32, #tpu.memory_space<vmem>> -> memref<1x128xi32, #tpu.memory_space<vmem>>
        %dma_wait3A_150 = tpu.memref_squeeze %dma_wait3A_149 : memref<1x128xi32, #tpu.memory_space<vmem>> -> memref<128xi32, #tpu.memory_space<vmem>>
        %dma_wait3A_151 = arith.constant 0 : i32
        %dma_wait3A_152 = arith.constant 0 : i32
        %dma_wait3A_153 = tpu.memref_slice %arg10[%dma_wait3A_151, %dma_wait3A_152] : memref<30016x64xf32, #tpu.memory_space<vmem_shared>> -> memref<30016x64xf32, #tpu.memory_space<vmem_shared>>
        tpu.wait_indirect_dma semaphore(%run_scoped3A_141 : memref<!tpu.dma_semaphore, #tpu.memory_space<semaphore_mem>>) src(%arg9 : memref<128x64xf32, #tpu.memory_space<vmem>>) dst(%dma_wait3A_153 : memref<30016x64xf32, #tpu.memory_space<vmem_shared>>)
        tpu.yield
      }) : () -> ()
      %dma_start3A_111 = arith.constant 6 : i32
      %dma_start3A_112 = arith.constant 0 : i32
      %dma_start3A_113 = tpu.memref_slice %arg7[%dma_start3A_111, %dma_start3A_112] : memref<8x128xi32, #tpu.memory_space<vmem>> -> memref<1x128xi32, #tpu.memory_space<vmem>>
      %dma_start3A_114 = tpu.memref_squeeze %dma_start3A_113 : memref<1x128xi32, #tpu.memory_space<vmem>> -> memref<128xi32, #tpu.memory_space<vmem>>
      %dma_start3A_115 = arith.constant 0 : i32
      %dma_start3A_116 = arith.constant 0 : i32
      %dma_start3A_117 = tpu.memref_slice %arg4[%dma_start3A_115, %dma_start3A_116] : memref<60000x64xf32, #tpu.memory_space<hbm>> -> memref<60000x64xf32, #tpu.memory_space<hbm>>
      tpu.enqueue_indirect_dma source(%dma_start3A_117 : memref<60000x64xf32, #tpu.memory_space<hbm>>) target(%arg9 : memref<128x64xf32, #tpu.memory_space<vmem>>) offsets(%dma_start3A_114 : memref<128xi32, #tpu.memory_space<vmem>>) semaphore(%arg11 : memref<!tpu.dma_semaphore, #tpu.memory_space<semaphore_mem>>)
      %dma_wait3A_118 = arith.constant 6 : i32
      %dma_wait3A_119 = arith.constant 0 : i32
      %dma_wait3A_120 = tpu.memref_slice %arg7[%dma_wait3A_118, %dma_wait3A_119] : memref<8x128xi32, #tpu.memory_space<vmem>> -> memref<1x128xi32, #tpu.memory_space<vmem>>
      %dma_wait3A_121 = tpu.memref_squeeze %dma_wait3A_120 : memref<1x128xi32, #tpu.memory_space<vmem>> -> memref<128xi32, #tpu.memory_space<vmem>>
      %dma_wait3A_122 = arith.constant 0 : i32
      %dma_wait3A_123 = arith.constant 0 : i32
      %dma_wait3A_124 = tpu.memref_slice %arg4[%dma_wait3A_122, %dma_wait3A_123] : memref<60000x64xf32, #tpu.memory_space<hbm>> -> memref<60000x64xf32, #tpu.memory_space<hbm>>
      tpu.wait_indirect_dma semaphore(%arg11 : memref<!tpu.dma_semaphore, #tpu.memory_space<semaphore_mem>>) src(%dma_wait3A_124 : memref<60000x64xf32, #tpu.memory_space<hbm>>) dst(%arg9 : memref<128x64xf32, #tpu.memory_space<vmem>>)
      %run_scoped3A_125 = arith.constant 6 : i32
      "tpu.region"() ({
        %run_scoped3A_141 = tpu.sem_alloc : memref<!tpu.dma_semaphore, #tpu.memory_space<semaphore_mem>>
        %dma_start3A_142 = arith.constant 0 : i32
        %dma_start3A_143 = tpu.memref_slice %arg8[%run_scoped3A_125, %dma_start3A_142] : memref<8x128xi32, #tpu.memory_space<vmem>> -> memref<1x128xi32, #tpu.memory_space<vmem>>
        %dma_start3A_144 = tpu.memref_squeeze %dma_start3A_143 : memref<1x128xi32, #tpu.memory_space<vmem>> -> memref<128xi32, #tpu.memory_space<vmem>>
        %dma_start3A_145 = arith.constant 0 : i32
        %dma_start3A_146 = arith.constant 0 : i32
        %dma_start3A_147 = tpu.memref_slice %arg10[%dma_start3A_145, %dma_start3A_146] : memref<30016x64xf32, #tpu.memory_space<vmem_shared>> -> memref<30016x64xf32, #tpu.memory_space<vmem_shared>>
        tpu.enqueue_indirect_dma source(%arg9 : memref<128x64xf32, #tpu.memory_space<vmem>>) target(%dma_start3A_147 : memref<30016x64xf32, #tpu.memory_space<vmem_shared>>) offsets(%dma_start3A_144 : memref<128xi32, #tpu.memory_space<vmem>>) semaphore(%run_scoped3A_141 : memref<!tpu.dma_semaphore, #tpu.memory_space<semaphore_mem>>) {add = true}
        %dma_wait3A_148 = arith.constant 0 : i32
        %dma_wait3A_149 = tpu.memref_slice %arg8[%run_scoped3A_125, %dma_wait3A_148] : memref<8x128xi32, #tpu.memory_space<vmem>> -> memref<1x128xi32, #tpu.memory_space<vmem>>
        %dma_wait3A_150 = tpu.memref_squeeze %dma_wait3A_149 : memref<1x128xi32, #tpu.memory_space<vmem>> -> memref<128xi32, #tpu.memory_space<vmem>>
        %dma_wait3A_151 = arith.constant 0 : i32
        %dma_wait3A_152 = arith.constant 0 : i32
        %dma_wait3A_153 = tpu.memref_slice %arg10[%dma_wait3A_151, %dma_wait3A_152] : memref<30016x64xf32, #tpu.memory_space<vmem_shared>> -> memref<30016x64xf32, #tpu.memory_space<vmem_shared>>
        tpu.wait_indirect_dma semaphore(%run_scoped3A_141 : memref<!tpu.dma_semaphore, #tpu.memory_space<semaphore_mem>>) src(%arg9 : memref<128x64xf32, #tpu.memory_space<vmem>>) dst(%dma_wait3A_153 : memref<30016x64xf32, #tpu.memory_space<vmem_shared>>)
        tpu.yield
      }) : () -> ()
      %dma_start3A_126 = arith.constant 7 : i32
      %dma_start3A_127 = arith.constant 0 : i32
      %dma_start3A_128 = tpu.memref_slice %arg7[%dma_start3A_126, %dma_start3A_127] : memref<8x128xi32, #tpu.memory_space<vmem>> -> memref<1x128xi32, #tpu.memory_space<vmem>>
      %dma_start3A_129 = tpu.memref_squeeze %dma_start3A_128 : memref<1x128xi32, #tpu.memory_space<vmem>> -> memref<128xi32, #tpu.memory_space<vmem>>
      %dma_start3A_130 = arith.constant 0 : i32
      %dma_start3A_131 = arith.constant 0 : i32
      %dma_start3A_132 = tpu.memref_slice %arg4[%dma_start3A_130, %dma_start3A_131] : memref<60000x64xf32, #tpu.memory_space<hbm>> -> memref<60000x64xf32, #tpu.memory_space<hbm>>
      tpu.enqueue_indirect_dma source(%dma_start3A_132 : memref<60000x64xf32, #tpu.memory_space<hbm>>) target(%arg9 : memref<128x64xf32, #tpu.memory_space<vmem>>) offsets(%dma_start3A_129 : memref<128xi32, #tpu.memory_space<vmem>>) semaphore(%arg11 : memref<!tpu.dma_semaphore, #tpu.memory_space<semaphore_mem>>)
      %dma_wait3A_133 = arith.constant 7 : i32
      %dma_wait3A_134 = arith.constant 0 : i32
      %dma_wait3A_135 = tpu.memref_slice %arg7[%dma_wait3A_133, %dma_wait3A_134] : memref<8x128xi32, #tpu.memory_space<vmem>> -> memref<1x128xi32, #tpu.memory_space<vmem>>
      %dma_wait3A_136 = tpu.memref_squeeze %dma_wait3A_135 : memref<1x128xi32, #tpu.memory_space<vmem>> -> memref<128xi32, #tpu.memory_space<vmem>>
      %dma_wait3A_137 = arith.constant 0 : i32
      %dma_wait3A_138 = arith.constant 0 : i32
      %dma_wait3A_139 = tpu.memref_slice %arg4[%dma_wait3A_137, %dma_wait3A_138] : memref<60000x64xf32, #tpu.memory_space<hbm>> -> memref<60000x64xf32, #tpu.memory_space<hbm>>
      tpu.wait_indirect_dma semaphore(%arg11 : memref<!tpu.dma_semaphore, #tpu.memory_space<semaphore_mem>>) src(%dma_wait3A_139 : memref<60000x64xf32, #tpu.memory_space<hbm>>) dst(%arg9 : memref<128x64xf32, #tpu.memory_space<vmem>>)
      %run_scoped3A_140 = arith.constant 7 : i32
      "tpu.region"() ({
        %run_scoped3A_141 = tpu.sem_alloc : memref<!tpu.dma_semaphore, #tpu.memory_space<semaphore_mem>>
        %dma_start3A_142 = arith.constant 0 : i32
        %dma_start3A_143 = tpu.memref_slice %arg8[%run_scoped3A_140, %dma_start3A_142] : memref<8x128xi32, #tpu.memory_space<vmem>> -> memref<1x128xi32, #tpu.memory_space<vmem>>
        %dma_start3A_144 = tpu.memref_squeeze %dma_start3A_143 : memref<1x128xi32, #tpu.memory_space<vmem>> -> memref<128xi32, #tpu.memory_space<vmem>>
        %dma_start3A_145 = arith.constant 0 : i32
        %dma_start3A_146 = arith.constant 0 : i32
        %dma_start3A_147 = tpu.memref_slice %arg10[%dma_start3A_145, %dma_start3A_146] : memref<30016x64xf32, #tpu.memory_space<vmem_shared>> -> memref<30016x64xf32, #tpu.memory_space<vmem_shared>>
        tpu.enqueue_indirect_dma source(%arg9 : memref<128x64xf32, #tpu.memory_space<vmem>>) target(%dma_start3A_147 : memref<30016x64xf32, #tpu.memory_space<vmem_shared>>) offsets(%dma_start3A_144 : memref<128xi32, #tpu.memory_space<vmem>>) semaphore(%run_scoped3A_141 : memref<!tpu.dma_semaphore, #tpu.memory_space<semaphore_mem>>) {add = true}
        %dma_wait3A_148 = arith.constant 0 : i32
        %dma_wait3A_149 = tpu.memref_slice %arg8[%run_scoped3A_140, %dma_wait3A_148] : memref<8x128xi32, #tpu.memory_space<vmem>> -> memref<1x128xi32, #tpu.memory_space<vmem>>
        %dma_wait3A_150 = tpu.memref_squeeze %dma_wait3A_149 : memref<1x128xi32, #tpu.memory_space<vmem>> -> memref<128xi32, #tpu.memory_space<vmem>>
        %dma_wait3A_151 = arith.constant 0 : i32
        %dma_wait3A_152 = arith.constant 0 : i32
        %dma_wait3A_153 = tpu.memref_slice %arg10[%dma_wait3A_151, %dma_wait3A_152] : memref<30016x64xf32, #tpu.memory_space<vmem_shared>> -> memref<30016x64xf32, #tpu.memory_space<vmem_shared>>
        tpu.wait_indirect_dma semaphore(%run_scoped3A_141 : memref<!tpu.dma_semaphore, #tpu.memory_space<semaphore_mem>>) src(%arg9 : memref<128x64xf32, #tpu.memory_space<vmem>>) dst(%dma_wait3A_153 : memref<30016x64xf32, #tpu.memory_space<vmem_shared>>)
        tpu.yield
      }) : () -> ()
    }
    %scan3A_11 = arith.constant 59 : i32
    %barrier3A_12 = arith.constant 0 : index
    tpu.barrier barrier_id(%barrier3A_12)
    %mul3A_13 = arith.constant 1875 : i32
    %mul3A_14 = arith.muli %arg1, %mul3A_13 : i32
    %mul3A_15 = arith.constant 1875 : i32
    %mul3A_16 = arith.muli %arg1, %mul3A_15 : i32
    "tpu.region"() ({
      %run_scoped3A = tpu.sem_alloc : memref<!tpu.dma_semaphore, #tpu.memory_space<semaphore_mem>>
      %dma_start3A = arith.constant 0 : i32
      %dma_start3A_17 = tpu.memref_slice %arg6[%arg0, %mul3A_16, %dma_start3A] : memref<2x30000x64xf32, #tpu.memory_space<hbm>> -> memref<1x1875x64xf32, #tpu.memory_space<hbm>>
      %dma_start3A_18 = tpu.memref_squeeze %dma_start3A_17 : memref<1x1875x64xf32, #tpu.memory_space<hbm>> -> memref<1875x64xf32, #tpu.memory_space<hbm>>
      %dma_start3A_19 = arith.constant 0 : i32
      %dma_start3A_20 = tpu.memref_slice %arg10[%mul3A_14, %dma_start3A_19] : memref<30016x64xf32, #tpu.memory_space<vmem_shared>> -> memref<1875x64xf32, #tpu.memory_space<vmem_shared>>
      tpu.enqueue_dma source(%dma_start3A_20 : memref<1875x64xf32, #tpu.memory_space<vmem_shared>>) target(%dma_start3A_18 : memref<1875x64xf32, #tpu.memory_space<hbm>>) target_semaphore(%run_scoped3A : memref<!tpu.dma_semaphore, #tpu.memory_space<semaphore_mem>>)
      %dma_wait3A = arith.constant 0 : i32
      %dma_wait3A_21 = tpu.memref_slice %arg6[%arg0, %mul3A_16, %dma_wait3A] : memref<2x30000x64xf32, #tpu.memory_space<hbm>> -> memref<1x1875x64xf32, #tpu.memory_space<hbm>>
      %dma_wait3A_22 = tpu.memref_squeeze %dma_wait3A_21 : memref<1x1875x64xf32, #tpu.memory_space<hbm>> -> memref<1875x64xf32, #tpu.memory_space<hbm>>
      %dma_wait3A_23 = arith.constant 0 : i32
      %dma_wait3A_24 = tpu.memref_slice %arg10[%mul3A_14, %dma_wait3A_23] : memref<30016x64xf32, #tpu.memory_space<vmem_shared>> -> memref<1875x64xf32, #tpu.memory_space<vmem_shared>>
      tpu.wait_dma2 semaphore(%run_scoped3A : memref<!tpu.dma_semaphore, #tpu.memory_space<semaphore_mem>>) src(%dma_wait3A_24 : memref<1875x64xf32, #tpu.memory_space<vmem_shared>>) dst(%dma_wait3A_22 : memref<1875x64xf32, #tpu.memory_space<hbm>>)
      tpu.yield
    }) : () -> ()
    return
  }
}

#map = affine_map<(d0, d1) -> (0, 0)>
#map1 = affine_map<(d0, d1) -> (0, 0, 0)>
module attributes {stable_mosaic.version = 14 : i64} {
  func.func @prop_kernel(%arg0: i32, %arg1: i32, %arg2: memref<15104x128xi32, #tpu.memory_space<hbm>>, %arg3: memref<7552x128xi32, #tpu.memory_space<hbm>>, %arg4: memref<60000x64xf32, #tpu.memory_space<hbm>>, %arg5: memref<1876x64xf32, #tpu.memory_space<hbm>>, %arg6: memref<2x30000x64xf32, #tpu.memory_space<hbm>>, %arg7: memref<8x128xi32, #tpu.memory_space<vmem>>, %arg8: memref<8x128xi32, #tpu.memory_space<vmem>>, %arg9: memref<128x64xf32, #tpu.memory_space<vmem>>, %arg10: memref<30016x64xf32, #tpu.memory_space<vmem_shared>>, %arg11: memref<!tpu.dma_semaphore, #tpu.memory_space<semaphore_mem>>) attributes {dimension_semantics = [#tpu.dimension_semantics<core_parallel>, #tpu.dimension_semantics<subcore_parallel>], iteration_bounds = array<i64: 2, 16>, scalar_prefetch = 0 : i64, scratch_operands = 5 : i64, tpu.core_type = #tpu.core_type<sc_vector_subcore>, window_params = [{transform_indices = #map}, {transform_indices = #map}, {transform_indices = #map}, {transform_indices = #map}, {transform_indices = #map1}]} {
    %mul3A = arith.constant 1876 : i32
    %mul3A_0 = arith.muli %arg1, %mul3A : i32
    "tpu.region"() ({
      %run_scoped3A = tpu.sem_alloc : memref<!tpu.dma_semaphore, #tpu.memory_space<semaphore_mem>>
      %dma_start3A = arith.constant 0 : i32
      %dma_start3A_17 = tpu.memref_slice %arg10[%mul3A_0, %dma_start3A] : memref<30016x64xf32, #tpu.memory_space<vmem_shared>> -> memref<1876x64xf32, #tpu.memory_space<vmem_shared>>
      tpu.enqueue_dma source(%arg5 : memref<1876x64xf32, #tpu.memory_space<hbm>>) target(%dma_start3A_17 : memref<1876x64xf32, #tpu.memory_space<vmem_shared>>) target_semaphore(%run_scoped3A : memref<!tpu.dma_semaphore, #tpu.memory_space<semaphore_mem>>)
      %dma_wait3A = arith.constant 0 : i32
      %dma_wait3A_18 = tpu.memref_slice %arg10[%mul3A_0, %dma_wait3A] : memref<30016x64xf32, #tpu.memory_space<vmem_shared>> -> memref<1876x64xf32, #tpu.memory_space<vmem_shared>>
      tpu.wait_dma2 semaphore(%run_scoped3A : memref<!tpu.dma_semaphore, #tpu.memory_space<semaphore_mem>>) src(%arg5 : memref<1876x64xf32, #tpu.memory_space<hbm>>) dst(%dma_wait3A_18 : memref<1876x64xf32, #tpu.memory_space<vmem_shared>>)
      tpu.yield
    }) : () -> ()
    %barrier3A = arith.constant 0 : index
    tpu.barrier barrier_id(%barrier3A)
    %mul3A_1 = arith.constant 7552 : i32
    %mul3A_2 = arith.muli %arg0, %mul3A_1 : i32
    %mul3A_3 = arith.constant 472 : i32
    %mul3A_4 = arith.muli %arg1, %mul3A_3 : i32
    %add3A = arith.addi %mul3A_2, %mul3A_4 : i32
    %mul3A_5 = arith.constant 472 : i32
    %mul3A_6 = arith.muli %arg1, %mul3A_5 : i32
    %scan3A = arith.constant 0 : i32
    %scan3A_7 = arith.constant 0 : i32
    %scan3A_8 = arith.constant 59 : i32
    %scan3A_9 = arith.addi %scan3A_7, %scan3A_8 : i32
    %scan3A_10 = arith.constant 1 : i32
    scf.for %scan3A_17 = %scan3A_7 to %scan3A_9 step %scan3A_10  : i32 {
      %mul3A_18 = arith.constant 8 : i32
      %mul3A_19 = arith.muli %scan3A_17, %mul3A_18 : i32
      %add3A_20 = arith.addi %add3A, %mul3A_19 : i32
      "tpu.region"() ({
        %run_scoped3A_141 = tpu.sem_alloc : memref<!tpu.dma_semaphore, #tpu.memory_space<semaphore_mem>>
        %dma_start3A_142 = arith.constant 0 : i32
        %dma_start3A_143 = tpu.memref_slice %arg2[%add3A_20, %dma_start3A_142] : memref<15104x128xi32, #tpu.memory_space<hbm>> -> memref<8x128xi32, #tpu.memory_space<hbm>>
        %dma_start3A_144 = arith.constant 0 : i32
        %dma_start3A_145 = tpu.memref_slice %arg2[%add3A_20, %dma_start3A_144] : memref<15104x128xi32, #tpu.memory_space<hbm>> -> memref<8x128xi32, #tpu.memory_space<hbm>>
        tpu.enqueue_dma source(%dma_start3A_145 : memref<8x128xi32, #tpu.memory_space<hbm>>) target(%arg7 : memref<8x128xi32, #tpu.memory_space<vmem>>) target_semaphore(%run_scoped3A_141 : memref<!tpu.dma_semaphore, #tpu.memory_space<semaphore_mem>>)
        %dma_wait3A_146 = arith.constant 0 : i32
        %dma_wait3A_147 = tpu.memref_slice %arg2[%add3A_20, %dma_wait3A_146] : memref<15104x128xi32, #tpu.memory_space<hbm>> -> memref<8x128xi32, #tpu.memory_space<hbm>>
        %dma_wait3A_148 = arith.constant 0 : i32
        %dma_wait3A_149 = tpu.memref_slice %arg2[%add3A_20, %dma_wait3A_148] : memref<15104x128xi32, #tpu.memory_space<hbm>> -> memref<8x128xi32, #tpu.memory_space<hbm>>
        tpu.wait_dma2 semaphore(%run_scoped3A_141 : memref<!tpu.dma_semaphore, #tpu.memory_space<semaphore_mem>>) src(%dma_wait3A_149 : memref<8x128xi32, #tpu.memory_space<hbm>>) dst(%arg7 : memref<8x128xi32, #tpu.memory_space<vmem>>)
        tpu.yield
      }) : () -> ()
      %mul3A_21 = arith.constant 8 : i32
      %mul3A_22 = arith.muli %scan3A_17, %mul3A_21 : i32
      %add3A_23 = arith.addi %mul3A_6, %mul3A_22 : i32
      "tpu.region"() ({
        %run_scoped3A_141 = tpu.sem_alloc : memref<!tpu.dma_semaphore, #tpu.memory_space<semaphore_mem>>
        %dma_start3A_142 = arith.constant 0 : i32
        %dma_start3A_143 = tpu.memref_slice %arg3[%add3A_23, %dma_start3A_142] : memref<7552x128xi32, #tpu.memory_space<hbm>> -> memref<8x128xi32, #tpu.memory_space<hbm>>
        %dma_start3A_144 = arith.constant 0 : i32
        %dma_start3A_145 = tpu.memref_slice %arg3[%add3A_23, %dma_start3A_144] : memref<7552x128xi32, #tpu.memory_space<hbm>> -> memref<8x128xi32, #tpu.memory_space<hbm>>
        tpu.enqueue_dma source(%dma_start3A_145 : memref<8x128xi32, #tpu.memory_space<hbm>>) target(%arg8 : memref<8x128xi32, #tpu.memory_space<vmem>>) target_semaphore(%run_scoped3A_141 : memref<!tpu.dma_semaphore, #tpu.memory_space<semaphore_mem>>)
        %dma_wait3A_146 = arith.constant 0 : i32
        %dma_wait3A_147 = tpu.memref_slice %arg3[%add3A_23, %dma_wait3A_146] : memref<7552x128xi32, #tpu.memory_space<hbm>> -> memref<8x128xi32, #tpu.memory_space<hbm>>
        %dma_wait3A_148 = arith.constant 0 : i32
        %dma_wait3A_149 = tpu.memref_slice %arg3[%add3A_23, %dma_wait3A_148] : memref<7552x128xi32, #tpu.memory_space<hbm>> -> memref<8x128xi32, #tpu.memory_space<hbm>>
        tpu.wait_dma2 semaphore(%run_scoped3A_141 : memref<!tpu.dma_semaphore, #tpu.memory_space<semaphore_mem>>) src(%dma_wait3A_149 : memref<8x128xi32, #tpu.memory_space<hbm>>) dst(%arg8 : memref<8x128xi32, #tpu.memory_space<vmem>>)
        tpu.yield
      }) : () -> ()
      %dma_start3A = arith.constant 0 : i32
      %dma_start3A_24 = arith.constant 0 : i32
      %dma_start3A_25 = tpu.memref_slice %arg7[%dma_start3A, %dma_start3A_24] : memref<8x128xi32, #tpu.memory_space<vmem>> -> memref<1x128xi32, #tpu.memory_space<vmem>>
      %dma_start3A_26 = tpu.memref_squeeze %dma_start3A_25 : memref<1x128xi32, #tpu.memory_space<vmem>> -> memref<128xi32, #tpu.memory_space<vmem>>
      %dma_start3A_27 = arith.constant 0 : i32
      %dma_start3A_28 = arith.constant 0 : i32
      %dma_start3A_29 = tpu.memref_slice %arg4[%dma_start3A_27, %dma_start3A_28] : memref<60000x64xf32, #tpu.memory_space<hbm>> -> memref<60000x64xf32, #tpu.memory_space<hbm>>
      tpu.enqueue_indirect_dma source(%dma_start3A_29 : memref<60000x64xf32, #tpu.memory_space<hbm>>) target(%arg9 : memref<128x64xf32, #tpu.memory_space<vmem>>) offsets(%dma_start3A_26 : memref<128xi32, #tpu.memory_space<vmem>>) semaphore(%arg11 : memref<!tpu.dma_semaphore, #tpu.memory_space<semaphore_mem>>)
      %dma_wait3A = arith.constant 0 : i32
      %dma_wait3A_30 = arith.constant 0 : i32
      %dma_wait3A_31 = tpu.memref_slice %arg7[%dma_wait3A, %dma_wait3A_30] : memref<8x128xi32, #tpu.memory_space<vmem>> -> memref<1x128xi32, #tpu.memory_space<vmem>>
      %dma_wait3A_32 = tpu.memref_squeeze %dma_wait3A_31 : memref<1x128xi32, #tpu.memory_space<vmem>> -> memref<128xi32, #tpu.memory_space<vmem>>
      %dma_wait3A_33 = arith.constant 0 : i32
      %dma_wait3A_34 = arith.constant 0 : i32
      %dma_wait3A_35 = tpu.memref_slice %arg4[%dma_wait3A_33, %dma_wait3A_34] : memref<60000x64xf32, #tpu.memory_space<hbm>> -> memref<60000x64xf32, #tpu.memory_space<hbm>>
      tpu.wait_indirect_dma semaphore(%arg11 : memref<!tpu.dma_semaphore, #tpu.memory_space<semaphore_mem>>) src(%dma_wait3A_35 : memref<60000x64xf32, #tpu.memory_space<hbm>>) dst(%arg9 : memref<128x64xf32, #tpu.memory_space<vmem>>)
      %run_scoped3A = arith.constant 0 : i32
      "tpu.region"() ({
        %run_scoped3A_141 = tpu.sem_alloc : memref<!tpu.dma_semaphore, #tpu.memory_space<semaphore_mem>>
        %dma_start3A_142 = arith.constant 0 : i32
        %dma_start3A_143 = tpu.memref_slice %arg8[%run_scoped3A, %dma_start3A_142] : memref<8x128xi32, #tpu.memory_space<vmem>> -> memref<1x128xi32, #tpu.memory_space<vmem>>
        %dma_start3A_144 = tpu.memref_squeeze %dma_start3A_143 : memref<1x128xi32, #tpu.memory_space<vmem>> -> memref<128xi32, #tpu.memory_space<vmem>>
        %dma_start3A_145 = arith.constant 0 : i32
        %dma_start3A_146 = arith.constant 0 : i32
        %dma_start3A_147 = tpu.memref_slice %arg10[%dma_start3A_145, %dma_start3A_146] : memref<30016x64xf32, #tpu.memory_space<vmem_shared>> -> memref<30016x64xf32, #tpu.memory_space<vmem_shared>>
        tpu.enqueue_indirect_dma source(%arg9 : memref<128x64xf32, #tpu.memory_space<vmem>>) target(%dma_start3A_147 : memref<30016x64xf32, #tpu.memory_space<vmem_shared>>) offsets(%dma_start3A_144 : memref<128xi32, #tpu.memory_space<vmem>>) semaphore(%run_scoped3A_141 : memref<!tpu.dma_semaphore, #tpu.memory_space<semaphore_mem>>) {add = true}
        %dma_wait3A_148 = arith.constant 0 : i32
        %dma_wait3A_149 = tpu.memref_slice %arg8[%run_scoped3A, %dma_wait3A_148] : memref<8x128xi32, #tpu.memory_space<vmem>> -> memref<1x128xi32, #tpu.memory_space<vmem>>
        %dma_wait3A_150 = tpu.memref_squeeze %dma_wait3A_149 : memref<1x128xi32, #tpu.memory_space<vmem>> -> memref<128xi32, #tpu.memory_space<vmem>>
        %dma_wait3A_151 = arith.constant 0 : i32
        %dma_wait3A_152 = arith.constant 0 : i32
        %dma_wait3A_153 = tpu.memref_slice %arg10[%dma_wait3A_151, %dma_wait3A_152] : memref<30016x64xf32, #tpu.memory_space<vmem_shared>> -> memref<30016x64xf32, #tpu.memory_space<vmem_shared>>
        tpu.wait_indirect_dma semaphore(%run_scoped3A_141 : memref<!tpu.dma_semaphore, #tpu.memory_space<semaphore_mem>>) src(%arg9 : memref<128x64xf32, #tpu.memory_space<vmem>>) dst(%dma_wait3A_153 : memref<30016x64xf32, #tpu.memory_space<vmem_shared>>)
        tpu.yield
      }) : () -> ()
      %dma_start3A_36 = arith.constant 1 : i32
      %dma_start3A_37 = arith.constant 0 : i32
      %dma_start3A_38 = tpu.memref_slice %arg7[%dma_start3A_36, %dma_start3A_37] : memref<8x128xi32, #tpu.memory_space<vmem>> -> memref<1x128xi32, #tpu.memory_space<vmem>>
      %dma_start3A_39 = tpu.memref_squeeze %dma_start3A_38 : memref<1x128xi32, #tpu.memory_space<vmem>> -> memref<128xi32, #tpu.memory_space<vmem>>
      %dma_start3A_40 = arith.constant 0 : i32
      %dma_start3A_41 = arith.constant 0 : i32
      %dma_start3A_42 = tpu.memref_slice %arg4[%dma_start3A_40, %dma_start3A_41] : memref<60000x64xf32, #tpu.memory_space<hbm>> -> memref<60000x64xf32, #tpu.memory_space<hbm>>
      tpu.enqueue_indirect_dma source(%dma_start3A_42 : memref<60000x64xf32, #tpu.memory_space<hbm>>) target(%arg9 : memref<128x64xf32, #tpu.memory_space<vmem>>) offsets(%dma_start3A_39 : memref<128xi32, #tpu.memory_space<vmem>>) semaphore(%arg11 : memref<!tpu.dma_semaphore, #tpu.memory_space<semaphore_mem>>)
      %dma_wait3A_43 = arith.constant 1 : i32
      %dma_wait3A_44 = arith.constant 0 : i32
      %dma_wait3A_45 = tpu.memref_slice %arg7[%dma_wait3A_43, %dma_wait3A_44] : memref<8x128xi32, #tpu.memory_space<vmem>> -> memref<1x128xi32, #tpu.memory_space<vmem>>
      %dma_wait3A_46 = tpu.memref_squeeze %dma_wait3A_45 : memref<1x128xi32, #tpu.memory_space<vmem>> -> memref<128xi32, #tpu.memory_space<vmem>>
      %dma_wait3A_47 = arith.constant 0 : i32
      %dma_wait3A_48 = arith.constant 0 : i32
      %dma_wait3A_49 = tpu.memref_slice %arg4[%dma_wait3A_47, %dma_wait3A_48] : memref<60000x64xf32, #tpu.memory_space<hbm>> -> memref<60000x64xf32, #tpu.memory_space<hbm>>
      tpu.wait_indirect_dma semaphore(%arg11 : memref<!tpu.dma_semaphore, #tpu.memory_space<semaphore_mem>>) src(%dma_wait3A_49 : memref<60000x64xf32, #tpu.memory_space<hbm>>) dst(%arg9 : memref<128x64xf32, #tpu.memory_space<vmem>>)
      %run_scoped3A_50 = arith.constant 1 : i32
      "tpu.region"() ({
        %run_scoped3A_141 = tpu.sem_alloc : memref<!tpu.dma_semaphore, #tpu.memory_space<semaphore_mem>>
        %dma_start3A_142 = arith.constant 0 : i32
        %dma_start3A_143 = tpu.memref_slice %arg8[%run_scoped3A_50, %dma_start3A_142] : memref<8x128xi32, #tpu.memory_space<vmem>> -> memref<1x128xi32, #tpu.memory_space<vmem>>
        %dma_start3A_144 = tpu.memref_squeeze %dma_start3A_143 : memref<1x128xi32, #tpu.memory_space<vmem>> -> memref<128xi32, #tpu.memory_space<vmem>>
        %dma_start3A_145 = arith.constant 0 : i32
        %dma_start3A_146 = arith.constant 0 : i32
        %dma_start3A_147 = tpu.memref_slice %arg10[%dma_start3A_145, %dma_start3A_146] : memref<30016x64xf32, #tpu.memory_space<vmem_shared>> -> memref<30016x64xf32, #tpu.memory_space<vmem_shared>>
        tpu.enqueue_indirect_dma source(%arg9 : memref<128x64xf32, #tpu.memory_space<vmem>>) target(%dma_start3A_147 : memref<30016x64xf32, #tpu.memory_space<vmem_shared>>) offsets(%dma_start3A_144 : memref<128xi32, #tpu.memory_space<vmem>>) semaphore(%run_scoped3A_141 : memref<!tpu.dma_semaphore, #tpu.memory_space<semaphore_mem>>) {add = true}
        %dma_wait3A_148 = arith.constant 0 : i32
        %dma_wait3A_149 = tpu.memref_slice %arg8[%run_scoped3A_50, %dma_wait3A_148] : memref<8x128xi32, #tpu.memory_space<vmem>> -> memref<1x128xi32, #tpu.memory_space<vmem>>
        %dma_wait3A_150 = tpu.memref_squeeze %dma_wait3A_149 : memref<1x128xi32, #tpu.memory_space<vmem>> -> memref<128xi32, #tpu.memory_space<vmem>>
        %dma_wait3A_151 = arith.constant 0 : i32
        %dma_wait3A_152 = arith.constant 0 : i32
        %dma_wait3A_153 = tpu.memref_slice %arg10[%dma_wait3A_151, %dma_wait3A_152] : memref<30016x64xf32, #tpu.memory_space<vmem_shared>> -> memref<30016x64xf32, #tpu.memory_space<vmem_shared>>
        tpu.wait_indirect_dma semaphore(%run_scoped3A_141 : memref<!tpu.dma_semaphore, #tpu.memory_space<semaphore_mem>>) src(%arg9 : memref<128x64xf32, #tpu.memory_space<vmem>>) dst(%dma_wait3A_153 : memref<30016x64xf32, #tpu.memory_space<vmem_shared>>)
        tpu.yield
      }) : () -> ()
      %dma_start3A_51 = arith.constant 2 : i32
      %dma_start3A_52 = arith.constant 0 : i32
      %dma_start3A_53 = tpu.memref_slice %arg7[%dma_start3A_51, %dma_start3A_52] : memref<8x128xi32, #tpu.memory_space<vmem>> -> memref<1x128xi32, #tpu.memory_space<vmem>>
      %dma_start3A_54 = tpu.memref_squeeze %dma_start3A_53 : memref<1x128xi32, #tpu.memory_space<vmem>> -> memref<128xi32, #tpu.memory_space<vmem>>
      %dma_start3A_55 = arith.constant 0 : i32
      %dma_start3A_56 = arith.constant 0 : i32
      %dma_start3A_57 = tpu.memref_slice %arg4[%dma_start3A_55, %dma_start3A_56] : memref<60000x64xf32, #tpu.memory_space<hbm>> -> memref<60000x64xf32, #tpu.memory_space<hbm>>
      tpu.enqueue_indirect_dma source(%dma_start3A_57 : memref<60000x64xf32, #tpu.memory_space<hbm>>) target(%arg9 : memref<128x64xf32, #tpu.memory_space<vmem>>) offsets(%dma_start3A_54 : memref<128xi32, #tpu.memory_space<vmem>>) semaphore(%arg11 : memref<!tpu.dma_semaphore, #tpu.memory_space<semaphore_mem>>)
      %dma_wait3A_58 = arith.constant 2 : i32
      %dma_wait3A_59 = arith.constant 0 : i32
      %dma_wait3A_60 = tpu.memref_slice %arg7[%dma_wait3A_58, %dma_wait3A_59] : memref<8x128xi32, #tpu.memory_space<vmem>> -> memref<1x128xi32, #tpu.memory_space<vmem>>
      %dma_wait3A_61 = tpu.memref_squeeze %dma_wait3A_60 : memref<1x128xi32, #tpu.memory_space<vmem>> -> memref<128xi32, #tpu.memory_space<vmem>>
      %dma_wait3A_62 = arith.constant 0 : i32
      %dma_wait3A_63 = arith.constant 0 : i32
      %dma_wait3A_64 = tpu.memref_slice %arg4[%dma_wait3A_62, %dma_wait3A_63] : memref<60000x64xf32, #tpu.memory_space<hbm>> -> memref<60000x64xf32, #tpu.memory_space<hbm>>
      tpu.wait_indirect_dma semaphore(%arg11 : memref<!tpu.dma_semaphore, #tpu.memory_space<semaphore_mem>>) src(%dma_wait3A_64 : memref<60000x64xf32, #tpu.memory_space<hbm>>) dst(%arg9 : memref<128x64xf32, #tpu.memory_space<vmem>>)
      %run_scoped3A_65 = arith.constant 2 : i32
      "tpu.region"() ({
        %run_scoped3A_141 = tpu.sem_alloc : memref<!tpu.dma_semaphore, #tpu.memory_space<semaphore_mem>>
        %dma_start3A_142 = arith.constant 0 : i32
        %dma_start3A_143 = tpu.memref_slice %arg8[%run_scoped3A_65, %dma_start3A_142] : memref<8x128xi32, #tpu.memory_space<vmem>> -> memref<1x128xi32, #tpu.memory_space<vmem>>
        %dma_start3A_144 = tpu.memref_squeeze %dma_start3A_143 : memref<1x128xi32, #tpu.memory_space<vmem>> -> memref<128xi32, #tpu.memory_space<vmem>>
        %dma_start3A_145 = arith.constant 0 : i32
        %dma_start3A_146 = arith.constant 0 : i32
        %dma_start3A_147 = tpu.memref_slice %arg10[%dma_start3A_145, %dma_start3A_146] : memref<30016x64xf32, #tpu.memory_space<vmem_shared>> -> memref<30016x64xf32, #tpu.memory_space<vmem_shared>>
        tpu.enqueue_indirect_dma source(%arg9 : memref<128x64xf32, #tpu.memory_space<vmem>>) target(%dma_start3A_147 : memref<30016x64xf32, #tpu.memory_space<vmem_shared>>) offsets(%dma_start3A_144 : memref<128xi32, #tpu.memory_space<vmem>>) semaphore(%run_scoped3A_141 : memref<!tpu.dma_semaphore, #tpu.memory_space<semaphore_mem>>) {add = true}
        %dma_wait3A_148 = arith.constant 0 : i32
        %dma_wait3A_149 = tpu.memref_slice %arg8[%run_scoped3A_65, %dma_wait3A_148] : memref<8x128xi32, #tpu.memory_space<vmem>> -> memref<1x128xi32, #tpu.memory_space<vmem>>
        %dma_wait3A_150 = tpu.memref_squeeze %dma_wait3A_149 : memref<1x128xi32, #tpu.memory_space<vmem>> -> memref<128xi32, #tpu.memory_space<vmem>>
        %dma_wait3A_151 = arith.constant 0 : i32
        %dma_wait3A_152 = arith.constant 0 : i32
        %dma_wait3A_153 = tpu.memref_slice %arg10[%dma_wait3A_151, %dma_wait3A_152] : memref<30016x64xf32, #tpu.memory_space<vmem_shared>> -> memref<30016x64xf32, #tpu.memory_space<vmem_shared>>
        tpu.wait_indirect_dma semaphore(%run_scoped3A_141 : memref<!tpu.dma_semaphore, #tpu.memory_space<semaphore_mem>>) src(%arg9 : memref<128x64xf32, #tpu.memory_space<vmem>>) dst(%dma_wait3A_153 : memref<30016x64xf32, #tpu.memory_space<vmem_shared>>)
        tpu.yield
      }) : () -> ()
      %dma_start3A_66 = arith.constant 3 : i32
      %dma_start3A_67 = arith.constant 0 : i32
      %dma_start3A_68 = tpu.memref_slice %arg7[%dma_start3A_66, %dma_start3A_67] : memref<8x128xi32, #tpu.memory_space<vmem>> -> memref<1x128xi32, #tpu.memory_space<vmem>>
      %dma_start3A_69 = tpu.memref_squeeze %dma_start3A_68 : memref<1x128xi32, #tpu.memory_space<vmem>> -> memref<128xi32, #tpu.memory_space<vmem>>
      %dma_start3A_70 = arith.constant 0 : i32
      %dma_start3A_71 = arith.constant 0 : i32
      %dma_start3A_72 = tpu.memref_slice %arg4[%dma_start3A_70, %dma_start3A_71] : memref<60000x64xf32, #tpu.memory_space<hbm>> -> memref<60000x64xf32, #tpu.memory_space<hbm>>
      tpu.enqueue_indirect_dma source(%dma_start3A_72 : memref<60000x64xf32, #tpu.memory_space<hbm>>) target(%arg9 : memref<128x64xf32, #tpu.memory_space<vmem>>) offsets(%dma_start3A_69 : memref<128xi32, #tpu.memory_space<vmem>>) semaphore(%arg11 : memref<!tpu.dma_semaphore, #tpu.memory_space<semaphore_mem>>)
      %dma_wait3A_73 = arith.constant 3 : i32
      %dma_wait3A_74 = arith.constant 0 : i32
      %dma_wait3A_75 = tpu.memref_slice %arg7[%dma_wait3A_73, %dma_wait3A_74] : memref<8x128xi32, #tpu.memory_space<vmem>> -> memref<1x128xi32, #tpu.memory_space<vmem>>
      %dma_wait3A_76 = tpu.memref_squeeze %dma_wait3A_75 : memref<1x128xi32, #tpu.memory_space<vmem>> -> memref<128xi32, #tpu.memory_space<vmem>>
      %dma_wait3A_77 = arith.constant 0 : i32
      %dma_wait3A_78 = arith.constant 0 : i32
      %dma_wait3A_79 = tpu.memref_slice %arg4[%dma_wait3A_77, %dma_wait3A_78] : memref<60000x64xf32, #tpu.memory_space<hbm>> -> memref<60000x64xf32, #tpu.memory_space<hbm>>
      tpu.wait_indirect_dma semaphore(%arg11 : memref<!tpu.dma_semaphore, #tpu.memory_space<semaphore_mem>>) src(%dma_wait3A_79 : memref<60000x64xf32, #tpu.memory_space<hbm>>) dst(%arg9 : memref<128x64xf32, #tpu.memory_space<vmem>>)
      %run_scoped3A_80 = arith.constant 3 : i32
      "tpu.region"() ({
        %run_scoped3A_141 = tpu.sem_alloc : memref<!tpu.dma_semaphore, #tpu.memory_space<semaphore_mem>>
        %dma_start3A_142 = arith.constant 0 : i32
        %dma_start3A_143 = tpu.memref_slice %arg8[%run_scoped3A_80, %dma_start3A_142] : memref<8x128xi32, #tpu.memory_space<vmem>> -> memref<1x128xi32, #tpu.memory_space<vmem>>
        %dma_start3A_144 = tpu.memref_squeeze %dma_start3A_143 : memref<1x128xi32, #tpu.memory_space<vmem>> -> memref<128xi32, #tpu.memory_space<vmem>>
        %dma_start3A_145 = arith.constant 0 : i32
        %dma_start3A_146 = arith.constant 0 : i32
        %dma_start3A_147 = tpu.memref_slice %arg10[%dma_start3A_145, %dma_start3A_146] : memref<30016x64xf32, #tpu.memory_space<vmem_shared>> -> memref<30016x64xf32, #tpu.memory_space<vmem_shared>>
        tpu.enqueue_indirect_dma source(%arg9 : memref<128x64xf32, #tpu.memory_space<vmem>>) target(%dma_start3A_147 : memref<30016x64xf32, #tpu.memory_space<vmem_shared>>) offsets(%dma_start3A_144 : memref<128xi32, #tpu.memory_space<vmem>>) semaphore(%run_scoped3A_141 : memref<!tpu.dma_semaphore, #tpu.memory_space<semaphore_mem>>) {add = true}
        %dma_wait3A_148 = arith.constant 0 : i32
        %dma_wait3A_149 = tpu.memref_slice %arg8[%run_scoped3A_80, %dma_wait3A_148] : memref<8x128xi32, #tpu.memory_space<vmem>> -> memref<1x128xi32, #tpu.memory_space<vmem>>
        %dma_wait3A_150 = tpu.memref_squeeze %dma_wait3A_149 : memref<1x128xi32, #tpu.memory_space<vmem>> -> memref<128xi32, #tpu.memory_space<vmem>>
        %dma_wait3A_151 = arith.constant 0 : i32
        %dma_wait3A_152 = arith.constant 0 : i32
        %dma_wait3A_153 = tpu.memref_slice %arg10[%dma_wait3A_151, %dma_wait3A_152] : memref<30016x64xf32, #tpu.memory_space<vmem_shared>> -> memref<30016x64xf32, #tpu.memory_space<vmem_shared>>
        tpu.wait_indirect_dma semaphore(%run_scoped3A_141 : memref<!tpu.dma_semaphore, #tpu.memory_space<semaphore_mem>>) src(%arg9 : memref<128x64xf32, #tpu.memory_space<vmem>>) dst(%dma_wait3A_153 : memref<30016x64xf32, #tpu.memory_space<vmem_shared>>)
        tpu.yield
      }) : () -> ()
      %dma_start3A_81 = arith.constant 4 : i32
      %dma_start3A_82 = arith.constant 0 : i32
      %dma_start3A_83 = tpu.memref_slice %arg7[%dma_start3A_81, %dma_start3A_82] : memref<8x128xi32, #tpu.memory_space<vmem>> -> memref<1x128xi32, #tpu.memory_space<vmem>>
      %dma_start3A_84 = tpu.memref_squeeze %dma_start3A_83 : memref<1x128xi32, #tpu.memory_space<vmem>> -> memref<128xi32, #tpu.memory_space<vmem>>
      %dma_start3A_85 = arith.constant 0 : i32
      %dma_start3A_86 = arith.constant 0 : i32
      %dma_start3A_87 = tpu.memref_slice %arg4[%dma_start3A_85, %dma_start3A_86] : memref<60000x64xf32, #tpu.memory_space<hbm>> -> memref<60000x64xf32, #tpu.memory_space<hbm>>
      tpu.enqueue_indirect_dma source(%dma_start3A_87 : memref<60000x64xf32, #tpu.memory_space<hbm>>) target(%arg9 : memref<128x64xf32, #tpu.memory_space<vmem>>) offsets(%dma_start3A_84 : memref<128xi32, #tpu.memory_space<vmem>>) semaphore(%arg11 : memref<!tpu.dma_semaphore, #tpu.memory_space<semaphore_mem>>)
      %dma_wait3A_88 = arith.constant 4 : i32
      %dma_wait3A_89 = arith.constant 0 : i32
      %dma_wait3A_90 = tpu.memref_slice %arg7[%dma_wait3A_88, %dma_wait3A_89] : memref<8x128xi32, #tpu.memory_space<vmem>> -> memref<1x128xi32, #tpu.memory_space<vmem>>
      %dma_wait3A_91 = tpu.memref_squeeze %dma_wait3A_90 : memref<1x128xi32, #tpu.memory_space<vmem>> -> memref<128xi32, #tpu.memory_space<vmem>>
      %dma_wait3A_92 = arith.constant 0 : i32
      %dma_wait3A_93 = arith.constant 0 : i32
      %dma_wait3A_94 = tpu.memref_slice %arg4[%dma_wait3A_92, %dma_wait3A_93] : memref<60000x64xf32, #tpu.memory_space<hbm>> -> memref<60000x64xf32, #tpu.memory_space<hbm>>
      tpu.wait_indirect_dma semaphore(%arg11 : memref<!tpu.dma_semaphore, #tpu.memory_space<semaphore_mem>>) src(%dma_wait3A_94 : memref<60000x64xf32, #tpu.memory_space<hbm>>) dst(%arg9 : memref<128x64xf32, #tpu.memory_space<vmem>>)
      %run_scoped3A_95 = arith.constant 4 : i32
      "tpu.region"() ({
        %run_scoped3A_141 = tpu.sem_alloc : memref<!tpu.dma_semaphore, #tpu.memory_space<semaphore_mem>>
        %dma_start3A_142 = arith.constant 0 : i32
        %dma_start3A_143 = tpu.memref_slice %arg8[%run_scoped3A_95, %dma_start3A_142] : memref<8x128xi32, #tpu.memory_space<vmem>> -> memref<1x128xi32, #tpu.memory_space<vmem>>
        %dma_start3A_144 = tpu.memref_squeeze %dma_start3A_143 : memref<1x128xi32, #tpu.memory_space<vmem>> -> memref<128xi32, #tpu.memory_space<vmem>>
        %dma_start3A_145 = arith.constant 0 : i32
        %dma_start3A_146 = arith.constant 0 : i32
        %dma_start3A_147 = tpu.memref_slice %arg10[%dma_start3A_145, %dma_start3A_146] : memref<30016x64xf32, #tpu.memory_space<vmem_shared>> -> memref<30016x64xf32, #tpu.memory_space<vmem_shared>>
        tpu.enqueue_indirect_dma source(%arg9 : memref<128x64xf32, #tpu.memory_space<vmem>>) target(%dma_start3A_147 : memref<30016x64xf32, #tpu.memory_space<vmem_shared>>) offsets(%dma_start3A_144 : memref<128xi32, #tpu.memory_space<vmem>>) semaphore(%run_scoped3A_141 : memref<!tpu.dma_semaphore, #tpu.memory_space<semaphore_mem>>) {add = true}
        %dma_wait3A_148 = arith.constant 0 : i32
        %dma_wait3A_149 = tpu.memref_slice %arg8[%run_scoped3A_95, %dma_wait3A_148] : memref<8x128xi32, #tpu.memory_space<vmem>> -> memref<1x128xi32, #tpu.memory_space<vmem>>
        %dma_wait3A_150 = tpu.memref_squeeze %dma_wait3A_149 : memref<1x128xi32, #tpu.memory_space<vmem>> -> memref<128xi32, #tpu.memory_space<vmem>>
        %dma_wait3A_151 = arith.constant 0 : i32
        %dma_wait3A_152 = arith.constant 0 : i32
        %dma_wait3A_153 = tpu.memref_slice %arg10[%dma_wait3A_151, %dma_wait3A_152] : memref<30016x64xf32, #tpu.memory_space<vmem_shared>> -> memref<30016x64xf32, #tpu.memory_space<vmem_shared>>
        tpu.wait_indirect_dma semaphore(%run_scoped3A_141 : memref<!tpu.dma_semaphore, #tpu.memory_space<semaphore_mem>>) src(%arg9 : memref<128x64xf32, #tpu.memory_space<vmem>>) dst(%dma_wait3A_153 : memref<30016x64xf32, #tpu.memory_space<vmem_shared>>)
        tpu.yield
      }) : () -> ()
      %dma_start3A_96 = arith.constant 5 : i32
      %dma_start3A_97 = arith.constant 0 : i32
      %dma_start3A_98 = tpu.memref_slice %arg7[%dma_start3A_96, %dma_start3A_97] : memref<8x128xi32, #tpu.memory_space<vmem>> -> memref<1x128xi32, #tpu.memory_space<vmem>>
      %dma_start3A_99 = tpu.memref_squeeze %dma_start3A_98 : memref<1x128xi32, #tpu.memory_space<vmem>> -> memref<128xi32, #tpu.memory_space<vmem>>
      %dma_start3A_100 = arith.constant 0 : i32
      %dma_start3A_101 = arith.constant 0 : i32
      %dma_start3A_102 = tpu.memref_slice %arg4[%dma_start3A_100, %dma_start3A_101] : memref<60000x64xf32, #tpu.memory_space<hbm>> -> memref<60000x64xf32, #tpu.memory_space<hbm>>
      tpu.enqueue_indirect_dma source(%dma_start3A_102 : memref<60000x64xf32, #tpu.memory_space<hbm>>) target(%arg9 : memref<128x64xf32, #tpu.memory_space<vmem>>) offsets(%dma_start3A_99 : memref<128xi32, #tpu.memory_space<vmem>>) semaphore(%arg11 : memref<!tpu.dma_semaphore, #tpu.memory_space<semaphore_mem>>)
      %dma_wait3A_103 = arith.constant 5 : i32
      %dma_wait3A_104 = arith.constant 0 : i32
      %dma_wait3A_105 = tpu.memref_slice %arg7[%dma_wait3A_103, %dma_wait3A_104] : memref<8x128xi32, #tpu.memory_space<vmem>> -> memref<1x128xi32, #tpu.memory_space<vmem>>
      %dma_wait3A_106 = tpu.memref_squeeze %dma_wait3A_105 : memref<1x128xi32, #tpu.memory_space<vmem>> -> memref<128xi32, #tpu.memory_space<vmem>>
      %dma_wait3A_107 = arith.constant 0 : i32
      %dma_wait3A_108 = arith.constant 0 : i32
      %dma_wait3A_109 = tpu.memref_slice %arg4[%dma_wait3A_107, %dma_wait3A_108] : memref<60000x64xf32, #tpu.memory_space<hbm>> -> memref<60000x64xf32, #tpu.memory_space<hbm>>
      tpu.wait_indirect_dma semaphore(%arg11 : memref<!tpu.dma_semaphore, #tpu.memory_space<semaphore_mem>>) src(%dma_wait3A_109 : memref<60000x64xf32, #tpu.memory_space<hbm>>) dst(%arg9 : memref<128x64xf32, #tpu.memory_space<vmem>>)
      %run_scoped3A_110 = arith.constant 5 : i32
      "tpu.region"() ({
        %run_scoped3A_141 = tpu.sem_alloc : memref<!tpu.dma_semaphore, #tpu.memory_space<semaphore_mem>>
        %dma_start3A_142 = arith.constant 0 : i32
        %dma_start3A_143 = tpu.memref_slice %arg8[%run_scoped3A_110, %dma_start3A_142] : memref<8x128xi32, #tpu.memory_space<vmem>> -> memref<1x128xi32, #tpu.memory_space<vmem>>
        %dma_start3A_144 = tpu.memref_squeeze %dma_start3A_143 : memref<1x128xi32, #tpu.memory_space<vmem>> -> memref<128xi32, #tpu.memory_space<vmem>>
        %dma_start3A_145 = arith.constant 0 : i32
        %dma_start3A_146 = arith.constant 0 : i32
        %dma_start3A_147 = tpu.memref_slice %arg10[%dma_start3A_145, %dma_start3A_146] : memref<30016x64xf32, #tpu.memory_space<vmem_shared>> -> memref<30016x64xf32, #tpu.memory_space<vmem_shared>>
        tpu.enqueue_indirect_dma source(%arg9 : memref<128x64xf32, #tpu.memory_space<vmem>>) target(%dma_start3A_147 : memref<30016x64xf32, #tpu.memory_space<vmem_shared>>) offsets(%dma_start3A_144 : memref<128xi32, #tpu.memory_space<vmem>>) semaphore(%run_scoped3A_141 : memref<!tpu.dma_semaphore, #tpu.memory_space<semaphore_mem>>) {add = true}
        %dma_wait3A_148 = arith.constant 0 : i32
        %dma_wait3A_149 = tpu.memref_slice %arg8[%run_scoped3A_110, %dma_wait3A_148] : memref<8x128xi32, #tpu.memory_space<vmem>> -> memref<1x128xi32, #tpu.memory_space<vmem>>
        %dma_wait3A_150 = tpu.memref_squeeze %dma_wait3A_149 : memref<1x128xi32, #tpu.memory_space<vmem>> -> memref<128xi32, #tpu.memory_space<vmem>>
        %dma_wait3A_151 = arith.constant 0 : i32
        %dma_wait3A_152 = arith.constant 0 : i32
        %dma_wait3A_153 = tpu.memref_slice %arg10[%dma_wait3A_151, %dma_wait3A_152] : memref<30016x64xf32, #tpu.memory_space<vmem_shared>> -> memref<30016x64xf32, #tpu.memory_space<vmem_shared>>
        tpu.wait_indirect_dma semaphore(%run_scoped3A_141 : memref<!tpu.dma_semaphore, #tpu.memory_space<semaphore_mem>>) src(%arg9 : memref<128x64xf32, #tpu.memory_space<vmem>>) dst(%dma_wait3A_153 : memref<30016x64xf32, #tpu.memory_space<vmem_shared>>)
        tpu.yield
      }) : () -> ()
      %dma_start3A_111 = arith.constant 6 : i32
      %dma_start3A_112 = arith.constant 0 : i32
      %dma_start3A_113 = tpu.memref_slice %arg7[%dma_start3A_111, %dma_start3A_112] : memref<8x128xi32, #tpu.memory_space<vmem>> -> memref<1x128xi32, #tpu.memory_space<vmem>>
      %dma_start3A_114 = tpu.memref_squeeze %dma_start3A_113 : memref<1x128xi32, #tpu.memory_space<vmem>> -> memref<128xi32, #tpu.memory_space<vmem>>
      %dma_start3A_115 = arith.constant 0 : i32
      %dma_start3A_116 = arith.constant 0 : i32
      %dma_start3A_117 = tpu.memref_slice %arg4[%dma_start3A_115, %dma_start3A_116] : memref<60000x64xf32, #tpu.memory_space<hbm>> -> memref<60000x64xf32, #tpu.memory_space<hbm>>
      tpu.enqueue_indirect_dma source(%dma_start3A_117 : memref<60000x64xf32, #tpu.memory_space<hbm>>) target(%arg9 : memref<128x64xf32, #tpu.memory_space<vmem>>) offsets(%dma_start3A_114 : memref<128xi32, #tpu.memory_space<vmem>>) semaphore(%arg11 : memref<!tpu.dma_semaphore, #tpu.memory_space<semaphore_mem>>)
      %dma_wait3A_118 = arith.constant 6 : i32
      %dma_wait3A_119 = arith.constant 0 : i32
      %dma_wait3A_120 = tpu.memref_slice %arg7[%dma_wait3A_118, %dma_wait3A_119] : memref<8x128xi32, #tpu.memory_space<vmem>> -> memref<1x128xi32, #tpu.memory_space<vmem>>
      %dma_wait3A_121 = tpu.memref_squeeze %dma_wait3A_120 : memref<1x128xi32, #tpu.memory_space<vmem>> -> memref<128xi32, #tpu.memory_space<vmem>>
      %dma_wait3A_122 = arith.constant 0 : i32
      %dma_wait3A_123 = arith.constant 0 : i32
      %dma_wait3A_124 = tpu.memref_slice %arg4[%dma_wait3A_122, %dma_wait3A_123] : memref<60000x64xf32, #tpu.memory_space<hbm>> -> memref<60000x64xf32, #tpu.memory_space<hbm>>
      tpu.wait_indirect_dma semaphore(%arg11 : memref<!tpu.dma_semaphore, #tpu.memory_space<semaphore_mem>>) src(%dma_wait3A_124 : memref<60000x64xf32, #tpu.memory_space<hbm>>) dst(%arg9 : memref<128x64xf32, #tpu.memory_space<vmem>>)
      %run_scoped3A_125 = arith.constant 6 : i32
      "tpu.region"() ({
        %run_scoped3A_141 = tpu.sem_alloc : memref<!tpu.dma_semaphore, #tpu.memory_space<semaphore_mem>>
        %dma_start3A_142 = arith.constant 0 : i32
        %dma_start3A_143 = tpu.memref_slice %arg8[%run_scoped3A_125, %dma_start3A_142] : memref<8x128xi32, #tpu.memory_space<vmem>> -> memref<1x128xi32, #tpu.memory_space<vmem>>
        %dma_start3A_144 = tpu.memref_squeeze %dma_start3A_143 : memref<1x128xi32, #tpu.memory_space<vmem>> -> memref<128xi32, #tpu.memory_space<vmem>>
        %dma_start3A_145 = arith.constant 0 : i32
        %dma_start3A_146 = arith.constant 0 : i32
        %dma_start3A_147 = tpu.memref_slice %arg10[%dma_start3A_145, %dma_start3A_146] : memref<30016x64xf32, #tpu.memory_space<vmem_shared>> -> memref<30016x64xf32, #tpu.memory_space<vmem_shared>>
        tpu.enqueue_indirect_dma source(%arg9 : memref<128x64xf32, #tpu.memory_space<vmem>>) target(%dma_start3A_147 : memref<30016x64xf32, #tpu.memory_space<vmem_shared>>) offsets(%dma_start3A_144 : memref<128xi32, #tpu.memory_space<vmem>>) semaphore(%run_scoped3A_141 : memref<!tpu.dma_semaphore, #tpu.memory_space<semaphore_mem>>) {add = true}
        %dma_wait3A_148 = arith.constant 0 : i32
        %dma_wait3A_149 = tpu.memref_slice %arg8[%run_scoped3A_125, %dma_wait3A_148] : memref<8x128xi32, #tpu.memory_space<vmem>> -> memref<1x128xi32, #tpu.memory_space<vmem>>
        %dma_wait3A_150 = tpu.memref_squeeze %dma_wait3A_149 : memref<1x128xi32, #tpu.memory_space<vmem>> -> memref<128xi32, #tpu.memory_space<vmem>>
        %dma_wait3A_151 = arith.constant 0 : i32
        %dma_wait3A_152 = arith.constant 0 : i32
        %dma_wait3A_153 = tpu.memref_slice %arg10[%dma_wait3A_151, %dma_wait3A_152] : memref<30016x64xf32, #tpu.memory_space<vmem_shared>> -> memref<30016x64xf32, #tpu.memory_space<vmem_shared>>
        tpu.wait_indirect_dma semaphore(%run_scoped3A_141 : memref<!tpu.dma_semaphore, #tpu.memory_space<semaphore_mem>>) src(%arg9 : memref<128x64xf32, #tpu.memory_space<vmem>>) dst(%dma_wait3A_153 : memref<30016x64xf32, #tpu.memory_space<vmem_shared>>)
        tpu.yield
      }) : () -> ()
      %dma_start3A_126 = arith.constant 7 : i32
      %dma_start3A_127 = arith.constant 0 : i32
      %dma_start3A_128 = tpu.memref_slice %arg7[%dma_start3A_126, %dma_start3A_127] : memref<8x128xi32, #tpu.memory_space<vmem>> -> memref<1x128xi32, #tpu.memory_space<vmem>>
      %dma_start3A_129 = tpu.memref_squeeze %dma_start3A_128 : memref<1x128xi32, #tpu.memory_space<vmem>> -> memref<128xi32, #tpu.memory_space<vmem>>
      %dma_start3A_130 = arith.constant 0 : i32
      %dma_start3A_131 = arith.constant 0 : i32
      %dma_start3A_132 = tpu.memref_slice %arg4[%dma_start3A_130, %dma_start3A_131] : memref<60000x64xf32, #tpu.memory_space<hbm>> -> memref<60000x64xf32, #tpu.memory_space<hbm>>
      tpu.enqueue_indirect_dma source(%dma_start3A_132 : memref<60000x64xf32, #tpu.memory_space<hbm>>) target(%arg9 : memref<128x64xf32, #tpu.memory_space<vmem>>) offsets(%dma_start3A_129 : memref<128xi32, #tpu.memory_space<vmem>>) semaphore(%arg11 : memref<!tpu.dma_semaphore, #tpu.memory_space<semaphore_mem>>)
      %dma_wait3A_133 = arith.constant 7 : i32
      %dma_wait3A_134 = arith.constant 0 : i32
      %dma_wait3A_135 = tpu.memref_slice %arg7[%dma_wait3A_133, %dma_wait3A_134] : memref<8x128xi32, #tpu.memory_space<vmem>> -> memref<1x128xi32, #tpu.memory_space<vmem>>
      %dma_wait3A_136 = tpu.memref_squeeze %dma_wait3A_135 : memref<1x128xi32, #tpu.memory_space<vmem>> -> memref<128xi32, #tpu.memory_space<vmem>>
      %dma_wait3A_137 = arith.constant 0 : i32
      %dma_wait3A_138 = arith.constant 0 : i32
      %dma_wait3A_139 = tpu.memref_slice %arg4[%dma_wait3A_137, %dma_wait3A_138] : memref<60000x64xf32, #tpu.memory_space<hbm>> -> memref<60000x64xf32, #tpu.memory_space<hbm>>
      tpu.wait_indirect_dma semaphore(%arg11 : memref<!tpu.dma_semaphore, #tpu.memory_space<semaphore_mem>>) src(%dma_wait3A_139 : memref<60000x64xf32, #tpu.memory_space<hbm>>) dst(%arg9 : memref<128x64xf32, #tpu.memory_space<vmem>>)
      %run_scoped3A_140 = arith.constant 7 : i32
      "tpu.region"() ({
        %run_scoped3A_141 = tpu.sem_alloc : memref<!tpu.dma_semaphore, #tpu.memory_space<semaphore_mem>>
        %dma_start3A_142 = arith.constant 0 : i32
        %dma_start3A_143 = tpu.memref_slice %arg8[%run_scoped3A_140, %dma_start3A_142] : memref<8x128xi32, #tpu.memory_space<vmem>> -> memref<1x128xi32, #tpu.memory_space<vmem>>
        %dma_start3A_144 = tpu.memref_squeeze %dma_start3A_143 : memref<1x128xi32, #tpu.memory_space<vmem>> -> memref<128xi32, #tpu.memory_space<vmem>>
        %dma_start3A_145 = arith.constant 0 : i32
        %dma_start3A_146 = arith.constant 0 : i32
        %dma_start3A_147 = tpu.memref_slice %arg10[%dma_start3A_145, %dma_start3A_146] : memref<30016x64xf32, #tpu.memory_space<vmem_shared>> -> memref<30016x64xf32, #tpu.memory_space<vmem_shared>>
        tpu.enqueue_indirect_dma source(%arg9 : memref<128x64xf32, #tpu.memory_space<vmem>>) target(%dma_start3A_147 : memref<30016x64xf32, #tpu.memory_space<vmem_shared>>) offsets(%dma_start3A_144 : memref<128xi32, #tpu.memory_space<vmem>>) semaphore(%run_scoped3A_141 : memref<!tpu.dma_semaphore, #tpu.memory_space<semaphore_mem>>) {add = true}
        %dma_wait3A_148 = arith.constant 0 : i32
        %dma_wait3A_149 = tpu.memref_slice %arg8[%run_scoped3A_140, %dma_wait3A_148] : memref<8x128xi32, #tpu.memory_space<vmem>> -> memref<1x128xi32, #tpu.memory_space<vmem>>
        %dma_wait3A_150 = tpu.memref_squeeze %dma_wait3A_149 : memref<1x128xi32, #tpu.memory_space<vmem>> -> memref<128xi32, #tpu.memory_space<vmem>>
        %dma_wait3A_151 = arith.constant 0 : i32
        %dma_wait3A_152 = arith.constant 0 : i32
        %dma_wait3A_153 = tpu.memref_slice %arg10[%dma_wait3A_151, %dma_wait3A_152] : memref<30016x64xf32, #tpu.memory_space<vmem_shared>> -> memref<30016x64xf32, #tpu.memory_space<vmem_shared>>
        tpu.wait_indirect_dma semaphore(%run_scoped3A_141 : memref<!tpu.dma_semaphore, #tpu.memory_space<semaphore_mem>>) src(%arg9 : memref<128x64xf32, #tpu.memory_space<vmem>>) dst(%dma_wait3A_153 : memref<30016x64xf32, #tpu.memory_space<vmem_shared>>)
        tpu.yield
      }) : () -> ()
    }
    %scan3A_11 = arith.constant 59 : i32
    %barrier3A_12 = arith.constant 0 : index
    tpu.barrier barrier_id(%barrier3A_12)
    %mul3A_13 = arith.constant 1875 : i32
    %mul3A_14 = arith.muli %arg1, %mul3A_13 : i32
    %mul3A_15 = arith.constant 1875 : i32
    %mul3A_16 = arith.muli %arg1, %mul3A_15 : i32
    "tpu.region"() ({
      %run_scoped3A = tpu.sem_alloc : memref<!tpu.dma_semaphore, #tpu.memory_space<semaphore_mem>>
      %dma_start3A = arith.constant 0 : i32
      %dma_start3A_17 = tpu.memref_slice %arg6[%arg0, %mul3A_16, %dma_start3A] : memref<2x30000x64xf32, #tpu.memory_space<hbm>> -> memref<1x1875x64xf32, #tpu.memory_space<hbm>>
      %dma_start3A_18 = tpu.memref_squeeze %dma_start3A_17 : memref<1x1875x64xf32, #tpu.memory_space<hbm>> -> memref<1875x64xf32, #tpu.memory_space<hbm>>
      %dma_start3A_19 = arith.constant 0 : i32
      %dma_start3A_20 = tpu.memref_slice %arg10[%mul3A_14, %dma_start3A_19] : memref<30016x64xf32, #tpu.memory_space<vmem_shared>> -> memref<1875x64xf32, #tpu.memory_space<vmem_shared>>
      tpu.enqueue_dma source(%dma_start3A_20 : memref<1875x64xf32, #tpu.memory_space<vmem_shared>>) target(%dma_start3A_18 : memref<1875x64xf32, #tpu.memory_space<hbm>>) target_semaphore(%run_scoped3A : memref<!tpu.dma_semaphore, #tpu.memory_space<semaphore_mem>>)
      %dma_wait3A = arith.constant 0 : i32
      %dma_wait3A_21 = tpu.memref_slice %arg6[%arg0, %mul3A_16, %dma_wait3A] : memref<2x30000x64xf32, #tpu.memory_space<hbm>> -> memref<1x1875x64xf32, #tpu.memory_space<hbm>>
      %dma_wait3A_22 = tpu.memref_squeeze %dma_wait3A_21 : memref<1x1875x64xf32, #tpu.memory_space<hbm>> -> memref<1875x64xf32, #tpu.memory_space<hbm>>
      %dma_wait3A_23 = arith.constant 0 : i32
      %dma_wait3A_24 = tpu.memref_slice %arg10[%mul3A_14, %dma_wait3A_23] : memref<30016x64xf32, #tpu.memory_space<vmem_shared>> -> memref<1875x64xf32, #tpu.memory_space<vmem_shared>>
      tpu.wait_dma2 semaphore(%run_scoped3A : memref<!tpu.dma_semaphore, #tpu.memory_space<semaphore_mem>>) src(%dma_wait3A_24 : memref<1875x64xf32, #tpu.memory_space<vmem_shared>>) dst(%dma_wait3A_22 : memref<1875x64xf32, #tpu.memory_space<hbm>>)
      tpu.yield
    }) : () -> ()
    return
  }
}

#map = affine_map<(d0, d1) -> (0, 0)>
#map1 = affine_map<(d0, d1) -> (0, 0, 0)>
module attributes {stable_mosaic.version = 14 : i64} {
  func.func @deg_kernel(%arg0: i32, %arg1: i32, %arg2: memref<15104x128xi32, #tpu.memory_space<hbm>>, %arg3: memref<128x16xf32, #tpu.memory_space<hbm>>, %arg4: memref<1876x16xf32, #tpu.memory_space<hbm>>, %arg5: memref<2x30000x16xf32, #tpu.memory_space<hbm>>, %arg6: memref<8x128xi32, #tpu.memory_space<vmem>>, %arg7: memref<128x16xf32, #tpu.memory_space<vmem>>, %arg8: memref<30016x16xf32, #tpu.memory_space<vmem_shared>>) attributes {dimension_semantics = [#tpu.dimension_semantics<core_parallel>, #tpu.dimension_semantics<subcore_parallel>], iteration_bounds = array<i64: 2, 16>, scalar_prefetch = 0 : i64, scratch_operands = 3 : i64, tpu.core_type = #tpu.core_type<sc_vector_subcore>, window_params = [{transform_indices = #map}, {transform_indices = #map}, {transform_indices = #map}, {transform_indices = #map1}]} {
    %mul3A = arith.constant 1876 : i32
    %mul3A_0 = arith.muli %arg1, %mul3A : i32
    "tpu.region"() ({
      %run_scoped3A = tpu.sem_alloc : memref<!tpu.dma_semaphore, #tpu.memory_space<semaphore_mem>>
      %dma_start3A = arith.constant 0 : i32
      %dma_start3A_15 = tpu.memref_slice %arg8[%mul3A_0, %dma_start3A] : memref<30016x16xf32, #tpu.memory_space<vmem_shared>> -> memref<1876x16xf32, #tpu.memory_space<vmem_shared>>
      tpu.enqueue_dma source(%arg4 : memref<1876x16xf32, #tpu.memory_space<hbm>>) target(%dma_start3A_15 : memref<1876x16xf32, #tpu.memory_space<vmem_shared>>) target_semaphore(%run_scoped3A : memref<!tpu.dma_semaphore, #tpu.memory_space<semaphore_mem>>)
      %dma_wait3A = arith.constant 0 : i32
      %dma_wait3A_16 = tpu.memref_slice %arg8[%mul3A_0, %dma_wait3A] : memref<30016x16xf32, #tpu.memory_space<vmem_shared>> -> memref<1876x16xf32, #tpu.memory_space<vmem_shared>>
      tpu.wait_dma2 semaphore(%run_scoped3A : memref<!tpu.dma_semaphore, #tpu.memory_space<semaphore_mem>>) src(%arg4 : memref<1876x16xf32, #tpu.memory_space<hbm>>) dst(%dma_wait3A_16 : memref<1876x16xf32, #tpu.memory_space<vmem_shared>>)
      tpu.yield
    }) : () -> ()
    "tpu.region"() ({
      %run_scoped3A = tpu.sem_alloc : memref<!tpu.dma_semaphore, #tpu.memory_space<semaphore_mem>>
      tpu.enqueue_dma source(%arg3 : memref<128x16xf32, #tpu.memory_space<hbm>>) target(%arg7 : memref<128x16xf32, #tpu.memory_space<vmem>>) target_semaphore(%run_scoped3A : memref<!tpu.dma_semaphore, #tpu.memory_space<semaphore_mem>>)
      tpu.wait_dma2 semaphore(%run_scoped3A : memref<!tpu.dma_semaphore, #tpu.memory_space<semaphore_mem>>) src(%arg3 : memref<128x16xf32, #tpu.memory_space<hbm>>) dst(%arg7 : memref<128x16xf32, #tpu.memory_space<vmem>>)
      tpu.yield
    }) : () -> ()
    %barrier3A = arith.constant 0 : index
    tpu.barrier barrier_id(%barrier3A)
    %mul3A_1 = arith.constant 7552 : i32
    %mul3A_2 = arith.muli %arg0, %mul3A_1 : i32
    %mul3A_3 = arith.constant 472 : i32
    %mul3A_4 = arith.muli %arg1, %mul3A_3 : i32
    %add3A = arith.addi %mul3A_2, %mul3A_4 : i32
    %scan3A = arith.constant 0 : i32
    %scan3A_5 = arith.constant 0 : i32
    %scan3A_6 = arith.constant 59 : i32
    %scan3A_7 = arith.addi %scan3A_5, %scan3A_6 : i32
    %scan3A_8 = arith.constant 1 : i32
    scf.for %scan3A_15 = %scan3A_5 to %scan3A_7 step %scan3A_8  : i32 {
      %mul3A_16 = arith.constant 8 : i32
      %mul3A_17 = arith.muli %scan3A_15, %mul3A_16 : i32
      %add3A_18 = arith.addi %add3A, %mul3A_17 : i32
      "tpu.region"() ({
        %run_scoped3A_26 = tpu.sem_alloc : memref<!tpu.dma_semaphore, #tpu.memory_space<semaphore_mem>>
        %dma_start3A = arith.constant 0 : i32
        %dma_start3A_27 = tpu.memref_slice %arg2[%add3A_18, %dma_start3A] : memref<15104x128xi32, #tpu.memory_space<hbm>> -> memref<8x128xi32, #tpu.memory_space<hbm>>
        %dma_start3A_28 = arith.constant 0 : i32
        %dma_start3A_29 = tpu.memref_slice %arg2[%add3A_18, %dma_start3A_28] : memref<15104x128xi32, #tpu.memory_space<hbm>> -> memref<8x128xi32, #tpu.memory_space<hbm>>
        tpu.enqueue_dma source(%dma_start3A_29 : memref<8x128xi32, #tpu.memory_space<hbm>>) target(%arg6 : memref<8x128xi32, #tpu.memory_space<vmem>>) target_semaphore(%run_scoped3A_26 : memref<!tpu.dma_semaphore, #tpu.memory_space<semaphore_mem>>)
        %dma_wait3A = arith.constant 0 : i32
        %dma_wait3A_30 = tpu.memref_slice %arg2[%add3A_18, %dma_wait3A] : memref<15104x128xi32, #tpu.memory_space<hbm>> -> memref<8x128xi32, #tpu.memory_space<hbm>>
        %dma_wait3A_31 = arith.constant 0 : i32
        %dma_wait3A_32 = tpu.memref_slice %arg2[%add3A_18, %dma_wait3A_31] : memref<15104x128xi32, #tpu.memory_space<hbm>> -> memref<8x128xi32, #tpu.memory_space<hbm>>
        tpu.wait_dma2 semaphore(%run_scoped3A_26 : memref<!tpu.dma_semaphore, #tpu.memory_space<semaphore_mem>>) src(%dma_wait3A_32 : memref<8x128xi32, #tpu.memory_space<hbm>>) dst(%arg6 : memref<8x128xi32, #tpu.memory_space<vmem>>)
        tpu.yield
      }) : () -> ()
      %run_scoped3A = arith.constant 0 : i32
      "tpu.region"() ({
        %run_scoped3A_26 = tpu.sem_alloc : memref<!tpu.dma_semaphore, #tpu.memory_space<semaphore_mem>>
        %dma_start3A = arith.constant 0 : i32
        %dma_start3A_27 = tpu.memref_slice %arg6[%run_scoped3A, %dma_start3A] : memref<8x128xi32, #tpu.memory_space<vmem>> -> memref<1x128xi32, #tpu.memory_space<vmem>>
        %dma_start3A_28 = tpu.memref_squeeze %dma_start3A_27 : memref<1x128xi32, #tpu.memory_space<vmem>> -> memref<128xi32, #tpu.memory_space<vmem>>
        %dma_start3A_29 = arith.constant 0 : i32
        %dma_start3A_30 = arith.constant 0 : i32
        %dma_start3A_31 = tpu.memref_slice %arg8[%dma_start3A_29, %dma_start3A_30] : memref<30016x16xf32, #tpu.memory_space<vmem_shared>> -> memref<30016x16xf32, #tpu.memory_space<vmem_shared>>
        tpu.enqueue_indirect_dma source(%arg7 : memref<128x16xf32, #tpu.memory_space<vmem>>) target(%dma_start3A_31 : memref<30016x16xf32, #tpu.memory_space<vmem_shared>>) offsets(%dma_start3A_28 : memref<128xi32, #tpu.memory_space<vmem>>) semaphore(%run_scoped3A_26 : memref<!tpu.dma_semaphore, #tpu.memory_space<semaphore_mem>>) {add = true}
        %dma_wait3A = arith.constant 0 : i32
        %dma_wait3A_32 = tpu.memref_slice %arg6[%run_scoped3A, %dma_wait3A] : memref<8x128xi32, #tpu.memory_space<vmem>> -> memref<1x128xi32, #tpu.memory_space<vmem>>
        %dma_wait3A_33 = tpu.memref_squeeze %dma_wait3A_32 : memref<1x128xi32, #tpu.memory_space<vmem>> -> memref<128xi32, #tpu.memory_space<vmem>>
        %dma_wait3A_34 = arith.constant 0 : i32
        %dma_wait3A_35 = arith.constant 0 : i32
        %dma_wait3A_36 = tpu.memref_slice %arg8[%dma_wait3A_34, %dma_wait3A_35] : memref<30016x16xf32, #tpu.memory_space<vmem_shared>> -> memref<30016x16xf32, #tpu.memory_space<vmem_shared>>
        tpu.wait_indirect_dma semaphore(%run_scoped3A_26 : memref<!tpu.dma_semaphore, #tpu.memory_space<semaphore_mem>>) src(%arg7 : memref<128x16xf32, #tpu.memory_space<vmem>>) dst(%dma_wait3A_36 : memref<30016x16xf32, #tpu.memory_space<vmem_shared>>)
        tpu.yield
      }) : () -> ()
      %run_scoped3A_19 = arith.constant 1 : i32
      "tpu.region"() ({
        %run_scoped3A_26 = tpu.sem_alloc : memref<!tpu.dma_semaphore, #tpu.memory_space<semaphore_mem>>
        %dma_start3A = arith.constant 0 : i32
        %dma_start3A_27 = tpu.memref_slice %arg6[%run_scoped3A_19, %dma_start3A] : memref<8x128xi32, #tpu.memory_space<vmem>> -> memref<1x128xi32, #tpu.memory_space<vmem>>
        %dma_start3A_28 = tpu.memref_squeeze %dma_start3A_27 : memref<1x128xi32, #tpu.memory_space<vmem>> -> memref<128xi32, #tpu.memory_space<vmem>>
        %dma_start3A_29 = arith.constant 0 : i32
        %dma_start3A_30 = arith.constant 0 : i32
        %dma_start3A_31 = tpu.memref_slice %arg8[%dma_start3A_29, %dma_start3A_30] : memref<30016x16xf32, #tpu.memory_space<vmem_shared>> -> memref<30016x16xf32, #tpu.memory_space<vmem_shared>>
        tpu.enqueue_indirect_dma source(%arg7 : memref<128x16xf32, #tpu.memory_space<vmem>>) target(%dma_start3A_31 : memref<30016x16xf32, #tpu.memory_space<vmem_shared>>) offsets(%dma_start3A_28 : memref<128xi32, #tpu.memory_space<vmem>>) semaphore(%run_scoped3A_26 : memref<!tpu.dma_semaphore, #tpu.memory_space<semaphore_mem>>) {add = true}
        %dma_wait3A = arith.constant 0 : i32
        %dma_wait3A_32 = tpu.memref_slice %arg6[%run_scoped3A_19, %dma_wait3A] : memref<8x128xi32, #tpu.memory_space<vmem>> -> memref<1x128xi32, #tpu.memory_space<vmem>>
        %dma_wait3A_33 = tpu.memref_squeeze %dma_wait3A_32 : memref<1x128xi32, #tpu.memory_space<vmem>> -> memref<128xi32, #tpu.memory_space<vmem>>
        %dma_wait3A_34 = arith.constant 0 : i32
        %dma_wait3A_35 = arith.constant 0 : i32
        %dma_wait3A_36 = tpu.memref_slice %arg8[%dma_wait3A_34, %dma_wait3A_35] : memref<30016x16xf32, #tpu.memory_space<vmem_shared>> -> memref<30016x16xf32, #tpu.memory_space<vmem_shared>>
        tpu.wait_indirect_dma semaphore(%run_scoped3A_26 : memref<!tpu.dma_semaphore, #tpu.memory_space<semaphore_mem>>) src(%arg7 : memref<128x16xf32, #tpu.memory_space<vmem>>) dst(%dma_wait3A_36 : memref<30016x16xf32, #tpu.memory_space<vmem_shared>>)
        tpu.yield
      }) : () -> ()
      %run_scoped3A_20 = arith.constant 2 : i32
      "tpu.region"() ({
        %run_scoped3A_26 = tpu.sem_alloc : memref<!tpu.dma_semaphore, #tpu.memory_space<semaphore_mem>>
        %dma_start3A = arith.constant 0 : i32
        %dma_start3A_27 = tpu.memref_slice %arg6[%run_scoped3A_20, %dma_start3A] : memref<8x128xi32, #tpu.memory_space<vmem>> -> memref<1x128xi32, #tpu.memory_space<vmem>>
        %dma_start3A_28 = tpu.memref_squeeze %dma_start3A_27 : memref<1x128xi32, #tpu.memory_space<vmem>> -> memref<128xi32, #tpu.memory_space<vmem>>
        %dma_start3A_29 = arith.constant 0 : i32
        %dma_start3A_30 = arith.constant 0 : i32
        %dma_start3A_31 = tpu.memref_slice %arg8[%dma_start3A_29, %dma_start3A_30] : memref<30016x16xf32, #tpu.memory_space<vmem_shared>> -> memref<30016x16xf32, #tpu.memory_space<vmem_shared>>
        tpu.enqueue_indirect_dma source(%arg7 : memref<128x16xf32, #tpu.memory_space<vmem>>) target(%dma_start3A_31 : memref<30016x16xf32, #tpu.memory_space<vmem_shared>>) offsets(%dma_start3A_28 : memref<128xi32, #tpu.memory_space<vmem>>) semaphore(%run_scoped3A_26 : memref<!tpu.dma_semaphore, #tpu.memory_space<semaphore_mem>>) {add = true}
        %dma_wait3A = arith.constant 0 : i32
        %dma_wait3A_32 = tpu.memref_slice %arg6[%run_scoped3A_20, %dma_wait3A] : memref<8x128xi32, #tpu.memory_space<vmem>> -> memref<1x128xi32, #tpu.memory_space<vmem>>
        %dma_wait3A_33 = tpu.memref_squeeze %dma_wait3A_32 : memref<1x128xi32, #tpu.memory_space<vmem>> -> memref<128xi32, #tpu.memory_space<vmem>>
        %dma_wait3A_34 = arith.constant 0 : i32
        %dma_wait3A_35 = arith.constant 0 : i32
        %dma_wait3A_36 = tpu.memref_slice %arg8[%dma_wait3A_34, %dma_wait3A_35] : memref<30016x16xf32, #tpu.memory_space<vmem_shared>> -> memref<30016x16xf32, #tpu.memory_space<vmem_shared>>
        tpu.wait_indirect_dma semaphore(%run_scoped3A_26 : memref<!tpu.dma_semaphore, #tpu.memory_space<semaphore_mem>>) src(%arg7 : memref<128x16xf32, #tpu.memory_space<vmem>>) dst(%dma_wait3A_36 : memref<30016x16xf32, #tpu.memory_space<vmem_shared>>)
        tpu.yield
      }) : () -> ()
      %run_scoped3A_21 = arith.constant 3 : i32
      "tpu.region"() ({
        %run_scoped3A_26 = tpu.sem_alloc : memref<!tpu.dma_semaphore, #tpu.memory_space<semaphore_mem>>
        %dma_start3A = arith.constant 0 : i32
        %dma_start3A_27 = tpu.memref_slice %arg6[%run_scoped3A_21, %dma_start3A] : memref<8x128xi32, #tpu.memory_space<vmem>> -> memref<1x128xi32, #tpu.memory_space<vmem>>
        %dma_start3A_28 = tpu.memref_squeeze %dma_start3A_27 : memref<1x128xi32, #tpu.memory_space<vmem>> -> memref<128xi32, #tpu.memory_space<vmem>>
        %dma_start3A_29 = arith.constant 0 : i32
        %dma_start3A_30 = arith.constant 0 : i32
        %dma_start3A_31 = tpu.memref_slice %arg8[%dma_start3A_29, %dma_start3A_30] : memref<30016x16xf32, #tpu.memory_space<vmem_shared>> -> memref<30016x16xf32, #tpu.memory_space<vmem_shared>>
        tpu.enqueue_indirect_dma source(%arg7 : memref<128x16xf32, #tpu.memory_space<vmem>>) target(%dma_start3A_31 : memref<30016x16xf32, #tpu.memory_space<vmem_shared>>) offsets(%dma_start3A_28 : memref<128xi32, #tpu.memory_space<vmem>>) semaphore(%run_scoped3A_26 : memref<!tpu.dma_semaphore, #tpu.memory_space<semaphore_mem>>) {add = true}
        %dma_wait3A = arith.constant 0 : i32
        %dma_wait3A_32 = tpu.memref_slice %arg6[%run_scoped3A_21, %dma_wait3A] : memref<8x128xi32, #tpu.memory_space<vmem>> -> memref<1x128xi32, #tpu.memory_space<vmem>>
        %dma_wait3A_33 = tpu.memref_squeeze %dma_wait3A_32 : memref<1x128xi32, #tpu.memory_space<vmem>> -> memref<128xi32, #tpu.memory_space<vmem>>
        %dma_wait3A_34 = arith.constant 0 : i32
        %dma_wait3A_35 = arith.constant 0 : i32
        %dma_wait3A_36 = tpu.memref_slice %arg8[%dma_wait3A_34, %dma_wait3A_35] : memref<30016x16xf32, #tpu.memory_space<vmem_shared>> -> memref<30016x16xf32, #tpu.memory_space<vmem_shared>>
        tpu.wait_indirect_dma semaphore(%run_scoped3A_26 : memref<!tpu.dma_semaphore, #tpu.memory_space<semaphore_mem>>) src(%arg7 : memref<128x16xf32, #tpu.memory_space<vmem>>) dst(%dma_wait3A_36 : memref<30016x16xf32, #tpu.memory_space<vmem_shared>>)
        tpu.yield
      }) : () -> ()
      %run_scoped3A_22 = arith.constant 4 : i32
      "tpu.region"() ({
        %run_scoped3A_26 = tpu.sem_alloc : memref<!tpu.dma_semaphore, #tpu.memory_space<semaphore_mem>>
        %dma_start3A = arith.constant 0 : i32
        %dma_start3A_27 = tpu.memref_slice %arg6[%run_scoped3A_22, %dma_start3A] : memref<8x128xi32, #tpu.memory_space<vmem>> -> memref<1x128xi32, #tpu.memory_space<vmem>>
        %dma_start3A_28 = tpu.memref_squeeze %dma_start3A_27 : memref<1x128xi32, #tpu.memory_space<vmem>> -> memref<128xi32, #tpu.memory_space<vmem>>
        %dma_start3A_29 = arith.constant 0 : i32
        %dma_start3A_30 = arith.constant 0 : i32
        %dma_start3A_31 = tpu.memref_slice %arg8[%dma_start3A_29, %dma_start3A_30] : memref<30016x16xf32, #tpu.memory_space<vmem_shared>> -> memref<30016x16xf32, #tpu.memory_space<vmem_shared>>
        tpu.enqueue_indirect_dma source(%arg7 : memref<128x16xf32, #tpu.memory_space<vmem>>) target(%dma_start3A_31 : memref<30016x16xf32, #tpu.memory_space<vmem_shared>>) offsets(%dma_start3A_28 : memref<128xi32, #tpu.memory_space<vmem>>) semaphore(%run_scoped3A_26 : memref<!tpu.dma_semaphore, #tpu.memory_space<semaphore_mem>>) {add = true}
        %dma_wait3A = arith.constant 0 : i32
        %dma_wait3A_32 = tpu.memref_slice %arg6[%run_scoped3A_22, %dma_wait3A] : memref<8x128xi32, #tpu.memory_space<vmem>> -> memref<1x128xi32, #tpu.memory_space<vmem>>
        %dma_wait3A_33 = tpu.memref_squeeze %dma_wait3A_32 : memref<1x128xi32, #tpu.memory_space<vmem>> -> memref<128xi32, #tpu.memory_space<vmem>>
        %dma_wait3A_34 = arith.constant 0 : i32
        %dma_wait3A_35 = arith.constant 0 : i32
        %dma_wait3A_36 = tpu.memref_slice %arg8[%dma_wait3A_34, %dma_wait3A_35] : memref<30016x16xf32, #tpu.memory_space<vmem_shared>> -> memref<30016x16xf32, #tpu.memory_space<vmem_shared>>
        tpu.wait_indirect_dma semaphore(%run_scoped3A_26 : memref<!tpu.dma_semaphore, #tpu.memory_space<semaphore_mem>>) src(%arg7 : memref<128x16xf32, #tpu.memory_space<vmem>>) dst(%dma_wait3A_36 : memref<30016x16xf32, #tpu.memory_space<vmem_shared>>)
        tpu.yield
      }) : () -> ()
      %run_scoped3A_23 = arith.constant 5 : i32
      "tpu.region"() ({
        %run_scoped3A_26 = tpu.sem_alloc : memref<!tpu.dma_semaphore, #tpu.memory_space<semaphore_mem>>
        %dma_start3A = arith.constant 0 : i32
        %dma_start3A_27 = tpu.memref_slice %arg6[%run_scoped3A_23, %dma_start3A] : memref<8x128xi32, #tpu.memory_space<vmem>> -> memref<1x128xi32, #tpu.memory_space<vmem>>
        %dma_start3A_28 = tpu.memref_squeeze %dma_start3A_27 : memref<1x128xi32, #tpu.memory_space<vmem>> -> memref<128xi32, #tpu.memory_space<vmem>>
        %dma_start3A_29 = arith.constant 0 : i32
        %dma_start3A_30 = arith.constant 0 : i32
        %dma_start3A_31 = tpu.memref_slice %arg8[%dma_start3A_29, %dma_start3A_30] : memref<30016x16xf32, #tpu.memory_space<vmem_shared>> -> memref<30016x16xf32, #tpu.memory_space<vmem_shared>>
        tpu.enqueue_indirect_dma source(%arg7 : memref<128x16xf32, #tpu.memory_space<vmem>>) target(%dma_start3A_31 : memref<30016x16xf32, #tpu.memory_space<vmem_shared>>) offsets(%dma_start3A_28 : memref<128xi32, #tpu.memory_space<vmem>>) semaphore(%run_scoped3A_26 : memref<!tpu.dma_semaphore, #tpu.memory_space<semaphore_mem>>) {add = true}
        %dma_wait3A = arith.constant 0 : i32
        %dma_wait3A_32 = tpu.memref_slice %arg6[%run_scoped3A_23, %dma_wait3A] : memref<8x128xi32, #tpu.memory_space<vmem>> -> memref<1x128xi32, #tpu.memory_space<vmem>>
        %dma_wait3A_33 = tpu.memref_squeeze %dma_wait3A_32 : memref<1x128xi32, #tpu.memory_space<vmem>> -> memref<128xi32, #tpu.memory_space<vmem>>
        %dma_wait3A_34 = arith.constant 0 : i32
        %dma_wait3A_35 = arith.constant 0 : i32
        %dma_wait3A_36 = tpu.memref_slice %arg8[%dma_wait3A_34, %dma_wait3A_35] : memref<30016x16xf32, #tpu.memory_space<vmem_shared>> -> memref<30016x16xf32, #tpu.memory_space<vmem_shared>>
        tpu.wait_indirect_dma semaphore(%run_scoped3A_26 : memref<!tpu.dma_semaphore, #tpu.memory_space<semaphore_mem>>) src(%arg7 : memref<128x16xf32, #tpu.memory_space<vmem>>) dst(%dma_wait3A_36 : memref<30016x16xf32, #tpu.memory_space<vmem_shared>>)
        tpu.yield
      }) : () -> ()
      %run_scoped3A_24 = arith.constant 6 : i32
      "tpu.region"() ({
        %run_scoped3A_26 = tpu.sem_alloc : memref<!tpu.dma_semaphore, #tpu.memory_space<semaphore_mem>>
        %dma_start3A = arith.constant 0 : i32
        %dma_start3A_27 = tpu.memref_slice %arg6[%run_scoped3A_24, %dma_start3A] : memref<8x128xi32, #tpu.memory_space<vmem>> -> memref<1x128xi32, #tpu.memory_space<vmem>>
        %dma_start3A_28 = tpu.memref_squeeze %dma_start3A_27 : memref<1x128xi32, #tpu.memory_space<vmem>> -> memref<128xi32, #tpu.memory_space<vmem>>
        %dma_start3A_29 = arith.constant 0 : i32
        %dma_start3A_30 = arith.constant 0 : i32
        %dma_start3A_31 = tpu.memref_slice %arg8[%dma_start3A_29, %dma_start3A_30] : memref<30016x16xf32, #tpu.memory_space<vmem_shared>> -> memref<30016x16xf32, #tpu.memory_space<vmem_shared>>
        tpu.enqueue_indirect_dma source(%arg7 : memref<128x16xf32, #tpu.memory_space<vmem>>) target(%dma_start3A_31 : memref<30016x16xf32, #tpu.memory_space<vmem_shared>>) offsets(%dma_start3A_28 : memref<128xi32, #tpu.memory_space<vmem>>) semaphore(%run_scoped3A_26 : memref<!tpu.dma_semaphore, #tpu.memory_space<semaphore_mem>>) {add = true}
        %dma_wait3A = arith.constant 0 : i32
        %dma_wait3A_32 = tpu.memref_slice %arg6[%run_scoped3A_24, %dma_wait3A] : memref<8x128xi32, #tpu.memory_space<vmem>> -> memref<1x128xi32, #tpu.memory_space<vmem>>
        %dma_wait3A_33 = tpu.memref_squeeze %dma_wait3A_32 : memref<1x128xi32, #tpu.memory_space<vmem>> -> memref<128xi32, #tpu.memory_space<vmem>>
        %dma_wait3A_34 = arith.constant 0 : i32
        %dma_wait3A_35 = arith.constant 0 : i32
        %dma_wait3A_36 = tpu.memref_slice %arg8[%dma_wait3A_34, %dma_wait3A_35] : memref<30016x16xf32, #tpu.memory_space<vmem_shared>> -> memref<30016x16xf32, #tpu.memory_space<vmem_shared>>
        tpu.wait_indirect_dma semaphore(%run_scoped3A_26 : memref<!tpu.dma_semaphore, #tpu.memory_space<semaphore_mem>>) src(%arg7 : memref<128x16xf32, #tpu.memory_space<vmem>>) dst(%dma_wait3A_36 : memref<30016x16xf32, #tpu.memory_space<vmem_shared>>)
        tpu.yield
      }) : () -> ()
      %run_scoped3A_25 = arith.constant 7 : i32
      "tpu.region"() ({
        %run_scoped3A_26 = tpu.sem_alloc : memref<!tpu.dma_semaphore, #tpu.memory_space<semaphore_mem>>
        %dma_start3A = arith.constant 0 : i32
        %dma_start3A_27 = tpu.memref_slice %arg6[%run_scoped3A_25, %dma_start3A] : memref<8x128xi32, #tpu.memory_space<vmem>> -> memref<1x128xi32, #tpu.memory_space<vmem>>
        %dma_start3A_28 = tpu.memref_squeeze %dma_start3A_27 : memref<1x128xi32, #tpu.memory_space<vmem>> -> memref<128xi32, #tpu.memory_space<vmem>>
        %dma_start3A_29 = arith.constant 0 : i32
        %dma_start3A_30 = arith.constant 0 : i32
        %dma_start3A_31 = tpu.memref_slice %arg8[%dma_start3A_29, %dma_start3A_30] : memref<30016x16xf32, #tpu.memory_space<vmem_shared>> -> memref<30016x16xf32, #tpu.memory_space<vmem_shared>>
        tpu.enqueue_indirect_dma source(%arg7 : memref<128x16xf32, #tpu.memory_space<vmem>>) target(%dma_start3A_31 : memref<30016x16xf32, #tpu.memory_space<vmem_shared>>) offsets(%dma_start3A_28 : memref<128xi32, #tpu.memory_space<vmem>>) semaphore(%run_scoped3A_26 : memref<!tpu.dma_semaphore, #tpu.memory_space<semaphore_mem>>) {add = true}
        %dma_wait3A = arith.constant 0 : i32
        %dma_wait3A_32 = tpu.memref_slice %arg6[%run_scoped3A_25, %dma_wait3A] : memref<8x128xi32, #tpu.memory_space<vmem>> -> memref<1x128xi32, #tpu.memory_space<vmem>>
        %dma_wait3A_33 = tpu.memref_squeeze %dma_wait3A_32 : memref<1x128xi32, #tpu.memory_space<vmem>> -> memref<128xi32, #tpu.memory_space<vmem>>
        %dma_wait3A_34 = arith.constant 0 : i32
        %dma_wait3A_35 = arith.constant 0 : i32
        %dma_wait3A_36 = tpu.memref_slice %arg8[%dma_wait3A_34, %dma_wait3A_35] : memref<30016x16xf32, #tpu.memory_space<vmem_shared>> -> memref<30016x16xf32, #tpu.memory_space<vmem_shared>>
        tpu.wait_indirect_dma semaphore(%run_scoped3A_26 : memref<!tpu.dma_semaphore, #tpu.memory_space<semaphore_mem>>) src(%arg7 : memref<128x16xf32, #tpu.memory_space<vmem>>) dst(%dma_wait3A_36 : memref<30016x16xf32, #tpu.memory_space<vmem_shared>>)
        tpu.yield
      }) : () -> ()
    }
    %scan3A_9 = arith.constant 59 : i32
    %barrier3A_10 = arith.constant 0 : index
    tpu.barrier barrier_id(%barrier3A_10)
    %mul3A_11 = arith.constant 1875 : i32
    %mul3A_12 = arith.muli %arg1, %mul3A_11 : i32
    %mul3A_13 = arith.constant 1875 : i32
    %mul3A_14 = arith.muli %arg1, %mul3A_13 : i32
    "tpu.region"() ({
      %run_scoped3A = tpu.sem_alloc : memref<!tpu.dma_semaphore, #tpu.memory_space<semaphore_mem>>
      %dma_start3A = arith.constant 0 : i32
      %dma_start3A_15 = tpu.memref_slice %arg5[%arg0, %mul3A_14, %dma_start3A] : memref<2x30000x16xf32, #tpu.memory_space<hbm>> -> memref<1x1875x16xf32, #tpu.memory_space<hbm>>
      %dma_start3A_16 = tpu.memref_squeeze %dma_start3A_15 : memref<1x1875x16xf32, #tpu.memory_space<hbm>> -> memref<1875x16xf32, #tpu.memory_space<hbm>>
      %dma_start3A_17 = arith.constant 0 : i32
      %dma_start3A_18 = tpu.memref_slice %arg8[%mul3A_12, %dma_start3A_17] : memref<30016x16xf32, #tpu.memory_space<vmem_shared>> -> memref<1875x16xf32, #tpu.memory_space<vmem_shared>>
      tpu.enqueue_dma source(%dma_start3A_18 : memref<1875x16xf32, #tpu.memory_space<vmem_shared>>) target(%dma_start3A_16 : memref<1875x16xf32, #tpu.memory_space<hbm>>) target_semaphore(%run_scoped3A : memref<!tpu.dma_semaphore, #tpu.memory_space<semaphore_mem>>)
      %dma_wait3A = arith.constant 0 : i32
      %dma_wait3A_19 = tpu.memref_slice %arg5[%arg0, %mul3A_14, %dma_wait3A] : memref<2x30000x16xf32, #tpu.memory_space<hbm>> -> memref<1x1875x16xf32, #tpu.memory_space<hbm>>
      %dma_wait3A_20 = tpu.memref_squeeze %dma_wait3A_19 : memref<1x1875x16xf32, #tpu.memory_space<hbm>> -> memref<1875x16xf32, #tpu.memory_space<hbm>>
      %dma_wait3A_21 = arith.constant 0 : i32
      %dma_wait3A_22 = tpu.memref_slice %arg8[%mul3A_12, %dma_wait3A_21] : memref<30016x16xf32, #tpu.memory_space<vmem_shared>> -> memref<1875x16xf32, #tpu.memory_space<vmem_shared>>
      tpu.wait_dma2 semaphore(%run_scoped3A : memref<!tpu.dma_semaphore, #tpu.memory_space<semaphore_mem>>) src(%dma_wait3A_22 : memref<1875x16xf32, #tpu.memory_space<vmem_shared>>) dst(%dma_wait3A_20 : memref<1875x16xf32, #tpu.memory_space<hbm>>)
      tpu.yield
    }) : () -> ()
    return
  }
}

#map = affine_map<(d0, d1) -> (0, 0)>
#map1 = affine_map<(d0, d1) -> (0, 0, 0)>
module attributes {stable_mosaic.version = 14 : i64} {
  func.func @prop_kernel(%arg0: i32, %arg1: i32, %arg2: memref<15104x128xi32, #tpu.memory_space<hbm>>, %arg3: memref<7552x128xi32, #tpu.memory_space<hbm>>, %arg4: memref<60000x64xf32, #tpu.memory_space<hbm>>, %arg5: memref<1876x64xf32, #tpu.memory_space<hbm>>, %arg6: memref<2x30000x64xf32, #tpu.memory_space<hbm>>, %arg7: memref<8x128xi32, #tpu.memory_space<vmem>>, %arg8: memref<8x128xi32, #tpu.memory_space<vmem>>, %arg9: memref<128x64xf32, #tpu.memory_space<vmem>>, %arg10: memref<30016x64xf32, #tpu.memory_space<vmem_shared>>, %arg11: memref<!tpu.dma_semaphore, #tpu.memory_space<semaphore_mem>>) attributes {dimension_semantics = [#tpu.dimension_semantics<core_parallel>, #tpu.dimension_semantics<subcore_parallel>], iteration_bounds = array<i64: 2, 16>, scalar_prefetch = 0 : i64, scratch_operands = 5 : i64, tpu.core_type = #tpu.core_type<sc_vector_subcore>, window_params = [{transform_indices = #map}, {transform_indices = #map}, {transform_indices = #map}, {transform_indices = #map}, {transform_indices = #map1}]} {
    %mul3A = arith.constant 1876 : i32
    %mul3A_0 = arith.muli %arg1, %mul3A : i32
    "tpu.region"() ({
      %run_scoped3A = tpu.sem_alloc : memref<!tpu.dma_semaphore, #tpu.memory_space<semaphore_mem>>
      %dma_start3A = arith.constant 0 : i32
      %dma_start3A_17 = tpu.memref_slice %arg10[%mul3A_0, %dma_start3A] : memref<30016x64xf32, #tpu.memory_space<vmem_shared>> -> memref<1876x64xf32, #tpu.memory_space<vmem_shared>>
      tpu.enqueue_dma source(%arg5 : memref<1876x64xf32, #tpu.memory_space<hbm>>) target(%dma_start3A_17 : memref<1876x64xf32, #tpu.memory_space<vmem_shared>>) target_semaphore(%run_scoped3A : memref<!tpu.dma_semaphore, #tpu.memory_space<semaphore_mem>>)
      %dma_wait3A = arith.constant 0 : i32
      %dma_wait3A_18 = tpu.memref_slice %arg10[%mul3A_0, %dma_wait3A] : memref<30016x64xf32, #tpu.memory_space<vmem_shared>> -> memref<1876x64xf32, #tpu.memory_space<vmem_shared>>
      tpu.wait_dma2 semaphore(%run_scoped3A : memref<!tpu.dma_semaphore, #tpu.memory_space<semaphore_mem>>) src(%arg5 : memref<1876x64xf32, #tpu.memory_space<hbm>>) dst(%dma_wait3A_18 : memref<1876x64xf32, #tpu.memory_space<vmem_shared>>)
      tpu.yield
    }) : () -> ()
    %barrier3A = arith.constant 0 : index
    tpu.barrier barrier_id(%barrier3A)
    %mul3A_1 = arith.constant 7552 : i32
    %mul3A_2 = arith.muli %arg0, %mul3A_1 : i32
    %mul3A_3 = arith.constant 472 : i32
    %mul3A_4 = arith.muli %arg1, %mul3A_3 : i32
    %add3A = arith.addi %mul3A_2, %mul3A_4 : i32
    %mul3A_5 = arith.constant 472 : i32
    %mul3A_6 = arith.muli %arg1, %mul3A_5 : i32
    %scan3A = arith.constant 0 : i32
    %scan3A_7 = arith.constant 0 : i32
    %scan3A_8 = arith.constant 59 : i32
    %scan3A_9 = arith.addi %scan3A_7, %scan3A_8 : i32
    %scan3A_10 = arith.constant 1 : i32
    scf.for %scan3A_17 = %scan3A_7 to %scan3A_9 step %scan3A_10  : i32 {
      %mul3A_18 = arith.constant 8 : i32
      %mul3A_19 = arith.muli %scan3A_17, %mul3A_18 : i32
      %add3A_20 = arith.addi %add3A, %mul3A_19 : i32
      "tpu.region"() ({
        %run_scoped3A_141 = tpu.sem_alloc : memref<!tpu.dma_semaphore, #tpu.memory_space<semaphore_mem>>
        %dma_start3A_142 = arith.constant 0 : i32
        %dma_start3A_143 = tpu.memref_slice %arg2[%add3A_20, %dma_start3A_142] : memref<15104x128xi32, #tpu.memory_space<hbm>> -> memref<8x128xi32, #tpu.memory_space<hbm>>
        %dma_start3A_144 = arith.constant 0 : i32
        %dma_start3A_145 = tpu.memref_slice %arg2[%add3A_20, %dma_start3A_144] : memref<15104x128xi32, #tpu.memory_space<hbm>> -> memref<8x128xi32, #tpu.memory_space<hbm>>
        tpu.enqueue_dma source(%dma_start3A_145 : memref<8x128xi32, #tpu.memory_space<hbm>>) target(%arg7 : memref<8x128xi32, #tpu.memory_space<vmem>>) target_semaphore(%run_scoped3A_141 : memref<!tpu.dma_semaphore, #tpu.memory_space<semaphore_mem>>)
        %dma_wait3A_146 = arith.constant 0 : i32
        %dma_wait3A_147 = tpu.memref_slice %arg2[%add3A_20, %dma_wait3A_146] : memref<15104x128xi32, #tpu.memory_space<hbm>> -> memref<8x128xi32, #tpu.memory_space<hbm>>
        %dma_wait3A_148 = arith.constant 0 : i32
        %dma_wait3A_149 = tpu.memref_slice %arg2[%add3A_20, %dma_wait3A_148] : memref<15104x128xi32, #tpu.memory_space<hbm>> -> memref<8x128xi32, #tpu.memory_space<hbm>>
        tpu.wait_dma2 semaphore(%run_scoped3A_141 : memref<!tpu.dma_semaphore, #tpu.memory_space<semaphore_mem>>) src(%dma_wait3A_149 : memref<8x128xi32, #tpu.memory_space<hbm>>) dst(%arg7 : memref<8x128xi32, #tpu.memory_space<vmem>>)
        tpu.yield
      }) : () -> ()
      %mul3A_21 = arith.constant 8 : i32
      %mul3A_22 = arith.muli %scan3A_17, %mul3A_21 : i32
      %add3A_23 = arith.addi %mul3A_6, %mul3A_22 : i32
      "tpu.region"() ({
        %run_scoped3A_141 = tpu.sem_alloc : memref<!tpu.dma_semaphore, #tpu.memory_space<semaphore_mem>>
        %dma_start3A_142 = arith.constant 0 : i32
        %dma_start3A_143 = tpu.memref_slice %arg3[%add3A_23, %dma_start3A_142] : memref<7552x128xi32, #tpu.memory_space<hbm>> -> memref<8x128xi32, #tpu.memory_space<hbm>>
        %dma_start3A_144 = arith.constant 0 : i32
        %dma_start3A_145 = tpu.memref_slice %arg3[%add3A_23, %dma_start3A_144] : memref<7552x128xi32, #tpu.memory_space<hbm>> -> memref<8x128xi32, #tpu.memory_space<hbm>>
        tpu.enqueue_dma source(%dma_start3A_145 : memref<8x128xi32, #tpu.memory_space<hbm>>) target(%arg8 : memref<8x128xi32, #tpu.memory_space<vmem>>) target_semaphore(%run_scoped3A_141 : memref<!tpu.dma_semaphore, #tpu.memory_space<semaphore_mem>>)
        %dma_wait3A_146 = arith.constant 0 : i32
        %dma_wait3A_147 = tpu.memref_slice %arg3[%add3A_23, %dma_wait3A_146] : memref<7552x128xi32, #tpu.memory_space<hbm>> -> memref<8x128xi32, #tpu.memory_space<hbm>>
        %dma_wait3A_148 = arith.constant 0 : i32
        %dma_wait3A_149 = tpu.memref_slice %arg3[%add3A_23, %dma_wait3A_148] : memref<7552x128xi32, #tpu.memory_space<hbm>> -> memref<8x128xi32, #tpu.memory_space<hbm>>
        tpu.wait_dma2 semaphore(%run_scoped3A_141 : memref<!tpu.dma_semaphore, #tpu.memory_space<semaphore_mem>>) src(%dma_wait3A_149 : memref<8x128xi32, #tpu.memory_space<hbm>>) dst(%arg8 : memref<8x128xi32, #tpu.memory_space<vmem>>)
        tpu.yield
      }) : () -> ()
      %dma_start3A = arith.constant 0 : i32
      %dma_start3A_24 = arith.constant 0 : i32
      %dma_start3A_25 = tpu.memref_slice %arg7[%dma_start3A, %dma_start3A_24] : memref<8x128xi32, #tpu.memory_space<vmem>> -> memref<1x128xi32, #tpu.memory_space<vmem>>
      %dma_start3A_26 = tpu.memref_squeeze %dma_start3A_25 : memref<1x128xi32, #tpu.memory_space<vmem>> -> memref<128xi32, #tpu.memory_space<vmem>>
      %dma_start3A_27 = arith.constant 0 : i32
      %dma_start3A_28 = arith.constant 0 : i32
      %dma_start3A_29 = tpu.memref_slice %arg4[%dma_start3A_27, %dma_start3A_28] : memref<60000x64xf32, #tpu.memory_space<hbm>> -> memref<60000x64xf32, #tpu.memory_space<hbm>>
      tpu.enqueue_indirect_dma source(%dma_start3A_29 : memref<60000x64xf32, #tpu.memory_space<hbm>>) target(%arg9 : memref<128x64xf32, #tpu.memory_space<vmem>>) offsets(%dma_start3A_26 : memref<128xi32, #tpu.memory_space<vmem>>) semaphore(%arg11 : memref<!tpu.dma_semaphore, #tpu.memory_space<semaphore_mem>>)
      %dma_wait3A = arith.constant 0 : i32
      %dma_wait3A_30 = arith.constant 0 : i32
      %dma_wait3A_31 = tpu.memref_slice %arg7[%dma_wait3A, %dma_wait3A_30] : memref<8x128xi32, #tpu.memory_space<vmem>> -> memref<1x128xi32, #tpu.memory_space<vmem>>
      %dma_wait3A_32 = tpu.memref_squeeze %dma_wait3A_31 : memref<1x128xi32, #tpu.memory_space<vmem>> -> memref<128xi32, #tpu.memory_space<vmem>>
      %dma_wait3A_33 = arith.constant 0 : i32
      %dma_wait3A_34 = arith.constant 0 : i32
      %dma_wait3A_35 = tpu.memref_slice %arg4[%dma_wait3A_33, %dma_wait3A_34] : memref<60000x64xf32, #tpu.memory_space<hbm>> -> memref<60000x64xf32, #tpu.memory_space<hbm>>
      tpu.wait_indirect_dma semaphore(%arg11 : memref<!tpu.dma_semaphore, #tpu.memory_space<semaphore_mem>>) src(%dma_wait3A_35 : memref<60000x64xf32, #tpu.memory_space<hbm>>) dst(%arg9 : memref<128x64xf32, #tpu.memory_space<vmem>>)
      %run_scoped3A = arith.constant 0 : i32
      "tpu.region"() ({
        %run_scoped3A_141 = tpu.sem_alloc : memref<!tpu.dma_semaphore, #tpu.memory_space<semaphore_mem>>
        %dma_start3A_142 = arith.constant 0 : i32
        %dma_start3A_143 = tpu.memref_slice %arg8[%run_scoped3A, %dma_start3A_142] : memref<8x128xi32, #tpu.memory_space<vmem>> -> memref<1x128xi32, #tpu.memory_space<vmem>>
        %dma_start3A_144 = tpu.memref_squeeze %dma_start3A_143 : memref<1x128xi32, #tpu.memory_space<vmem>> -> memref<128xi32, #tpu.memory_space<vmem>>
        %dma_start3A_145 = arith.constant 0 : i32
        %dma_start3A_146 = arith.constant 0 : i32
        %dma_start3A_147 = tpu.memref_slice %arg10[%dma_start3A_145, %dma_start3A_146] : memref<30016x64xf32, #tpu.memory_space<vmem_shared>> -> memref<30016x64xf32, #tpu.memory_space<vmem_shared>>
        tpu.enqueue_indirect_dma source(%arg9 : memref<128x64xf32, #tpu.memory_space<vmem>>) target(%dma_start3A_147 : memref<30016x64xf32, #tpu.memory_space<vmem_shared>>) offsets(%dma_start3A_144 : memref<128xi32, #tpu.memory_space<vmem>>) semaphore(%run_scoped3A_141 : memref<!tpu.dma_semaphore, #tpu.memory_space<semaphore_mem>>) {add = true}
        %dma_wait3A_148 = arith.constant 0 : i32
        %dma_wait3A_149 = tpu.memref_slice %arg8[%run_scoped3A, %dma_wait3A_148] : memref<8x128xi32, #tpu.memory_space<vmem>> -> memref<1x128xi32, #tpu.memory_space<vmem>>
        %dma_wait3A_150 = tpu.memref_squeeze %dma_wait3A_149 : memref<1x128xi32, #tpu.memory_space<vmem>> -> memref<128xi32, #tpu.memory_space<vmem>>
        %dma_wait3A_151 = arith.constant 0 : i32
        %dma_wait3A_152 = arith.constant 0 : i32
        %dma_wait3A_153 = tpu.memref_slice %arg10[%dma_wait3A_151, %dma_wait3A_152] : memref<30016x64xf32, #tpu.memory_space<vmem_shared>> -> memref<30016x64xf32, #tpu.memory_space<vmem_shared>>
        tpu.wait_indirect_dma semaphore(%run_scoped3A_141 : memref<!tpu.dma_semaphore, #tpu.memory_space<semaphore_mem>>) src(%arg9 : memref<128x64xf32, #tpu.memory_space<vmem>>) dst(%dma_wait3A_153 : memref<30016x64xf32, #tpu.memory_space<vmem_shared>>)
        tpu.yield
      }) : () -> ()
      %dma_start3A_36 = arith.constant 1 : i32
      %dma_start3A_37 = arith.constant 0 : i32
      %dma_start3A_38 = tpu.memref_slice %arg7[%dma_start3A_36, %dma_start3A_37] : memref<8x128xi32, #tpu.memory_space<vmem>> -> memref<1x128xi32, #tpu.memory_space<vmem>>
      %dma_start3A_39 = tpu.memref_squeeze %dma_start3A_38 : memref<1x128xi32, #tpu.memory_space<vmem>> -> memref<128xi32, #tpu.memory_space<vmem>>
      %dma_start3A_40 = arith.constant 0 : i32
      %dma_start3A_41 = arith.constant 0 : i32
      %dma_start3A_42 = tpu.memref_slice %arg4[%dma_start3A_40, %dma_start3A_41] : memref<60000x64xf32, #tpu.memory_space<hbm>> -> memref<60000x64xf32, #tpu.memory_space<hbm>>
      tpu.enqueue_indirect_dma source(%dma_start3A_42 : memref<60000x64xf32, #tpu.memory_space<hbm>>) target(%arg9 : memref<128x64xf32, #tpu.memory_space<vmem>>) offsets(%dma_start3A_39 : memref<128xi32, #tpu.memory_space<vmem>>) semaphore(%arg11 : memref<!tpu.dma_semaphore, #tpu.memory_space<semaphore_mem>>)
      %dma_wait3A_43 = arith.constant 1 : i32
      %dma_wait3A_44 = arith.constant 0 : i32
      %dma_wait3A_45 = tpu.memref_slice %arg7[%dma_wait3A_43, %dma_wait3A_44] : memref<8x128xi32, #tpu.memory_space<vmem>> -> memref<1x128xi32, #tpu.memory_space<vmem>>
      %dma_wait3A_46 = tpu.memref_squeeze %dma_wait3A_45 : memref<1x128xi32, #tpu.memory_space<vmem>> -> memref<128xi32, #tpu.memory_space<vmem>>
      %dma_wait3A_47 = arith.constant 0 : i32
      %dma_wait3A_48 = arith.constant 0 : i32
      %dma_wait3A_49 = tpu.memref_slice %arg4[%dma_wait3A_47, %dma_wait3A_48] : memref<60000x64xf32, #tpu.memory_space<hbm>> -> memref<60000x64xf32, #tpu.memory_space<hbm>>
      tpu.wait_indirect_dma semaphore(%arg11 : memref<!tpu.dma_semaphore, #tpu.memory_space<semaphore_mem>>) src(%dma_wait3A_49 : memref<60000x64xf32, #tpu.memory_space<hbm>>) dst(%arg9 : memref<128x64xf32, #tpu.memory_space<vmem>>)
      %run_scoped3A_50 = arith.constant 1 : i32
      "tpu.region"() ({
        %run_scoped3A_141 = tpu.sem_alloc : memref<!tpu.dma_semaphore, #tpu.memory_space<semaphore_mem>>
        %dma_start3A_142 = arith.constant 0 : i32
        %dma_start3A_143 = tpu.memref_slice %arg8[%run_scoped3A_50, %dma_start3A_142] : memref<8x128xi32, #tpu.memory_space<vmem>> -> memref<1x128xi32, #tpu.memory_space<vmem>>
        %dma_start3A_144 = tpu.memref_squeeze %dma_start3A_143 : memref<1x128xi32, #tpu.memory_space<vmem>> -> memref<128xi32, #tpu.memory_space<vmem>>
        %dma_start3A_145 = arith.constant 0 : i32
        %dma_start3A_146 = arith.constant 0 : i32
        %dma_start3A_147 = tpu.memref_slice %arg10[%dma_start3A_145, %dma_start3A_146] : memref<30016x64xf32, #tpu.memory_space<vmem_shared>> -> memref<30016x64xf32, #tpu.memory_space<vmem_shared>>
        tpu.enqueue_indirect_dma source(%arg9 : memref<128x64xf32, #tpu.memory_space<vmem>>) target(%dma_start3A_147 : memref<30016x64xf32, #tpu.memory_space<vmem_shared>>) offsets(%dma_start3A_144 : memref<128xi32, #tpu.memory_space<vmem>>) semaphore(%run_scoped3A_141 : memref<!tpu.dma_semaphore, #tpu.memory_space<semaphore_mem>>) {add = true}
        %dma_wait3A_148 = arith.constant 0 : i32
        %dma_wait3A_149 = tpu.memref_slice %arg8[%run_scoped3A_50, %dma_wait3A_148] : memref<8x128xi32, #tpu.memory_space<vmem>> -> memref<1x128xi32, #tpu.memory_space<vmem>>
        %dma_wait3A_150 = tpu.memref_squeeze %dma_wait3A_149 : memref<1x128xi32, #tpu.memory_space<vmem>> -> memref<128xi32, #tpu.memory_space<vmem>>
        %dma_wait3A_151 = arith.constant 0 : i32
        %dma_wait3A_152 = arith.constant 0 : i32
        %dma_wait3A_153 = tpu.memref_slice %arg10[%dma_wait3A_151, %dma_wait3A_152] : memref<30016x64xf32, #tpu.memory_space<vmem_shared>> -> memref<30016x64xf32, #tpu.memory_space<vmem_shared>>
        tpu.wait_indirect_dma semaphore(%run_scoped3A_141 : memref<!tpu.dma_semaphore, #tpu.memory_space<semaphore_mem>>) src(%arg9 : memref<128x64xf32, #tpu.memory_space<vmem>>) dst(%dma_wait3A_153 : memref<30016x64xf32, #tpu.memory_space<vmem_shared>>)
        tpu.yield
      }) : () -> ()
      %dma_start3A_51 = arith.constant 2 : i32
      %dma_start3A_52 = arith.constant 0 : i32
      %dma_start3A_53 = tpu.memref_slice %arg7[%dma_start3A_51, %dma_start3A_52] : memref<8x128xi32, #tpu.memory_space<vmem>> -> memref<1x128xi32, #tpu.memory_space<vmem>>
      %dma_start3A_54 = tpu.memref_squeeze %dma_start3A_53 : memref<1x128xi32, #tpu.memory_space<vmem>> -> memref<128xi32, #tpu.memory_space<vmem>>
      %dma_start3A_55 = arith.constant 0 : i32
      %dma_start3A_56 = arith.constant 0 : i32
      %dma_start3A_57 = tpu.memref_slice %arg4[%dma_start3A_55, %dma_start3A_56] : memref<60000x64xf32, #tpu.memory_space<hbm>> -> memref<60000x64xf32, #tpu.memory_space<hbm>>
      tpu.enqueue_indirect_dma source(%dma_start3A_57 : memref<60000x64xf32, #tpu.memory_space<hbm>>) target(%arg9 : memref<128x64xf32, #tpu.memory_space<vmem>>) offsets(%dma_start3A_54 : memref<128xi32, #tpu.memory_space<vmem>>) semaphore(%arg11 : memref<!tpu.dma_semaphore, #tpu.memory_space<semaphore_mem>>)
      %dma_wait3A_58 = arith.constant 2 : i32
      %dma_wait3A_59 = arith.constant 0 : i32
      %dma_wait3A_60 = tpu.memref_slice %arg7[%dma_wait3A_58, %dma_wait3A_59] : memref<8x128xi32, #tpu.memory_space<vmem>> -> memref<1x128xi32, #tpu.memory_space<vmem>>
      %dma_wait3A_61 = tpu.memref_squeeze %dma_wait3A_60 : memref<1x128xi32, #tpu.memory_space<vmem>> -> memref<128xi32, #tpu.memory_space<vmem>>
      %dma_wait3A_62 = arith.constant 0 : i32
      %dma_wait3A_63 = arith.constant 0 : i32
      %dma_wait3A_64 = tpu.memref_slice %arg4[%dma_wait3A_62, %dma_wait3A_63] : memref<60000x64xf32, #tpu.memory_space<hbm>> -> memref<60000x64xf32, #tpu.memory_space<hbm>>
      tpu.wait_indirect_dma semaphore(%arg11 : memref<!tpu.dma_semaphore, #tpu.memory_space<semaphore_mem>>) src(%dma_wait3A_64 : memref<60000x64xf32, #tpu.memory_space<hbm>>) dst(%arg9 : memref<128x64xf32, #tpu.memory_space<vmem>>)
      %run_scoped3A_65 = arith.constant 2 : i32
      "tpu.region"() ({
        %run_scoped3A_141 = tpu.sem_alloc : memref<!tpu.dma_semaphore, #tpu.memory_space<semaphore_mem>>
        %dma_start3A_142 = arith.constant 0 : i32
        %dma_start3A_143 = tpu.memref_slice %arg8[%run_scoped3A_65, %dma_start3A_142] : memref<8x128xi32, #tpu.memory_space<vmem>> -> memref<1x128xi32, #tpu.memory_space<vmem>>
        %dma_start3A_144 = tpu.memref_squeeze %dma_start3A_143 : memref<1x128xi32, #tpu.memory_space<vmem>> -> memref<128xi32, #tpu.memory_space<vmem>>
        %dma_start3A_145 = arith.constant 0 : i32
        %dma_start3A_146 = arith.constant 0 : i32
        %dma_start3A_147 = tpu.memref_slice %arg10[%dma_start3A_145, %dma_start3A_146] : memref<30016x64xf32, #tpu.memory_space<vmem_shared>> -> memref<30016x64xf32, #tpu.memory_space<vmem_shared>>
        tpu.enqueue_indirect_dma source(%arg9 : memref<128x64xf32, #tpu.memory_space<vmem>>) target(%dma_start3A_147 : memref<30016x64xf32, #tpu.memory_space<vmem_shared>>) offsets(%dma_start3A_144 : memref<128xi32, #tpu.memory_space<vmem>>) semaphore(%run_scoped3A_141 : memref<!tpu.dma_semaphore, #tpu.memory_space<semaphore_mem>>) {add = true}
        %dma_wait3A_148 = arith.constant 0 : i32
        %dma_wait3A_149 = tpu.memref_slice %arg8[%run_scoped3A_65, %dma_wait3A_148] : memref<8x128xi32, #tpu.memory_space<vmem>> -> memref<1x128xi32, #tpu.memory_space<vmem>>
        %dma_wait3A_150 = tpu.memref_squeeze %dma_wait3A_149 : memref<1x128xi32, #tpu.memory_space<vmem>> -> memref<128xi32, #tpu.memory_space<vmem>>
        %dma_wait3A_151 = arith.constant 0 : i32
        %dma_wait3A_152 = arith.constant 0 : i32
        %dma_wait3A_153 = tpu.memref_slice %arg10[%dma_wait3A_151, %dma_wait3A_152] : memref<30016x64xf32, #tpu.memory_space<vmem_shared>> -> memref<30016x64xf32, #tpu.memory_space<vmem_shared>>
        tpu.wait_indirect_dma semaphore(%run_scoped3A_141 : memref<!tpu.dma_semaphore, #tpu.memory_space<semaphore_mem>>) src(%arg9 : memref<128x64xf32, #tpu.memory_space<vmem>>) dst(%dma_wait3A_153 : memref<30016x64xf32, #tpu.memory_space<vmem_shared>>)
        tpu.yield
      }) : () -> ()
      %dma_start3A_66 = arith.constant 3 : i32
      %dma_start3A_67 = arith.constant 0 : i32
      %dma_start3A_68 = tpu.memref_slice %arg7[%dma_start3A_66, %dma_start3A_67] : memref<8x128xi32, #tpu.memory_space<vmem>> -> memref<1x128xi32, #tpu.memory_space<vmem>>
      %dma_start3A_69 = tpu.memref_squeeze %dma_start3A_68 : memref<1x128xi32, #tpu.memory_space<vmem>> -> memref<128xi32, #tpu.memory_space<vmem>>
      %dma_start3A_70 = arith.constant 0 : i32
      %dma_start3A_71 = arith.constant 0 : i32
      %dma_start3A_72 = tpu.memref_slice %arg4[%dma_start3A_70, %dma_start3A_71] : memref<60000x64xf32, #tpu.memory_space<hbm>> -> memref<60000x64xf32, #tpu.memory_space<hbm>>
      tpu.enqueue_indirect_dma source(%dma_start3A_72 : memref<60000x64xf32, #tpu.memory_space<hbm>>) target(%arg9 : memref<128x64xf32, #tpu.memory_space<vmem>>) offsets(%dma_start3A_69 : memref<128xi32, #tpu.memory_space<vmem>>) semaphore(%arg11 : memref<!tpu.dma_semaphore, #tpu.memory_space<semaphore_mem>>)
      %dma_wait3A_73 = arith.constant 3 : i32
      %dma_wait3A_74 = arith.constant 0 : i32
      %dma_wait3A_75 = tpu.memref_slice %arg7[%dma_wait3A_73, %dma_wait3A_74] : memref<8x128xi32, #tpu.memory_space<vmem>> -> memref<1x128xi32, #tpu.memory_space<vmem>>
      %dma_wait3A_76 = tpu.memref_squeeze %dma_wait3A_75 : memref<1x128xi32, #tpu.memory_space<vmem>> -> memref<128xi32, #tpu.memory_space<vmem>>
      %dma_wait3A_77 = arith.constant 0 : i32
      %dma_wait3A_78 = arith.constant 0 : i32
      %dma_wait3A_79 = tpu.memref_slice %arg4[%dma_wait3A_77, %dma_wait3A_78] : memref<60000x64xf32, #tpu.memory_space<hbm>> -> memref<60000x64xf32, #tpu.memory_space<hbm>>
      tpu.wait_indirect_dma semaphore(%arg11 : memref<!tpu.dma_semaphore, #tpu.memory_space<semaphore_mem>>) src(%dma_wait3A_79 : memref<60000x64xf32, #tpu.memory_space<hbm>>) dst(%arg9 : memref<128x64xf32, #tpu.memory_space<vmem>>)
      %run_scoped3A_80 = arith.constant 3 : i32
      "tpu.region"() ({
        %run_scoped3A_141 = tpu.sem_alloc : memref<!tpu.dma_semaphore, #tpu.memory_space<semaphore_mem>>
        %dma_start3A_142 = arith.constant 0 : i32
        %dma_start3A_143 = tpu.memref_slice %arg8[%run_scoped3A_80, %dma_start3A_142] : memref<8x128xi32, #tpu.memory_space<vmem>> -> memref<1x128xi32, #tpu.memory_space<vmem>>
        %dma_start3A_144 = tpu.memref_squeeze %dma_start3A_143 : memref<1x128xi32, #tpu.memory_space<vmem>> -> memref<128xi32, #tpu.memory_space<vmem>>
        %dma_start3A_145 = arith.constant 0 : i32
        %dma_start3A_146 = arith.constant 0 : i32
        %dma_start3A_147 = tpu.memref_slice %arg10[%dma_start3A_145, %dma_start3A_146] : memref<30016x64xf32, #tpu.memory_space<vmem_shared>> -> memref<30016x64xf32, #tpu.memory_space<vmem_shared>>
        tpu.enqueue_indirect_dma source(%arg9 : memref<128x64xf32, #tpu.memory_space<vmem>>) target(%dma_start3A_147 : memref<30016x64xf32, #tpu.memory_space<vmem_shared>>) offsets(%dma_start3A_144 : memref<128xi32, #tpu.memory_space<vmem>>) semaphore(%run_scoped3A_141 : memref<!tpu.dma_semaphore, #tpu.memory_space<semaphore_mem>>) {add = true}
        %dma_wait3A_148 = arith.constant 0 : i32
        %dma_wait3A_149 = tpu.memref_slice %arg8[%run_scoped3A_80, %dma_wait3A_148] : memref<8x128xi32, #tpu.memory_space<vmem>> -> memref<1x128xi32, #tpu.memory_space<vmem>>
        %dma_wait3A_150 = tpu.memref_squeeze %dma_wait3A_149 : memref<1x128xi32, #tpu.memory_space<vmem>> -> memref<128xi32, #tpu.memory_space<vmem>>
        %dma_wait3A_151 = arith.constant 0 : i32
        %dma_wait3A_152 = arith.constant 0 : i32
        %dma_wait3A_153 = tpu.memref_slice %arg10[%dma_wait3A_151, %dma_wait3A_152] : memref<30016x64xf32, #tpu.memory_space<vmem_shared>> -> memref<30016x64xf32, #tpu.memory_space<vmem_shared>>
        tpu.wait_indirect_dma semaphore(%run_scoped3A_141 : memref<!tpu.dma_semaphore, #tpu.memory_space<semaphore_mem>>) src(%arg9 : memref<128x64xf32, #tpu.memory_space<vmem>>) dst(%dma_wait3A_153 : memref<30016x64xf32, #tpu.memory_space<vmem_shared>>)
        tpu.yield
      }) : () -> ()
      %dma_start3A_81 = arith.constant 4 : i32
      %dma_start3A_82 = arith.constant 0 : i32
      %dma_start3A_83 = tpu.memref_slice %arg7[%dma_start3A_81, %dma_start3A_82] : memref<8x128xi32, #tpu.memory_space<vmem>> -> memref<1x128xi32, #tpu.memory_space<vmem>>
      %dma_start3A_84 = tpu.memref_squeeze %dma_start3A_83 : memref<1x128xi32, #tpu.memory_space<vmem>> -> memref<128xi32, #tpu.memory_space<vmem>>
      %dma_start3A_85 = arith.constant 0 : i32
      %dma_start3A_86 = arith.constant 0 : i32
      %dma_start3A_87 = tpu.memref_slice %arg4[%dma_start3A_85, %dma_start3A_86] : memref<60000x64xf32, #tpu.memory_space<hbm>> -> memref<60000x64xf32, #tpu.memory_space<hbm>>
      tpu.enqueue_indirect_dma source(%dma_start3A_87 : memref<60000x64xf32, #tpu.memory_space<hbm>>) target(%arg9 : memref<128x64xf32, #tpu.memory_space<vmem>>) offsets(%dma_start3A_84 : memref<128xi32, #tpu.memory_space<vmem>>) semaphore(%arg11 : memref<!tpu.dma_semaphore, #tpu.memory_space<semaphore_mem>>)
      %dma_wait3A_88 = arith.constant 4 : i32
      %dma_wait3A_89 = arith.constant 0 : i32
      %dma_wait3A_90 = tpu.memref_slice %arg7[%dma_wait3A_88, %dma_wait3A_89] : memref<8x128xi32, #tpu.memory_space<vmem>> -> memref<1x128xi32, #tpu.memory_space<vmem>>
      %dma_wait3A_91 = tpu.memref_squeeze %dma_wait3A_90 : memref<1x128xi32, #tpu.memory_space<vmem>> -> memref<128xi32, #tpu.memory_space<vmem>>
      %dma_wait3A_92 = arith.constant 0 : i32
      %dma_wait3A_93 = arith.constant 0 : i32
      %dma_wait3A_94 = tpu.memref_slice %arg4[%dma_wait3A_92, %dma_wait3A_93] : memref<60000x64xf32, #tpu.memory_space<hbm>> -> memref<60000x64xf32, #tpu.memory_space<hbm>>
      tpu.wait_indirect_dma semaphore(%arg11 : memref<!tpu.dma_semaphore, #tpu.memory_space<semaphore_mem>>) src(%dma_wait3A_94 : memref<60000x64xf32, #tpu.memory_space<hbm>>) dst(%arg9 : memref<128x64xf32, #tpu.memory_space<vmem>>)
      %run_scoped3A_95 = arith.constant 4 : i32
      "tpu.region"() ({
        %run_scoped3A_141 = tpu.sem_alloc : memref<!tpu.dma_semaphore, #tpu.memory_space<semaphore_mem>>
        %dma_start3A_142 = arith.constant 0 : i32
        %dma_start3A_143 = tpu.memref_slice %arg8[%run_scoped3A_95, %dma_start3A_142] : memref<8x128xi32, #tpu.memory_space<vmem>> -> memref<1x128xi32, #tpu.memory_space<vmem>>
        %dma_start3A_144 = tpu.memref_squeeze %dma_start3A_143 : memref<1x128xi32, #tpu.memory_space<vmem>> -> memref<128xi32, #tpu.memory_space<vmem>>
        %dma_start3A_145 = arith.constant 0 : i32
        %dma_start3A_146 = arith.constant 0 : i32
        %dma_start3A_147 = tpu.memref_slice %arg10[%dma_start3A_145, %dma_start3A_146] : memref<30016x64xf32, #tpu.memory_space<vmem_shared>> -> memref<30016x64xf32, #tpu.memory_space<vmem_shared>>
        tpu.enqueue_indirect_dma source(%arg9 : memref<128x64xf32, #tpu.memory_space<vmem>>) target(%dma_start3A_147 : memref<30016x64xf32, #tpu.memory_space<vmem_shared>>) offsets(%dma_start3A_144 : memref<128xi32, #tpu.memory_space<vmem>>) semaphore(%run_scoped3A_141 : memref<!tpu.dma_semaphore, #tpu.memory_space<semaphore_mem>>) {add = true}
        %dma_wait3A_148 = arith.constant 0 : i32
        %dma_wait3A_149 = tpu.memref_slice %arg8[%run_scoped3A_95, %dma_wait3A_148] : memref<8x128xi32, #tpu.memory_space<vmem>> -> memref<1x128xi32, #tpu.memory_space<vmem>>
        %dma_wait3A_150 = tpu.memref_squeeze %dma_wait3A_149 : memref<1x128xi32, #tpu.memory_space<vmem>> -> memref<128xi32, #tpu.memory_space<vmem>>
        %dma_wait3A_151 = arith.constant 0 : i32
        %dma_wait3A_152 = arith.constant 0 : i32
        %dma_wait3A_153 = tpu.memref_slice %arg10[%dma_wait3A_151, %dma_wait3A_152] : memref<30016x64xf32, #tpu.memory_space<vmem_shared>> -> memref<30016x64xf32, #tpu.memory_space<vmem_shared>>
        tpu.wait_indirect_dma semaphore(%run_scoped3A_141 : memref<!tpu.dma_semaphore, #tpu.memory_space<semaphore_mem>>) src(%arg9 : memref<128x64xf32, #tpu.memory_space<vmem>>) dst(%dma_wait3A_153 : memref<30016x64xf32, #tpu.memory_space<vmem_shared>>)
        tpu.yield
      }) : () -> ()
      %dma_start3A_96 = arith.constant 5 : i32
      %dma_start3A_97 = arith.constant 0 : i32
      %dma_start3A_98 = tpu.memref_slice %arg7[%dma_start3A_96, %dma_start3A_97] : memref<8x128xi32, #tpu.memory_space<vmem>> -> memref<1x128xi32, #tpu.memory_space<vmem>>
      %dma_start3A_99 = tpu.memref_squeeze %dma_start3A_98 : memref<1x128xi32, #tpu.memory_space<vmem>> -> memref<128xi32, #tpu.memory_space<vmem>>
      %dma_start3A_100 = arith.constant 0 : i32
      %dma_start3A_101 = arith.constant 0 : i32
      %dma_start3A_102 = tpu.memref_slice %arg4[%dma_start3A_100, %dma_start3A_101] : memref<60000x64xf32, #tpu.memory_space<hbm>> -> memref<60000x64xf32, #tpu.memory_space<hbm>>
      tpu.enqueue_indirect_dma source(%dma_start3A_102 : memref<60000x64xf32, #tpu.memory_space<hbm>>) target(%arg9 : memref<128x64xf32, #tpu.memory_space<vmem>>) offsets(%dma_start3A_99 : memref<128xi32, #tpu.memory_space<vmem>>) semaphore(%arg11 : memref<!tpu.dma_semaphore, #tpu.memory_space<semaphore_mem>>)
      %dma_wait3A_103 = arith.constant 5 : i32
      %dma_wait3A_104 = arith.constant 0 : i32
      %dma_wait3A_105 = tpu.memref_slice %arg7[%dma_wait3A_103, %dma_wait3A_104] : memref<8x128xi32, #tpu.memory_space<vmem>> -> memref<1x128xi32, #tpu.memory_space<vmem>>
      %dma_wait3A_106 = tpu.memref_squeeze %dma_wait3A_105 : memref<1x128xi32, #tpu.memory_space<vmem>> -> memref<128xi32, #tpu.memory_space<vmem>>
      %dma_wait3A_107 = arith.constant 0 : i32
      %dma_wait3A_108 = arith.constant 0 : i32
      %dma_wait3A_109 = tpu.memref_slice %arg4[%dma_wait3A_107, %dma_wait3A_108] : memref<60000x64xf32, #tpu.memory_space<hbm>> -> memref<60000x64xf32, #tpu.memory_space<hbm>>
      tpu.wait_indirect_dma semaphore(%arg11 : memref<!tpu.dma_semaphore, #tpu.memory_space<semaphore_mem>>) src(%dma_wait3A_109 : memref<60000x64xf32, #tpu.memory_space<hbm>>) dst(%arg9 : memref<128x64xf32, #tpu.memory_space<vmem>>)
      %run_scoped3A_110 = arith.constant 5 : i32
      "tpu.region"() ({
        %run_scoped3A_141 = tpu.sem_alloc : memref<!tpu.dma_semaphore, #tpu.memory_space<semaphore_mem>>
        %dma_start3A_142 = arith.constant 0 : i32
        %dma_start3A_143 = tpu.memref_slice %arg8[%run_scoped3A_110, %dma_start3A_142] : memref<8x128xi32, #tpu.memory_space<vmem>> -> memref<1x128xi32, #tpu.memory_space<vmem>>
        %dma_start3A_144 = tpu.memref_squeeze %dma_start3A_143 : memref<1x128xi32, #tpu.memory_space<vmem>> -> memref<128xi32, #tpu.memory_space<vmem>>
        %dma_start3A_145 = arith.constant 0 : i32
        %dma_start3A_146 = arith.constant 0 : i32
        %dma_start3A_147 = tpu.memref_slice %arg10[%dma_start3A_145, %dma_start3A_146] : memref<30016x64xf32, #tpu.memory_space<vmem_shared>> -> memref<30016x64xf32, #tpu.memory_space<vmem_shared>>
        tpu.enqueue_indirect_dma source(%arg9 : memref<128x64xf32, #tpu.memory_space<vmem>>) target(%dma_start3A_147 : memref<30016x64xf32, #tpu.memory_space<vmem_shared>>) offsets(%dma_start3A_144 : memref<128xi32, #tpu.memory_space<vmem>>) semaphore(%run_scoped3A_141 : memref<!tpu.dma_semaphore, #tpu.memory_space<semaphore_mem>>) {add = true}
        %dma_wait3A_148 = arith.constant 0 : i32
        %dma_wait3A_149 = tpu.memref_slice %arg8[%run_scoped3A_110, %dma_wait3A_148] : memref<8x128xi32, #tpu.memory_space<vmem>> -> memref<1x128xi32, #tpu.memory_space<vmem>>
        %dma_wait3A_150 = tpu.memref_squeeze %dma_wait3A_149 : memref<1x128xi32, #tpu.memory_space<vmem>> -> memref<128xi32, #tpu.memory_space<vmem>>
        %dma_wait3A_151 = arith.constant 0 : i32
        %dma_wait3A_152 = arith.constant 0 : i32
        %dma_wait3A_153 = tpu.memref_slice %arg10[%dma_wait3A_151, %dma_wait3A_152] : memref<30016x64xf32, #tpu.memory_space<vmem_shared>> -> memref<30016x64xf32, #tpu.memory_space<vmem_shared>>
        tpu.wait_indirect_dma semaphore(%run_scoped3A_141 : memref<!tpu.dma_semaphore, #tpu.memory_space<semaphore_mem>>) src(%arg9 : memref<128x64xf32, #tpu.memory_space<vmem>>) dst(%dma_wait3A_153 : memref<30016x64xf32, #tpu.memory_space<vmem_shared>>)
        tpu.yield
      }) : () -> ()
      %dma_start3A_111 = arith.constant 6 : i32
      %dma_start3A_112 = arith.constant 0 : i32
      %dma_start3A_113 = tpu.memref_slice %arg7[%dma_start3A_111, %dma_start3A_112] : memref<8x128xi32, #tpu.memory_space<vmem>> -> memref<1x128xi32, #tpu.memory_space<vmem>>
      %dma_start3A_114 = tpu.memref_squeeze %dma_start3A_113 : memref<1x128xi32, #tpu.memory_space<vmem>> -> memref<128xi32, #tpu.memory_space<vmem>>
      %dma_start3A_115 = arith.constant 0 : i32
      %dma_start3A_116 = arith.constant 0 : i32
      %dma_start3A_117 = tpu.memref_slice %arg4[%dma_start3A_115, %dma_start3A_116] : memref<60000x64xf32, #tpu.memory_space<hbm>> -> memref<60000x64xf32, #tpu.memory_space<hbm>>
      tpu.enqueue_indirect_dma source(%dma_start3A_117 : memref<60000x64xf32, #tpu.memory_space<hbm>>) target(%arg9 : memref<128x64xf32, #tpu.memory_space<vmem>>) offsets(%dma_start3A_114 : memref<128xi32, #tpu.memory_space<vmem>>) semaphore(%arg11 : memref<!tpu.dma_semaphore, #tpu.memory_space<semaphore_mem>>)
      %dma_wait3A_118 = arith.constant 6 : i32
      %dma_wait3A_119 = arith.constant 0 : i32
      %dma_wait3A_120 = tpu.memref_slice %arg7[%dma_wait3A_118, %dma_wait3A_119] : memref<8x128xi32, #tpu.memory_space<vmem>> -> memref<1x128xi32, #tpu.memory_space<vmem>>
      %dma_wait3A_121 = tpu.memref_squeeze %dma_wait3A_120 : memref<1x128xi32, #tpu.memory_space<vmem>> -> memref<128xi32, #tpu.memory_space<vmem>>
      %dma_wait3A_122 = arith.constant 0 : i32
      %dma_wait3A_123 = arith.constant 0 : i32
      %dma_wait3A_124 = tpu.memref_slice %arg4[%dma_wait3A_122, %dma_wait3A_123] : memref<60000x64xf32, #tpu.memory_space<hbm>> -> memref<60000x64xf32, #tpu.memory_space<hbm>>
      tpu.wait_indirect_dma semaphore(%arg11 : memref<!tpu.dma_semaphore, #tpu.memory_space<semaphore_mem>>) src(%dma_wait3A_124 : memref<60000x64xf32, #tpu.memory_space<hbm>>) dst(%arg9 : memref<128x64xf32, #tpu.memory_space<vmem>>)
      %run_scoped3A_125 = arith.constant 6 : i32
      "tpu.region"() ({
        %run_scoped3A_141 = tpu.sem_alloc : memref<!tpu.dma_semaphore, #tpu.memory_space<semaphore_mem>>
        %dma_start3A_142 = arith.constant 0 : i32
        %dma_start3A_143 = tpu.memref_slice %arg8[%run_scoped3A_125, %dma_start3A_142] : memref<8x128xi32, #tpu.memory_space<vmem>> -> memref<1x128xi32, #tpu.memory_space<vmem>>
        %dma_start3A_144 = tpu.memref_squeeze %dma_start3A_143 : memref<1x128xi32, #tpu.memory_space<vmem>> -> memref<128xi32, #tpu.memory_space<vmem>>
        %dma_start3A_145 = arith.constant 0 : i32
        %dma_start3A_146 = arith.constant 0 : i32
        %dma_start3A_147 = tpu.memref_slice %arg10[%dma_start3A_145, %dma_start3A_146] : memref<30016x64xf32, #tpu.memory_space<vmem_shared>> -> memref<30016x64xf32, #tpu.memory_space<vmem_shared>>
        tpu.enqueue_indirect_dma source(%arg9 : memref<128x64xf32, #tpu.memory_space<vmem>>) target(%dma_start3A_147 : memref<30016x64xf32, #tpu.memory_space<vmem_shared>>) offsets(%dma_start3A_144 : memref<128xi32, #tpu.memory_space<vmem>>) semaphore(%run_scoped3A_141 : memref<!tpu.dma_semaphore, #tpu.memory_space<semaphore_mem>>) {add = true}
        %dma_wait3A_148 = arith.constant 0 : i32
        %dma_wait3A_149 = tpu.memref_slice %arg8[%run_scoped3A_125, %dma_wait3A_148] : memref<8x128xi32, #tpu.memory_space<vmem>> -> memref<1x128xi32, #tpu.memory_space<vmem>>
        %dma_wait3A_150 = tpu.memref_squeeze %dma_wait3A_149 : memref<1x128xi32, #tpu.memory_space<vmem>> -> memref<128xi32, #tpu.memory_space<vmem>>
        %dma_wait3A_151 = arith.constant 0 : i32
        %dma_wait3A_152 = arith.constant 0 : i32
        %dma_wait3A_153 = tpu.memref_slice %arg10[%dma_wait3A_151, %dma_wait3A_152] : memref<30016x64xf32, #tpu.memory_space<vmem_shared>> -> memref<30016x64xf32, #tpu.memory_space<vmem_shared>>
        tpu.wait_indirect_dma semaphore(%run_scoped3A_141 : memref<!tpu.dma_semaphore, #tpu.memory_space<semaphore_mem>>) src(%arg9 : memref<128x64xf32, #tpu.memory_space<vmem>>) dst(%dma_wait3A_153 : memref<30016x64xf32, #tpu.memory_space<vmem_shared>>)
        tpu.yield
      }) : () -> ()
      %dma_start3A_126 = arith.constant 7 : i32
      %dma_start3A_127 = arith.constant 0 : i32
      %dma_start3A_128 = tpu.memref_slice %arg7[%dma_start3A_126, %dma_start3A_127] : memref<8x128xi32, #tpu.memory_space<vmem>> -> memref<1x128xi32, #tpu.memory_space<vmem>>
      %dma_start3A_129 = tpu.memref_squeeze %dma_start3A_128 : memref<1x128xi32, #tpu.memory_space<vmem>> -> memref<128xi32, #tpu.memory_space<vmem>>
      %dma_start3A_130 = arith.constant 0 : i32
      %dma_start3A_131 = arith.constant 0 : i32
      %dma_start3A_132 = tpu.memref_slice %arg4[%dma_start3A_130, %dma_start3A_131] : memref<60000x64xf32, #tpu.memory_space<hbm>> -> memref<60000x64xf32, #tpu.memory_space<hbm>>
      tpu.enqueue_indirect_dma source(%dma_start3A_132 : memref<60000x64xf32, #tpu.memory_space<hbm>>) target(%arg9 : memref<128x64xf32, #tpu.memory_space<vmem>>) offsets(%dma_start3A_129 : memref<128xi32, #tpu.memory_space<vmem>>) semaphore(%arg11 : memref<!tpu.dma_semaphore, #tpu.memory_space<semaphore_mem>>)
      %dma_wait3A_133 = arith.constant 7 : i32
      %dma_wait3A_134 = arith.constant 0 : i32
      %dma_wait3A_135 = tpu.memref_slice %arg7[%dma_wait3A_133, %dma_wait3A_134] : memref<8x128xi32, #tpu.memory_space<vmem>> -> memref<1x128xi32, #tpu.memory_space<vmem>>
      %dma_wait3A_136 = tpu.memref_squeeze %dma_wait3A_135 : memref<1x128xi32, #tpu.memory_space<vmem>> -> memref<128xi32, #tpu.memory_space<vmem>>
      %dma_wait3A_137 = arith.constant 0 : i32
      %dma_wait3A_138 = arith.constant 0 : i32
      %dma_wait3A_139 = tpu.memref_slice %arg4[%dma_wait3A_137, %dma_wait3A_138] : memref<60000x64xf32, #tpu.memory_space<hbm>> -> memref<60000x64xf32, #tpu.memory_space<hbm>>
      tpu.wait_indirect_dma semaphore(%arg11 : memref<!tpu.dma_semaphore, #tpu.memory_space<semaphore_mem>>) src(%dma_wait3A_139 : memref<60000x64xf32, #tpu.memory_space<hbm>>) dst(%arg9 : memref<128x64xf32, #tpu.memory_space<vmem>>)
      %run_scoped3A_140 = arith.constant 7 : i32
      "tpu.region"() ({
        %run_scoped3A_141 = tpu.sem_alloc : memref<!tpu.dma_semaphore, #tpu.memory_space<semaphore_mem>>
        %dma_start3A_142 = arith.constant 0 : i32
        %dma_start3A_143 = tpu.memref_slice %arg8[%run_scoped3A_140, %dma_start3A_142] : memref<8x128xi32, #tpu.memory_space<vmem>> -> memref<1x128xi32, #tpu.memory_space<vmem>>
        %dma_start3A_144 = tpu.memref_squeeze %dma_start3A_143 : memref<1x128xi32, #tpu.memory_space<vmem>> -> memref<128xi32, #tpu.memory_space<vmem>>
        %dma_start3A_145 = arith.constant 0 : i32
        %dma_start3A_146 = arith.constant 0 : i32
        %dma_start3A_147 = tpu.memref_slice %arg10[%dma_start3A_145, %dma_start3A_146] : memref<30016x64xf32, #tpu.memory_space<vmem_shared>> -> memref<30016x64xf32, #tpu.memory_space<vmem_shared>>
        tpu.enqueue_indirect_dma source(%arg9 : memref<128x64xf32, #tpu.memory_space<vmem>>) target(%dma_start3A_147 : memref<30016x64xf32, #tpu.memory_space<vmem_shared>>) offsets(%dma_start3A_144 : memref<128xi32, #tpu.memory_space<vmem>>) semaphore(%run_scoped3A_141 : memref<!tpu.dma_semaphore, #tpu.memory_space<semaphore_mem>>) {add = true}
        %dma_wait3A_148 = arith.constant 0 : i32
        %dma_wait3A_149 = tpu.memref_slice %arg8[%run_scoped3A_140, %dma_wait3A_148] : memref<8x128xi32, #tpu.memory_space<vmem>> -> memref<1x128xi32, #tpu.memory_space<vmem>>
        %dma_wait3A_150 = tpu.memref_squeeze %dma_wait3A_149 : memref<1x128xi32, #tpu.memory_space<vmem>> -> memref<128xi32, #tpu.memory_space<vmem>>
        %dma_wait3A_151 = arith.constant 0 : i32
        %dma_wait3A_152 = arith.constant 0 : i32
        %dma_wait3A_153 = tpu.memref_slice %arg10[%dma_wait3A_151, %dma_wait3A_152] : memref<30016x64xf32, #tpu.memory_space<vmem_shared>> -> memref<30016x64xf32, #tpu.memory_space<vmem_shared>>
        tpu.wait_indirect_dma semaphore(%run_scoped3A_141 : memref<!tpu.dma_semaphore, #tpu.memory_space<semaphore_mem>>) src(%arg9 : memref<128x64xf32, #tpu.memory_space<vmem>>) dst(%dma_wait3A_153 : memref<30016x64xf32, #tpu.memory_space<vmem_shared>>)
        tpu.yield
      }) : () -> ()
    }
    %scan3A_11 = arith.constant 59 : i32
    %barrier3A_12 = arith.constant 0 : index
    tpu.barrier barrier_id(%barrier3A_12)
    %mul3A_13 = arith.constant 1875 : i32
    %mul3A_14 = arith.muli %arg1, %mul3A_13 : i32
    %mul3A_15 = arith.constant 1875 : i32
    %mul3A_16 = arith.muli %arg1, %mul3A_15 : i32
    "tpu.region"() ({
      %run_scoped3A = tpu.sem_alloc : memref<!tpu.dma_semaphore, #tpu.memory_space<semaphore_mem>>
      %dma_start3A = arith.constant 0 : i32
      %dma_start3A_17 = tpu.memref_slice %arg6[%arg0, %mul3A_16, %dma_start3A] : memref<2x30000x64xf32, #tpu.memory_space<hbm>> -> memref<1x1875x64xf32, #tpu.memory_space<hbm>>
      %dma_start3A_18 = tpu.memref_squeeze %dma_start3A_17 : memref<1x1875x64xf32, #tpu.memory_space<hbm>> -> memref<1875x64xf32, #tpu.memory_space<hbm>>
      %dma_start3A_19 = arith.constant 0 : i32
      %dma_start3A_20 = tpu.memref_slice %arg10[%mul3A_14, %dma_start3A_19] : memref<30016x64xf32, #tpu.memory_space<vmem_shared>> -> memref<1875x64xf32, #tpu.memory_space<vmem_shared>>
      tpu.enqueue_dma source(%dma_start3A_20 : memref<1875x64xf32, #tpu.memory_space<vmem_shared>>) target(%dma_start3A_18 : memref<1875x64xf32, #tpu.memory_space<hbm>>) target_semaphore(%run_scoped3A : memref<!tpu.dma_semaphore, #tpu.memory_space<semaphore_mem>>)
      %dma_wait3A = arith.constant 0 : i32
      %dma_wait3A_21 = tpu.memref_slice %arg6[%arg0, %mul3A_16, %dma_wait3A] : memref<2x30000x64xf32, #tpu.memory_space<hbm>> -> memref<1x1875x64xf32, #tpu.memory_space<hbm>>
      %dma_wait3A_22 = tpu.memref_squeeze %dma_wait3A_21 : memref<1x1875x64xf32, #tpu.memory_space<hbm>> -> memref<1875x64xf32, #tpu.memory_space<hbm>>
      %dma_wait3A_23 = arith.constant 0 : i32
      %dma_wait3A_24 = tpu.memref_slice %arg10[%mul3A_14, %dma_wait3A_23] : memref<30016x64xf32, #tpu.memory_space<vmem_shared>> -> memref<1875x64xf32, #tpu.memory_space<vmem_shared>>
      tpu.wait_dma2 semaphore(%run_scoped3A : memref<!tpu.dma_semaphore, #tpu.memory_space<semaphore_mem>>) src(%dma_wait3A_24 : memref<1875x64xf32, #tpu.memory_space<vmem_shared>>) dst(%dma_wait3A_22 : memref<1875x64xf32, #tpu.memory_space<hbm>>)
      tpu.yield
    }) : () -> ()
    return
  }
}

module attributes {stable_mosaic.version = 14 : i64} {
  func.func @tc_table(%arg0: i32, %arg1: memref<2000x128xf32, #tpu.memory_space<vmem>>, %arg2: memref<6x2000x16xf32, #tpu.memory_space<vmem>>, %arg3: memref<3x128x128xf32, #tpu.memory_space<vmem>>, %arg4: memref<6x2000x64xf32, #tpu.memory_space<vmem>>) attributes {dimension_semantics = [#tpu.dimension_semantics<arbitrary>], iteration_bounds = array<i64: 5>, scalar_prefetch = 0 : i64, scratch_operands = 0 : i64, tpu.core_type = #tpu.core_type<tc>, window_params = [{transform_indices = @transform_0, window_bounds = array<i64: 2000, 128>}, {transform_indices = @transform_1, window_bounds = array<i64: 6, 2000, 16>}, {pipeline_mode = #tpu.pipeline_mode<synchronous>, transform_indices = @transform_2, window_bounds = array<i64: 3, 128, 128>}, {transform_indices = @transform_3, window_bounds = array<i64: 6, 2000, 64>}]} {
    %get3A = arith.constant 0 : index
    %get3A_0 = arith.constant 0 : index
    %get3A_1 = vector.load %arg1[%get3A, %get3A_0] : memref<2000x128xf32, #tpu.memory_space<vmem>>, vector<2000x128xf32>
    %get3A_2 = arith.constant 0 : index
    %get3A_3 = arith.constant 0 : index
    %get3A_4 = arith.constant 0 : index
    %get3A_5 = vector.load %arg2[%get3A_2, %get3A_3, %get3A_4] : memref<6x2000x16xf32, #tpu.memory_space<vmem>>, vector<6x2000x16xf32>
    %slice3A = vector.extract_strided_slice %get3A_5 {offsets = [0, 0, 0], sizes = [1, 2000, 1], strides = [1, 1, 1]} : vector<6x2000x16xf32> to vector<1x2000x1xf32>
    %squeeze3A = vector.shape_cast %slice3A : vector<1x2000x1xf32> to vector<2000xf32>
    %gt3A = arith.constant 0.000000e+00 : f32
    %gt3A_6 = vector.broadcast %gt3A : f32 to vector<2000xf32>
    %gt3A_7 = arith.cmpf ogt, %squeeze3A, %gt3A_6 : vector<2000xf32>
    %max3A = arith.constant 9.99999996E-13 : f32
    %max3A_8 = vector.broadcast %max3A : f32 to vector<2000xf32>
    %max3A_9 = arith.maximumf %squeeze3A, %max3A_8 : vector<2000xf32>
    %rsqrt3A = math.rsqrt %max3A_9 : vector<2000xf32>
    %jit3A = arith.constant 0.000000e+00 : f32
    %broadcast_in_dim3A = vector.broadcast %jit3A : f32 to vector<2000xf32>
    %select_n3A = arith.select %gt3A_7, %rsqrt3A, %broadcast_in_dim3A : vector<2000xi1>, vector<2000xf32>
    %slice3A_10 = vector.extract_strided_slice %get3A_5 {offsets = [1, 0, 0], sizes = [1, 2000, 1], strides = [1, 1, 1]} : vector<6x2000x16xf32> to vector<1x2000x1xf32>
    %squeeze3A_11 = vector.shape_cast %slice3A_10 : vector<1x2000x1xf32> to vector<2000xf32>
    %gt3A_12 = arith.constant 0.000000e+00 : f32
    %gt3A_13 = vector.broadcast %gt3A_12 : f32 to vector<2000xf32>
    %gt3A_14 = arith.cmpf ogt, %squeeze3A_11, %gt3A_13 : vector<2000xf32>
    %max3A_15 = arith.constant 9.99999996E-13 : f32
    %max3A_16 = vector.broadcast %max3A_15 : f32 to vector<2000xf32>
    %max3A_17 = arith.maximumf %squeeze3A_11, %max3A_16 : vector<2000xf32>
    %rsqrt3A_18 = math.rsqrt %max3A_17 : vector<2000xf32>
    %jit3A_19 = arith.constant 0.000000e+00 : f32
    %broadcast_in_dim3A_20 = vector.broadcast %jit3A_19 : f32 to vector<2000xf32>
    %select_n3A_21 = arith.select %gt3A_14, %rsqrt3A_18, %broadcast_in_dim3A_20 : vector<2000xi1>, vector<2000xf32>
    %slice3A_22 = vector.extract_strided_slice %get3A_5 {offsets = [2, 0, 0], sizes = [1, 2000, 1], strides = [1, 1, 1]} : vector<6x2000x16xf32> to vector<1x2000x1xf32>
    %squeeze3A_23 = vector.shape_cast %slice3A_22 : vector<1x2000x1xf32> to vector<2000xf32>
    %gt3A_24 = arith.constant 0.000000e+00 : f32
    %gt3A_25 = vector.broadcast %gt3A_24 : f32 to vector<2000xf32>
    %gt3A_26 = arith.cmpf ogt, %squeeze3A_23, %gt3A_25 : vector<2000xf32>
    %max3A_27 = arith.constant 9.99999996E-13 : f32
    %max3A_28 = vector.broadcast %max3A_27 : f32 to vector<2000xf32>
    %max3A_29 = arith.maximumf %squeeze3A_23, %max3A_28 : vector<2000xf32>
    %rsqrt3A_30 = math.rsqrt %max3A_29 : vector<2000xf32>
    %jit3A_31 = arith.constant 0.000000e+00 : f32
    %broadcast_in_dim3A_32 = vector.broadcast %jit3A_31 : f32 to vector<2000xf32>
    %select_n3A_33 = arith.select %gt3A_26, %rsqrt3A_30, %broadcast_in_dim3A_32 : vector<2000xi1>, vector<2000xf32>
    %convert_element_type3A = arith.truncf %get3A_1 : vector<2000x128xf32> to vector<2000x128xbf16>
    %get3A_34 = arith.constant 0 : index
    %get3A_35 = arith.constant 0 : index
    %get3A_36 = arith.constant 0 : index
    %get3A_37 = vector.load %arg3[%get3A_34, %get3A_35, %get3A_36] : memref<3x128x128xf32, #tpu.memory_space<vmem>>, vector<1x128x128xf32>
    %get3A_38 = vector.shape_cast %get3A_37 : vector<1x128x128xf32> to vector<128x128xf32>
    %convert_element_type3A_39 = arith.truncf %get3A_38 : vector<128x128xf32> to vector<128x128xbf16>
    %dot_general3A = arith.constant dense<0.000000e+00> : vector<2000x128xf32>
    %dot_general3A_40 = tpu.matmul %convert_element_type3A, %convert_element_type3A_39, %dot_general3A {dimension_numbers = #tpu.dot_dimension_numbers<[1], [0], [0], [1], [0, 0, 1, 1], [], []>, transpose_lhs_hint = false} : vector<2000x128xbf16>, vector<128x128xbf16>, vector<2000x128xf32> -> vector<2000x128xf32>
    %broadcast_in_dim3A_41 = vector.shape_cast %select_n3A : vector<2000xf32> to vector<2000x1xf32>
    %mul3A = vector.broadcast %broadcast_in_dim3A_41 : vector<2000x1xf32> to vector<2000x128xf32>
    %mul3A_42 = arith.mulf %dot_general3A_40, %mul3A : vector<2000x128xf32>
    %slice3A_43 = vector.extract_strided_slice %mul3A_42 {offsets = [0, 0], sizes = [2000, 64], strides = [1, 1]} : vector<2000x128xf32> to vector<2000x64xf32>
    %swap3A = arith.constant 0 : index
    %swap3A_44 = arith.constant 0 : index
    %swap3A_45 = arith.constant 0 : index
    %swap3A_46 = vector.load %arg4[%swap3A, %swap3A_44, %swap3A_45] : memref<6x2000x64xf32, #tpu.memory_space<vmem>>, vector<1x2000x64xf32>
    %swap3A_47 = vector.shape_cast %swap3A_46 : vector<1x2000x64xf32> to vector<2000x64xf32>
    %swap3A_48 = vector.shape_cast %slice3A_43 : vector<2000x64xf32> to vector<1x2000x64xf32>
    tpu.vector_store %arg4[%swap3A, %swap3A_44, %swap3A_45], %swap3A_48 {strides = array<i32>} : memref<6x2000x64xf32, #tpu.memory_space<vmem>>, vector<1x2000x64xf32>,
    %slice3A_49 = vector.extract_strided_slice %mul3A_42 {offsets = [0, 64], sizes = [2000, 64], strides = [1, 1]} : vector<2000x128xf32> to vector<2000x64xf32>
    %swap3A_50 = arith.constant 3 : index
    %swap3A_51 = arith.constant 0 : index
    %swap3A_52 = arith.constant 0 : index
    %swap3A_53 = vector.load %arg4[%swap3A_50, %swap3A_51, %swap3A_52] : memref<6x2000x64xf32, #tpu.memory_space<vmem>>, vector<1x2000x64xf32>
    %swap3A_54 = vector.shape_cast %swap3A_53 : vector<1x2000x64xf32> to vector<2000x64xf32>
    %swap3A_55 = vector.shape_cast %slice3A_49 : vector<2000x64xf32> to vector<1x2000x64xf32>
    tpu.vector_store %arg4[%swap3A_50, %swap3A_51, %swap3A_52], %swap3A_55 {strides = array<i32>} : memref<6x2000x64xf32, #tpu.memory_space<vmem>>, vector<1x2000x64xf32>,
    %get3A_56 = arith.constant 1 : index
    %get3A_57 = arith.constant 0 : index
    %get3A_58 = arith.constant 0 : index
    %get3A_59 = vector.load %arg3[%get3A_56, %get3A_57, %get3A_58] : memref<3x128x128xf32, #tpu.memory_space<vmem>>, vector<1x128x128xf32>
    %get3A_60 = vector.shape_cast %get3A_59 : vector<1x128x128xf32> to vector<128x128xf32>
    %convert_element_type3A_61 = arith.truncf %get3A_60 : vector<128x128xf32> to vector<128x128xbf16>
    %dot_general3A_62 = arith.constant dense<0.000000e+00> : vector<2000x128xf32>
    %dot_general3A_63 = tpu.matmul %convert_element_type3A, %convert_element_type3A_61, %dot_general3A_62 {dimension_numbers = #tpu.dot_dimension_numbers<[1], [0], [0], [1], [0, 0, 1, 1], [], []>, transpose_lhs_hint = false} : vector<2000x128xbf16>, vector<128x128xbf16>, vector<2000x128xf32> -> vector<2000x128xf32>
    %broadcast_in_dim3A_64 = vector.shape_cast %select_n3A_21 : vector<2000xf32> to vector<2000x1xf32>
    %mul3A_65 = vector.broadcast %broadcast_in_dim3A_64 : vector<2000x1xf32> to vector<2000x128xf32>
    %mul3A_66 = arith.mulf %dot_general3A_63, %mul3A_65 : vector<2000x128xf32>
    %slice3A_67 = vector.extract_strided_slice %mul3A_66 {offsets = [0, 0], sizes = [2000, 64], strides = [1, 1]} : vector<2000x128xf32> to vector<2000x64xf32>
    %swap3A_68 = arith.constant 1 : index
    %swap3A_69 = arith.constant 0 : index
    %swap3A_70 = arith.constant 0 : index
    %swap3A_71 = vector.load %arg4[%swap3A_68, %swap3A_69, %swap3A_70] : memref<6x2000x64xf32, #tpu.memory_space<vmem>>, vector<1x2000x64xf32>
    %swap3A_72 = vector.shape_cast %swap3A_71 : vector<1x2000x64xf32> to vector<2000x64xf32>
    %swap3A_73 = vector.shape_cast %slice3A_67 : vector<2000x64xf32> to vector<1x2000x64xf32>
    tpu.vector_store %arg4[%swap3A_68, %swap3A_69, %swap3A_70], %swap3A_73 {strides = array<i32>} : memref<6x2000x64xf32, #tpu.memory_space<vmem>>, vector<1x2000x64xf32>,
    %slice3A_74 = vector.extract_strided_slice %mul3A_66 {offsets = [0, 64], sizes = [2000, 64], strides = [1, 1]} : vector<2000x128xf32> to vector<2000x64xf32>
    %swap3A_75 = arith.constant 4 : index
    %swap3A_76 = arith.constant 0 : index
    %swap3A_77 = arith.constant 0 : index
    %swap3A_78 = vector.load %arg4[%swap3A_75, %swap3A_76, %swap3A_77] : memref<6x2000x64xf32, #tpu.memory_space<vmem>>, vector<1x2000x64xf32>
    %swap3A_79 = vector.shape_cast %swap3A_78 : vector<1x2000x64xf32> to vector<2000x64xf32>
    %swap3A_80 = vector.shape_cast %slice3A_74 : vector<2000x64xf32> to vector<1x2000x64xf32>
    tpu.vector_store %arg4[%swap3A_75, %swap3A_76, %swap3A_77], %swap3A_80 {strides = array<i32>} : memref<6x2000x64xf32, #tpu.memory_space<vmem>>, vector<1x2000x64xf32>,
    %get3A_81 = arith.constant 2 : index
    %get3A_82 = arith.constant 0 : index
    %get3A_83 = arith.constant 0 : index
    %get3A_84 = vector.load %arg3[%get3A_81, %get3A_82, %get3A_83] : memref<3x128x128xf32, #tpu.memory_space<vmem>>, vector<1x128x128xf32>
    %get3A_85 = vector.shape_cast %get3A_84 : vector<1x128x128xf32> to vector<128x128xf32>
    %convert_element_type3A_86 = arith.truncf %get3A_85 : vector<128x128xf32> to vector<128x128xbf16>
    %dot_general3A_87 = arith.constant dense<0.000000e+00> : vector<2000x128xf32>
    %dot_general3A_88 = tpu.matmul %convert_element_type3A, %convert_element_type3A_86, %dot_general3A_87 {dimension_numbers = #tpu.dot_dimension_numbers<[1], [0], [0], [1], [0, 0, 1, 1], [], []>, transpose_lhs_hint = false} : vector<2000x128xbf16>, vector<128x128xbf16>, vector<2000x128xf32> -> vector<2000x128xf32>
    %broadcast_in_dim3A_89 = vector.shape_cast %select_n3A_33 : vector<2000xf32> to vector<2000x1xf32>
    %mul3A_90 = vector.broadcast %broadcast_in_dim3A_89 : vector<2000x1xf32> to vector<2000x128xf32>
    %mul3A_91 = arith.mulf %dot_general3A_88, %mul3A_90 : vector<2000x128xf32>
    %slice3A_92 = vector.extract_strided_slice %mul3A_91 {offsets = [0, 0], sizes = [2000, 64], strides = [1, 1]} : vector<2000x128xf32> to vector<2000x64xf32>
    %swap3A_93 = arith.constant 2 : index
    %swap3A_94 = arith.constant 0 : index
    %swap3A_95 = arith.constant 0 : index
    %swap3A_96 = vector.load %arg4[%swap3A_93, %swap3A_94, %swap3A_95] : memref<6x2000x64xf32, #tpu.memory_space<vmem>>, vector<1x2000x64xf32>
    %swap3A_97 = vector.shape_cast %swap3A_96 : vector<1x2000x64xf32> to vector<2000x64xf32>
    %swap3A_98 = vector.shape_cast %slice3A_92 : vector<2000x64xf32> to vector<1x2000x64xf32>
    tpu.vector_store %arg4[%swap3A_93, %swap3A_94, %swap3A_95], %swap3A_98 {strides = array<i32>} : memref<6x2000x64xf32, #tpu.memory_space<vmem>>, vector<1x2000x64xf32>,
    %slice3A_99 = vector.extract_strided_slice %mul3A_91 {offsets = [0, 64], sizes = [2000, 64], strides = [1, 1]} : vector<2000x128xf32> to vector<2000x64xf32>
    %swap3A_100 = arith.constant 5 : index
    %swap3A_101 = arith.constant 0 : index
    %swap3A_102 = arith.constant 0 : index
    %swap3A_103 = vector.load %arg4[%swap3A_100, %swap3A_101, %swap3A_102] : memref<6x2000x64xf32, #tpu.memory_space<vmem>>, vector<1x2000x64xf32>
    %swap3A_104 = vector.shape_cast %swap3A_103 : vector<1x2000x64xf32> to vector<2000x64xf32>
    %swap3A_105 = vector.shape_cast %slice3A_99 : vector<2000x64xf32> to vector<1x2000x64xf32>
    tpu.vector_store %arg4[%swap3A_100, %swap3A_101, %swap3A_102], %swap3A_105 {strides = array<i32>} : memref<6x2000x64xf32, #tpu.memory_space<vmem>>, vector<1x2000x64xf32>,
    return
  }
  func.func @transform_0(%arg0: i32) -> (i32, i32) {
    %c0_i32 = arith.constant 0 : i32
    %c0_i32_0 = arith.constant 0 : i32
    return %arg0, %c0_i32 : i32, i32
  }
  func.func @transform_1(%arg0: i32) -> (i32, i32, i32) {
    %c0_i32 = arith.constant 0 : i32
    %c0_i32_0 = arith.constant 0 : i32
    %c0_i32_1 = arith.constant 0 : i32
    return %c0_i32, %arg0, %c0_i32_0 : i32, i32, i32
  }
  func.func @transform_2(%arg0: i32) -> (i32, i32, i32) {
    %c0_i32 = arith.constant 0 : i32
    %c0_i32_0 = arith.constant 0 : i32
    %c0_i32_1 = arith.constant 0 : i32
    %c0_i32_2 = arith.constant 0 : i32
    return %c0_i32, %c0_i32_0, %c0_i32_1 : i32, i32, i32
  }
  func.func @transform_3(%arg0: i32) -> (i32, i32, i32) {
    %c0_i32 = arith.constant 0 : i32
    %c0_i32_0 = arith.constant 0 : i32
    %c0_i32_1 = arith.constant 0 : i32
    return %c0_i32, %arg0, %c0_i32_0 : i32, i32, i32
  }
}

module attributes {stable_mosaic.version = 14 : i64} {
  func.func @tc_fc(%arg0: i32, %arg1: memref<6x2000x64xf32, #tpu.memory_space<vmem>>, %arg2: memref<6x2000x16xf32, #tpu.memory_space<vmem>>, %arg3: memref<3x128xf32, #tpu.memory_space<vmem>>, %arg4: memref<128x128xf32, #tpu.memory_space<vmem>>, %arg5: memref<1x128xf32, #tpu.memory_space<vmem>>, %arg6: memref<2000x128xf32, #tpu.memory_space<vmem>>, %arg7: memref<8x128xf32, #tpu.memory_space<vmem>>) attributes {dimension_semantics = [#tpu.dimension_semantics<arbitrary>], iteration_bounds = array<i64: 5>, scalar_prefetch = 0 : i64, scratch_operands = 0 : i64, tpu.core_type = #tpu.core_type<tc>, window_params = [{transform_indices = @transform_0, window_bounds = array<i64: 6, 2000, 64>}, {transform_indices = @transform_1, window_bounds = array<i64: 6, 2000, 16>}, {pipeline_mode = #tpu.pipeline_mode<synchronous>, transform_indices = @transform_2, window_bounds = array<i64: 3, 128>}, {pipeline_mode = #tpu.pipeline_mode<synchronous>, transform_indices = @transform_3, window_bounds = array<i64: 128, 128>}, {pipeline_mode = #tpu.pipeline_mode<synchronous>, transform_indices = @transform_4, window_bounds = array<i64: 1, 128>}, {transform_indices = @transform_5, window_bounds = array<i64: 2000, 128>}, {pipeline_mode = #tpu.pipeline_mode<synchronous>, transform_indices = @transform_6, window_bounds = array<i64: 8, 128>}]} {
    %get3A = arith.constant 0 : index
    %get3A_0 = arith.constant 0 : index
    %get3A_1 = arith.constant 0 : index
    %get3A_2 = vector.load %arg1[%get3A, %get3A_0, %get3A_1] : memref<6x2000x64xf32, #tpu.memory_space<vmem>>, vector<6x2000x64xf32>
    %get3A_3 = arith.constant 0 : index
    %get3A_4 = arith.constant 0 : index
    %get3A_5 = arith.constant 0 : index
    %get3A_6 = vector.load %arg2[%get3A_3, %get3A_4, %get3A_5] : memref<6x2000x16xf32, #tpu.memory_space<vmem>>, vector<6x2000x16xf32>
    %slice3A = vector.extract_strided_slice %get3A_6 {offsets = [3, 0, 0], sizes = [1, 2000, 1], strides = [1, 1, 1]} : vector<6x2000x16xf32> to vector<1x2000x1xf32>
    %squeeze3A = vector.shape_cast %slice3A : vector<1x2000x1xf32> to vector<2000xf32>
    %gt3A = arith.constant 0.000000e+00 : f32
    %gt3A_7 = vector.broadcast %gt3A : f32 to vector<2000xf32>
    %gt3A_8 = arith.cmpf ogt, %squeeze3A, %gt3A_7 : vector<2000xf32>
    %max3A = arith.constant 9.99999996E-13 : f32
    %max3A_9 = vector.broadcast %max3A : f32 to vector<2000xf32>
    %max3A_10 = arith.maximumf %squeeze3A, %max3A_9 : vector<2000xf32>
    %rsqrt3A = math.rsqrt %max3A_10 : vector<2000xf32>
    %jit3A = arith.constant 0.000000e+00 : f32
    %broadcast_in_dim3A = vector.broadcast %jit3A : f32 to vector<2000xf32>
    %select_n3A = arith.select %gt3A_8, %rsqrt3A, %broadcast_in_dim3A : vector<2000xi1>, vector<2000xf32>
    %slice3A_11 = vector.extract_strided_slice %get3A_6 {offsets = [4, 0, 0], sizes = [1, 2000, 1], strides = [1, 1, 1]} : vector<6x2000x16xf32> to vector<1x2000x1xf32>
    %squeeze3A_12 = vector.shape_cast %slice3A_11 : vector<1x2000x1xf32> to vector<2000xf32>
    %gt3A_13 = arith.constant 0.000000e+00 : f32
    %gt3A_14 = vector.broadcast %gt3A_13 : f32 to vector<2000xf32>
    %gt3A_15 = arith.cmpf ogt, %squeeze3A_12, %gt3A_14 : vector<2000xf32>
    %max3A_16 = arith.constant 9.99999996E-13 : f32
    %max3A_17 = vector.broadcast %max3A_16 : f32 to vector<2000xf32>
    %max3A_18 = arith.maximumf %squeeze3A_12, %max3A_17 : vector<2000xf32>
    %rsqrt3A_19 = math.rsqrt %max3A_18 : vector<2000xf32>
    %jit3A_20 = arith.constant 0.000000e+00 : f32
    %broadcast_in_dim3A_21 = vector.broadcast %jit3A_20 : f32 to vector<2000xf32>
    %select_n3A_22 = arith.select %gt3A_15, %rsqrt3A_19, %broadcast_in_dim3A_21 : vector<2000xi1>, vector<2000xf32>
    %slice3A_23 = vector.extract_strided_slice %get3A_6 {offsets = [5, 0, 0], sizes = [1, 2000, 1], strides = [1, 1, 1]} : vector<6x2000x16xf32> to vector<1x2000x1xf32>
    %squeeze3A_24 = vector.shape_cast %slice3A_23 : vector<1x2000x1xf32> to vector<2000xf32>
    %gt3A_25 = arith.constant 0.000000e+00 : f32
    %gt3A_26 = vector.broadcast %gt3A_25 : f32 to vector<2000xf32>
    %gt3A_27 = arith.cmpf ogt, %squeeze3A_24, %gt3A_26 : vector<2000xf32>
    %max3A_28 = arith.constant 9.99999996E-13 : f32
    %max3A_29 = vector.broadcast %max3A_28 : f32 to vector<2000xf32>
    %max3A_30 = arith.maximumf %squeeze3A_24, %max3A_29 : vector<2000xf32>
    %rsqrt3A_31 = math.rsqrt %max3A_30 : vector<2000xf32>
    %jit3A_32 = arith.constant 0.000000e+00 : f32
    %broadcast_in_dim3A_33 = vector.broadcast %jit3A_32 : f32 to vector<2000xf32>
    %select_n3A_34 = arith.select %gt3A_27, %rsqrt3A_31, %broadcast_in_dim3A_33 : vector<2000xi1>, vector<2000xf32>
    %broadcast_in_dim3A_35 = vector.shape_cast %select_n3A : vector<2000xf32> to vector<2000x1xf32>
    %slice3A_36 = vector.extract_strided_slice %get3A_2 {offsets = [0, 0, 0], sizes = [1, 2000, 64], strides = [1, 1, 1]} : vector<6x2000x64xf32> to vector<1x2000x64xf32>
    %squeeze3A_37 = vector.shape_cast %slice3A_36 : vector<1x2000x64xf32> to vector<2000x64xf32>
    %mul3A = vector.broadcast %broadcast_in_dim3A_35 : vector<2000x1xf32> to vector<2000x64xf32>
    %mul3A_38 = arith.mulf %mul3A, %squeeze3A_37 : vector<2000x64xf32>
    %broadcast_in_dim3A_39 = vector.shape_cast %select_n3A : vector<2000xf32> to vector<2000x1xf32>
    %slice3A_40 = vector.extract_strided_slice %get3A_2 {offsets = [3, 0, 0], sizes = [1, 2000, 64], strides = [1, 1, 1]} : vector<6x2000x64xf32> to vector<1x2000x64xf32>
    %squeeze3A_41 = vector.shape_cast %slice3A_40 : vector<1x2000x64xf32> to vector<2000x64xf32>
    %mul3A_42 = vector.broadcast %broadcast_in_dim3A_39 : vector<2000x1xf32> to vector<2000x64xf32>
    %mul3A_43 = arith.mulf %mul3A_42, %squeeze3A_41 : vector<2000x64xf32>
    %broadcast_in_dim3A_44 = vector.shape_cast %select_n3A_22 : vector<2000xf32> to vector<2000x1xf32>
    %slice3A_45 = vector.extract_strided_slice %get3A_2 {offsets = [1, 0, 0], sizes = [1, 2000, 64], strides = [1, 1, 1]} : vector<6x2000x64xf32> to vector<1x2000x64xf32>
    %squeeze3A_46 = vector.shape_cast %slice3A_45 : vector<1x2000x64xf32> to vector<2000x64xf32>
    %mul3A_47 = vector.broadcast %broadcast_in_dim3A_44 : vector<2000x1xf32> to vector<2000x64xf32>
    %mul3A_48 = arith.mulf %mul3A_47, %squeeze3A_46 : vector<2000x64xf32>
    %add3A = arith.addf %mul3A_38, %mul3A_48 : vector<2000x64xf32>
    %broadcast_in_dim3A_49 = vector.shape_cast %select_n3A_22 : vector<2000xf32> to vector<2000x1xf32>
    %slice3A_50 = vector.extract_strided_slice %get3A_2 {offsets = [4, 0, 0], sizes = [1, 2000, 64], strides = [1, 1, 1]} : vector<6x2000x64xf32> to vector<1x2000x64xf32>
    %squeeze3A_51 = vector.shape_cast %slice3A_50 : vector<1x2000x64xf32> to vector<2000x64xf32>
    %mul3A_52 = vector.broadcast %broadcast_in_dim3A_49 : vector<2000x1xf32> to vector<2000x64xf32>
    %mul3A_53 = arith.mulf %mul3A_52, %squeeze3A_51 : vector<2000x64xf32>
    %add3A_54 = arith.addf %mul3A_43, %mul3A_53 : vector<2000x64xf32>
    %broadcast_in_dim3A_55 = vector.shape_cast %select_n3A_34 : vector<2000xf32> to vector<2000x1xf32>
    %slice3A_56 = vector.extract_strided_slice %get3A_2 {offsets = [2, 0, 0], sizes = [1, 2000, 64], strides = [1, 1, 1]} : vector<6x2000x64xf32> to vector<1x2000x64xf32>
    %squeeze3A_57 = vector.shape_cast %slice3A_56 : vector<1x2000x64xf32> to vector<2000x64xf32>
    %mul3A_58 = vector.broadcast %broadcast_in_dim3A_55 : vector<2000x1xf32> to vector<2000x64xf32>
    %mul3A_59 = arith.mulf %mul3A_58, %squeeze3A_57 : vector<2000x64xf32>
    %add3A_60 = arith.addf %add3A, %mul3A_59 : vector<2000x64xf32>
    %broadcast_in_dim3A_61 = vector.shape_cast %select_n3A_34 : vector<2000xf32> to vector<2000x1xf32>
    %slice3A_62 = vector.extract_strided_slice %get3A_2 {offsets = [5, 0, 0], sizes = [1, 2000, 64], strides = [1, 1, 1]} : vector<6x2000x64xf32> to vector<1x2000x64xf32>
    %squeeze3A_63 = vector.shape_cast %slice3A_62 : vector<1x2000x64xf32> to vector<2000x64xf32>
    %mul3A_64 = vector.broadcast %broadcast_in_dim3A_61 : vector<2000x1xf32> to vector<2000x64xf32>
    %mul3A_65 = arith.mulf %mul3A_64, %squeeze3A_63 : vector<2000x64xf32>
    %add3A_66 = arith.addf %add3A_54, %mul3A_65 : vector<2000x64xf32>
    %concatenate3A = tpu.concatenate %add3A_60, %add3A_66 in 1 : vector<2000x64xf32>, vector<2000x64xf32> -> vector<2000x128xf32>
    %get3A_67 = arith.constant 0 : index
    %get3A_68 = arith.constant 0 : index
    %get3A_69 = vector.load %arg3[%get3A_67, %get3A_68] : memref<3x128xf32, #tpu.memory_space<vmem>>, vector<3x128xf32>
    %reduce_sum3A = arith.constant dense<0.000000e+00> : vector<128xf32>
    %reduce_sum3A_70 = vector.multi_reduction <add>, %get3A_69, %reduce_sum3A [0] : vector<3x128xf32> to vector<128xf32>
    %broadcast_in_dim3A_71 = vector.shape_cast %reduce_sum3A_70 : vector<128xf32> to vector<1x128xf32>
    %add3A_72 = vector.broadcast %broadcast_in_dim3A_71 : vector<1x128xf32> to vector<2000x128xf32>
    %add3A_73 = arith.addf %concatenate3A, %add3A_72 : vector<2000x128xf32>
    %convert_element_type3A = arith.truncf %add3A_73 : vector<2000x128xf32> to vector<2000x128xbf16>
    %get3A_74 = arith.constant 0 : index
    %get3A_75 = arith.constant 0 : index
    %get3A_76 = vector.load %arg4[%get3A_74, %get3A_75] : memref<128x128xf32, #tpu.memory_space<vmem>>, vector<128x128xf32>
    %transpose3A = tpu.transpose %get3A_76, [1, 0] : vector<128x128xf32> -> vector<128x128xf32>
    %convert_element_type3A_77 = arith.truncf %transpose3A : vector<128x128xf32> to vector<128x128xbf16>
    %dot_general3A = arith.constant dense<0.000000e+00> : vector<2000x128xf32>
    %dot_general3A_78 = tpu.matmul %convert_element_type3A, %convert_element_type3A_77, %dot_general3A {dimension_numbers = #tpu.dot_dimension_numbers<[1], [0], [0], [1], [0, 0, 1, 1], [], []>, transpose_lhs_hint = false} : vector<2000x128xbf16>, vector<128x128xbf16>, vector<2000x128xf32> -> vector<2000x128xf32>
    %get3A_79 = arith.constant 0 : index
    %get3A_80 = arith.constant 0 : index
    %get3A_81 = vector.load %arg5[%get3A_79, %get3A_80] : memref<1x128xf32, #tpu.memory_space<vmem>>, vector<1x128xf32>
    %add3A_82 = vector.broadcast %get3A_81 : vector<1x128xf32> to vector<2000x128xf32>
    %add3A_83 = arith.addf %dot_general3A_78, %add3A_82 : vector<2000x128xf32>
    %max3A_84 = arith.constant 0.000000e+00 : f32
    %max3A_85 = vector.broadcast %max3A_84 : f32 to vector<2000x128xf32>
    %max3A_86 = arith.maximumf %add3A_83, %max3A_85 : vector<2000x128xf32>
    %swap3A = arith.constant 0 : index
    %swap3A_87 = arith.constant 0 : index
    %swap3A_88 = vector.load %arg6[%swap3A, %swap3A_87] : memref<2000x128xf32, #tpu.memory_space<vmem>>, vector<2000x128xf32>
    tpu.vector_store %arg6[%swap3A, %swap3A_87], %max3A_86 {strides = array<i32>} : memref<2000x128xf32, #tpu.memory_space<vmem>>, vector<2000x128xf32>,
    %reduce_sum3A_89 = arith.constant dense<0.000000e+00> : vector<128xf32>
    %reduce_sum3A_90 = vector.multi_reduction <add>, %max3A_86, %reduce_sum3A_89 [0] : vector<2000x128xf32> to vector<128xf32>
    %broadcast_in_dim3A_91 = vector.shape_cast %reduce_sum3A_90 : vector<128xf32> to vector<1x128xf32>
    %mul3A_92 = arith.mulf %max3A_86, %max3A_86 : vector<2000x128xf32>
    %reduce_sum3A_93 = arith.constant dense<0.000000e+00> : vector<128xf32>
    %reduce_sum3A_94 = vector.multi_reduction <add>, %mul3A_92, %reduce_sum3A_93 [0] : vector<2000x128xf32> to vector<128xf32>
    %broadcast_in_dim3A_95 = vector.shape_cast %reduce_sum3A_94 : vector<128xf32> to vector<1x128xf32>
    %broadcast_in_dim3A_96 = arith.constant 0.000000e+00 : f32
    %broadcast_in_dim3A_97 = vector.broadcast %broadcast_in_dim3A_96 : f32 to vector<6x128xf32>
    %concatenate3A_98 = tpu.concatenate %broadcast_in_dim3A_91, %broadcast_in_dim3A_95, %broadcast_in_dim3A_97 in 0 : vector<1x128xf32>, vector<1x128xf32>, vector<6x128xf32> -> vector<8x128xf32>
    %eq3A = arith.constant 0 : i32
    %eq3A_99 = arith.cmpi eq, %arg0, %eq3A : i32
    %convert_element_type3A_100 = arith.extui %eq3A_99 : i1 to i32
    %cond3A = arith.constant 0 : i32
    %cond3A_101 = arith.cmpi ne, %convert_element_type3A_100, %cond3A : i32
    scf.if %cond3A_101 {
      %swap3A_107 = arith.constant 0 : index
      %swap3A_108 = arith.constant 0 : index
      %swap3A_109 = vector.load %arg7[%swap3A_107, %swap3A_108] : memref<8x128xf32, #tpu.memory_space<vmem>>, vector<8x128xf32>
      tpu.vector_store %arg7[%swap3A_107, %swap3A_108], %concatenate3A_98 {strides = array<i32>} : memref<8x128xf32, #tpu.memory_space<vmem>>, vector<8x128xf32>,
    } else {
    }
    %gt3A_102 = arith.constant 0 : i32
    %gt3A_103 = arith.cmpi sgt, %arg0, %gt3A_102 : i32
    %convert_element_type3A_104 = arith.extui %gt3A_103 : i1 to i32
    %cond3A_105 = arith.constant 0 : i32
    %cond3A_106 = arith.cmpi ne, %convert_element_type3A_104, %cond3A_105 : i32
    scf.if %cond3A_106 {
      %get3A_107 = arith.constant 0 : index
      %get3A_108 = arith.constant 0 : index
      %get3A_109 = vector.load %arg7[%get3A_107, %get3A_108] : memref<8x128xf32, #tpu.memory_space<vmem>>, vector<8x128xf32>
      %add3A_110 = arith.addf %get3A_109, %concatenate3A_98 : vector<8x128xf32>
      %swap3A_111 = arith.constant 0 : index
      %swap3A_112 = arith.constant 0 : index
      %swap3A_113 = vector.load %arg7[%swap3A_111, %swap3A_112] : memref<8x128xf32, #tpu.memory_space<vmem>>, vector<8x128xf32>
      tpu.vector_store %arg7[%swap3A_111, %swap3A_112], %add3A_110 {strides = array<i32>} : memref<8x128xf32, #tpu.memory_space<vmem>>, vector<8x128xf32>,
    } else {
    }
    return
  }
  func.func @transform_0(%arg0: i32) -> (i32, i32, i32) {
    %c0_i32 = arith.constant 0 : i32
    %c0_i32_0 = arith.constant 0 : i32
    %c0_i32_1 = arith.constant 0 : i32
    return %c0_i32, %arg0, %c0_i32_0 : i32, i32, i32
  }
  func.func @transform_1(%arg0: i32) -> (i32, i32, i32) {
    %c0_i32 = arith.constant 0 : i32
    %c0_i32_0 = arith.constant 0 : i32
    %c0_i32_1 = arith.constant 0 : i32
    return %c0_i32, %arg0, %c0_i32_0 : i32, i32, i32
  }
  func.func @transform_2(%arg0: i32) -> (i32, i32) {
    %c0_i32 = arith.constant 0 : i32
    %c0_i32_0 = arith.constant 0 : i32
    %c0_i32_1 = arith.constant 0 : i32
    return %c0_i32, %c0_i32_0 : i32, i32
  }
  func.func @transform_3(%arg0: i32) -> (i32, i32) {
    %c0_i32 = arith.constant 0 : i32
    %c0_i32_0 = arith.constant 0 : i32
    %c0_i32_1 = arith.constant 0 : i32
    return %c0_i32, %c0_i32_0 : i32, i32
  }
  func.func @transform_4(%arg0: i32) -> (i32, i32) {
    %c0_i32 = arith.constant 0 : i32
    %c0_i32_0 = arith.constant 0 : i32
    %c0_i32_1 = arith.constant 0 : i32
    return %c0_i32, %c0_i32_0 : i32, i32
  }
  func.func @transform_5(%arg0: i32) -> (i32, i32) {
    %c0_i32 = arith.constant 0 : i32
    %c0_i32_0 = arith.constant 0 : i32
    return %arg0, %c0_i32 : i32, i32
  }
  func.func @transform_6(%arg0: i32) -> (i32, i32) {
    %c0_i32 = arith.constant 0 : i32
    %c0_i32_0 = arith.constant 0 : i32
    %c0_i32_1 = arith.constant 0 : i32
    return %c0_i32, %c0_i32_0 : i32, i32
  }
}

module attributes {stable_mosaic.version = 14 : i64} {
  func.func @tc_bn_table(%arg0: i32, %arg1: memref<2000x128xf32, #tpu.memory_space<vmem>>, %arg2: memref<8x128xf32, #tpu.memory_space<vmem>>, %arg3: memref<1x128xf32, #tpu.memory_space<vmem>>, %arg4: memref<1x128xf32, #tpu.memory_space<vmem>>, %arg5: memref<6x2000x16xf32, #tpu.memory_space<vmem>>, %arg6: memref<3x128x128xf32, #tpu.memory_space<vmem>>, %arg7: memref<6x2000x64xf32, #tpu.memory_space<vmem>>) attributes {dimension_semantics = [#tpu.dimension_semantics<arbitrary>], iteration_bounds = array<i64: 5>, scalar_prefetch = 0 : i64, scratch_operands = 0 : i64, tpu.core_type = #tpu.core_type<tc>, window_params = [{transform_indices = @transform_0, window_bounds = array<i64: 2000, 128>}, {pipeline_mode = #tpu.pipeline_mode<synchronous>, transform_indices = @transform_1, window_bounds = array<i64: 8, 128>}, {pipeline_mode = #tpu.pipeline_mode<synchronous>, transform_indices = @transform_2, window_bounds = array<i64: 1, 128>}, {pipeline_mode = #tpu.pipeline_mode<synchronous>, transform_indices = @transform_3, window_bounds = array<i64: 1, 128>}, {transform_indices = @transform_4, window_bounds = array<i64: 6, 2000, 16>}, {pipeline_mode = #tpu.pipeline_mode<synchronous>, transform_indices = @transform_5, window_bounds = array<i64: 3, 128, 128>}, {transform_indices = @transform_6, window_bounds = array<i64: 6, 2000, 64>}]} {
    %get3A = arith.constant 0 : index
    %get3A_0 = arith.constant 0 : index
    %get3A_1 = vector.load %arg1[%get3A, %get3A_0] : memref<2000x128xf32, #tpu.memory_space<vmem>>, vector<2000x128xf32>
    %get3A_2 = arith.constant 0 : index
    %get3A_3 = arith.constant 0 : index
    %get3A_4 = vector.load %arg2[%get3A_2, %get3A_3] : memref<8x128xf32, #tpu.memory_space<vmem>>, vector<8x128xf32>
    %slice3A = vector.extract_strided_slice %get3A_4 {offsets = [0, 0], sizes = [1, 128], strides = [1, 1]} : vector<8x128xf32> to vector<1x128xf32>
    %squeeze3A = vector.shape_cast %slice3A : vector<1x128xf32> to vector<128xf32>
    %div3A = arith.constant 1.000000e+04 : f32
    %div3A_5 = vector.broadcast %div3A : f32 to vector<128xf32>
    %div3A_6 = arith.divf %squeeze3A, %div3A_5 : vector<128xf32>
    %slice3A_7 = vector.extract_strided_slice %get3A_4 {offsets = [1, 0], sizes = [1, 128], strides = [1, 1]} : vector<8x128xf32> to vector<1x128xf32>
    %squeeze3A_8 = vector.shape_cast %slice3A_7 : vector<1x128xf32> to vector<128xf32>
    %div3A_9 = arith.constant 1.000000e+04 : f32
    %div3A_10 = vector.broadcast %div3A_9 : f32 to vector<128xf32>
    %div3A_11 = arith.divf %squeeze3A_8, %div3A_10 : vector<128xf32>
    %mul3A = arith.mulf %div3A_6, %div3A_6 : vector<128xf32>
    %sub3A = arith.subf %div3A_11, %mul3A : vector<128xf32>
    %broadcast_in_dim3A = vector.shape_cast %div3A_6 : vector<128xf32> to vector<1x128xf32>
    %sub3A_12 = vector.broadcast %broadcast_in_dim3A : vector<1x128xf32> to vector<2000x128xf32>
    %sub3A_13 = arith.subf %get3A_1, %sub3A_12 : vector<2000x128xf32>
    %add3A = arith.constant 9.99999974E-6 : f32
    %add3A_14 = vector.broadcast %add3A : f32 to vector<128xf32>
    %add3A_15 = arith.addf %sub3A, %add3A_14 : vector<128xf32>
    %rsqrt3A = math.rsqrt %add3A_15 : vector<128xf32>
    %broadcast_in_dim3A_16 = vector.shape_cast %rsqrt3A : vector<128xf32> to vector<1x128xf32>
    %mul3A_17 = vector.broadcast %broadcast_in_dim3A_16 : vector<1x128xf32> to vector<2000x128xf32>
    %mul3A_18 = arith.mulf %sub3A_13, %mul3A_17 : vector<2000x128xf32>
    %get3A_19 = arith.constant 0 : index
    %get3A_20 = arith.constant 0 : index
    %get3A_21 = vector.load %arg3[%get3A_19, %get3A_20] : memref<1x128xf32, #tpu.memory_space<vmem>>, vector<1x128xf32>
    %mul3A_22 = vector.broadcast %get3A_21 : vector<1x128xf32> to vector<2000x128xf32>
    %mul3A_23 = arith.mulf %mul3A_18, %mul3A_22 : vector<2000x128xf32>
    %get3A_24 = arith.constant 0 : index
    %get3A_25 = arith.constant 0 : index
    %get3A_26 = vector.load %arg4[%get3A_24, %get3A_25] : memref<1x128xf32, #tpu.memory_space<vmem>>, vector<1x128xf32>
    %add3A_27 = vector.broadcast %get3A_26 : vector<1x128xf32> to vector<2000x128xf32>
    %add3A_28 = arith.addf %mul3A_23, %add3A_27 : vector<2000x128xf32>
    %get3A_29 = arith.constant 0 : index
    %get3A_30 = arith.constant 0 : index
    %get3A_31 = arith.constant 0 : index
    %get3A_32 = vector.load %arg5[%get3A_29, %get3A_30, %get3A_31] : memref<6x2000x16xf32, #tpu.memory_space<vmem>>, vector<6x2000x16xf32>
    %slice3A_33 = vector.extract_strided_slice %get3A_32 {offsets = [0, 0, 0], sizes = [1, 2000, 1], strides = [1, 1, 1]} : vector<6x2000x16xf32> to vector<1x2000x1xf32>
    %squeeze3A_34 = vector.shape_cast %slice3A_33 : vector<1x2000x1xf32> to vector<2000xf32>
    %gt3A = arith.constant 0.000000e+00 : f32
    %gt3A_35 = vector.broadcast %gt3A : f32 to vector<2000xf32>
    %gt3A_36 = arith.cmpf ogt, %squeeze3A_34, %gt3A_35 : vector<2000xf32>
    %max3A = arith.constant 9.99999996E-13 : f32
    %max3A_37 = vector.broadcast %max3A : f32 to vector<2000xf32>
    %max3A_38 = arith.maximumf %squeeze3A_34, %max3A_37 : vector<2000xf32>
    %rsqrt3A_39 = math.rsqrt %max3A_38 : vector<2000xf32>
    %jit3A = arith.constant 0.000000e+00 : f32
    %broadcast_in_dim3A_40 = vector.broadcast %jit3A : f32 to vector<2000xf32>
    %select_n3A = arith.select %gt3A_36, %rsqrt3A_39, %broadcast_in_dim3A_40 : vector<2000xi1>, vector<2000xf32>
    %slice3A_41 = vector.extract_strided_slice %get3A_32 {offsets = [1, 0, 0], sizes = [1, 2000, 1], strides = [1, 1, 1]} : vector<6x2000x16xf32> to vector<1x2000x1xf32>
    %squeeze3A_42 = vector.shape_cast %slice3A_41 : vector<1x2000x1xf32> to vector<2000xf32>
    %gt3A_43 = arith.constant 0.000000e+00 : f32
    %gt3A_44 = vector.broadcast %gt3A_43 : f32 to vector<2000xf32>
    %gt3A_45 = arith.cmpf ogt, %squeeze3A_42, %gt3A_44 : vector<2000xf32>
    %max3A_46 = arith.constant 9.99999996E-13 : f32
    %max3A_47 = vector.broadcast %max3A_46 : f32 to vector<2000xf32>
    %max3A_48 = arith.maximumf %squeeze3A_42, %max3A_47 : vector<2000xf32>
    %rsqrt3A_49 = math.rsqrt %max3A_48 : vector<2000xf32>
    %jit3A_50 = arith.constant 0.000000e+00 : f32
    %broadcast_in_dim3A_51 = vector.broadcast %jit3A_50 : f32 to vector<2000xf32>
    %select_n3A_52 = arith.select %gt3A_45, %rsqrt3A_49, %broadcast_in_dim3A_51 : vector<2000xi1>, vector<2000xf32>
    %slice3A_53 = vector.extract_strided_slice %get3A_32 {offsets = [2, 0, 0], sizes = [1, 2000, 1], strides = [1, 1, 1]} : vector<6x2000x16xf32> to vector<1x2000x1xf32>
    %squeeze3A_54 = vector.shape_cast %slice3A_53 : vector<1x2000x1xf32> to vector<2000xf32>
    %gt3A_55 = arith.constant 0.000000e+00 : f32
    %gt3A_56 = vector.broadcast %gt3A_55 : f32 to vector<2000xf32>
    %gt3A_57 = arith.cmpf ogt, %squeeze3A_54, %gt3A_56 : vector<2000xf32>
    %max3A_58 = arith.constant 9.99999996E-13 : f32
    %max3A_59 = vector.broadcast %max3A_58 : f32 to vector<2000xf32>
    %max3A_60 = arith.maximumf %squeeze3A_54, %max3A_59 : vector<2000xf32>
    %rsqrt3A_61 = math.rsqrt %max3A_60 : vector<2000xf32>
    %jit3A_62 = arith.constant 0.000000e+00 : f32
    %broadcast_in_dim3A_63 = vector.broadcast %jit3A_62 : f32 to vector<2000xf32>
    %select_n3A_64 = arith.select %gt3A_57, %rsqrt3A_61, %broadcast_in_dim3A_63 : vector<2000xi1>, vector<2000xf32>
    %convert_element_type3A = arith.truncf %add3A_28 : vector<2000x128xf32> to vector<2000x128xbf16>
    %get3A_65 = arith.constant 0 : index
    %get3A_66 = arith.constant 0 : index
    %get3A_67 = arith.constant 0 : index
    %get3A_68 = vector.load %arg6[%get3A_65, %get3A_66, %get3A_67] : memref<3x128x128xf32, #tpu.memory_space<vmem>>, vector<1x128x128xf32>
    %get3A_69 = vector.shape_cast %get3A_68 : vector<1x128x128xf32> to vector<128x128xf32>
    %convert_element_type3A_70 = arith.truncf %get3A_69 : vector<128x128xf32> to vector<128x128xbf16>
    %dot_general3A = arith.constant dense<0.000000e+00> : vector<2000x128xf32>
    %dot_general3A_71 = tpu.matmul %convert_element_type3A, %convert_element_type3A_70, %dot_general3A {dimension_numbers = #tpu.dot_dimension_numbers<[1], [0], [0], [1], [0, 0, 1, 1], [], []>, transpose_lhs_hint = false} : vector<2000x128xbf16>, vector<128x128xbf16>, vector<2000x128xf32> -> vector<2000x128xf32>
    %broadcast_in_dim3A_72 = vector.shape_cast %select_n3A : vector<2000xf32> to vector<2000x1xf32>
    %mul3A_73 = vector.broadcast %broadcast_in_dim3A_72 : vector<2000x1xf32> to vector<2000x128xf32>
    %mul3A_74 = arith.mulf %dot_general3A_71, %mul3A_73 : vector<2000x128xf32>
    %slice3A_75 = vector.extract_strided_slice %mul3A_74 {offsets = [0, 0], sizes = [2000, 64], strides = [1, 1]} : vector<2000x128xf32> to vector<2000x64xf32>
    %swap3A = arith.constant 0 : index
    %swap3A_76 = arith.constant 0 : index
    %swap3A_77 = arith.constant 0 : index
    %swap3A_78 = vector.load %arg7[%swap3A, %swap3A_76, %swap3A_77] : memref<6x2000x64xf32, #tpu.memory_space<vmem>>, vector<1x2000x64xf32>
    %swap3A_79 = vector.shape_cast %swap3A_78 : vector<1x2000x64xf32> to vector<2000x64xf32>
    %swap3A_80 = vector.shape_cast %slice3A_75 : vector<2000x64xf32> to vector<1x2000x64xf32>
    tpu.vector_store %arg7[%swap3A, %swap3A_76, %swap3A_77], %swap3A_80 {strides = array<i32>} : memref<6x2000x64xf32, #tpu.memory_space<vmem>>, vector<1x2000x64xf32>,
    %slice3A_81 = vector.extract_strided_slice %mul3A_74 {offsets = [0, 64], sizes = [2000, 64], strides = [1, 1]} : vector<2000x128xf32> to vector<2000x64xf32>
    %swap3A_82 = arith.constant 3 : index
    %swap3A_83 = arith.constant 0 : index
    %swap3A_84 = arith.constant 0 : index
    %swap3A_85 = vector.load %arg7[%swap3A_82, %swap3A_83, %swap3A_84] : memref<6x2000x64xf32, #tpu.memory_space<vmem>>, vector<1x2000x64xf32>
    %swap3A_86 = vector.shape_cast %swap3A_85 : vector<1x2000x64xf32> to vector<2000x64xf32>
    %swap3A_87 = vector.shape_cast %slice3A_81 : vector<2000x64xf32> to vector<1x2000x64xf32>
    tpu.vector_store %arg7[%swap3A_82, %swap3A_83, %swap3A_84], %swap3A_87 {strides = array<i32>} : memref<6x2000x64xf32, #tpu.memory_space<vmem>>, vector<1x2000x64xf32>,
    %get3A_88 = arith.constant 1 : index
    %get3A_89 = arith.constant 0 : index
    %get3A_90 = arith.constant 0 : index
    %get3A_91 = vector.load %arg6[%get3A_88, %get3A_89, %get3A_90] : memref<3x128x128xf32, #tpu.memory_space<vmem>>, vector<1x128x128xf32>
    %get3A_92 = vector.shape_cast %get3A_91 : vector<1x128x128xf32> to vector<128x128xf32>
    %convert_element_type3A_93 = arith.truncf %get3A_92 : vector<128x128xf32> to vector<128x128xbf16>
    %dot_general3A_94 = arith.constant dense<0.000000e+00> : vector<2000x128xf32>
    %dot_general3A_95 = tpu.matmul %convert_element_type3A, %convert_element_type3A_93, %dot_general3A_94 {dimension_numbers = #tpu.dot_dimension_numbers<[1], [0], [0], [1], [0, 0, 1, 1], [], []>, transpose_lhs_hint = false} : vector<2000x128xbf16>, vector<128x128xbf16>, vector<2000x128xf32> -> vector<2000x128xf32>
    %broadcast_in_dim3A_96 = vector.shape_cast %select_n3A_52 : vector<2000xf32> to vector<2000x1xf32>
    %mul3A_97 = vector.broadcast %broadcast_in_dim3A_96 : vector<2000x1xf32> to vector<2000x128xf32>
    %mul3A_98 = arith.mulf %dot_general3A_95, %mul3A_97 : vector<2000x128xf32>
    %slice3A_99 = vector.extract_strided_slice %mul3A_98 {offsets = [0, 0], sizes = [2000, 64], strides = [1, 1]} : vector<2000x128xf32> to vector<2000x64xf32>
    %swap3A_100 = arith.constant 1 : index
    %swap3A_101 = arith.constant 0 : index
    %swap3A_102 = arith.constant 0 : index
    %swap3A_103 = vector.load %arg7[%swap3A_100, %swap3A_101, %swap3A_102] : memref<6x2000x64xf32, #tpu.memory_space<vmem>>, vector<1x2000x64xf32>
    %swap3A_104 = vector.shape_cast %swap3A_103 : vector<1x2000x64xf32> to vector<2000x64xf32>
    %swap3A_105 = vector.shape_cast %slice3A_99 : vector<2000x64xf32> to vector<1x2000x64xf32>
    tpu.vector_store %arg7[%swap3A_100, %swap3A_101, %swap3A_102], %swap3A_105 {strides = array<i32>} : memref<6x2000x64xf32, #tpu.memory_space<vmem>>, vector<1x2000x64xf32>,
    %slice3A_106 = vector.extract_strided_slice %mul3A_98 {offsets = [0, 64], sizes = [2000, 64], strides = [1, 1]} : vector<2000x128xf32> to vector<2000x64xf32>
    %swap3A_107 = arith.constant 4 : index
    %swap3A_108 = arith.constant 0 : index
    %swap3A_109 = arith.constant 0 : index
    %swap3A_110 = vector.load %arg7[%swap3A_107, %swap3A_108, %swap3A_109] : memref<6x2000x64xf32, #tpu.memory_space<vmem>>, vector<1x2000x64xf32>
    %swap3A_111 = vector.shape_cast %swap3A_110 : vector<1x2000x64xf32> to vector<2000x64xf32>
    %swap3A_112 = vector.shape_cast %slice3A_106 : vector<2000x64xf32> to vector<1x2000x64xf32>
    tpu.vector_store %arg7[%swap3A_107, %swap3A_108, %swap3A_109], %swap3A_112 {strides = array<i32>} : memref<6x2000x64xf32, #tpu.memory_space<vmem>>, vector<1x2000x64xf32>,
    %get3A_113 = arith.constant 2 : index
    %get3A_114 = arith.constant 0 : index
    %get3A_115 = arith.constant 0 : index
    %get3A_116 = vector.load %arg6[%get3A_113, %get3A_114, %get3A_115] : memref<3x128x128xf32, #tpu.memory_space<vmem>>, vector<1x128x128xf32>
    %get3A_117 = vector.shape_cast %get3A_116 : vector<1x128x128xf32> to vector<128x128xf32>
    %convert_element_type3A_118 = arith.truncf %get3A_117 : vector<128x128xf32> to vector<128x128xbf16>
    %dot_general3A_119 = arith.constant dense<0.000000e+00> : vector<2000x128xf32>
    %dot_general3A_120 = tpu.matmul %convert_element_type3A, %convert_element_type3A_118, %dot_general3A_119 {dimension_numbers = #tpu.dot_dimension_numbers<[1], [0], [0], [1], [0, 0, 1, 1], [], []>, transpose_lhs_hint = false} : vector<2000x128xbf16>, vector<128x128xbf16>, vector<2000x128xf32> -> vector<2000x128xf32>
    %broadcast_in_dim3A_121 = vector.shape_cast %select_n3A_64 : vector<2000xf32> to vector<2000x1xf32>
    %mul3A_122 = vector.broadcast %broadcast_in_dim3A_121 : vector<2000x1xf32> to vector<2000x128xf32>
    %mul3A_123 = arith.mulf %dot_general3A_120, %mul3A_122 : vector<2000x128xf32>
    %slice3A_124 = vector.extract_strided_slice %mul3A_123 {offsets = [0, 0], sizes = [2000, 64], strides = [1, 1]} : vector<2000x128xf32> to vector<2000x64xf32>
    %swap3A_125 = arith.constant 2 : index
    %swap3A_126 = arith.constant 0 : index
    %swap3A_127 = arith.constant 0 : index
    %swap3A_128 = vector.load %arg7[%swap3A_125, %swap3A_126, %swap3A_127] : memref<6x2000x64xf32, #tpu.memory_space<vmem>>, vector<1x2000x64xf32>
    %swap3A_129 = vector.shape_cast %swap3A_128 : vector<1x2000x64xf32> to vector<2000x64xf32>
    %swap3A_130 = vector.shape_cast %slice3A_124 : vector<2000x64xf32> to vector<1x2000x64xf32>
    tpu.vector_store %arg7[%swap3A_125, %swap3A_126, %swap3A_127], %swap3A_130 {strides = array<i32>} : memref<6x2000x64xf32, #tpu.memory_space<vmem>>, vector<1x2000x64xf32>,
    %slice3A_131 = vector.extract_strided_slice %mul3A_123 {offsets = [0, 64], sizes = [2000, 64], strides = [1, 1]} : vector<2000x128xf32> to vector<2000x64xf32>
    %swap3A_132 = arith.constant 5 : index
    %swap3A_133 = arith.constant 0 : index
    %swap3A_134 = arith.constant 0 : index
    %swap3A_135 = vector.load %arg7[%swap3A_132, %swap3A_133, %swap3A_134] : memref<6x2000x64xf32, #tpu.memory_space<vmem>>, vector<1x2000x64xf32>
    %swap3A_136 = vector.shape_cast %swap3A_135 : vector<1x2000x64xf32> to vector<2000x64xf32>
    %swap3A_137 = vector.shape_cast %slice3A_131 : vector<2000x64xf32> to vector<1x2000x64xf32>
    tpu.vector_store %arg7[%swap3A_132, %swap3A_133, %swap3A_134], %swap3A_137 {strides = array<i32>} : memref<6x2000x64xf32, #tpu.memory_space<vmem>>, vector<1x2000x64xf32>,
    return
  }
  func.func @transform_0(%arg0: i32) -> (i32, i32) {
    %c0_i32 = arith.constant 0 : i32
    %c0_i32_0 = arith.constant 0 : i32
    return %arg0, %c0_i32 : i32, i32
  }
  func.func @transform_1(%arg0: i32) -> (i32, i32) {
    %c0_i32 = arith.constant 0 : i32
    %c0_i32_0 = arith.constant 0 : i32
    %c0_i32_1 = arith.constant 0 : i32
    return %c0_i32, %c0_i32_0 : i32, i32
  }
  func.func @transform_2(%arg0: i32) -> (i32, i32) {
    %c0_i32 = arith.constant 0 : i32
    %c0_i32_0 = arith.constant 0 : i32
    %c0_i32_1 = arith.constant 0 : i32
    return %c0_i32, %c0_i32_0 : i32, i32
  }
  func.func @transform_3(%arg0: i32) -> (i32, i32) {
    %c0_i32 = arith.constant 0 : i32
    %c0_i32_0 = arith.constant 0 : i32
    %c0_i32_1 = arith.constant 0 : i32
    return %c0_i32, %c0_i32_0 : i32, i32
  }
  func.func @transform_4(%arg0: i32) -> (i32, i32, i32) {
    %c0_i32 = arith.constant 0 : i32
    %c0_i32_0 = arith.constant 0 : i32
    %c0_i32_1 = arith.constant 0 : i32
    return %c0_i32, %arg0, %c0_i32_0 : i32, i32, i32
  }
  func.func @transform_5(%arg0: i32) -> (i32, i32, i32) {
    %c0_i32 = arith.constant 0 : i32
    %c0_i32_0 = arith.constant 0 : i32
    %c0_i32_1 = arith.constant 0 : i32
    %c0_i32_2 = arith.constant 0 : i32
    return %c0_i32, %c0_i32_0, %c0_i32_1 : i32, i32, i32
  }
  func.func @transform_6(%arg0: i32) -> (i32, i32, i32) {
    %c0_i32 = arith.constant 0 : i32
    %c0_i32_0 = arith.constant 0 : i32
    %c0_i32_1 = arith.constant 0 : i32
    return %c0_i32, %arg0, %c0_i32_0 : i32, i32, i32
  }
}

module attributes {stable_mosaic.version = 14 : i64} {
  func.func @tc_bn(%arg0: i32, %arg1: memref<2000x128xf32, #tpu.memory_space<vmem>>, %arg2: memref<8x128xf32, #tpu.memory_space<vmem>>, %arg3: memref<1x128xf32, #tpu.memory_space<vmem>>, %arg4: memref<1x128xf32, #tpu.memory_space<vmem>>, %arg5: memref<2000x128xf32, #tpu.memory_space<vmem>>) attributes {dimension_semantics = [#tpu.dimension_semantics<arbitrary>], iteration_bounds = array<i64: 5>, scalar_prefetch = 0 : i64, scratch_operands = 0 : i64, tpu.core_type = #tpu.core_type<tc>, window_params = [{transform_indices = @transform_0, window_bounds = array<i64: 2000, 128>}, {pipeline_mode = #tpu.pipeline_mode<synchronous>, transform_indices = @transform_1, window_bounds = array<i64: 8, 128>}, {pipeline_mode = #tpu.pipeline_mode<synchronous>, transform_indices = @transform_2, window_bounds = array<i64: 1, 128>}, {pipeline_mode = #tpu.pipeline_mode<synchronous>, transform_indices = @transform_3, window_bounds = array<i64: 1, 128>}, {transform_indices = @transform_4, window_bounds = array<i64: 2000, 128>}]} {
    %get3A = arith.constant 0 : index
    %get3A_0 = arith.constant 0 : index
    %get3A_1 = vector.load %arg1[%get3A, %get3A_0] : memref<2000x128xf32, #tpu.memory_space<vmem>>, vector<2000x128xf32>
    %get3A_2 = arith.constant 0 : index
    %get3A_3 = arith.constant 0 : index
    %get3A_4 = vector.load %arg2[%get3A_2, %get3A_3] : memref<8x128xf32, #tpu.memory_space<vmem>>, vector<8x128xf32>
    %slice3A = vector.extract_strided_slice %get3A_4 {offsets = [0, 0], sizes = [1, 128], strides = [1, 1]} : vector<8x128xf32> to vector<1x128xf32>
    %squeeze3A = vector.shape_cast %slice3A : vector<1x128xf32> to vector<128xf32>
    %div3A = arith.constant 1.000000e+04 : f32
    %div3A_5 = vector.broadcast %div3A : f32 to vector<128xf32>
    %div3A_6 = arith.divf %squeeze3A, %div3A_5 : vector<128xf32>
    %slice3A_7 = vector.extract_strided_slice %get3A_4 {offsets = [1, 0], sizes = [1, 128], strides = [1, 1]} : vector<8x128xf32> to vector<1x128xf32>
    %squeeze3A_8 = vector.shape_cast %slice3A_7 : vector<1x128xf32> to vector<128xf32>
    %div3A_9 = arith.constant 1.000000e+04 : f32
    %div3A_10 = vector.broadcast %div3A_9 : f32 to vector<128xf32>
    %div3A_11 = arith.divf %squeeze3A_8, %div3A_10 : vector<128xf32>
    %mul3A = arith.mulf %div3A_6, %div3A_6 : vector<128xf32>
    %sub3A = arith.subf %div3A_11, %mul3A : vector<128xf32>
    %broadcast_in_dim3A = vector.shape_cast %div3A_6 : vector<128xf32> to vector<1x128xf32>
    %sub3A_12 = vector.broadcast %broadcast_in_dim3A : vector<1x128xf32> to vector<2000x128xf32>
    %sub3A_13 = arith.subf %get3A_1, %sub3A_12 : vector<2000x128xf32>
    %add3A = arith.constant 9.99999974E-6 : f32
    %add3A_14 = vector.broadcast %add3A : f32 to vector<128xf32>
    %add3A_15 = arith.addf %sub3A, %add3A_14 : vector<128xf32>
    %rsqrt3A = math.rsqrt %add3A_15 : vector<128xf32>
    %broadcast_in_dim3A_16 = vector.shape_cast %rsqrt3A : vector<128xf32> to vector<1x128xf32>
    %mul3A_17 = vector.broadcast %broadcast_in_dim3A_16 : vector<1x128xf32> to vector<2000x128xf32>
    %mul3A_18 = arith.mulf %sub3A_13, %mul3A_17 : vector<2000x128xf32>
    %get3A_19 = arith.constant 0 : index
    %get3A_20 = arith.constant 0 : index
    %get3A_21 = vector.load %arg3[%get3A_19, %get3A_20] : memref<1x128xf32, #tpu.memory_space<vmem>>, vector<1x128xf32>
    %mul3A_22 = vector.broadcast %get3A_21 : vector<1x128xf32> to vector<2000x128xf32>
    %mul3A_23 = arith.mulf %mul3A_18, %mul3A_22 : vector<2000x128xf32>
    %get3A_24 = arith.constant 0 : index
    %get3A_25 = arith.constant 0 : index
    %get3A_26 = vector.load %arg4[%get3A_24, %get3A_25] : memref<1x128xf32, #tpu.memory_space<vmem>>, vector<1x128xf32>
    %add3A_27 = vector.broadcast %get3A_26 : vector<1x128xf32> to vector<2000x128xf32>
    %add3A_28 = arith.addf %mul3A_23, %add3A_27 : vector<2000x128xf32>
    %swap3A = arith.constant 0 : index
    %swap3A_29 = arith.constant 0 : index
    %swap3A_30 = vector.load %arg5[%swap3A, %swap3A_29] : memref<2000x128xf32, #tpu.memory_space<vmem>>, vector<2000x128xf32>
    tpu.vector_store %arg5[%swap3A, %swap3A_29], %add3A_28 {strides = array<i32>} : memref<2000x128xf32, #tpu.memory_space<vmem>>, vector<2000x128xf32>,
    return
  }
  func.func @transform_0(%arg0: i32) -> (i32, i32) {
    %c0_i32 = arith.constant 0 : i32
    %c0_i32_0 = arith.constant 0 : i32
    return %arg0, %c0_i32 : i32, i32
  }
  func.func @transform_1(%arg0: i32) -> (i32, i32) {
    %c0_i32 = arith.constant 0 : i32
    %c0_i32_0 = arith.constant 0 : i32
    %c0_i32_1 = arith.constant 0 : i32
    return %c0_i32, %c0_i32_0 : i32, i32
  }
  func.func @transform_2(%arg0: i32) -> (i32, i32) {
    %c0_i32 = arith.constant 0 : i32
    %c0_i32_0 = arith.constant 0 : i32
    %c0_i32_1 = arith.constant 0 : i32
    return %c0_i32, %c0_i32_0 : i32, i32
  }
  func.func @transform_3(%arg0: i32) -> (i32, i32) {
    %c0_i32 = arith.constant 0 : i32
    %c0_i32_0 = arith.constant 0 : i32
    %c0_i32_1 = arith.constant 0 : i32
    return %c0_i32, %c0_i32_0 : i32, i32
  }
  func.func @transform_4(%arg0: i32) -> (i32, i32) {
    %c0_i32 = arith.constant 0 : i32
    %c0_i32_0 = arith.constant 0 : i32
    return %arg0, %c0_i32 : i32, i32
  }
}

</mosaic_0001>

<sc_bundles>
// kernel: kernel.13.cloned.1.call-start
scs
__scs_entry_jumppad:
0x0: {  	(pc) =	sbr.rel $0x88, $3  }
0x1: {  	(tag) =	ssettag $0x0;
	lr =	simm.s32 $0x1  }
0x2: {  	[smem:$0x3F97] =	sst lr;
	_ =	strace $0xD0000000  }
0x3: {  	_ = 	snop  }
0x4: {  	_ = 	snop  }
0x5: {  	_ = 	snop  }
0x6: {  	_ = 	snop  }
0x7: {  	_ = 	snop  }
__scs_overlays_trampoline_lowered:
0x8: {  	[smem:$0x3FA6] =	sst s0  }
0x9: {  	[smem:$0x3FA7] =	sst s1  }
0xa: {  	[smem:$0x3FA8] =	sst s2  }
0xb: {  	[smem:$0x3FA9] =	sst s3  }
0xc: {  	[smem:$0x3FAA] =	sst s4  }
0xd: {  	[smem:$0x3FAB] =	sst s5  }
0xe: {  	[smem:$0x3FAC] =	sst s6  }
0xf: {  	[smem:$0x3FAD] =	sst s7  }
0x10: {  	[smem:$0x3FAE] =	sst s8  }
0x11: {  	[smem:$0x3FAF] =	sst s9;
	s0 =	simm.s32 @!p0 $0x0  }
0x12: {  	s1 =	sld [smem:$0x3F95];
	s0 =	simm.s32 @p0 $0x1  }
0x13: {  	[smem:$0x3FB0] =	sst s0;
	s0 =	simm.s32 @!p1 $0x0  }
0x14: {  	s2 =	sld [smem:$0x3F94];
	s0 =	simm.s32 @p1 $0x1  }
0x15: {  	[smem:$0x3FB1] =	sst s0;
	s0 =	simm.s32 @!p2 $0x0  }
0x16: {  	s3 =	sld [smem:$0x3FDB];
	s0 =	simm.s32 @p2 $0x1  }
0x17: {  	s4 =	simm.s32 $0x1BF5;
	[smem:$0x3FB3] =	sst s0  }
0x18: {  	s0 =	sld [smem:$0x3F96];
	_ =	swait.ge [sflag:s4], $0x0  }
0x19: {  	s7 =	sld [smem:$0x3F97]  }
0x1a: {  	s8 =	sadd.s32 $0xFFFFE003, lr  }
0x1b: {  	s9 =	sadd.s32 $0xFFFFFEF7, lr;
	s5 =	simm.s32 $0xFFFFFFFF;
	p2 =	slt.u32 s8, $0xFFFFF086  }
0x1c: {  	p1 =	slt.u32 s9, $0xF7A;
	s5 =	simm.s32 @!p2 $0x0  }
0x1d: {  	s5 =	simm.s32 @p1 $0x1;
	p0 =	seq.s32 s7, s2  }
0x1e: {  	s7 =	smul.u32 @!p0 $0xF7A, s2;
	p2 =	seq.s32 @!p0 s5, $0x0  }
0x1f: {  	s9 =	smul.u32 $0xF7A, s1;
	s8 =	simm.s32 @!p0 $0x1BF5;
	p2 =	por !p2, p0  }
0x20: {  	[sflag:s8] =	ssyncset.s32 @!p0 $0xFFFFF086;
	s6 =	sadd.s32 @!p0 s3, s7;
	s7 =	simm.s32 @!p0 $0x108  }
0x21: {  	s3 =	sadd.s32 s3, s9;
	s6 =	sadd.s32 @!p0 $0x88, s6;
	s7 =	simm.s32 @p2 $0x1082  }
0x22: {  	[simem:s7], [sflag:s8] =	dma.local @!p0 [hbm:s6], $0xF7A  }
0x23: {  	s9 =	sor.u32 $0xD0000000, s2;
	s6 =	simm.s32 $0x108;
	_ =	swait.ge @!p0 [sflag:s8], $0x0  }
0x24: {  	s3 =	sadd.s32 $0x88, s3;
	s6 =	simm.s32 @!p1 $0x1082;
	[sflag:s4] =	ssyncset.s32 $0xFFFFF086  }
0x25: {  	[simem:s6], [sflag:s4] =	dma.local [hbm:s3], $0xF7A  }
0x26: {  	[smem:$0x3F97] =	sst s1;
	(tag) =	ssettag s2;
	_ =	strace s9  }
0x27: {  	s1 =	sld [smem:$0x3FA7]  }
0x28: {  	s2 =	sld [smem:$0x3FA8]  }
0x29: {  	s4 =	sld [smem:$0x3FAA]  }
0x2a: {  	p0 =	seq.s32 s5, $0x0;
	s5 =	sld [smem:$0x3FAB]  }
0x2b: {  	s6 =	sld [smem:$0x3FAC]  }
0x2c: {  	s7 =	sld [smem:$0x3FAD]  }
0x2d: {  	s3 =	simm.s32 $0x108;
	s8 =	sld [smem:$0x3FAE]  }
0x2e: {  	s3 =	simm.s32 @!p0 $0x1082;
	s9 =	sld [smem:$0x3FAF]  }
0x2f: {  	lr =	sadd.s32 s0, s3;
	s0 =	sld [smem:$0x3FA6]  }
0x30: {  	s3 =	sld [smem:$0x3FA9]  }
0x31: {  	[smem:$0x3FB2] =	sst s10  }
0x32: {  	s10 =	sld [smem:$0x3FB0];
	_ =	sdelay $0x3  }
0x33: {  	p0 =	seq.s32 s10, $0x1;
	s10 =	sld [smem:$0x3FB2];
	_ =	sdelay $0x3  }
0x34: {  	[smem:$0x3FB2] =	sst s10  }
0x35: {  	s10 =	sld [smem:$0x3FB1];
	_ =	sdelay $0x3  }
0x36: {  	p1 =	seq.s32 s10, $0x1;
	s10 =	sld [smem:$0x3FB2];
	_ =	sdelay $0x3  }
0x37: {  	[smem:$0x3FB2] =	sst s10  }
0x38: {  	s10 =	sld [smem:$0x3FB3]  }
0x39: {  	_ = 	snop;
	(pc) =	sbr.ind lr, $3  }
0x3a: {  	_ = 	snop  }
0x3b: {  	_ = 	snop  }
0x3c: {  	p2 =	seq.s32 s10, $0x1;
	s10 =	sld [smem:$0x3FB2]  }
0x3d: {  	_ =	shalt  }
0x3e: {  	_ =	shalt  }
0x3f: {  	_ =	shalt  }
0x40: {  	_ =	shalt  }
0x41: {  	_ =	shalt  }
0x42: {  	_ =	shalt  }
0x43: {  	_ =	shalt  }
0x44: {  	_ =	shalt  }
0x45: {  	_ =	shalt  }
0x46: {  	_ =	shalt  }
0x47: {  	_ =	shalt  }
0x48: {  	_ =	shalt  }
0x49: {  	_ =	shalt  }
0x4a: {  	_ =	shalt  }
0x4b: {  	_ =	shalt  }
0x4c: {  	_ =	shalt  }
0x4d: {  	_ =	shalt  }
0x4e: {  	_ =	shalt  }
0x4f: {  	_ =	shalt  }
0x50: {  	_ =	shalt  }
0x51: {  	_ =	shalt  }
0x52: {  	_ =	shalt  }
0x53: {  	_ =	shalt  }
0x54: {  	_ =	shalt  }
0x55: {  	_ =	shalt  }
0x56: {  	_ =	shalt  }
0x57: {  	_ =	shalt  }
0x58: {  	_ =	shalt  }
0x59: {  	_ =	shalt  }
0x5a: {  	_ =	shalt  }
0x5b: {  	_ =	shalt  }
0x5c: {  	_ =	shalt  }
0x5d: {  	_ =	shalt  }
0x5e: {  	_ =	shalt  }
0x5f: {  	_ =	shalt  }
0x60: {  	_ =	shalt  }
0x61: {  	_ =	shalt  }
0x62: {  	_ =	shalt  }
0x63: {  	_ =	shalt  }
0x64: {  	_ =	shalt  }
0x65: {  	_ =	shalt  }
0x66: {  	_ =	shalt  }
0x67: {  	_ =	shalt  }
0x68: {  	_ =	shalt  }
0x69: {  	_ =	shalt  }
0x6a: {  	_ =	shalt  }
0x6b: {  	_ =	shalt  }
0x6c: {  	_ =	shalt  }
0x6d: {  	_ =	shalt  }
0x6e: {  	_ =	shalt  }
0x6f: {  	_ =	shalt  }
0x70: {  	_ =	shalt  }
0x71: {  	_ =	shalt  }
0x72: {  	_ =	shalt  }
0x73: {  	_ =	shalt  }
0x74: {  	_ =	shalt  }
0x75: {  	_ =	shalt  }
0x76: {  	_ =	shalt  }
0x77: {  	_ =	shalt  }
0x78: {  	_ =	shalt  }
0x79: {  	_ =	shalt  }
0x7a: {  	_ =	shalt  }
0x7b: {  	_ =	shalt  }
0x7c: {  	_ =	shalt  }
0x7d: {  	_ =	shalt  }
0x7e: {  	_ =	shalt  }
0x7f: {  	_ =	shalt  }
0x80: {  	_ =	shalt  }
0x81: {  	_ =	shalt  }
0x82: {  	_ =	shalt  }
0x83: {  	_ =	shalt  }
0x84: {  	_ =	shalt  }
0x85: {  	_ =	shalt  }
0x86: {  	_ =	shalt  }
0x87: {  	_ =	shalt  }
.Lfunc_end0:
.L_simem_size_0:
called_computation_lowered:
.L_overlay_start_0:
0x88: {  	s2 =	sld [smem:$0x3FD9]  }
0x89: {  	s3 =	sld [smem:$0x3FFE];
	_ =	sdelay $0x1  }
0x8a: {  	s1 =	srdreg.scid  }
0x8b: {  	s0 =	sand.u32 $0x1, s1  }
0x8c: {  	s16 =	sshll.u32 s0, $0xA;
	s2 =	sadd.s32 s3, s2  }
0x8d: {  	s2 =	sadd.s32 s2, s16  }
0x8e: {  	[smem:$0x3FBE] =	sst s2  }
0x8f: {  	_ = 	snop  }
0x90: {  	(tm) =	ssettm $0x1  }
0x91: {  	s17 =	sld [smem:$0x3FFB];
	_ =	sdelay $0x3  }
0x92: {  	_ =	strace s17  }
0x93: {  	s2 =	sld [smem:$0x3FFC];
	_ =	sdelay $0x3  }
0x94: {  	_ =	strace s2  }
0x95: {  	s2 =	sld [smem:$0x3FFD];
	_ =	sdelay $0x3  }
0x96: {  	_ =	strace s2  }
0x97: {  	_ =	strace $0x8FFFFFFF  }
0x98: {  	s18 =	sld [smem:$0x3FDB];
	_ =	sdelay $0x1  }
0x99: {  	s19 =	simm.s32 $_scs_section_size  }
0x9a: {  	s4 =	simm.s32 $_size__tile_overlayer_lowered;
	s5 =	simm.s32 $_tile_overlayer_lowered  }
0x9b: {  	s22 =	simm.s32 $0x1BFF;
	s21 =	sshll.u32 s5, $0x1;
	s2 =	sadd.s32 s19, s18  }
0x9c: {  	s6 =	simm.s32 $0x0;
	s20 =	sshll.u32 s4, $0x1;
	s4 =	sadd.s32 s21, s2  }
0x9d: {  	[timem:s6], [sflag:s22] =	dma.local [hbm:s4], s20  }
0x9e: {  	_ =	swait.ge [sflag:s22], s20  }
0x9f: {  	s3 =	ssub.s32 $0x0, s20;
	[sflag:s22] =	ssyncset.done $0x0  }
0xa0: {  	[sflag:s22] =	ssyncadd.s32 s3;
	_ =	sdelay $0x1  }
0xa1: {  	s23 =	simm.s32 $0x1B8B  }
0xa2: {  	_ =	swait.ge [sflag:s23], $0x1  }
0xa3: {  	[sflag:s23] =	ssyncset.done $0x0  }
0xa4: {  	s25 =	simm.s32 $0x1B8E;
	s24 =	sld [smem:$0x3FFE];
	[sflag:s23] =	ssyncadd.s32 $0xFFFFFFFF  }
0xa5: {  	s26 =	simm.s32 $execute0_lowered;
	[smem:$0x3FD2] =	sst s25  }
0xa6: {  	s4 =	sshll.u32 s26, $0x1;
	_ =	strace $0x80000046;
	[dreg:$0x1] =	wrdreg $0xFFFFFFFF  }
0xa7: {  	s28 =	simm.s32 $_size_execute0_lowered;
	s2 =	sadd.s32 s2, s4;
	[dreg:$0x0] =	wrdreg $0x0  }
0xa8: {  	s4 =	sshll.u32 s28, $0x1;
	[dreg:$0x2] =	wrdreg s2  }
0xa9: {  	[dreg:$0x3] =	wrdreg s4  }
0xaa: {  	[dreg:$0x4] =	wrdreg $0xC0  }
0xab: {  	_ =	task [dreg:s6], $0x5FFFF  }
0xac: {  	[dreg:$0x1] =	wrdreg $0xFFFFFFFF  }
0xad: {  	[dreg:$0x0] =	wrdreg $0x60  }
0xae: {  	[dreg:$0x2] =	wrdreg s24  }
0xaf: {  	[dreg:$0x3] =	wrdreg $0xC000  }
0xb0: {  	[dreg:$0x4] =	wrdreg $0x9  }
0xb1: {  	_ =	task.clear_ibuf [dreg:s6], $0x5FFFF;
	_ =	strace $0x90000046  }
0xb2: {  	s29 =	simm.s32 $0x9;
	_ =	strace $0x80000048  }
0xb3: {  	_ =	swait.ge [sflag:s29], $0x1  }
0xb4: {  	[sflag:s29] =	ssyncadd.s32 $0xFFFFFFFF  }
0xb5: {  	_ =	strace $0x90000048  }
0xb6: {  	_ =	sfence  }
0xb7: {  	s30 =	sld [smem:$0x0];
	_ =	sdelay $0x2  }
0xb8: {  	s31 =	sshll.u32 s1, $0xD;
	s1 =	sshrl.u32 s1, $0x2  }
0xb9: {  	s3 =	sand.u32 $0x4000, s31;
	s1 =	sadd.s32 s1, s30  }
0xba: {  	s0 =	sor.u32 s3, s0;
	s1 =	sshll.u32 s1, $0x11  }
0xbb: {  	s0 =	sor.u32 s1, s0  }
0xbc: {  	s0 =	sadd.s32 $0x8F2B, s0  }
0xbd: {  	[sflag:s0] =	ssyncadd.remote.s32 $0x1  }
0xbe: {  	_ =	sfence.sel $0xFFFF  }
0xbf: {  	[dreg:$0x0] =	wrdreg $0xFFFFFFFF;
	(pc) =	sbr.abs _section_cstart, $3  }
0xc0: {  	[dreg:$0x1] =	wrdreg $0xFFFFFFFF  }
0xc1: {  	_ =	task.clear_ibuf [dreg:s6], $0x2FFFF;
	_ =	strace $0x9FFFFFFF  }
0xc2: {  	(tm) =	ssettm $0x7FFFFFFF  }
0xc3: {  	_ =	shalt  }
tec
execute0_lowered:
.L_overlay_start_1:
0x0: {  	(tag) =	ssettag $0x1  }
0x1: {  	s0 =	srdreg.scid;
	s6 =	rddreg [dreg:$0x0]  }
0x2: {  	s2 =	rddreg [dreg:$0x1];
	s1 =	stileid.u32;
	s3 =	simm.s32 $0x0  }
0x3: {  	s14 =	simm.s32 $0x100;
	s15 =	simm.s32 $0x180;
	s16 =	simm.s32 $0x200  }
0x4: {  	s17 =	simm.s32 $0x280;
	s18 =	simm.s32 $0x300;
	s8 =	smul.u32 $0x7530, s1  }
0x5: {  	s19 =	simm.s32 $0x380;
	s21 =	simm.s32 $0x0;
	s11 =	smul.u32 $0x1D500, s1  }
0x6: {  	s7 =	sand.u32 $0x1, s0;
	s0 =	rddreg [dreg:$0x2];
	s12 =	smul.u32 $0x1D80, s1  }
0x7: {  	[smem:$0x7FF] =	sst s3;
	s31 =	sshll.u32 s1, $0x6;
	s4 =	smul.u32 $0x1D800, s7  }
0x8: {  	s5 =	smul.u32 $0x75300, s7;
	_ =	strace $0x80000047;
	s30 =	ssub.s32 $0x2, s7  }
0x9: {  	s7 =	sshrl.u32 s30, $0x1;
	s11 =	sshrl.u32 s11, $0x2;
	s20 =	sadd.s32 s8, s2  }
0xa: {  	s9 =	sadd.s32 s4, s6;
	s5 =	sadd.s32 s8, s5;
	s4 =	sadd.s32 $0x2C00, s6  }
0xb: {  	s13 =	ssub.s32 s30, s7;
	s11 =	sadd.s32 s11, s2;
	s20 =	sshrl.u32 s20, $0x3  }
0xc: {  	s10 =	sshrl.u32 s5, $0x3;
	s5 =	sadd.s32 $0x3DE00, s6;
	s9 =	sadd.s32 s12, s9  }
0xd: {  	s8 =	smax.u32 s13, $0x1;
	s12 =	simm.s32 $0x400;
	s13 =	simm.s32 $0x80  }
0xe: {  	s10 =	sadd.s32 s10, s6;
	s6 =	sor.u32 $0x1C01, s31;
	s9 =	sadd.s32 $0x2E00, s9  }
0xf: {  	s7 =	sadd.s32 $0x3EE00, s10;
	s10 =	sshrl.u32 s11, $0x3;
	s11 =	simm.s32 $0x1  }
.LBB2_1:
0x10: {  	[spmem:s10], [sflag:s6] =	dma.local [hbm:s5], $0xEA8  }
0x11: {  	_ =	swait.ge [sflag:s11], $0xEA8  }
0x12: {  	[sflag:s11] =	ssyncset.done $0x0  }
0x13: {  	[sflag:s11] =	ssyncadd.s32 $0xFFFFF158  }
0x14: {  	[tilespmem:s12], [sflag:$0x1] =	stream.linear.gather [hbm4b:s4+s3], $0x800, $0x38;
	[tilespmem:$0x8140] =	vst v63  }
0x15: {  	_ =	swait.ge [sflag:s11], $0x800  }
0x16: {  	[sflag:s11] =	ssyncset.done $0x0  }
0x17: {  	[sflag:s11] =	ssyncadd.s32 $0xFFFFF800  }
0x18: {  	s22 =	sadd.s32 $0x0, s9;
	[bflag:$0x0] =	sbarrier.arrive $0xFFFF  }
0x19: {  	[tilespmem:s3], [sflag:$0x1] =	stream.linear.gather [hbm4b:s22+s3], $0x400, $0x38;
	[tilespmem:$0x8140] =	vst v63  }
0x1a: {  	_ =	swait.ge [sflag:s11], $0x400  }
0x1b: {  	[sflag:s11] =	ssyncset.done $0x0  }
0x1c: {  	[sflag:s11] =	ssyncadd.s32 $0xFFFFFC00  }
0x1d: {  	[spmem:s2] =	stream.indirect.scatter.add.f32 [tilespmem:s12], [sflag:$0x1], $0x10, s3, s13, $0xb8;
	[tilespmem:$0x8140] =	vst v63  }
0x1e: {  	_ =	swait.ge [sflag:s11], $0x800  }
0x1f: {  	[sflag:s11] =	ssyncset.done $0x0  }
0x20: {  	[sflag:s11] =	ssyncadd.s32 $0xFFFFF800  }
0x21: {  	[spmem:s2] =	stream.indirect.scatter.add.f32 [tilespmem:s12], [sflag:$0x1], $0x10, s13, s13, $0xb8;
	[tilespmem:$0x8140] =	vst v63  }
0x22: {  	_ =	swait.ge [sflag:s11], $0x800  }
0x23: {  	[sflag:s11] =	ssyncset.done $0x0  }
0x24: {  	[sflag:s11] =	ssyncadd.s32 $0xFFFFF800  }
0x25: {  	[spmem:s2] =	stream.indirect.scatter.add.f32 [tilespmem:s12], [sflag:$0x1], $0x10, s14, s13, $0xb8;
	[tilespmem:$0x8140] =	vst v63  }
0x26: {  	_ =	swait.ge [sflag:s11], $0x800  }
0x27: {  	[sflag:s11] =	ssyncset.done $0x0  }
0x28: {  	[sflag:s11] =	ssyncadd.s32 $0xFFFFF800  }
0x29: {  	[spmem:s2] =	stream.indirect.scatter.add.f32 [tilespmem:s12], [sflag:$0x1], $0x10, s15, s13, $0xb8;
	[tilespmem:$0x8140] =	vst v63  }
0x2a: {  	_ =	swait.ge [sflag:s11], $0x800  }
0x2b: {  	[sflag:s11] =	ssyncset.done $0x0  }
0x2c: {  	[sflag:s11] =	ssyncadd.s32 $0xFFFFF800  }
0x2d: {  	[spmem:s2] =	stream.indirect.scatter.add.f32 [tilespmem:s12], [sflag:$0x1], $0x10, s16, s13, $0xb8;
	[tilespmem:$0x8140] =	vst v63  }
0x2e: {  	_ =	swait.ge [sflag:s11], $0x800  }
0x2f: {  	[sflag:s11] =	ssyncset.done $0x0  }
0x30: {  	[sflag:s11] =	ssyncadd.s32 $0xFFFFF800  }
0x31: {  	[spmem:s2] =	stream.indirect.scatter.add.f32 [tilespmem:s12], [sflag:$0x1], $0x10, s17, s13, $0xb8;
	[tilespmem:$0x8140] =	vst v63  }
0x32: {  	_ =	swait.ge [sflag:s11], $0x800  }
0x33: {  	[sflag:s11] =	ssyncset.done $0x0  }
0x34: {  	[sflag:s11] =	ssyncadd.s32 $0xFFFFF800  }
0x35: {  	[spmem:s2] =	stream.indirect.scatter.add.f32 [tilespmem:s12], [sflag:$0x1], $0x10, s18, s13, $0xb8;
	[tilespmem:$0x8140] =	vst v63  }
0x36: {  	_ =	swait.ge [sflag:s11], $0x800  }
0x37: {  	[sflag:s11] =	ssyncset.done $0x0  }
0x38: {  	[sflag:s11] =	ssyncadd.s32 $0xFFFFF800  }
0x39: {  	[spmem:s2] =	stream.indirect.scatter.add.f32 [tilespmem:s12], [sflag:$0x1], $0x10, s19, s13, $0xb8;
	[tilespmem:$0x8140] =	vst v63  }
0x3a: {  	_ =	swait.ge [sflag:s11], $0x800  }
0x3b: {  	s24 =	simm.s32 $0x100;
	s22 =	simm.s32 $0x80;
	[sflag:s11] =	ssyncset.done $0x0  }
.LBB2_2:
0x3c: {  	s25 =	sadd.s32 s22, s9  }
0x3d: {  	[sflag:s11] =	ssyncadd.s32 $0xFFFFF800;
	s22 =	smov.u32 s24;
	s23 =	sadd.s32 $0x80, s24  }
0x3e: {  	[tilespmem:s3], [sflag:$0x1] =	stream.linear.gather [hbm4b:s25+s3], $0x400, $0x38;
	[tilespmem:$0x8140] =	vst v63  }
0x3f: {  	p0 =	sne.s32 s24, $0x1D00;
	_ =	swait.ge [sflag:s11], $0x400  }
0x40: {  	[sflag:s11] =	ssyncset.done $0x0  }
0x41: {  	[sflag:s11] =	ssyncadd.s32 $0xFFFFFC00  }
0x42: {  	[spmem:s2] =	stream.indirect.scatter.add.f32 [tilespmem:s12], [sflag:$0x1], $0x10, s3, s13, $0xb8;
	[tilespmem:$0x8140] =	vst v63  }
0x43: {  	_ =	swait.ge [sflag:s11], $0x800  }
0x44: {  	[sflag:s11] =	ssyncset.done $0x0  }
0x45: {  	[sflag:s11] =	ssyncadd.s32 $0xFFFFF800  }
0x46: {  	[spmem:s2] =	stream.indirect.scatter.add.f32 [tilespmem:s12], [sflag:$0x1], $0x10, s13, s13, $0xb8;
	[tilespmem:$0x8140] =	vst v63  }
0x47: {  	_ =	swait.ge [sflag:s11], $0x800  }
0x48: {  	[sflag:s11] =	ssyncset.done $0x0  }
0x49: {  	[sflag:s11] =	ssyncadd.s32 $0xFFFFF800  }
0x4a: {  	[spmem:s2] =	stream.indirect.scatter.add.f32 [tilespmem:s12], [sflag:$0x1], $0x10, s14, s13, $0xb8;
	[tilespmem:$0x8140] =	vst v63  }
0x4b: {  	_ =	swait.ge [sflag:s11], $0x800  }
0x4c: {  	[sflag:s11] =	ssyncset.done $0x0  }
0x4d: {  	[sflag:s11] =	ssyncadd.s32 $0xFFFFF800  }
0x4e: {  	[spmem:s2] =	stream.indirect.scatter.add.f32 [tilespmem:s12], [sflag:$0x1], $0x10, s15, s13, $0xb8;
	[tilespmem:$0x8140] =	vst v63  }
0x4f: {  	_ =	swait.ge [sflag:s11], $0x800  }
0x50: {  	[sflag:s11] =	ssyncset.done $0x0  }
0x51: {  	[sflag:s11] =	ssyncadd.s32 $0xFFFFF800  }
0x52: {  	[spmem:s2] =	stream.indirect.scatter.add.f32 [tilespmem:s12], [sflag:$0x1], $0x10, s16, s13, $0xb8;
	[tilespmem:$0x8140] =	vst v63  }
0x53: {  	_ =	swait.ge [sflag:s11], $0x800  }
0x54: {  	[sflag:s11] =	ssyncset.done $0x0  }
0x55: {  	[sflag:s11] =	ssyncadd.s32 $0xFFFFF800  }
0x56: {  	[spmem:s2] =	stream.indirect.scatter.add.f32 [tilespmem:s12], [sflag:$0x1], $0x10, s17, s13, $0xb8;
	[tilespmem:$0x8140] =	vst v63  }
0x57: {  	_ =	swait.ge [sflag:s11], $0x800  }
0x58: {  	[sflag:s11] =	ssyncset.done $0x0  }
0x59: {  	[sflag:s11] =	ssyncadd.s32 $0xFFFFF800  }
0x5a: {  	[spmem:s2] =	stream.indirect.scatter.add.f32 [tilespmem:s12], [sflag:$0x1], $0x10, s18, s13, $0xb8;
	[tilespmem:$0x8140] =	vst v63  }
0x5b: {  	_ =	swait.ge [sflag:s11], $0x800  }
.Ltmp0:
0x5c: {  	[sflag:s11] =	ssyncset.done $0x0;
	(pc) =	sbr.rel @p0 .LBB2_2-.Ltmp0, $4  }
0x5d: {  	[sflag:s11] =	ssyncadd.s32 $0xFFFFF800  }
0x5e: {  	[spmem:s2] =	stream.indirect.scatter.add.f32 [tilespmem:s12], [sflag:$0x1], $0x10, s19, s13, $0xb8;
	[tilespmem:$0x8140] =	vst v63  }
0x5f: {  	_ =	swait.ge [sflag:s11], $0x800  }
0x60: {  	s24 =	smov.u32 s23;
	[sflag:s11] =	ssyncset.done $0x0  }
0x61: {  	s22 =	sadd.s32 s22, s9;
	[sflag:s11] =	ssyncadd.s32 $0xFFFFF800  }
0x62: {  	[tilespmem:s3], [sflag:$0x1] =	stream.linear.gather [hbm4b:s22+s3], $0x400, $0x38;
	[tilespmem:$0x8140] =	vst v63  }
0x63: {  	_ =	swait.ge [sflag:s11], $0x400  }
0x64: {  	[sflag:s11] =	ssyncset.done $0x0  }
0x65: {  	[sflag:s11] =	ssyncadd.s32 $0xFFFFFC00  }
0x66: {  	[spmem:s2] =	stream.indirect.scatter.add.f32 [tilespmem:s12], [sflag:$0x1], $0x10, s3, s13, $0xb8;
	[tilespmem:$0x8140] =	vst v63  }
0x67: {  	_ =	swait.ge [sflag:s11], $0x800  }
0x68: {  	[sflag:s11] =	ssyncset.done $0x0  }
0x69: {  	[sflag:s11] =	ssyncadd.s32 $0xFFFFF800  }
0x6a: {  	[spmem:s2] =	stream.indirect.scatter.add.f32 [tilespmem:s12], [sflag:$0x1], $0x10, s13, s13, $0xb8;
	[tilespmem:$0x8140] =	vst v63  }
0x6b: {  	_ =	swait.ge [sflag:s11], $0x800  }
0x6c: {  	[sflag:s11] =	ssyncset.done $0x0  }
0x6d: {  	[sflag:s11] =	ssyncadd.s32 $0xFFFFF800  }
0x6e: {  	[spmem:s2] =	stream.indirect.scatter.add.f32 [tilespmem:s12], [sflag:$0x1], $0x10, s14, s13, $0xb8;
	[tilespmem:$0x8140] =	vst v63  }
0x6f: {  	_ =	swait.ge [sflag:s11], $0x800  }
0x70: {  	[sflag:s11] =	ssyncset.done $0x0  }
0x71: {  	[sflag:s11] =	ssyncadd.s32 $0xFFFFF800  }
0x72: {  	[spmem:s2] =	stream.indirect.scatter.add.f32 [tilespmem:s12], [sflag:$0x1], $0x10, s15, s13, $0xb8;
	[tilespmem:$0x8140] =	vst v63  }
0x73: {  	_ =	swait.ge [sflag:s11], $0x800  }
0x74: {  	[sflag:s11] =	ssyncset.done $0x0  }
0x75: {  	[sflag:s11] =	ssyncadd.s32 $0xFFFFF800  }
0x76: {  	[spmem:s2] =	stream.indirect.scatter.add.f32 [tilespmem:s12], [sflag:$0x1], $0x10, s16, s13, $0xb8;
	[tilespmem:$0x8140] =	vst v63  }
0x77: {  	_ =	swait.ge [sflag:s11], $0x800  }
0x78: {  	[sflag:s11] =	ssyncset.done $0x0  }
0x79: {  	[sflag:s11] =	ssyncadd.s32 $0xFFFFF800  }
0x7a: {  	[spmem:s2] =	stream.indirect.scatter.add.f32 [tilespmem:s12], [sflag:$0x1], $0x10, s17, s13, $0xb8;
	[tilespmem:$0x8140] =	vst v63  }
0x7b: {  	_ =	swait.ge [sflag:s11], $0x800  }
0x7c: {  	[sflag:s11] =	ssyncset.done $0x0  }
0x7d: {  	[sflag:s11] =	ssyncadd.s32 $0xFFFFF800  }
0x7e: {  	[spmem:s2] =	stream.indirect.scatter.add.f32 [tilespmem:s12], [sflag:$0x1], $0x10, s18, s13, $0xb8;
	[tilespmem:$0x8140] =	vst v63  }
0x7f: {  	_ =	swait.ge [sflag:s11], $0x800  }
0x80: {  	[sflag:s11] =	ssyncset.done $0x0  }
0x81: {  	[sflag:s11] =	ssyncadd.s32 $0xFFFFF800  }
0x82: {  	[spmem:s2] =	stream.indirect.scatter.add.f32 [tilespmem:s12], [sflag:$0x1], $0x10, s19, s13, $0xb8;
	[tilespmem:$0x8140] =	vst v63  }
0x83: {  	_ =	swait.ge [sflag:s11], $0x800  }
0x84: {  	s21 =	sadd.s32 $0x1, s21;
	[sflag:s11] =	ssyncset.done $0x0  }
0x85: {  	p0 =	sne.s32 s21, s8;
	[sflag:s11] =	ssyncadd.s32 $0xFFFFF800  }
.Ltmp1:
0x86: {  	[bflag:$0x0] =	sbarrier.arrive $0xFFFF;
	(pc) =	sbr.rel @p0 .LBB2_1-.Ltmp1, $4  }
0x87: {  	[hbm:s7], [sflag:s6] =	dma.local [spmem:s20], $0xEA6  }
0x88: {  	_ =	swait.ge [sflag:s11], $0xEA6  }
0x89: {  	[sflag:s11] =	ssyncset.done $0x0  }
0x8a: {  	[sflag:s11] =	ssyncadd.s32 $0xFFFFF15A  }
0x8b: {  	_ =	sfence.sel $0x180000  }
0x8c: {  	[bflag:$0x0] =	sbarrier.arrive $0xFFFF  }
0x8d: {  	p0 =	sne.s32 s1, $0x0;
	_ =	strace $0x90000047  }
0x8e: {  	s0 =	sadd.s32 @!p0 $0x100000, s0;
	[bflag:$0x2] =	sbarrier.arrive $0xFFFF  }
0x8f: {  	[sflag:s0] =	ssyncadd.tile.s32 @!p0 $0x1;
	_ =	shalt  }
.Lfunc_end2:
_tile_overlayer_lowered:
.L_overlay_start_2:
0x90: {  	(tag) =	ssettag $0x2  }
0x91: {  	s0 =	rddreg [dreg:$0x0];
	s2 =	stileid.u32  }
0x92: {  	s1 =	rddreg [dreg:$0x1];
	p0 =	sne.s32 s2, $0x0  }
0x93: {  	s3 =	rddreg [dreg:$0x2];
	[bflag:$0x3] =	sbarrier.arrive $0xFFFF;
	s2 =	simm.s32 @!p0 $0x1C01  }
0x94: {  	[timem:s3], [sflag:s2] =	dma.local @!p0 [hbm:s0], s1  }
0x95: {  	s0 =	simm.s32 @!p0 $0x1  }
0x96: {  	_ =	swait.ge @!p0 [sflag:s0], s1  }
0x97: {  	s1 =	ssub.s32 @!p0 $0x0, s1;
	[sflag:s0] =	ssyncset.done @!p0 $0x0  }
0x98: {  	[sflag:s0] =	ssyncadd.s32 @!p0 s1  }
0x99: {  	[bflag:$0x3] =	sbarrier.arrive $0xFFFF  }
0x9a: {  	_ =	shalt  }

// kernel: kernel.16.cloned.1.call-start
scs
__scs_entry_jumppad:
0x0: {  	(pc) =	sbr.rel $0x88, $3  }
0x1: {  	(tag) =	ssettag $0x0;
	lr =	simm.s32 $0x1  }
0x2: {  	[smem:$0x3F97] =	sst lr;
	_ =	strace $0xD0000000  }
0x3: {  	_ = 	snop  }
0x4: {  	_ = 	snop  }
0x5: {  	_ = 	snop  }
0x6: {  	_ = 	snop  }
0x7: {  	_ = 	snop  }
__scs_overlays_trampoline_lowered:
0x8: {  	[smem:$0x3FA6] =	sst s0  }
0x9: {  	[smem:$0x3FA7] =	sst s1  }
0xa: {  	[smem:$0x3FA8] =	sst s2  }
0xb: {  	[smem:$0x3FA9] =	sst s3  }
0xc: {  	[smem:$0x3FAA] =	sst s4  }
0xd: {  	[smem:$0x3FAB] =	sst s5  }
0xe: {  	[smem:$0x3FAC] =	sst s6  }
0xf: {  	[smem:$0x3FAD] =	sst s7  }
0x10: {  	[smem:$0x3FAE] =	sst s8  }
0x11: {  	[smem:$0x3FAF] =	sst s9;
	s0 =	simm.s32 @!p0 $0x0  }
0x12: {  	s1 =	sld [smem:$0x3F95];
	s0 =	simm.s32 @p0 $0x1  }
0x13: {  	[smem:$0x3FB0] =	sst s0;
	s0 =	simm.s32 @!p1 $0x0  }
0x14: {  	s2 =	sld [smem:$0x3F94];
	s0 =	simm.s32 @p1 $0x1  }
0x15: {  	[smem:$0x3FB1] =	sst s0;
	s0 =	simm.s32 @!p2 $0x0  }
0x16: {  	s3 =	sld [smem:$0x3FDB];
	s0 =	simm.s32 @p2 $0x1  }
0x17: {  	s4 =	simm.s32 $0x1BF5;
	[smem:$0x3FB3] =	sst s0  }
0x18: {  	s0 =	sld [smem:$0x3F96];
	_ =	swait.ge [sflag:s4], $0x0  }
0x19: {  	s7 =	sld [smem:$0x3F97]  }
0x1a: {  	s8 =	sadd.s32 $0xFFFFE003, lr  }
0x1b: {  	s9 =	sadd.s32 $0xFFFFFEF7, lr;
	s5 =	simm.s32 $0xFFFFFFFF;
	p2 =	slt.u32 s8, $0xFFFFF086  }
0x1c: {  	p1 =	slt.u32 s9, $0xF7A;
	s5 =	simm.s32 @!p2 $0x0  }
0x1d: {  	s5 =	simm.s32 @p1 $0x1;
	p0 =	seq.s32 s7, s2  }
0x1e: {  	s7 =	smul.u32 @!p0 $0xF7A, s2;
	p2 =	seq.s32 @!p0 s5, $0x0  }
0x1f: {  	s9 =	smul.u32 $0xF7A, s1;
	s8 =	simm.s32 @!p0 $0x1BF5;
	p2 =	por !p2, p0  }
0x20: {  	[sflag:s8] =	ssyncset.s32 @!p0 $0xFFFFF086;
	s6 =	sadd.s32 @!p0 s3, s7;
	s7 =	simm.s32 @!p0 $0x108  }
0x21: {  	s3 =	sadd.s32 s3, s9;
	s6 =	sadd.s32 @!p0 $0x88, s6;
	s7 =	simm.s32 @p2 $0x1082  }
0x22: {  	[simem:s7], [sflag:s8] =	dma.local @!p0 [hbm:s6], $0xF7A  }
0x23: {  	s9 =	sor.u32 $0xD0000000, s2;
	s6 =	simm.s32 $0x108;
	_ =	swait.ge @!p0 [sflag:s8], $0x0  }
0x24: {  	s3 =	sadd.s32 $0x88, s3;
	s6 =	simm.s32 @!p1 $0x1082;
	[sflag:s4] =	ssyncset.s32 $0xFFFFF086  }
0x25: {  	[simem:s6], [sflag:s4] =	dma.local [hbm:s3], $0xF7A  }
0x26: {  	[smem:$0x3F97] =	sst s1;
	(tag) =	ssettag s2;
	_ =	strace s9  }
0x27: {  	s1 =	sld [smem:$0x3FA7]  }
0x28: {  	s2 =	sld [smem:$0x3FA8]  }
0x29: {  	s4 =	sld [smem:$0x3FAA]  }
0x2a: {  	p0 =	seq.s32 s5, $0x0;
	s5 =	sld [smem:$0x3FAB]  }
0x2b: {  	s6 =	sld [smem:$0x3FAC]  }
0x2c: {  	s7 =	sld [smem:$0x3FAD]  }
0x2d: {  	s3 =	simm.s32 $0x108;
	s8 =	sld [smem:$0x3FAE]  }
0x2e: {  	s3 =	simm.s32 @!p0 $0x1082;
	s9 =	sld [smem:$0x3FAF]  }
0x2f: {  	lr =	sadd.s32 s0, s3;
	s0 =	sld [smem:$0x3FA6]  }
0x30: {  	s3 =	sld [smem:$0x3FA9]  }
0x31: {  	[smem:$0x3FB2] =	sst s10  }
0x32: {  	s10 =	sld [smem:$0x3FB0];
	_ =	sdelay $0x3  }
0x33: {  	p0 =	seq.s32 s10, $0x1;
	s10 =	sld [smem:$0x3FB2];
	_ =	sdelay $0x3  }
0x34: {  	[smem:$0x3FB2] =	sst s10  }
0x35: {  	s10 =	sld [smem:$0x3FB1];
	_ =	sdelay $0x3  }
0x36: {  	p1 =	seq.s32 s10, $0x1;
	s10 =	sld [smem:$0x3FB2];
	_ =	sdelay $0x3  }
0x37: {  	[smem:$0x3FB2] =	sst s10  }
0x38: {  	s10 =	sld [smem:$0x3FB3]  }
0x39: {  	_ = 	snop;
	(pc) =	sbr.ind lr, $3  }
0x3a: {  	_ = 	snop  }
0x3b: {  	_ = 	snop  }
0x3c: {  	p2 =	seq.s32 s10, $0x1;
	s10 =	sld [smem:$0x3FB2]  }
0x3d: {  	_ =	shalt  }
0x3e: {  	_ =	shalt  }
0x3f: {  	_ =	shalt  }
0x40: {  	_ =	shalt  }
0x41: {  	_ =	shalt  }
0x42: {  	_ =	shalt  }
0x43: {  	_ =	shalt  }
0x44: {  	_ =	shalt  }
0x45: {  	_ =	shalt  }
0x46: {  	_ =	shalt  }
0x47: {  	_ =	shalt  }
0x48: {  	_ =	shalt  }
0x49: {  	_ =	shalt  }
0x4a: {  	_ =	shalt  }
0x4b: {  	_ =	shalt  }
0x4c: {  	_ =	shalt  }
0x4d: {  	_ =	shalt  }
0x4e: {  	_ =	shalt  }
0x4f: {  	_ =	shalt  }
0x50: {  	_ =	shalt  }
0x51: {  	_ =	shalt  }
0x52: {  	_ =	shalt  }
0x53: {  	_ =	shalt  }
0x54: {  	_ =	shalt  }
0x55: {  	_ =	shalt  }
0x56: {  	_ =	shalt  }
0x57: {  	_ =	shalt  }
0x58: {  	_ =	shalt  }
0x59: {  	_ =	shalt  }
0x5a: {  	_ =	shalt  }
0x5b: {  	_ =	shalt  }
0x5c: {  	_ =	shalt  }
0x5d: {  	_ =	shalt  }
0x5e: {  	_ =	shalt  }
0x5f: {  	_ =	shalt  }
0x60: {  	_ =	shalt  }
0x61: {  	_ =	shalt  }
0x62: {  	_ =	shalt  }
0x63: {  	_ =	shalt  }
0x64: {  	_ =	shalt  }
0x65: {  	_ =	shalt  }
0x66: {  	_ =	shalt  }
0x67: {  	_ =	shalt  }
0x68: {  	_ =	shalt  }
0x69: {  	_ =	shalt  }
0x6a: {  	_ =	shalt  }
0x6b: {  	_ =	shalt  }
0x6c: {  	_ =	shalt  }
0x6d: {  	_ =	shalt  }
0x6e: {  	_ =	shalt  }
0x6f: {  	_ =	shalt  }
0x70: {  	_ =	shalt  }
0x71: {  	_ =	shalt  }
0x72: {  	_ =	shalt  }
0x73: {  	_ =	shalt  }
0x74: {  	_ =	shalt  }
0x75: {  	_ =	shalt  }
0x76: {  	_ =	shalt  }
0x77: {  	_ =	shalt  }
0x78: {  	_ =	shalt  }
0x79: {  	_ =	shalt  }
0x7a: {  	_ =	shalt  }
0x7b: {  	_ =	shalt  }
0x7c: {  	_ =	shalt  }
0x7d: {  	_ =	shalt  }
0x7e: {  	_ =	shalt  }
0x7f: {  	_ =	shalt  }
0x80: {  	_ =	shalt  }
0x81: {  	_ =	shalt  }
0x82: {  	_ =	shalt  }
0x83: {  	_ =	shalt  }
0x84: {  	_ =	shalt  }
0x85: {  	_ =	shalt  }
0x86: {  	_ =	shalt  }
0x87: {  	_ =	shalt  }
.Lfunc_end0:
.L_simem_size_0:
called_computation.1_lowered:
.L_overlay_start_0:
0x88: {  	s2 =	sld [smem:$0x3FD9]  }
0x89: {  	s3 =	sld [smem:$0x3FFE];
	_ =	sdelay $0x1  }
0x8a: {  	s1 =	srdreg.scid  }
0x8b: {  	s0 =	sand.u32 $0x1, s1  }
0x8c: {  	s17 =	sshll.u32 s0, $0xA;
	s2 =	sadd.s32 s3, s2  }
0x8d: {  	s2 =	sadd.s32 s2, s17  }
0x8e: {  	[smem:$0x3FBE] =	sst s2  }
0x8f: {  	_ = 	snop  }
0x90: {  	s2 =	sld [smem:$0x3FD0];
	(tm) =	ssettm $0x1  }
0x91: {  	s18 =	sld [smem:$0x3FFB];
	_ =	sdelay $0x3  }
0x92: {  	_ =	strace s18  }
0x93: {  	s3 =	sld [smem:$0x3FFC];
	_ =	sdelay $0x3  }
0x94: {  	_ =	strace s3  }
0x95: {  	s3 =	sld [smem:$0x3FFD];
	_ =	sdelay $0x3  }
0x96: {  	_ =	strace s3  }
0x97: {  	_ =	strace $0x8FFFFFFF  }
0x98: {  	s19 =	sld [smem:$0x3FDB];
	_ =	sdelay $0x1  }
0x99: {  	s4 =	simm.s32 $_scs_section_size  }
0x9a: {  	s5 =	simm.s32 $_size__tile_overlayer_lowered;
	s6 =	simm.s32 $_tile_overlayer_lowered  }
0x9b: {  	s22 =	simm.s32 $0x1BFF;
	s21 =	sshll.u32 s6, $0x1;
	s3 =	sadd.s32 s4, s19  }
0x9c: {  	s7 =	simm.s32 $0x0;
	s20 =	sshll.u32 s5, $0x1;
	s5 =	sadd.s32 s21, s3  }
0x9d: {  	[timem:s7], [sflag:s22] =	dma.local [hbm:s5], s20  }
0x9e: {  	_ =	swait.ge [sflag:s22], s20  }
0x9f: {  	s4 =	ssub.s32 $0x0, s20;
	[sflag:s22] =	ssyncset.done $0x0  }
0xa0: {  	[sflag:s22] =	ssyncadd.s32 s4;
	_ =	sdelay $0x1  }
0xa1: {  	s23 =	simm.s32 $0x1B8B  }
0xa2: {  	_ =	swait.ge [sflag:s23], $0x1  }
0xa3: {  	[sflag:s23] =	ssyncset.done $0x0  }
0xa4: {  	s25 =	simm.s32 $0x1B8E;
	s24 =	sld [smem:$0x3FFE];
	[sflag:s23] =	ssyncadd.s32 $0xFFFFFFFF  }
0xa5: {  	s26 =	simm.s32 $execute0_lowered;
	[smem:$0x3FD2] =	sst s25  }
0xa6: {  	s5 =	sshll.u32 s26, $0x1;
	_ =	strace $0x80000049;
	[dreg:$0x1] =	wrdreg $0xFFFFFFFF  }
0xa7: {  	s28 =	simm.s32 $_size_execute0_lowered;
	s3 =	sadd.s32 s3, s5;
	[dreg:$0x0] =	wrdreg $0x0  }
0xa8: {  	s5 =	sshll.u32 s28, $0x1;
	[dreg:$0x2] =	wrdreg s3  }
0xa9: {  	[dreg:$0x3] =	wrdreg s5  }
0xaa: {  	[dreg:$0x4] =	wrdreg $0xC0  }
0xab: {  	_ =	task [dreg:s7], $0x5FFFF  }
0xac: {  	[dreg:$0x1] =	wrdreg $0xFFFFFFFF  }
0xad: {  	[dreg:$0x0] =	wrdreg $0x60  }
0xae: {  	[dreg:$0x2] =	wrdreg s24  }
0xaf: {  	[dreg:$0x3] =	wrdreg s2  }
0xb0: {  	[dreg:$0x4] =	wrdreg $0x28000  }
0xb1: {  	[dreg:$0x5] =	wrdreg $0x9  }
0xb2: {  	_ =	task.clear_ibuf [dreg:s7], $0x6FFFF;
	_ =	strace $0x90000049  }
0xb3: {  	s29 =	simm.s32 $0x9;
	_ =	strace $0x8000004B  }
0xb4: {  	_ =	swait.ge [sflag:s29], $0x1  }
0xb5: {  	[sflag:s29] =	ssyncadd.s32 $0xFFFFFFFF  }
0xb6: {  	_ =	strace $0x9000004B  }
0xb7: {  	_ =	sfence  }
0xb8: {  	s30 =	sld [smem:$0x0];
	_ =	sdelay $0x2  }
0xb9: {  	s31 =	sshll.u32 s1, $0xD;
	s1 =	sshrl.u32 s1, $0x2  }
0xba: {  	s3 =	sand.u32 $0x4000, s31;
	s1 =	sadd.s32 s1, s30  }
0xbb: {  	s0 =	sor.u32 s3, s0;
	s1 =	sshll.u32 s1, $0x11  }
0xbc: {  	s0 =	sor.u32 s1, s0  }
0xbd: {  	s0 =	sadd.s32 $0x8F2B, s0  }
0xbe: {  	[sflag:s0] =	ssyncadd.remote.s32 $0x1  }
0xbf: {  	_ =	sfence.sel $0xFFFF  }
0xc0: {  	[dreg:$0x0] =	wrdreg $0xFFFFFFFF;
	(pc) =	sbr.abs _section_cstart, $3  }
0xc1: {  	[dreg:$0x1] =	wrdreg $0xFFFFFFFF  }
0xc2: {  	_ =	task.clear_ibuf [dreg:s7], $0x2FFFF;
	_ =	strace $0x9FFFFFFF  }
0xc3: {  	(tm) =	ssettm $0x7FFFFFFF  }
tec
execute0_lowered:
.L_overlay_start_1:
0x0: {  	(tag) =	ssettag $0x1  }
0x1: {  	s0 =	rddreg [dreg:$0x0]  }
0x2: {  	s2 =	rddreg [dreg:$0x1]  }
0x3: {  	s3 =	srdreg.scid;
	s1 =	rddreg [dreg:$0x2]  }
0x4: {  	s11 =	stileid.u32;
	s13 =	simm.s32 $0x400;
	s14 =	simm.s32 $0x80  }
0x5: {  	s15 =	simm.s32 $0x800;
	s16 =	simm.s32 $0x1;
	s17 =	simm.s32 $0x480  }
0x6: {  	s18 =	simm.s32 $0x100;
	s19 =	simm.s32 $0x500;
	s20 =	simm.s32 $0x180  }
0x7: {  	s21 =	simm.s32 $0x580;
	s22 =	simm.s32 $0x200;
	s28 =	simm.s32 $0x300  }
0x8: {  	s29 =	simm.s32 $0x700;
	s30 =	simm.s32 $0x380;
	s7 =	smul.u32 $0x1D4C0, s11  }
0x9: {  	s31 =	simm.s32 $0x780;
	s5 =	sand.u32 $0x1, s3;
	s9 =	smul.u32 $0x75400, s11  }
0xa: {  	s3 =	simm.s32 $0x0;
	s24 =	sshll.u32 s11, $0x6;
	s11 =	smul.u32 $0x1D80, s11  }
0xb: {  	s10 =	sadd.s32 $0x2C00, s0;
	s4 =	smul.u32 $0x1D800, s5;
	[smem:$0x7FF] =	sst s3  }
0xc: {  	s6 =	smul.u32 $0x1D4C00, s5;
	s5 =	ssub.s32 $0x2, s5;
	_ =	strace $0x8000004A  }
0xd: {  	[dreg:$0x4] =	wrdreg s10;
	s23 =	sshrl.u32 s5, $0x1;
	s9 =	sshrl.u32 s9, $0x2  }
0xe: {  	s10 =	sadd.s32 s11, s2;
	s8 =	sadd.s32 s4, s0;
	s4 =	sadd.s32 $0x26D800, s0  }
0xf: {  	s6 =	sadd.s32 s7, s6;
	s5 =	ssub.s32 s5, s23;
	s12 =	sadd.s32 s9, s1  }
0x10: {  	s23 =	simm.s32 $0x600;
	s6 =	sshrl.u32 s6, $0x3;
	s25 =	sadd.s32 s11, s8  }
0x11: {  	s5 =	smax.u32 s5, $0x1;
	s26 =	sshrl.u32 s12, $0x3;
	s12 =	simm.s32 $0x2  }
0x12: {  	s0 =	sadd.s32 s6, s0;
	s6 =	sor.u32 $0x1C02, s24;
	[dreg:$0x6] =	wrdreg s5  }
0x13: {  	s9 =	sadd.s32 $0x5DC00, s25;
	[dreg:$0x7] =	wrdreg s26;
	s0 =	sadd.s32 $0x183200, s0  }
0x14: {  	s24 =	simm.s32 $0x280;
	[dreg:$0x5] =	wrdreg s0;
	s0 =	sadd.s32 s7, s1  }
0x15: {  	s26 =	simm.s32 $0x680;
	s25 =	sshrl.u32 s0, $0x3;
	s0 =	simm.s32 $0x0  }
.LBB2_1:
0x16: {  	s2 =	rddreg [dreg:$0x4]  }
0x17: {  	s5 =	rddreg [dreg:$0x7]  }
0x18: {  	[spmem:s5], [sflag:s6] =	dma.local [hbm:s2], $0x3AA0  }
0x19: {  	_ =	swait.ge [sflag:s12], $0x3AA0  }
0x1a: {  	[sflag:s12] =	ssyncset.done $0x0  }
0x1b: {  	[sflag:s12] =	ssyncadd.s32 $0xFFFFC560  }
0x1c: {  	s8 =	sadd.s32 $0x0, s9;
	[bflag:$0x0] =	sbarrier.arrive $0xFFFF  }
0x1d: {  	[tilespmem:s3], [sflag:$0x2] =	stream.linear.gather [hbm4b:s8+s3], $0x400, $0x38;
	[tilespmem:$0x1FD00] =	vst v63  }
0x1e: {  	_ =	swait.ge [sflag:s12], $0x400  }
0x1f: {  	[sflag:s12] =	ssyncset.done $0x0  }
0x20: {  	s11 =	sadd.s32 $0x0, s10;
	[sflag:s12] =	ssyncadd.s32 $0xFFFFFC00  }
0x21: {  	[tilespmem:s13], [sflag:$0x2] =	stream.linear.gather [hbm4b:s11+s3], $0x400, $0x38;
	[tilespmem:$0x1FD00] =	vst v63  }
0x22: {  	_ =	swait.ge [sflag:s12], $0x400  }
0x23: {  	[sflag:s12] =	ssyncset.done $0x0  }
0x24: {  	[sflag:s12] =	ssyncadd.s32 $0xFFFFFC00  }
0x25: {  	[tilespmem:s15], [sflag:$0x1] =	stream.indirect.gather [hbm4b:s4+s14], $0x40, s3, s14, $0xb8;
	[tilespmem:$0x1FD00] =	vst v63  }
0x26: {  	_ =	swait.ge [sflag:s16], $0x2000  }
0x27: {  	[sflag:s16] =	ssyncset.done $0x0  }
0x28: {  	[sflag:s16] =	ssyncadd.s32 $0xFFFFE000  }
0x29: {  	[spmem:s1] =	stream.indirect.scatter.add.f32 [tilespmem:s15], [sflag:$0x2], $0x40, s13, s14, $0xb8;
	[tilespmem:$0x1FD00] =	vst v63  }
0x2a: {  	_ =	swait.ge [sflag:s12], $0x2000  }
0x2b: {  	[sflag:s12] =	ssyncset.done $0x0  }
0x2c: {  	[sflag:s12] =	ssyncadd.s32 $0xFFFFE000  }
0x2d: {  	[tilespmem:s15], [sflag:$0x1] =	stream.indirect.gather [hbm4b:s4+s14], $0x40, s14, s14, $0xb8;
	[tilespmem:$0x1FD00] =	vst v63  }
0x2e: {  	_ =	swait.ge [sflag:s16], $0x2000  }
0x2f: {  	[sflag:s16] =	ssyncset.done $0x0  }
0x30: {  	[sflag:s16] =	ssyncadd.s32 $0xFFFFE000  }
0x31: {  	[spmem:s1] =	stream.indirect.scatter.add.f32 [tilespmem:s15], [sflag:$0x2], $0x40, s17, s14, $0xb8;
	[tilespmem:$0x1FD00] =	vst v63  }
0x32: {  	_ =	swait.ge [sflag:s12], $0x2000  }
0x33: {  	[sflag:s12] =	ssyncset.done $0x0  }
0x34: {  	[sflag:s12] =	ssyncadd.s32 $0xFFFFE000  }
0x35: {  	[tilespmem:s15], [sflag:$0x1] =	stream.indirect.gather [hbm4b:s4+s14], $0x40, s18, s14, $0xb8;
	[tilespmem:$0x1FD00] =	vst v63  }
0x36: {  	_ =	swait.ge [sflag:s16], $0x2000  }
0x37: {  	[sflag:s16] =	ssyncset.done $0x0  }
0x38: {  	[sflag:s16] =	ssyncadd.s32 $0xFFFFE000  }
0x39: {  	[spmem:s1] =	stream.indirect.scatter.add.f32 [tilespmem:s15], [sflag:$0x2], $0x40, s19, s14, $0xb8;
	[tilespmem:$0x1FD00] =	vst v63  }
0x3a: {  	_ =	swait.ge [sflag:s12], $0x2000  }
0x3b: {  	[sflag:s12] =	ssyncset.done $0x0  }
0x3c: {  	[sflag:s12] =	ssyncadd.s32 $0xFFFFE000  }
0x3d: {  	[tilespmem:s15], [sflag:$0x1] =	stream.indirect.gather [hbm4b:s4+s14], $0x40, s20, s14, $0xb8;
	[tilespmem:$0x1FD00] =	vst v63  }
0x3e: {  	_ =	swait.ge [sflag:s16], $0x2000  }
0x3f: {  	[sflag:s16] =	ssyncset.done $0x0  }
0x40: {  	[sflag:s16] =	ssyncadd.s32 $0xFFFFE000  }
0x41: {  	[spmem:s1] =	stream.indirect.scatter.add.f32 [tilespmem:s15], [sflag:$0x2], $0x40, s21, s14, $0xb8;
	[tilespmem:$0x1FD00] =	vst v63  }
0x42: {  	_ =	swait.ge [sflag:s12], $0x2000  }
0x43: {  	[sflag:s12] =	ssyncset.done $0x0  }
0x44: {  	[sflag:s12] =	ssyncadd.s32 $0xFFFFE000  }
0x45: {  	[tilespmem:s15], [sflag:$0x1] =	stream.indirect.gather [hbm4b:s4+s14], $0x40, s22, s14, $0xb8;
	[tilespmem:$0x1FD00] =	vst v63  }
0x46: {  	_ =	swait.ge [sflag:s16], $0x2000  }
0x47: {  	[sflag:s16] =	ssyncset.done $0x0  }
0x48: {  	[sflag:s16] =	ssyncadd.s32 $0xFFFFE000  }
0x49: {  	[spmem:s1] =	stream.indirect.scatter.add.f32 [tilespmem:s15], [sflag:$0x2], $0x40, s23, s14, $0xb8;
	[tilespmem:$0x1FD00] =	vst v63  }
0x4a: {  	_ =	swait.ge [sflag:s12], $0x2000  }
0x4b: {  	[sflag:s12] =	ssyncset.done $0x0  }
0x4c: {  	[sflag:s12] =	ssyncadd.s32 $0xFFFFE000  }
0x4d: {  	[tilespmem:s15], [sflag:$0x1] =	stream.indirect.gather [hbm4b:s4+s14], $0x40, s24, s14, $0xb8;
	[tilespmem:$0x1FD00] =	vst v63  }
0x4e: {  	_ =	swait.ge [sflag:s16], $0x2000  }
0x4f: {  	[sflag:s16] =	ssyncset.done $0x0  }
0x50: {  	[sflag:s16] =	ssyncadd.s32 $0xFFFFE000  }
0x51: {  	[spmem:s1] =	stream.indirect.scatter.add.f32 [tilespmem:s15], [sflag:$0x2], $0x40, s26, s14, $0xb8;
	[tilespmem:$0x1FD00] =	vst v63  }
0x52: {  	_ =	swait.ge [sflag:s12], $0x2000  }
0x53: {  	[sflag:s12] =	ssyncset.done $0x0  }
0x54: {  	[sflag:s12] =	ssyncadd.s32 $0xFFFFE000  }
0x55: {  	[tilespmem:s15], [sflag:$0x1] =	stream.indirect.gather [hbm4b:s4+s14], $0x40, s28, s14, $0xb8;
	[tilespmem:$0x1FD00] =	vst v63  }
0x56: {  	_ =	swait.ge [sflag:s16], $0x2000  }
0x57: {  	[sflag:s16] =	ssyncset.done $0x0  }
0x58: {  	[sflag:s16] =	ssyncadd.s32 $0xFFFFE000  }
0x59: {  	[spmem:s1] =	stream.indirect.scatter.add.f32 [tilespmem:s15], [sflag:$0x2], $0x40, s29, s14, $0xb8;
	[tilespmem:$0x1FD00] =	vst v63  }
0x5a: {  	_ =	swait.ge [sflag:s12], $0x2000  }
0x5b: {  	[sflag:s12] =	ssyncset.done $0x0  }
0x5c: {  	[sflag:s12] =	ssyncadd.s32 $0xFFFFE000  }
0x5d: {  	[tilespmem:s15], [sflag:$0x1] =	stream.indirect.gather [hbm4b:s4+s14], $0x40, s30, s14, $0xb8;
	[tilespmem:$0x1FD00] =	vst v63  }
0x5e: {  	_ =	swait.ge [sflag:s16], $0x2000  }
0x5f: {  	[sflag:s16] =	ssyncset.done $0x0  }
0x60: {  	[sflag:s16] =	ssyncadd.s32 $0xFFFFE000  }
0x61: {  	[spmem:s1] =	stream.indirect.scatter.add.f32 [tilespmem:s15], [sflag:$0x2], $0x40, s31, s14, $0xb8;
	[tilespmem:$0x1FD00] =	vst v63  }
0x62: {  	_ =	swait.ge [sflag:s12], $0x2000  }
0x63: {  	s2 =	simm.s32 $0x80;
	s5 =	simm.s32 $0x100;
	[sflag:s12] =	ssyncset.done $0x0  }
.LBB2_2:
0x64: {  	s8 =	sadd.s32 s2, s9  }
0x65: {  	[sflag:s12] =	ssyncadd.s32 $0xFFFFE000;
	s11 =	smov.u32 s5;
	s7 =	sadd.s32 $0x80, s5  }
0x66: {  	[tilespmem:s3], [sflag:$0x2] =	stream.linear.gather [hbm4b:s8+s3], $0x400, $0x38;
	[tilespmem:$0x1FD00] =	vst v63  }
0x67: {  	p0 =	sne.s32 s5, $0x1D00;
	_ =	swait.ge [sflag:s12], $0x400  }
0x68: {  	[sflag:s12] =	ssyncset.done $0x0  }
0x69: {  	s5 =	sadd.s32 s2, s10;
	s2 =	smov.u32 s11;
	[sflag:s12] =	ssyncadd.s32 $0xFFFFFC00  }
0x6a: {  	[tilespmem:s13], [sflag:$0x2] =	stream.linear.gather [hbm4b:s5+s3], $0x400, $0x38;
	[tilespmem:$0x1FD00] =	vst v63  }
0x6b: {  	_ =	swait.ge [sflag:s12], $0x400  }
0x6c: {  	[sflag:s12] =	ssyncset.done $0x0  }
0x6d: {  	[sflag:s12] =	ssyncadd.s32 $0xFFFFFC00  }
0x6e: {  	[tilespmem:s15], [sflag:$0x1] =	stream.indirect.gather [hbm4b:s4+s14], $0x40, s3, s14, $0xb8;
	[tilespmem:$0x1FD00] =	vst v63  }
0x6f: {  	_ =	swait.ge [sflag:s16], $0x2000  }
0x70: {  	[sflag:s16] =	ssyncset.done $0x0  }
0x71: {  	[sflag:s16] =	ssyncadd.s32 $0xFFFFE000  }
0x72: {  	[spmem:s1] =	stream.indirect.scatter.add.f32 [tilespmem:s15], [sflag:$0x2], $0x40, s13, s14, $0xb8;
	[tilespmem:$0x1FD00] =	vst v63  }
0x73: {  	_ =	swait.ge [sflag:s12], $0x2000  }
0x74: {  	[sflag:s12] =	ssyncset.done $0x0  }
0x75: {  	[sflag:s12] =	ssyncadd.s32 $0xFFFFE000  }
0x76: {  	[tilespmem:s15], [sflag:$0x1] =	stream.indirect.gather [hbm4b:s4+s14], $0x40, s14, s14, $0xb8;
	[tilespmem:$0x1FD00] =	vst v63  }
0x77: {  	_ =	swait.ge [sflag:s16], $0x2000  }
0x78: {  	[sflag:s16] =	ssyncset.done $0x0  }
0x79: {  	[sflag:s16] =	ssyncadd.s32 $0xFFFFE000  }
0x7a: {  	[spmem:s1] =	stream.indirect.scatter.add.f32 [tilespmem:s15], [sflag:$0x2], $0x40, s17, s14, $0xb8;
	[tilespmem:$0x1FD00] =	vst v63  }
0x7b: {  	_ =	swait.ge [sflag:s12], $0x2000  }
0x7c: {  	[sflag:s12] =	ssyncset.done $0x0  }
0x7d: {  	[sflag:s12] =	ssyncadd.s32 $0xFFFFE000  }
0x7e: {  	[tilespmem:s15], [sflag:$0x1] =	stream.indirect.gather [hbm4b:s4+s14], $0x40, s18, s14, $0xb8;
	[tilespmem:$0x1FD00] =	vst v63  }
0x7f: {  	_ =	swait.ge [sflag:s16], $0x2000  }
0x80: {  	[sflag:s16] =	ssyncset.done $0x0  }
0x81: {  	[sflag:s16] =	ssyncadd.s32 $0xFFFFE000  }
0x82: {  	[spmem:s1] =	stream.indirect.scatter.add.f32 [tilespmem:s15], [sflag:$0x2], $0x40, s19, s14, $0xb8;
	[tilespmem:$0x1FD00] =	vst v63  }
0x83: {  	_ =	swait.ge [sflag:s12], $0x2000  }
0x84: {  	[sflag:s12] =	ssyncset.done $0x0  }
0x85: {  	[sflag:s12] =	ssyncadd.s32 $0xFFFFE000  }
0x86: {  	[tilespmem:s15], [sflag:$0x1] =	stream.indirect.gather [hbm4b:s4+s14], $0x40, s20, s14, $0xb8;
	[tilespmem:$0x1FD00] =	vst v63  }
0x87: {  	_ =	swait.ge [sflag:s16], $0x2000  }
0x88: {  	[sflag:s16] =	ssyncset.done $0x0  }
0x89: {  	[sflag:s16] =	ssyncadd.s32 $0xFFFFE000  }
0x8a: {  	[spmem:s1] =	stream.indirect.scatter.add.f32 [tilespmem:s15], [sflag:$0x2], $0x40, s21, s14, $0xb8;
	[tilespmem:$0x1FD00] =	vst v63  }
0x8b: {  	_ =	swait.ge [sflag:s12], $0x2000  }
0x8c: {  	[sflag:s12] =	ssyncset.done $0x0  }
0x8d: {  	[sflag:s12] =	ssyncadd.s32 $0xFFFFE000  }
0x8e: {  	[tilespmem:s15], [sflag:$0x1] =	stream.indirect.gather [hbm4b:s4+s14], $0x40, s22, s14, $0xb8;
	[tilespmem:$0x1FD00] =	vst v63  }
0x8f: {  	_ =	swait.ge [sflag:s16], $0x2000  }
0x90: {  	[sflag:s16] =	ssyncset.done $0x0  }
0x91: {  	[sflag:s16] =	ssyncadd.s32 $0xFFFFE000  }
0x92: {  	[spmem:s1] =	stream.indirect.scatter.add.f32 [tilespmem:s15], [sflag:$0x2], $0x40, s23, s14, $0xb8;
	[tilespmem:$0x1FD00] =	vst v63  }
0x93: {  	_ =	swait.ge [sflag:s12], $0x2000  }
0x94: {  	[sflag:s12] =	ssyncset.done $0x0  }
0x95: {  	[sflag:s12] =	ssyncadd.s32 $0xFFFFE000  }
0x96: {  	[tilespmem:s15], [sflag:$0x1] =	stream.indirect.gather [hbm4b:s4+s14], $0x40, s24, s14, $0xb8;
	[tilespmem:$0x1FD00] =	vst v63  }
0x97: {  	_ =	swait.ge [sflag:s16], $0x2000  }
0x98: {  	[sflag:s16] =	ssyncset.done $0x0  }
0x99: {  	[sflag:s16] =	ssyncadd.s32 $0xFFFFE000  }
0x9a: {  	[spmem:s1] =	stream.indirect.scatter.add.f32 [tilespmem:s15], [sflag:$0x2], $0x40, s26, s14, $0xb8;
	[tilespmem:$0x1FD00] =	vst v63  }
0x9b: {  	_ =	swait.ge [sflag:s12], $0x2000  }
0x9c: {  	[sflag:s12] =	ssyncset.done $0x0  }
0x9d: {  	[sflag:s12] =	ssyncadd.s32 $0xFFFFE000  }
0x9e: {  	[tilespmem:s15], [sflag:$0x1] =	stream.indirect.gather [hbm4b:s4+s14], $0x40, s28, s14, $0xb8;
	[tilespmem:$0x1FD00] =	vst v63  }
0x9f: {  	_ =	swait.ge [sflag:s16], $0x2000  }
0xa0: {  	[sflag:s16] =	ssyncset.done $0x0  }
0xa1: {  	[sflag:s16] =	ssyncadd.s32 $0xFFFFE000  }
0xa2: {  	[spmem:s1] =	stream.indirect.scatter.add.f32 [tilespmem:s15], [sflag:$0x2], $0x40, s29, s14, $0xb8;
	[tilespmem:$0x1FD00] =	vst v63  }
0xa3: {  	_ =	swait.ge [sflag:s12], $0x2000  }
0xa4: {  	[sflag:s12] =	ssyncset.done $0x0  }
0xa5: {  	[sflag:s12] =	ssyncadd.s32 $0xFFFFE000  }
0xa6: {  	[tilespmem:s15], [sflag:$0x1] =	stream.indirect.gather [hbm4b:s4+s14], $0x40, s30, s14, $0xb8;
	[tilespmem:$0x1FD00] =	vst v63  }
0xa7: {  	_ =	swait.ge [sflag:s16], $0x2000  }
.Ltmp0:
0xa8: {  	[sflag:s16] =	ssyncset.done $0x0;
	(pc) =	sbr.rel @p0 .LBB2_2-.Ltmp0, $4  }
0xa9: {  	[sflag:s16] =	ssyncadd.s32 $0xFFFFE000  }
0xaa: {  	[spmem:s1] =	stream.indirect.scatter.add.f32 [tilespmem:s15], [sflag:$0x2], $0x40, s31, s14, $0xb8;
	[tilespmem:$0x1FD00] =	vst v63  }
0xab: {  	_ =	swait.ge [sflag:s12], $0x2000  }
0xac: {  	s5 =	smov.u32 s7;
	[sflag:s12] =	ssyncset.done $0x0  }
0xad: {  	s5 =	sadd.s32 s2, s9;
	[sflag:s12] =	ssyncadd.s32 $0xFFFFE000  }
0xae: {  	[tilespmem:s3], [sflag:$0x2] =	stream.linear.gather [hbm4b:s5+s3], $0x400, $0x38;
	[tilespmem:$0x1FD00] =	vst v63  }
0xaf: {  	_ =	swait.ge [sflag:s12], $0x400  }
0xb0: {  	[sflag:s12] =	ssyncset.done $0x0  }
0xb1: {  	s7 =	sadd.s32 s2, s10;
	[sflag:s12] =	ssyncadd.s32 $0xFFFFFC00  }
0xb2: {  	[tilespmem:s13], [sflag:$0x2] =	stream.linear.gather [hbm4b:s7+s3], $0x400, $0x38;
	[tilespmem:$0x1FD00] =	vst v63  }
0xb3: {  	_ =	swait.ge [sflag:s12], $0x400  }
0xb4: {  	[sflag:s12] =	ssyncset.done $0x0  }
0xb5: {  	[sflag:s12] =	ssyncadd.s32 $0xFFFFFC00  }
0xb6: {  	[tilespmem:s15], [sflag:$0x1] =	stream.indirect.gather [hbm4b:s4+s14], $0x40, s3, s14, $0xb8;
	[tilespmem:$0x1FD00] =	vst v63  }
0xb7: {  	_ =	swait.ge [sflag:s16], $0x2000  }
0xb8: {  	[sflag:s16] =	ssyncset.done $0x0  }
0xb9: {  	[sflag:s16] =	ssyncadd.s32 $0xFFFFE000  }
0xba: {  	[spmem:s1] =	stream.indirect.scatter.add.f32 [tilespmem:s15], [sflag:$0x2], $0x40, s13, s14, $0xb8;
	[tilespmem:$0x1FD00] =	vst v63  }
0xbb: {  	_ =	swait.ge [sflag:s12], $0x2000  }
0xbc: {  	[sflag:s12] =	ssyncset.done $0x0  }
0xbd: {  	[sflag:s12] =	ssyncadd.s32 $0xFFFFE000  }
0xbe: {  	[tilespmem:s15], [sflag:$0x1] =	stream.indirect.gather [hbm4b:s4+s14], $0x40, s14, s14, $0xb8;
	[tilespmem:$0x1FD00] =	vst v63  }
0xbf: {  	_ =	swait.ge [sflag:s16], $0x2000  }
0xc0: {  	[sflag:s16] =	ssyncset.done $0x0  }
0xc1: {  	[sflag:s16] =	ssyncadd.s32 $0xFFFFE000  }
0xc2: {  	[spmem:s1] =	stream.indirect.scatter.add.f32 [tilespmem:s15], [sflag:$0x2], $0x40, s17, s14, $0xb8;
	[tilespmem:$0x1FD00] =	vst v63  }
0xc3: {  	_ =	swait.ge [sflag:s12], $0x2000  }
0xc4: {  	[sflag:s12] =	ssyncset.done $0x0  }
0xc5: {  	[sflag:s12] =	ssyncadd.s32 $0xFFFFE000  }
0xc6: {  	[tilespmem:s15], [sflag:$0x1] =	stream.indirect.gather [hbm4b:s4+s14], $0x40, s18, s14, $0xb8;
	[tilespmem:$0x1FD00] =	vst v63  }
0xc7: {  	_ =	swait.ge [sflag:s16], $0x2000  }
0xc8: {  	[sflag:s16] =	ssyncset.done $0x0  }
0xc9: {  	[sflag:s16] =	ssyncadd.s32 $0xFFFFE000  }
0xca: {  	[spmem:s1] =	stream.indirect.scatter.add.f32 [tilespmem:s15], [sflag:$0x2], $0x40, s19, s14, $0xb8;
	[tilespmem:$0x1FD00] =	vst v63  }
0xcb: {  	_ =	swait.ge [sflag:s12], $0x2000  }
0xcc: {  	[sflag:s12] =	ssyncset.done $0x0  }
0xcd: {  	[sflag:s12] =	ssyncadd.s32 $0xFFFFE000  }
0xce: {  	[tilespmem:s15], [sflag:$0x1] =	stream.indirect.gather [hbm4b:s4+s14], $0x40, s20, s14, $0xb8;
	[tilespmem:$0x1FD00] =	vst v63  }
0xcf: {  	_ =	swait.ge [sflag:s16], $0x2000  }
0xd0: {  	[sflag:s16] =	ssyncset.done $0x0  }
0xd1: {  	[sflag:s16] =	ssyncadd.s32 $0xFFFFE000  }
0xd2: {  	[spmem:s1] =	stream.indirect.scatter.add.f32 [tilespmem:s15], [sflag:$0x2], $0x40, s21, s14, $0xb8;
	[tilespmem:$0x1FD00] =	vst v63  }
0xd3: {  	_ =	swait.ge [sflag:s12], $0x2000  }
0xd4: {  	[sflag:s12] =	ssyncset.done $0x0  }
0xd5: {  	[sflag:s12] =	ssyncadd.s32 $0xFFFFE000  }
0xd6: {  	[tilespmem:s15], [sflag:$0x1] =	stream.indirect.gather [hbm4b:s4+s14], $0x40, s22, s14, $0xb8;
	[tilespmem:$0x1FD00] =	vst v63  }
0xd7: {  	_ =	swait.ge [sflag:s16], $0x2000  }
0xd8: {  	[sflag:s16] =	ssyncset.done $0x0  }
0xd9: {  	[sflag:s16] =	ssyncadd.s32 $0xFFFFE000  }
0xda: {  	[spmem:s1] =	stream.indirect.scatter.add.f32 [tilespmem:s15], [sflag:$0x2], $0x40, s23, s14, $0xb8;
	[tilespmem:$0x1FD00] =	vst v63  }
0xdb: {  	_ =	swait.ge [sflag:s12], $0x2000  }
0xdc: {  	[sflag:s12] =	ssyncset.done $0x0  }
0xdd: {  	[sflag:s12] =	ssyncadd.s32 $0xFFFFE000  }
0xde: {  	[tilespmem:s15], [sflag:$0x1] =	stream.indirect.gather [hbm4b:s4+s14], $0x40, s24, s14, $0xb8;
	[tilespmem:$0x1FD00] =	vst v63  }
0xdf: {  	_ =	swait.ge [sflag:s16], $0x2000  }
0xe0: {  	[sflag:s16] =	ssyncset.done $0x0  }
0xe1: {  	[sflag:s16] =	ssyncadd.s32 $0xFFFFE000  }
0xe2: {  	[spmem:s1] =	stream.indirect.scatter.add.f32 [tilespmem:s15], [sflag:$0x2], $0x40, s26, s14, $0xb8;
	[tilespmem:$0x1FD00] =	vst v63  }
0xe3: {  	_ =	swait.ge [sflag:s12], $0x2000  }
0xe4: {  	[sflag:s12] =	ssyncset.done $0x0  }
0xe5: {  	[sflag:s12] =	ssyncadd.s32 $0xFFFFE000  }
0xe6: {  	[tilespmem:s15], [sflag:$0x1] =	stream.indirect.gather [hbm4b:s4+s14], $0x40, s28, s14, $0xb8;
	[tilespmem:$0x1FD00] =	vst v63  }
0xe7: {  	_ =	swait.ge [sflag:s16], $0x2000  }
0xe8: {  	[sflag:s16] =	ssyncset.done $0x0  }
0xe9: {  	[sflag:s16] =	ssyncadd.s32 $0xFFFFE000  }
0xea: {  	[spmem:s1] =	stream.indirect.scatter.add.f32 [tilespmem:s15], [sflag:$0x2], $0x40, s29, s14, $0xb8;
	[tilespmem:$0x1FD00] =	vst v63  }
0xeb: {  	_ =	swait.ge [sflag:s12], $0x2000  }
0xec: {  	[sflag:s12] =	ssyncset.done $0x0  }
0xed: {  	[sflag:s12] =	ssyncadd.s32 $0xFFFFE000  }
0xee: {  	[tilespmem:s15], [sflag:$0x1] =	stream.indirect.gather [hbm4b:s4+s14], $0x40, s30, s14, $0xb8;
	[tilespmem:$0x1FD00] =	vst v63  }
0xef: {  	_ =	swait.ge [sflag:s16], $0x2000  }
0xf0: {  	[sflag:s16] =	ssyncset.done $0x0  }
0xf1: {  	[sflag:s16] =	ssyncadd.s32 $0xFFFFE000  }
0xf2: {  	[spmem:s1] =	stream.indirect.scatter.add.f32 [tilespmem:s15], [sflag:$0x2], $0x40, s31, s14, $0xb8;
	[tilespmem:$0x1FD00] =	vst v63  }
0xf3: {  	_ =	swait.ge [sflag:s12], $0x2000  }
0xf4: {  	[sflag:s12] =	ssyncset.done $0x0  }
0xf5: {  	[sflag:s12] =	ssyncadd.s32 $0xFFFFE000  }
0xf6: {  	[bflag:$0x0] =	sbarrier.arrive $0xFFFF  }
0xf7: {  	s8 =	rddreg [dreg:$0x5]  }
0xf8: {  	[hbm:s8], [sflag:s6] =	dma.local [spmem:s25], $0x3A98  }
0xf9: {  	_ =	swait.ge [sflag:s12], $0x3A98  }
0xfa: {  	s0 =	sadd.s32 $0x1, s0;
	s11 =	rddreg [dreg:$0x6]  }
0xfb: {  	p0 =	sne.s32 s0, s11  }
.Ltmp1:
0xfc: {  	_ = 	snop;
	(pc) =	sbr.rel @p0 .LBB2_1-.Ltmp1, $3  }
0xfd: {  	_ =	sdelay $0x1  }
0xfe: {  	[sflag:s12] =	ssyncset.done $0x0  }
0xff: {  	[sflag:s12] =	ssyncadd.s32 $0xFFFFC568  }
0x100: {  	_ =	sfence.sel $0x180000  }
0x101: {  	[bflag:$0x0] =	sbarrier.arrive $0xFFFF  }
0x102: {  	_ =	strace $0x9000004A  }
0x103: {  	s0 =	stileid.u32;
	[bflag:$0x2] =	sbarrier.arrive $0xFFFF  }
0x104: {  	p0 =	sne.s32 s0, $0x0;
	s0 =	rddreg [dreg:$0x3]  }
0x105: {  	s0 =	sadd.s32 @!p0 $0x100000, s0  }
0x106: {  	[sflag:s0] =	ssyncadd.tile.s32 @!p0 $0x1;
	_ =	shalt  }
.Lfunc_end2:
_tile_overlayer_lowered:
.L_overlay_start_2:
0x107: {  	(tag) =	ssettag $0x2  }
0x108: {  	s0 =	rddreg [dreg:$0x0];
	s2 =	stileid.u32  }
0x109: {  	s1 =	rddreg [dreg:$0x1];
	p0 =	sne.s32 s2, $0x0  }
0x10a: {  	s3 =	rddreg [dreg:$0x2];
	[bflag:$0x3] =	sbarrier.arrive $0xFFFF;
	s2 =	simm.s32 @!p0 $0x1C02  }
0x10b: {  	[timem:s3], [sflag:s2] =	dma.local @!p0 [hbm:s0], s1  }
0x10c: {  	s0 =	simm.s32 @!p0 $0x2  }
0x10d: {  	_ =	swait.ge @!p0 [sflag:s0], s1  }
0x10e: {  	s1 =	ssub.s32 @!p0 $0x0, s1;
	[sflag:s0] =	ssyncset.done @!p0 $0x0  }
0x10f: {  	[sflag:s0] =	ssyncadd.s32 @!p0 s1  }
0x110: {  	[bflag:$0x3] =	sbarrier.arrive $0xFFFF  }
0x111: {  	_ =	shalt  }

// kernel: kernel.19.cloned.1.call-start
scs
__scs_entry_jumppad:
0x0: {  	(pc) =	sbr.rel $0x88, $3  }
0x1: {  	(tag) =	ssettag $0x0;
	lr =	simm.s32 $0x1  }
0x2: {  	[smem:$0x3F97] =	sst lr;
	_ =	strace $0xD0000000  }
0x3: {  	_ = 	snop  }
0x4: {  	_ = 	snop  }
0x5: {  	_ = 	snop  }
0x6: {  	_ = 	snop  }
0x7: {  	_ = 	snop  }
__scs_overlays_trampoline_lowered:
0x8: {  	[smem:$0x3FA6] =	sst s0  }
0x9: {  	[smem:$0x3FA7] =	sst s1  }
0xa: {  	[smem:$0x3FA8] =	sst s2  }
0xb: {  	[smem:$0x3FA9] =	sst s3  }
0xc: {  	[smem:$0x3FAA] =	sst s4  }
0xd: {  	[smem:$0x3FAB] =	sst s5  }
0xe: {  	[smem:$0x3FAC] =	sst s6  }
0xf: {  	[smem:$0x3FAD] =	sst s7  }
0x10: {  	[smem:$0x3FAE] =	sst s8  }
0x11: {  	[smem:$0x3FAF] =	sst s9;
	s0 =	simm.s32 @!p0 $0x0  }
0x12: {  	s1 =	sld [smem:$0x3F95];
	s0 =	simm.s32 @p0 $0x1  }
0x13: {  	[smem:$0x3FB0] =	sst s0;
	s0 =	simm.s32 @!p1 $0x0  }
0x14: {  	s2 =	sld [smem:$0x3F94];
	s0 =	simm.s32 @p1 $0x1  }
0x15: {  	[smem:$0x3FB1] =	sst s0;
	s0 =	simm.s32 @!p2 $0x0  }
0x16: {  	s3 =	sld [smem:$0x3FDB];
	s0 =	simm.s32 @p2 $0x1  }
0x17: {  	s4 =	simm.s32 $0x1BF5;
	[smem:$0x3FB3] =	sst s0  }
0x18: {  	s0 =	sld [smem:$0x3F96];
	_ =	swait.ge [sflag:s4], $0x0  }
0x19: {  	s7 =	sld [smem:$0x3F97]  }
0x1a: {  	s8 =	sadd.s32 $0xFFFFE003, lr  }
0x1b: {  	s9 =	sadd.s32 $0xFFFFFEF7, lr;
	s5 =	simm.s32 $0xFFFFFFFF;
	p2 =	slt.u32 s8, $0xFFFFF086  }
0x1c: {  	p1 =	slt.u32 s9, $0xF7A;
	s5 =	simm.s32 @!p2 $0x0  }
0x1d: {  	s5 =	simm.s32 @p1 $0x1;
	p0 =	seq.s32 s7, s2  }
0x1e: {  	s7 =	smul.u32 @!p0 $0xF7A, s2;
	p2 =	seq.s32 @!p0 s5, $0x0  }
0x1f: {  	s9 =	smul.u32 $0xF7A, s1;
	s8 =	simm.s32 @!p0 $0x1BF5;
	p2 =	por !p2, p0  }
0x20: {  	[sflag:s8] =	ssyncset.s32 @!p0 $0xFFFFF086;
	s6 =	sadd.s32 @!p0 s3, s7;
	s7 =	simm.s32 @!p0 $0x108  }
0x21: {  	s3 =	sadd.s32 s3, s9;
	s6 =	sadd.s32 @!p0 $0x88, s6;
	s7 =	simm.s32 @p2 $0x1082  }
0x22: {  	[simem:s7], [sflag:s8] =	dma.local @!p0 [hbm:s6], $0xF7A  }
0x23: {  	s9 =	sor.u32 $0xD0000000, s2;
	s6 =	simm.s32 $0x108;
	_ =	swait.ge @!p0 [sflag:s8], $0x0  }
0x24: {  	s3 =	sadd.s32 $0x88, s3;
	s6 =	simm.s32 @!p1 $0x1082;
	[sflag:s4] =	ssyncset.s32 $0xFFFFF086  }
0x25: {  	[simem:s6], [sflag:s4] =	dma.local [hbm:s3], $0xF7A  }
0x26: {  	[smem:$0x3F97] =	sst s1;
	(tag) =	ssettag s2;
	_ =	strace s9  }
0x27: {  	s1 =	sld [smem:$0x3FA7]  }
0x28: {  	s2 =	sld [smem:$0x3FA8]  }
0x29: {  	s4 =	sld [smem:$0x3FAA]  }
0x2a: {  	p0 =	seq.s32 s5, $0x0;
	s5 =	sld [smem:$0x3FAB]  }
0x2b: {  	s6 =	sld [smem:$0x3FAC]  }
0x2c: {  	s7 =	sld [smem:$0x3FAD]  }
0x2d: {  	s3 =	simm.s32 $0x108;
	s8 =	sld [smem:$0x3FAE]  }
0x2e: {  	s3 =	simm.s32 @!p0 $0x1082;
	s9 =	sld [smem:$0x3FAF]  }
0x2f: {  	lr =	sadd.s32 s0, s3;
	s0 =	sld [smem:$0x3FA6]  }
0x30: {  	s3 =	sld [smem:$0x3FA9]  }
0x31: {  	[smem:$0x3FB2] =	sst s10  }
0x32: {  	s10 =	sld [smem:$0x3FB0];
	_ =	sdelay $0x3  }
0x33: {  	p0 =	seq.s32 s10, $0x1;
	s10 =	sld [smem:$0x3FB2];
	_ =	sdelay $0x3  }
0x34: {  	[smem:$0x3FB2] =	sst s10  }
0x35: {  	s10 =	sld [smem:$0x3FB1];
	_ =	sdelay $0x3  }
0x36: {  	p1 =	seq.s32 s10, $0x1;
	s10 =	sld [smem:$0x3FB2];
	_ =	sdelay $0x3  }
0x37: {  	[smem:$0x3FB2] =	sst s10  }
0x38: {  	s10 =	sld [smem:$0x3FB3]  }
0x39: {  	_ = 	snop;
	(pc) =	sbr.ind lr, $3  }
0x3a: {  	_ = 	snop  }
0x3b: {  	_ = 	snop  }
0x3c: {  	p2 =	seq.s32 s10, $0x1;
	s10 =	sld [smem:$0x3FB2]  }
0x3d: {  	_ =	shalt  }
0x3e: {  	_ =	shalt  }
0x3f: {  	_ =	shalt  }
0x40: {  	_ =	shalt  }
0x41: {  	_ =	shalt  }
0x42: {  	_ =	shalt  }
0x43: {  	_ =	shalt  }
0x44: {  	_ =	shalt  }
0x45: {  	_ =	shalt  }
0x46: {  	_ =	shalt  }
0x47: {  	_ =	shalt  }
0x48: {  	_ =	shalt  }
0x49: {  	_ =	shalt  }
0x4a: {  	_ =	shalt  }
0x4b: {  	_ =	shalt  }
0x4c: {  	_ =	shalt  }
0x4d: {  	_ =	shalt  }
0x4e: {  	_ =	shalt  }
0x4f: {  	_ =	shalt  }
0x50: {  	_ =	shalt  }
0x51: {  	_ =	shalt  }
0x52: {  	_ =	shalt  }
0x53: {  	_ =	shalt  }
0x54: {  	_ =	shalt  }
0x55: {  	_ =	shalt  }
0x56: {  	_ =	shalt  }
0x57: {  	_ =	shalt  }
0x58: {  	_ =	shalt  }
0x59: {  	_ =	shalt  }
0x5a: {  	_ =	shalt  }
0x5b: {  	_ =	shalt  }
0x5c: {  	_ =	shalt  }
0x5d: {  	_ =	shalt  }
0x5e: {  	_ =	shalt  }
0x5f: {  	_ =	shalt  }
0x60: {  	_ =	shalt  }
0x61: {  	_ =	shalt  }
0x62: {  	_ =	shalt  }
0x63: {  	_ =	shalt  }
0x64: {  	_ =	shalt  }
0x65: {  	_ =	shalt  }
0x66: {  	_ =	shalt  }
0x67: {  	_ =	shalt  }
0x68: {  	_ =	shalt  }
0x69: {  	_ =	shalt  }
0x6a: {  	_ =	shalt  }
0x6b: {  	_ =	shalt  }
0x6c: {  	_ =	shalt  }
0x6d: {  	_ =	shalt  }
0x6e: {  	_ =	shalt  }
0x6f: {  	_ =	shalt  }
0x70: {  	_ =	shalt  }
0x71: {  	_ =	shalt  }
0x72: {  	_ =	shalt  }
0x73: {  	_ =	shalt  }
0x74: {  	_ =	shalt  }
0x75: {  	_ =	shalt  }
0x76: {  	_ =	shalt  }
0x77: {  	_ =	shalt  }
0x78: {  	_ =	shalt  }
0x79: {  	_ =	shalt  }
0x7a: {  	_ =	shalt  }
0x7b: {  	_ =	shalt  }
0x7c: {  	_ =	shalt  }
0x7d: {  	_ =	shalt  }
0x7e: {  	_ =	shalt  }
0x7f: {  	_ =	shalt  }
0x80: {  	_ =	shalt  }
0x81: {  	_ =	shalt  }
0x82: {  	_ =	shalt  }
0x83: {  	_ =	shalt  }
0x84: {  	_ =	shalt  }
0x85: {  	_ =	shalt  }
0x86: {  	_ =	shalt  }
0x87: {  	_ =	shalt  }
.Lfunc_end0:
.L_simem_size_0:
called_computation.2_lowered:
.L_overlay_start_0:
0x88: {  	s2 =	sld [smem:$0x3FD9]  }
0x89: {  	s3 =	sld [smem:$0x3FFE];
	_ =	sdelay $0x1  }
0x8a: {  	s1 =	srdreg.scid  }
0x8b: {  	s0 =	sand.u32 $0x1, s1  }
0x8c: {  	s17 =	sshll.u32 s0, $0xA;
	s2 =	sadd.s32 s3, s2  }
0x8d: {  	s2 =	sadd.s32 s2, s17  }
0x8e: {  	[smem:$0x3FBE] =	sst s2  }
0x8f: {  	_ = 	snop  }
0x90: {  	s2 =	sld [smem:$0x3FD0];
	(tm) =	ssettm $0x1  }
0x91: {  	s18 =	sld [smem:$0x3FFB];
	_ =	sdelay $0x3  }
0x92: {  	_ =	strace s18  }
0x93: {  	s3 =	sld [smem:$0x3FFC];
	_ =	sdelay $0x3  }
0x94: {  	_ =	strace s3  }
0x95: {  	s3 =	sld [smem:$0x3FFD];
	_ =	sdelay $0x3  }
0x96: {  	_ =	strace s3  }
0x97: {  	_ =	strace $0x8FFFFFFF  }
0x98: {  	s19 =	sld [smem:$0x3FDB];
	_ =	sdelay $0x1  }
0x99: {  	s4 =	simm.s32 $_scs_section_size  }
0x9a: {  	s5 =	simm.s32 $_size__tile_overlayer_lowered;
	s6 =	simm.s32 $_tile_overlayer_lowered  }
0x9b: {  	s22 =	simm.s32 $0x1BFF;
	s21 =	sshll.u32 s6, $0x1;
	s3 =	sadd.s32 s4, s19  }
0x9c: {  	s7 =	simm.s32 $0x0;
	s20 =	sshll.u32 s5, $0x1;
	s5 =	sadd.s32 s21, s3  }
0x9d: {  	[timem:s7], [sflag:s22] =	dma.local [hbm:s5], s20  }
0x9e: {  	_ =	swait.ge [sflag:s22], s20  }
0x9f: {  	s4 =	ssub.s32 $0x0, s20;
	[sflag:s22] =	ssyncset.done $0x0  }
0xa0: {  	[sflag:s22] =	ssyncadd.s32 s4;
	_ =	sdelay $0x1  }
0xa1: {  	s23 =	simm.s32 $0x1B8B  }
0xa2: {  	_ =	swait.ge [sflag:s23], $0x1  }
0xa3: {  	[sflag:s23] =	ssyncset.done $0x0  }
0xa4: {  	s25 =	simm.s32 $0x1B8E;
	s24 =	sld [smem:$0x3FFE];
	[sflag:s23] =	ssyncadd.s32 $0xFFFFFFFF  }
0xa5: {  	s26 =	simm.s32 $execute0_lowered;
	[smem:$0x3FD2] =	sst s25  }
0xa6: {  	s5 =	sshll.u32 s26, $0x1;
	_ =	strace $0x8000004C;
	[dreg:$0x1] =	wrdreg $0xFFFFFFFF  }
0xa7: {  	s28 =	simm.s32 $_size_execute0_lowered;
	s3 =	sadd.s32 s3, s5;
	[dreg:$0x0] =	wrdreg $0x0  }
0xa8: {  	s5 =	sshll.u32 s28, $0x1;
	[dreg:$0x2] =	wrdreg s3  }
0xa9: {  	[dreg:$0x3] =	wrdreg s5  }
0xaa: {  	[dreg:$0x4] =	wrdreg $0xC0  }
0xab: {  	_ =	task [dreg:s7], $0x5FFFF  }
0xac: {  	[dreg:$0x1] =	wrdreg $0xFFFFFFFF  }
0xad: {  	[dreg:$0x0] =	wrdreg $0x60  }
0xae: {  	[dreg:$0x2] =	wrdreg s24  }
0xaf: {  	[dreg:$0x3] =	wrdreg s2  }
0xb0: {  	[dreg:$0x4] =	wrdreg $0x28000  }
0xb1: {  	[dreg:$0x5] =	wrdreg $0x9  }
0xb2: {  	_ =	task.clear_ibuf [dreg:s7], $0x6FFFF;
	_ =	strace $0x9000004C  }
0xb3: {  	s29 =	simm.s32 $0x9;
	_ =	strace $0x8000004E  }
0xb4: {  	_ =	swait.ge [sflag:s29], $0x1  }
0xb5: {  	[sflag:s29] =	ssyncadd.s32 $0xFFFFFFFF  }
0xb6: {  	_ =	strace $0x9000004E  }
0xb7: {  	_ =	sfence  }
0xb8: {  	s30 =	sld [smem:$0x0];
	_ =	sdelay $0x2  }
0xb9: {  	s31 =	sshll.u32 s1, $0xD;
	s1 =	sshrl.u32 s1, $0x2  }
0xba: {  	s3 =	sand.u32 $0x4000, s31;
	s1 =	sadd.s32 s1, s30  }
0xbb: {  	s0 =	sor.u32 s3, s0;
	s1 =	sshll.u32 s1, $0x11  }
0xbc: {  	s0 =	sor.u32 s1, s0  }
0xbd: {  	s0 =	sadd.s32 $0x8F2B, s0  }
0xbe: {  	[sflag:s0] =	ssyncadd.remote.s32 $0x1  }
0xbf: {  	_ =	sfence.sel $0xFFFF  }
0xc0: {  	[dreg:$0x0] =	wrdreg $0xFFFFFFFF;
	(pc) =	sbr.abs _section_cstart, $3  }
0xc1: {  	[dreg:$0x1] =	wrdreg $0xFFFFFFFF  }
0xc2: {  	_ =	task.clear_ibuf [dreg:s7], $0x2FFFF;
	_ =	strace $0x9FFFFFFF  }
0xc3: {  	(tm) =	ssettm $0x7FFFFFFF  }
tec
execute0_lowered:
.L_overlay_start_1:
0x0: {  	(tag) =	ssettag $0x1  }
0x1: {  	s0 =	rddreg [dreg:$0x0]  }
0x2: {  	s2 =	rddreg [dreg:$0x1]  }
0x3: {  	s3 =	srdreg.scid;
	s1 =	rddreg [dreg:$0x2]  }
0x4: {  	s11 =	stileid.u32;
	s13 =	simm.s32 $0x400;
	s14 =	simm.s32 $0x80  }
0x5: {  	s15 =	simm.s32 $0x800;
	s16 =	simm.s32 $0x1;
	s17 =	simm.s32 $0x480  }
0x6: {  	s18 =	simm.s32 $0x100;
	s19 =	simm.s32 $0x500;
	s20 =	simm.s32 $0x180  }
0x7: {  	s21 =	simm.s32 $0x580;
	s22 =	simm.s32 $0x200;
	s28 =	simm.s32 $0x300  }
0x8: {  	s29 =	simm.s32 $0x700;
	s30 =	simm.s32 $0x380;
	s7 =	smul.u32 $0x1D4C0, s11  }
0x9: {  	s31 =	simm.s32 $0x780;
	s5 =	sand.u32 $0x1, s3;
	s9 =	smul.u32 $0x75400, s11  }
0xa: {  	s3 =	simm.s32 $0x0;
	s24 =	sshll.u32 s11, $0x6;
	s11 =	smul.u32 $0x1D80, s11  }
0xb: {  	s10 =	sadd.s32 $0x2C00, s0;
	s4 =	smul.u32 $0x1D800, s5;
	[smem:$0x7FF] =	sst s3  }
0xc: {  	s6 =	smul.u32 $0x1D4C00, s5;
	s5 =	ssub.s32 $0x2, s5;
	_ =	strace $0x8000004D  }
0xd: {  	[dreg:$0x4] =	wrdreg s10;
	s23 =	sshrl.u32 s5, $0x1;
	s9 =	sshrl.u32 s9, $0x2  }
0xe: {  	s10 =	sadd.s32 s11, s2;
	s8 =	sadd.s32 s4, s0;
	s4 =	sadd.s32 $0x26D800, s0  }
0xf: {  	s6 =	sadd.s32 s7, s6;
	s5 =	ssub.s32 s5, s23;
	s12 =	sadd.s32 s9, s1  }
0x10: {  	s23 =	simm.s32 $0x600;
	s6 =	sshrl.u32 s6, $0x3;
	s25 =	sadd.s32 s11, s8  }
0x11: {  	s5 =	smax.u32 s5, $0x1;
	s26 =	sshrl.u32 s12, $0x3;
	s12 =	simm.s32 $0x2  }
0x12: {  	s0 =	sadd.s32 s6, s0;
	s6 =	sor.u32 $0x1C02, s24;
	[dreg:$0x6] =	wrdreg s5  }
0x13: {  	s9 =	sadd.s32 $0x5DC00, s25;
	[dreg:$0x7] =	wrdreg s26;
	s0 =	sadd.s32 $0x183200, s0  }
0x14: {  	s24 =	simm.s32 $0x280;
	[dreg:$0x5] =	wrdreg s0;
	s0 =	sadd.s32 s7, s1  }
0x15: {  	s26 =	simm.s32 $0x680;
	s25 =	sshrl.u32 s0, $0x3;
	s0 =	simm.s32 $0x0  }
.LBB2_1:
0x16: {  	s2 =	rddreg [dreg:$0x4]  }
0x17: {  	s5 =	rddreg [dreg:$0x7]  }
0x18: {  	[spmem:s5], [sflag:s6] =	dma.local [hbm:s2], $0x3AA0  }
0x19: {  	_ =	swait.ge [sflag:s12], $0x3AA0  }
0x1a: {  	[sflag:s12] =	ssyncset.done $0x0  }
0x1b: {  	[sflag:s12] =	ssyncadd.s32 $0xFFFFC560  }
0x1c: {  	s8 =	sadd.s32 $0x0, s9;
	[bflag:$0x0] =	sbarrier.arrive $0xFFFF  }
0x1d: {  	[tilespmem:s3], [sflag:$0x2] =	stream.linear.gather [hbm4b:s8+s3], $0x400, $0x38;
	[tilespmem:$0x1FD00] =	vst v63  }
0x1e: {  	_ =	swait.ge [sflag:s12], $0x400  }
0x1f: {  	[sflag:s12] =	ssyncset.done $0x0  }
0x20: {  	s11 =	sadd.s32 $0x0, s10;
	[sflag:s12] =	ssyncadd.s32 $0xFFFFFC00  }
0x21: {  	[tilespmem:s13], [sflag:$0x2] =	stream.linear.gather [hbm4b:s11+s3], $0x400, $0x38;
	[tilespmem:$0x1FD00] =	vst v63  }
0x22: {  	_ =	swait.ge [sflag:s12], $0x400  }
0x23: {  	[sflag:s12] =	ssyncset.done $0x0  }
0x24: {  	[sflag:s12] =	ssyncadd.s32 $0xFFFFFC00  }
0x25: {  	[tilespmem:s15], [sflag:$0x1] =	stream.indirect.gather [hbm4b:s4+s14], $0x40, s3, s14, $0xb8;
	[tilespmem:$0x1FD00] =	vst v63  }
0x26: {  	_ =	swait.ge [sflag:s16], $0x2000  }
0x27: {  	[sflag:s16] =	ssyncset.done $0x0  }
0x28: {  	[sflag:s16] =	ssyncadd.s32 $0xFFFFE000  }
0x29: {  	[spmem:s1] =	stream.indirect.scatter.add.f32 [tilespmem:s15], [sflag:$0x2], $0x40, s13, s14, $0xb8;
	[tilespmem:$0x1FD00] =	vst v63  }
0x2a: {  	_ =	swait.ge [sflag:s12], $0x2000  }
0x2b: {  	[sflag:s12] =	ssyncset.done $0x0  }
0x2c: {  	[sflag:s12] =	ssyncadd.s32 $0xFFFFE000  }
0x2d: {  	[tilespmem:s15], [sflag:$0x1] =	stream.indirect.gather [hbm4b:s4+s14], $0x40, s14, s14, $0xb8;
	[tilespmem:$0x1FD00] =	vst v63  }
0x2e: {  	_ =	swait.ge [sflag:s16], $0x2000  }
0x2f: {  	[sflag:s16] =	ssyncset.done $0x0  }
0x30: {  	[sflag:s16] =	ssyncadd.s32 $0xFFFFE000  }
0x31: {  	[spmem:s1] =	stream.indirect.scatter.add.f32 [tilespmem:s15], [sflag:$0x2], $0x40, s17, s14, $0xb8;
	[tilespmem:$0x1FD00] =	vst v63  }
0x32: {  	_ =	swait.ge [sflag:s12], $0x2000  }
0x33: {  	[sflag:s12] =	ssyncset.done $0x0  }
0x34: {  	[sflag:s12] =	ssyncadd.s32 $0xFFFFE000  }
0x35: {  	[tilespmem:s15], [sflag:$0x1] =	stream.indirect.gather [hbm4b:s4+s14], $0x40, s18, s14, $0xb8;
	[tilespmem:$0x1FD00] =	vst v63  }
0x36: {  	_ =	swait.ge [sflag:s16], $0x2000  }
0x37: {  	[sflag:s16] =	ssyncset.done $0x0  }
0x38: {  	[sflag:s16] =	ssyncadd.s32 $0xFFFFE000  }
0x39: {  	[spmem:s1] =	stream.indirect.scatter.add.f32 [tilespmem:s15], [sflag:$0x2], $0x40, s19, s14, $0xb8;
	[tilespmem:$0x1FD00] =	vst v63  }
0x3a: {  	_ =	swait.ge [sflag:s12], $0x2000  }
0x3b: {  	[sflag:s12] =	ssyncset.done $0x0  }
0x3c: {  	[sflag:s12] =	ssyncadd.s32 $0xFFFFE000  }
0x3d: {  	[tilespmem:s15], [sflag:$0x1] =	stream.indirect.gather [hbm4b:s4+s14], $0x40, s20, s14, $0xb8;
	[tilespmem:$0x1FD00] =	vst v63  }
0x3e: {  	_ =	swait.ge [sflag:s16], $0x2000  }
0x3f: {  	[sflag:s16] =	ssyncset.done $0x0  }
0x40: {  	[sflag:s16] =	ssyncadd.s32 $0xFFFFE000  }
0x41: {  	[spmem:s1] =	stream.indirect.scatter.add.f32 [tilespmem:s15], [sflag:$0x2], $0x40, s21, s14, $0xb8;
	[tilespmem:$0x1FD00] =	vst v63  }
0x42: {  	_ =	swait.ge [sflag:s12], $0x2000  }
0x43: {  	[sflag:s12] =	ssyncset.done $0x0  }
0x44: {  	[sflag:s12] =	ssyncadd.s32 $0xFFFFE000  }
0x45: {  	[tilespmem:s15], [sflag:$0x1] =	stream.indirect.gather [hbm4b:s4+s14], $0x40, s22, s14, $0xb8;
	[tilespmem:$0x1FD00] =	vst v63  }
0x46: {  	_ =	swait.ge [sflag:s16], $0x2000  }
0x47: {  	[sflag:s16] =	ssyncset.done $0x0  }
0x48: {  	[sflag:s16] =	ssyncadd.s32 $0xFFFFE000  }
0x49: {  	[spmem:s1] =	stream.indirect.scatter.add.f32 [tilespmem:s15], [sflag:$0x2], $0x40, s23, s14, $0xb8;
	[tilespmem:$0x1FD00] =	vst v63  }
0x4a: {  	_ =	swait.ge [sflag:s12], $0x2000  }
0x4b: {  	[sflag:s12] =	ssyncset.done $0x0  }
0x4c: {  	[sflag:s12] =	ssyncadd.s32 $0xFFFFE000  }
0x4d: {  	[tilespmem:s15], [sflag:$0x1] =	stream.indirect.gather [hbm4b:s4+s14], $0x40, s24, s14, $0xb8;
	[tilespmem:$0x1FD00] =	vst v63  }
0x4e: {  	_ =	swait.ge [sflag:s16], $0x2000  }
0x4f: {  	[sflag:s16] =	ssyncset.done $0x0  }
0x50: {  	[sflag:s16] =	ssyncadd.s32 $0xFFFFE000  }
0x51: {  	[spmem:s1] =	stream.indirect.scatter.add.f32 [tilespmem:s15], [sflag:$0x2], $0x40, s26, s14, $0xb8;
	[tilespmem:$0x1FD00] =	vst v63  }
0x52: {  	_ =	swait.ge [sflag:s12], $0x2000  }
0x53: {  	[sflag:s12] =	ssyncset.done $0x0  }
0x54: {  	[sflag:s12] =	ssyncadd.s32 $0xFFFFE000  }
0x55: {  	[tilespmem:s15], [sflag:$0x1] =	stream.indirect.gather [hbm4b:s4+s14], $0x40, s28, s14, $0xb8;
	[tilespmem:$0x1FD00] =	vst v63  }
0x56: {  	_ =	swait.ge [sflag:s16], $0x2000  }
0x57: {  	[sflag:s16] =	ssyncset.done $0x0  }
0x58: {  	[sflag:s16] =	ssyncadd.s32 $0xFFFFE000  }
0x59: {  	[spmem:s1] =	stream.indirect.scatter.add.f32 [tilespmem:s15], [sflag:$0x2], $0x40, s29, s14, $0xb8;
	[tilespmem:$0x1FD00] =	vst v63  }
0x5a: {  	_ =	swait.ge [sflag:s12], $0x2000  }
0x5b: {  	[sflag:s12] =	ssyncset.done $0x0  }
0x5c: {  	[sflag:s12] =	ssyncadd.s32 $0xFFFFE000  }
0x5d: {  	[tilespmem:s15], [sflag:$0x1] =	stream.indirect.gather [hbm4b:s4+s14], $0x40, s30, s14, $0xb8;
	[tilespmem:$0x1FD00] =	vst v63  }
0x5e: {  	_ =	swait.ge [sflag:s16], $0x2000  }
0x5f: {  	[sflag:s16] =	ssyncset.done $0x0  }
0x60: {  	[sflag:s16] =	ssyncadd.s32 $0xFFFFE000  }
0x61: {  	[spmem:s1] =	stream.indirect.scatter.add.f32 [tilespmem:s15], [sflag:$0x2], $0x40, s31, s14, $0xb8;
	[tilespmem:$0x1FD00] =	vst v63  }
0x62: {  	_ =	swait.ge [sflag:s12], $0x2000  }
0x63: {  	s2 =	simm.s32 $0x80;
	s5 =	simm.s32 $0x100;
	[sflag:s12] =	ssyncset.done $0x0  }
.LBB2_2:
0x64: {  	s8 =	sadd.s32 s2, s9  }
0x65: {  	[sflag:s12] =	ssyncadd.s32 $0xFFFFE000;
	s11 =	smov.u32 s5;
	s7 =	sadd.s32 $0x80, s5  }
0x66: {  	[tilespmem:s3], [sflag:$0x2] =	stream.linear.gather [hbm4b:s8+s3], $0x400, $0x38;
	[tilespmem:$0x1FD00] =	vst v63  }
0x67: {  	p0 =	sne.s32 s5, $0x1D00;
	_ =	swait.ge [sflag:s12], $0x400  }
0x68: {  	[sflag:s12] =	ssyncset.done $0x0  }
0x69: {  	s5 =	sadd.s32 s2, s10;
	s2 =	smov.u32 s11;
	[sflag:s12] =	ssyncadd.s32 $0xFFFFFC00  }
0x6a: {  	[tilespmem:s13], [sflag:$0x2] =	stream.linear.gather [hbm4b:s5+s3], $0x400, $0x38;
	[tilespmem:$0x1FD00] =	vst v63  }
0x6b: {  	_ =	swait.ge [sflag:s12], $0x400  }
0x6c: {  	[sflag:s12] =	ssyncset.done $0x0  }
0x6d: {  	[sflag:s12] =	ssyncadd.s32 $0xFFFFFC00  }
0x6e: {  	[tilespmem:s15], [sflag:$0x1] =	stream.indirect.gather [hbm4b:s4+s14], $0x40, s3, s14, $0xb8;
	[tilespmem:$0x1FD00] =	vst v63  }
0x6f: {  	_ =	swait.ge [sflag:s16], $0x2000  }
0x70: {  	[sflag:s16] =	ssyncset.done $0x0  }
0x71: {  	[sflag:s16] =	ssyncadd.s32 $0xFFFFE000  }
0x72: {  	[spmem:s1] =	stream.indirect.scatter.add.f32 [tilespmem:s15], [sflag:$0x2], $0x40, s13, s14, $0xb8;
	[tilespmem:$0x1FD00] =	vst v63  }
0x73: {  	_ =	swait.ge [sflag:s12], $0x2000  }
0x74: {  	[sflag:s12] =	ssyncset.done $0x0  }
0x75: {  	[sflag:s12] =	ssyncadd.s32 $0xFFFFE000  }
0x76: {  	[tilespmem:s15], [sflag:$0x1] =	stream.indirect.gather [hbm4b:s4+s14], $0x40, s14, s14, $0xb8;
	[tilespmem:$0x1FD00] =	vst v63  }
0x77: {  	_ =	swait.ge [sflag:s16], $0x2000  }
0x78: {  	[sflag:s16] =	ssyncset.done $0x0  }
0x79: {  	[sflag:s16] =	ssyncadd.s32 $0xFFFFE000  }
0x7a: {  	[spmem:s1] =	stream.indirect.scatter.add.f32 [tilespmem:s15], [sflag:$0x2], $0x40, s17, s14, $0xb8;
	[tilespmem:$0x1FD00] =	vst v63  }
0x7b: {  	_ =	swait.ge [sflag:s12], $0x2000  }
0x7c: {  	[sflag:s12] =	ssyncset.done $0x0  }
0x7d: {  	[sflag:s12] =	ssyncadd.s32 $0xFFFFE000  }
0x7e: {  	[tilespmem:s15], [sflag:$0x1] =	stream.indirect.gather [hbm4b:s4+s14], $0x40, s18, s14, $0xb8;
	[tilespmem:$0x1FD00] =	vst v63  }
0x7f: {  	_ =	swait.ge [sflag:s16], $0x2000  }
0x80: {  	[sflag:s16] =	ssyncset.done $0x0  }
0x81: {  	[sflag:s16] =	ssyncadd.s32 $0xFFFFE000  }
0x82: {  	[spmem:s1] =	stream.indirect.scatter.add.f32 [tilespmem:s15], [sflag:$0x2], $0x40, s19, s14, $0xb8;
	[tilespmem:$0x1FD00] =	vst v63  }
0x83: {  	_ =	swait.ge [sflag:s12], $0x2000  }
0x84: {  	[sflag:s12] =	ssyncset.done $0x0  }
0x85: {  	[sflag:s12] =	ssyncadd.s32 $0xFFFFE000  }
0x86: {  	[tilespmem:s15], [sflag:$0x1] =	stream.indirect.gather [hbm4b:s4+s14], $0x40, s20, s14, $0xb8;
	[tilespmem:$0x1FD00] =	vst v63  }
0x87: {  	_ =	swait.ge [sflag:s16], $0x2000  }
0x88: {  	[sflag:s16] =	ssyncset.done $0x0  }
0x89: {  	[sflag:s16] =	ssyncadd.s32 $0xFFFFE000  }
0x8a: {  	[spmem:s1] =	stream.indirect.scatter.add.f32 [tilespmem:s15], [sflag:$0x2], $0x40, s21, s14, $0xb8;
	[tilespmem:$0x1FD00] =	vst v63  }
0x8b: {  	_ =	swait.ge [sflag:s12], $0x2000  }
0x8c: {  	[sflag:s12] =	ssyncset.done $0x0  }
0x8d: {  	[sflag:s12] =	ssyncadd.s32 $0xFFFFE000  }
0x8e: {  	[tilespmem:s15], [sflag:$0x1] =	stream.indirect.gather [hbm4b:s4+s14], $0x40, s22, s14, $0xb8;
	[tilespmem:$0x1FD00] =	vst v63  }
0x8f: {  	_ =	swait.ge [sflag:s16], $0x2000  }
0x90: {  	[sflag:s16] =	ssyncset.done $0x0  }
0x91: {  	[sflag:s16] =	ssyncadd.s32 $0xFFFFE000  }
0x92: {  	[spmem:s1] =	stream.indirect.scatter.add.f32 [tilespmem:s15], [sflag:$0x2], $0x40, s23, s14, $0xb8;
	[tilespmem:$0x1FD00] =	vst v63  }
0x93: {  	_ =	swait.ge [sflag:s12], $0x2000  }
0x94: {  	[sflag:s12] =	ssyncset.done $0x0  }
0x95: {  	[sflag:s12] =	ssyncadd.s32 $0xFFFFE000  }
0x96: {  	[tilespmem:s15], [sflag:$0x1] =	stream.indirect.gather [hbm4b:s4+s14], $0x40, s24, s14, $0xb8;
	[tilespmem:$0x1FD00] =	vst v63  }
0x97: {  	_ =	swait.ge [sflag:s16], $0x2000  }
0x98: {  	[sflag:s16] =	ssyncset.done $0x0  }
0x99: {  	[sflag:s16] =	ssyncadd.s32 $0xFFFFE000  }
0x9a: {  	[spmem:s1] =	stream.indirect.scatter.add.f32 [tilespmem:s15], [sflag:$0x2], $0x40, s26, s14, $0xb8;
	[tilespmem:$0x1FD00] =	vst v63  }
0x9b: {  	_ =	swait.ge [sflag:s12], $0x2000  }
0x9c: {  	[sflag:s12] =	ssyncset.done $0x0  }
0x9d: {  	[sflag:s12] =	ssyncadd.s32 $0xFFFFE000  }
0x9e: {  	[tilespmem:s15], [sflag:$0x1] =	stream.indirect.gather [hbm4b:s4+s14], $0x40, s28, s14, $0xb8;
	[tilespmem:$0x1FD00] =	vst v63  }
0x9f: {  	_ =	swait.ge [sflag:s16], $0x2000  }
0xa0: {  	[sflag:s16] =	ssyncset.done $0x0  }
0xa1: {  	[sflag:s16] =	ssyncadd.s32 $0xFFFFE000  }
0xa2: {  	[spmem:s1] =	stream.indirect.scatter.add.f32 [tilespmem:s15], [sflag:$0x2], $0x40, s29, s14, $0xb8;
	[tilespmem:$0x1FD00] =	vst v63  }
0xa3: {  	_ =	swait.ge [sflag:s12], $0x2000  }
0xa4: {  	[sflag:s12] =	ssyncset.done $0x0  }
0xa5: {  	[sflag:s12] =	ssyncadd.s32 $0xFFFFE000  }
0xa6: {  	[tilespmem:s15], [sflag:$0x1] =	stream.indirect.gather [hbm4b:s4+s14], $0x40, s30, s14, $0xb8;
	[tilespmem:$0x1FD00] =	vst v63  }
0xa7: {  	_ =	swait.ge [sflag:s16], $0x2000  }
.Ltmp0:
0xa8: {  	[sflag:s16] =	ssyncset.done $0x0;
	(pc) =	sbr.rel @p0 .LBB2_2-.Ltmp0, $4  }
0xa9: {  	[sflag:s16] =	ssyncadd.s32 $0xFFFFE000  }
0xaa: {  	[spmem:s1] =	stream.indirect.scatter.add.f32 [tilespmem:s15], [sflag:$0x2], $0x40, s31, s14, $0xb8;
	[tilespmem:$0x1FD00] =	vst v63  }
0xab: {  	_ =	swait.ge [sflag:s12], $0x2000  }
0xac: {  	s5 =	smov.u32 s7;
	[sflag:s12] =	ssyncset.done $0x0  }
0xad: {  	s5 =	sadd.s32 s2, s9;
	[sflag:s12] =	ssyncadd.s32 $0xFFFFE000  }
0xae: {  	[tilespmem:s3], [sflag:$0x2] =	stream.linear.gather [hbm4b:s5+s3], $0x400, $0x38;
	[tilespmem:$0x1FD00] =	vst v63  }
0xaf: {  	_ =	swait.ge [sflag:s12], $0x400  }
0xb0: {  	[sflag:s12] =	ssyncset.done $0x0  }
0xb1: {  	s7 =	sadd.s32 s2, s10;
	[sflag:s12] =	ssyncadd.s32 $0xFFFFFC00  }
0xb2: {  	[tilespmem:s13], [sflag:$0x2] =	stream.linear.gather [hbm4b:s7+s3], $0x400, $0x38;
	[tilespmem:$0x1FD00] =	vst v63  }
0xb3: {  	_ =	swait.ge [sflag:s12], $0x400  }
0xb4: {  	[sflag:s12] =	ssyncset.done $0x0  }
0xb5: {  	[sflag:s12] =	ssyncadd.s32 $0xFFFFFC00  }
0xb6: {  	[tilespmem:s15], [sflag:$0x1] =	stream.indirect.gather [hbm4b:s4+s14], $0x40, s3, s14, $0xb8;
	[tilespmem:$0x1FD00] =	vst v63  }
0xb7: {  	_ =	swait.ge [sflag:s16], $0x2000  }
0xb8: {  	[sflag:s16] =	ssyncset.done $0x0  }
0xb9: {  	[sflag:s16] =	ssyncadd.s32 $0xFFFFE000  }
0xba: {  	[spmem:s1] =	stream.indirect.scatter.add.f32 [tilespmem:s15], [sflag:$0x2], $0x40, s13, s14, $0xb8;
	[tilespmem:$0x1FD00] =	vst v63  }
0xbb: {  	_ =	swait.ge [sflag:s12], $0x2000  }
0xbc: {  	[sflag:s12] =	ssyncset.done $0x0  }
0xbd: {  	[sflag:s12] =	ssyncadd.s32 $0xFFFFE000  }
0xbe: {  	[tilespmem:s15], [sflag:$0x1] =	stream.indirect.gather [hbm4b:s4+s14], $0x40, s14, s14, $0xb8;
	[tilespmem:$0x1FD00] =	vst v63  }
0xbf: {  	_ =	swait.ge [sflag:s16], $0x2000  }
0xc0: {  	[sflag:s16] =	ssyncset.done $0x0  }
0xc1: {  	[sflag:s16] =	ssyncadd.s32 $0xFFFFE000  }
0xc2: {  	[spmem:s1] =	stream.indirect.scatter.add.f32 [tilespmem:s15], [sflag:$0x2], $0x40, s17, s14, $0xb8;
	[tilespmem:$0x1FD00] =	vst v63  }
0xc3: {  	_ =	swait.ge [sflag:s12], $0x2000  }
0xc4: {  	[sflag:s12] =	ssyncset.done $0x0  }
0xc5: {  	[sflag:s12] =	ssyncadd.s32 $0xFFFFE000  }
0xc6: {  	[tilespmem:s15], [sflag:$0x1] =	stream.indirect.gather [hbm4b:s4+s14], $0x40, s18, s14, $0xb8;
	[tilespmem:$0x1FD00] =	vst v63  }
0xc7: {  	_ =	swait.ge [sflag:s16], $0x2000  }
0xc8: {  	[sflag:s16] =	ssyncset.done $0x0  }
0xc9: {  	[sflag:s16] =	ssyncadd.s32 $0xFFFFE000  }
0xca: {  	[spmem:s1] =	stream.indirect.scatter.add.f32 [tilespmem:s15], [sflag:$0x2], $0x40, s19, s14, $0xb8;
	[tilespmem:$0x1FD00] =	vst v63  }
0xcb: {  	_ =	swait.ge [sflag:s12], $0x2000  }
0xcc: {  	[sflag:s12] =	ssyncset.done $0x0  }
0xcd: {  	[sflag:s12] =	ssyncadd.s32 $0xFFFFE000  }
0xce: {  	[tilespmem:s15], [sflag:$0x1] =	stream.indirect.gather [hbm4b:s4+s14], $0x40, s20, s14, $0xb8;
	[tilespmem:$0x1FD00] =	vst v63  }
0xcf: {  	_ =	swait.ge [sflag:s16], $0x2000  }
0xd0: {  	[sflag:s16] =	ssyncset.done $0x0  }
0xd1: {  	[sflag:s16] =	ssyncadd.s32 $0xFFFFE000  }
0xd2: {  	[spmem:s1] =	stream.indirect.scatter.add.f32 [tilespmem:s15], [sflag:$0x2], $0x40, s21, s14, $0xb8;
	[tilespmem:$0x1FD00] =	vst v63  }
0xd3: {  	_ =	swait.ge [sflag:s12], $0x2000  }
0xd4: {  	[sflag:s12] =	ssyncset.done $0x0  }
0xd5: {  	[sflag:s12] =	ssyncadd.s32 $0xFFFFE000  }
0xd6: {  	[tilespmem:s15], [sflag:$0x1] =	stream.indirect.gather [hbm4b:s4+s14], $0x40, s22, s14, $0xb8;
	[tilespmem:$0x1FD00] =	vst v63  }
0xd7: {  	_ =	swait.ge [sflag:s16], $0x2000  }
0xd8: {  	[sflag:s16] =	ssyncset.done $0x0  }
0xd9: {  	[sflag:s16] =	ssyncadd.s32 $0xFFFFE000  }
0xda: {  	[spmem:s1] =	stream.indirect.scatter.add.f32 [tilespmem:s15], [sflag:$0x2], $0x40, s23, s14, $0xb8;
	[tilespmem:$0x1FD00] =	vst v63  }
0xdb: {  	_ =	swait.ge [sflag:s12], $0x2000  }
0xdc: {  	[sflag:s12] =	ssyncset.done $0x0  }
0xdd: {  	[sflag:s12] =	ssyncadd.s32 $0xFFFFE000  }
0xde: {  	[tilespmem:s15], [sflag:$0x1] =	stream.indirect.gather [hbm4b:s4+s14], $0x40, s24, s14, $0xb8;
	[tilespmem:$0x1FD00] =	vst v63  }
0xdf: {  	_ =	swait.ge [sflag:s16], $0x2000  }
0xe0: {  	[sflag:s16] =	ssyncset.done $0x0  }
0xe1: {  	[sflag:s16] =	ssyncadd.s32 $0xFFFFE000  }
0xe2: {  	[spmem:s1] =	stream.indirect.scatter.add.f32 [tilespmem:s15], [sflag:$0x2], $0x40, s26, s14, $0xb8;
	[tilespmem:$0x1FD00] =	vst v63  }
0xe3: {  	_ =	swait.ge [sflag:s12], $0x2000  }
0xe4: {  	[sflag:s12] =	ssyncset.done $0x0  }
0xe5: {  	[sflag:s12] =	ssyncadd.s32 $0xFFFFE000  }
0xe6: {  	[tilespmem:s15], [sflag:$0x1] =	stream.indirect.gather [hbm4b:s4+s14], $0x40, s28, s14, $0xb8;
	[tilespmem:$0x1FD00] =	vst v63  }
0xe7: {  	_ =	swait.ge [sflag:s16], $0x2000  }
0xe8: {  	[sflag:s16] =	ssyncset.done $0x0  }
0xe9: {  	[sflag:s16] =	ssyncadd.s32 $0xFFFFE000  }
0xea: {  	[spmem:s1] =	stream.indirect.scatter.add.f32 [tilespmem:s15], [sflag:$0x2], $0x40, s29, s14, $0xb8;
	[tilespmem:$0x1FD00] =	vst v63  }
0xeb: {  	_ =	swait.ge [sflag:s12], $0x2000  }
0xec: {  	[sflag:s12] =	ssyncset.done $0x0  }
0xed: {  	[sflag:s12] =	ssyncadd.s32 $0xFFFFE000  }
0xee: {  	[tilespmem:s15], [sflag:$0x1] =	stream.indirect.gather [hbm4b:s4+s14], $0x40, s30, s14, $0xb8;
	[tilespmem:$0x1FD00] =	vst v63  }
0xef: {  	_ =	swait.ge [sflag:s16], $0x2000  }
0xf0: {  	[sflag:s16] =	ssyncset.done $0x0  }
0xf1: {  	[sflag:s16] =	ssyncadd.s32 $0xFFFFE000  }
0xf2: {  	[spmem:s1] =	stream.indirect.scatter.add.f32 [tilespmem:s15], [sflag:$0x2], $0x40, s31, s14, $0xb8;
	[tilespmem:$0x1FD00] =	vst v63  }
0xf3: {  	_ =	swait.ge [sflag:s12], $0x2000  }
0xf4: {  	[sflag:s12] =	ssyncset.done $0x0  }
0xf5: {  	[sflag:s12] =	ssyncadd.s32 $0xFFFFE000  }
0xf6: {  	[bflag:$0x0] =	sbarrier.arrive $0xFFFF  }
0xf7: {  	s8 =	rddreg [dreg:$0x5]  }
0xf8: {  	[hbm:s8], [sflag:s6] =	dma.local [spmem:s25], $0x3A98  }
0xf9: {  	_ =	swait.ge [sflag:s12], $0x3A98  }
0xfa: {  	s0 =	sadd.s32 $0x1, s0;
	s11 =	rddreg [dreg:$0x6]  }
0xfb: {  	p0 =	sne.s32 s0, s11  }
.Ltmp1:
0xfc: {  	_ = 	snop;
	(pc) =	sbr.rel @p0 .LBB2_1-.Ltmp1, $3  }
0xfd: {  	_ =	sdelay $0x1  }
0xfe: {  	[sflag:s12] =	ssyncset.done $0x0  }
0xff: {  	[sflag:s12] =	ssyncadd.s32 $0xFFFFC568  }
0x100: {  	_ =	sfence.sel $0x180000  }
0x101: {  	[bflag:$0x0] =	sbarrier.arrive $0xFFFF  }
0x102: {  	_ =	strace $0x9000004D  }
0x103: {  	s0 =	stileid.u32;
	[bflag:$0x2] =	sbarrier.arrive $0xFFFF  }
0x104: {  	p0 =	sne.s32 s0, $0x0;
	s0 =	rddreg [dreg:$0x3]  }
0x105: {  	s0 =	sadd.s32 @!p0 $0x100000, s0  }
0x106: {  	[sflag:s0] =	ssyncadd.tile.s32 @!p0 $0x1;
	_ =	shalt  }
.Lfunc_end2:
_tile_overlayer_lowered:
.L_overlay_start_2:
0x107: {  	(tag) =	ssettag $0x2  }
0x108: {  	s0 =	rddreg [dreg:$0x0];
	s2 =	stileid.u32  }
0x109: {  	s1 =	rddreg [dreg:$0x1];
	p0 =	sne.s32 s2, $0x0  }
0x10a: {  	s3 =	rddreg [dreg:$0x2];
	[bflag:$0x3] =	sbarrier.arrive $0xFFFF;
	s2 =	simm.s32 @!p0 $0x1C02  }
0x10b: {  	[timem:s3], [sflag:s2] =	dma.local @!p0 [hbm:s0], s1  }
0x10c: {  	s0 =	simm.s32 @!p0 $0x2  }
0x10d: {  	_ =	swait.ge @!p0 [sflag:s0], s1  }
0x10e: {  	s1 =	ssub.s32 @!p0 $0x0, s1;
	[sflag:s0] =	ssyncset.done @!p0 $0x0  }
0x10f: {  	[sflag:s0] =	ssyncadd.s32 @!p0 s1  }
0x110: {  	[bflag:$0x3] =	sbarrier.arrive $0xFFFF  }
0x111: {  	_ =	shalt  }

// kernel: kernel.22.cloned.1.call-start
scs
__scs_entry_jumppad:
0x0: {  	(pc) =	sbr.rel $0x88, $3  }
0x1: {  	(tag) =	ssettag $0x0;
	lr =	simm.s32 $0x1  }
0x2: {  	[smem:$0x3F97] =	sst lr;
	_ =	strace $0xD0000000  }
0x3: {  	_ = 	snop  }
0x4: {  	_ = 	snop  }
0x5: {  	_ = 	snop  }
0x6: {  	_ = 	snop  }
0x7: {  	_ = 	snop  }
__scs_overlays_trampoline_lowered:
0x8: {  	[smem:$0x3FA6] =	sst s0  }
0x9: {  	[smem:$0x3FA7] =	sst s1  }
0xa: {  	[smem:$0x3FA8] =	sst s2  }
0xb: {  	[smem:$0x3FA9] =	sst s3  }
0xc: {  	[smem:$0x3FAA] =	sst s4  }
0xd: {  	[smem:$0x3FAB] =	sst s5  }
0xe: {  	[smem:$0x3FAC] =	sst s6  }
0xf: {  	[smem:$0x3FAD] =	sst s7  }
0x10: {  	[smem:$0x3FAE] =	sst s8  }
0x11: {  	[smem:$0x3FAF] =	sst s9;
	s0 =	simm.s32 @!p0 $0x0  }
0x12: {  	s1 =	sld [smem:$0x3F95];
	s0 =	simm.s32 @p0 $0x1  }
0x13: {  	[smem:$0x3FB0] =	sst s0;
	s0 =	simm.s32 @!p1 $0x0  }
0x14: {  	s2 =	sld [smem:$0x3F94];
	s0 =	simm.s32 @p1 $0x1  }
0x15: {  	[smem:$0x3FB1] =	sst s0;
	s0 =	simm.s32 @!p2 $0x0  }
0x16: {  	s3 =	sld [smem:$0x3FDB];
	s0 =	simm.s32 @p2 $0x1  }
0x17: {  	s4 =	simm.s32 $0x1BF5;
	[smem:$0x3FB3] =	sst s0  }
0x18: {  	s0 =	sld [smem:$0x3F96];
	_ =	swait.ge [sflag:s4], $0x0  }
0x19: {  	s7 =	sld [smem:$0x3F97]  }
0x1a: {  	s8 =	sadd.s32 $0xFFFFE003, lr  }
0x1b: {  	s9 =	sadd.s32 $0xFFFFFEF7, lr;
	s5 =	simm.s32 $0xFFFFFFFF;
	p2 =	slt.u32 s8, $0xFFFFF086  }
0x1c: {  	p1 =	slt.u32 s9, $0xF7A;
	s5 =	simm.s32 @!p2 $0x0  }
0x1d: {  	s5 =	simm.s32 @p1 $0x1;
	p0 =	seq.s32 s7, s2  }
0x1e: {  	s7 =	smul.u32 @!p0 $0xF7A, s2;
	p2 =	seq.s32 @!p0 s5, $0x0  }
0x1f: {  	s9 =	smul.u32 $0xF7A, s1;
	s8 =	simm.s32 @!p0 $0x1BF5;
	p2 =	por !p2, p0  }
0x20: {  	[sflag:s8] =	ssyncset.s32 @!p0 $0xFFFFF086;
	s6 =	sadd.s32 @!p0 s3, s7;
	s7 =	simm.s32 @!p0 $0x108  }
0x21: {  	s3 =	sadd.s32 s3, s9;
	s6 =	sadd.s32 @!p0 $0x88, s6;
	s7 =	simm.s32 @p2 $0x1082  }
0x22: {  	[simem:s7], [sflag:s8] =	dma.local @!p0 [hbm:s6], $0xF7A  }
0x23: {  	s9 =	sor.u32 $0xD0000000, s2;
	s6 =	simm.s32 $0x108;
	_ =	swait.ge @!p0 [sflag:s8], $0x0  }
0x24: {  	s3 =	sadd.s32 $0x88, s3;
	s6 =	simm.s32 @!p1 $0x1082;
	[sflag:s4] =	ssyncset.s32 $0xFFFFF086  }
0x25: {  	[simem:s6], [sflag:s4] =	dma.local [hbm:s3], $0xF7A  }
0x26: {  	[smem:$0x3F97] =	sst s1;
	(tag) =	ssettag s2;
	_ =	strace s9  }
0x27: {  	s1 =	sld [smem:$0x3FA7]  }
0x28: {  	s2 =	sld [smem:$0x3FA8]  }
0x29: {  	s4 =	sld [smem:$0x3FAA]  }
0x2a: {  	p0 =	seq.s32 s5, $0x0;
	s5 =	sld [smem:$0x3FAB]  }
0x2b: {  	s6 =	sld [smem:$0x3FAC]  }
0x2c: {  	s7 =	sld [smem:$0x3FAD]  }
0x2d: {  	s3 =	simm.s32 $0x108;
	s8 =	sld [smem:$0x3FAE]  }
0x2e: {  	s3 =	simm.s32 @!p0 $0x1082;
	s9 =	sld [smem:$0x3FAF]  }
0x2f: {  	lr =	sadd.s32 s0, s3;
	s0 =	sld [smem:$0x3FA6]  }
0x30: {  	s3 =	sld [smem:$0x3FA9]  }
0x31: {  	[smem:$0x3FB2] =	sst s10  }
0x32: {  	s10 =	sld [smem:$0x3FB0];
	_ =	sdelay $0x3  }
0x33: {  	p0 =	seq.s32 s10, $0x1;
	s10 =	sld [smem:$0x3FB2];
	_ =	sdelay $0x3  }
0x34: {  	[smem:$0x3FB2] =	sst s10  }
0x35: {  	s10 =	sld [smem:$0x3FB1];
	_ =	sdelay $0x3  }
0x36: {  	p1 =	seq.s32 s10, $0x1;
	s10 =	sld [smem:$0x3FB2];
	_ =	sdelay $0x3  }
0x37: {  	[smem:$0x3FB2] =	sst s10  }
0x38: {  	s10 =	sld [smem:$0x3FB3]  }
0x39: {  	_ = 	snop;
	(pc) =	sbr.ind lr, $3  }
0x3a: {  	_ = 	snop  }
0x3b: {  	_ = 	snop  }
0x3c: {  	p2 =	seq.s32 s10, $0x1;
	s10 =	sld [smem:$0x3FB2]  }
0x3d: {  	_ =	shalt  }
0x3e: {  	_ =	shalt  }
0x3f: {  	_ =	shalt  }
0x40: {  	_ =	shalt  }
0x41: {  	_ =	shalt  }
0x42: {  	_ =	shalt  }
0x43: {  	_ =	shalt  }
0x44: {  	_ =	shalt  }
0x45: {  	_ =	shalt  }
0x46: {  	_ =	shalt  }
0x47: {  	_ =	shalt  }
0x48: {  	_ =	shalt  }
0x49: {  	_ =	shalt  }
0x4a: {  	_ =	shalt  }
0x4b: {  	_ =	shalt  }
0x4c: {  	_ =	shalt  }
0x4d: {  	_ =	shalt  }
0x4e: {  	_ =	shalt  }
0x4f: {  	_ =	shalt  }
0x50: {  	_ =	shalt  }
0x51: {  	_ =	shalt  }
0x52: {  	_ =	shalt  }
0x53: {  	_ =	shalt  }
0x54: {  	_ =	shalt  }
0x55: {  	_ =	shalt  }
0x56: {  	_ =	shalt  }
0x57: {  	_ =	shalt  }
0x58: {  	_ =	shalt  }
0x59: {  	_ =	shalt  }
0x5a: {  	_ =	shalt  }
0x5b: {  	_ =	shalt  }
0x5c: {  	_ =	shalt  }
0x5d: {  	_ =	shalt  }
0x5e: {  	_ =	shalt  }
0x5f: {  	_ =	shalt  }
0x60: {  	_ =	shalt  }
0x61: {  	_ =	shalt  }
0x62: {  	_ =	shalt  }
0x63: {  	_ =	shalt  }
0x64: {  	_ =	shalt  }
0x65: {  	_ =	shalt  }
0x66: {  	_ =	shalt  }
0x67: {  	_ =	shalt  }
0x68: {  	_ =	shalt  }
0x69: {  	_ =	shalt  }
0x6a: {  	_ =	shalt  }
0x6b: {  	_ =	shalt  }
0x6c: {  	_ =	shalt  }
0x6d: {  	_ =	shalt  }
0x6e: {  	_ =	shalt  }
0x6f: {  	_ =	shalt  }
0x70: {  	_ =	shalt  }
0x71: {  	_ =	shalt  }
0x72: {  	_ =	shalt  }
0x73: {  	_ =	shalt  }
0x74: {  	_ =	shalt  }
0x75: {  	_ =	shalt  }
0x76: {  	_ =	shalt  }
0x77: {  	_ =	shalt  }
0x78: {  	_ =	shalt  }
0x79: {  	_ =	shalt  }
0x7a: {  	_ =	shalt  }
0x7b: {  	_ =	shalt  }
0x7c: {  	_ =	shalt  }
0x7d: {  	_ =	shalt  }
0x7e: {  	_ =	shalt  }
0x7f: {  	_ =	shalt  }
0x80: {  	_ =	shalt  }
0x81: {  	_ =	shalt  }
0x82: {  	_ =	shalt  }
0x83: {  	_ =	shalt  }
0x84: {  	_ =	shalt  }
0x85: {  	_ =	shalt  }
0x86: {  	_ =	shalt  }
0x87: {  	_ =	shalt  }
.Lfunc_end0:
.L_simem_size_0:
called_computation.3_lowered:
.L_overlay_start_0:
0x88: {  	s2 =	sld [smem:$0x3FD9]  }
0x89: {  	s3 =	sld [smem:$0x3FFE];
	_ =	sdelay $0x1  }
0x8a: {  	s1 =	srdreg.scid  }
0x8b: {  	s0 =	sand.u32 $0x1, s1  }
0x8c: {  	s17 =	sshll.u32 s0, $0xA;
	s2 =	sadd.s32 s3, s2  }
0x8d: {  	s2 =	sadd.s32 s2, s17  }
0x8e: {  	[smem:$0x3FBE] =	sst s2  }
0x8f: {  	_ = 	snop  }
0x90: {  	s2 =	sld [smem:$0x3FD0];
	(tm) =	ssettm $0x1  }
0x91: {  	s18 =	sld [smem:$0x3FFB];
	_ =	sdelay $0x3  }
0x92: {  	_ =	strace s18  }
0x93: {  	s3 =	sld [smem:$0x3FFC];
	_ =	sdelay $0x3  }
0x94: {  	_ =	strace s3  }
0x95: {  	s3 =	sld [smem:$0x3FFD];
	_ =	sdelay $0x3  }
0x96: {  	_ =	strace s3  }
0x97: {  	_ =	strace $0x8FFFFFFF  }
0x98: {  	s19 =	sld [smem:$0x3FDB];
	_ =	sdelay $0x1  }
0x99: {  	s4 =	simm.s32 $_scs_section_size  }
0x9a: {  	s5 =	simm.s32 $_size__tile_overlayer_lowered;
	s6 =	simm.s32 $_tile_overlayer_lowered  }
0x9b: {  	s22 =	simm.s32 $0x1BFF;
	s21 =	sshll.u32 s6, $0x1;
	s3 =	sadd.s32 s4, s19  }
0x9c: {  	s7 =	simm.s32 $0x0;
	s20 =	sshll.u32 s5, $0x1;
	s5 =	sadd.s32 s21, s3  }
0x9d: {  	[timem:s7], [sflag:s22] =	dma.local [hbm:s5], s20  }
0x9e: {  	_ =	swait.ge [sflag:s22], s20  }
0x9f: {  	s4 =	ssub.s32 $0x0, s20;
	[sflag:s22] =	ssyncset.done $0x0  }
0xa0: {  	[sflag:s22] =	ssyncadd.s32 s4;
	_ =	sdelay $0x1  }
0xa1: {  	s23 =	simm.s32 $0x1B8B  }
0xa2: {  	_ =	swait.ge [sflag:s23], $0x1  }
0xa3: {  	[sflag:s23] =	ssyncset.done $0x0  }
0xa4: {  	s25 =	simm.s32 $0x1B8E;
	s24 =	sld [smem:$0x3FFE];
	[sflag:s23] =	ssyncadd.s32 $0xFFFFFFFF  }
0xa5: {  	s26 =	simm.s32 $execute0_lowered;
	[smem:$0x3FD2] =	sst s25  }
0xa6: {  	s5 =	sshll.u32 s26, $0x1;
	_ =	strace $0x8000004F;
	[dreg:$0x1] =	wrdreg $0xFFFFFFFF  }
0xa7: {  	s28 =	simm.s32 $_size_execute0_lowered;
	s3 =	sadd.s32 s3, s5;
	[dreg:$0x0] =	wrdreg $0x0  }
0xa8: {  	s5 =	sshll.u32 s28, $0x1;
	[dreg:$0x2] =	wrdreg s3  }
0xa9: {  	[dreg:$0x3] =	wrdreg s5  }
0xaa: {  	[dreg:$0x4] =	wrdreg $0xC0  }
0xab: {  	_ =	task [dreg:s7], $0x5FFFF  }
0xac: {  	[dreg:$0x1] =	wrdreg $0xFFFFFFFF  }
0xad: {  	[dreg:$0x0] =	wrdreg $0x60  }
0xae: {  	[dreg:$0x2] =	wrdreg s24  }
0xaf: {  	[dreg:$0x3] =	wrdreg s2  }
0xb0: {  	[dreg:$0x4] =	wrdreg $0x28000  }
0xb1: {  	[dreg:$0x5] =	wrdreg $0x9  }
0xb2: {  	_ =	task.clear_ibuf [dreg:s7], $0x6FFFF;
	_ =	strace $0x9000004F  }
0xb3: {  	s29 =	simm.s32 $0x9;
	_ =	strace $0x80000051  }
0xb4: {  	_ =	swait.ge [sflag:s29], $0x1  }
0xb5: {  	[sflag:s29] =	ssyncadd.s32 $0xFFFFFFFF  }
0xb6: {  	_ =	strace $0x90000051  }
0xb7: {  	_ =	sfence  }
0xb8: {  	s30 =	sld [smem:$0x0];
	_ =	sdelay $0x2  }
0xb9: {  	s31 =	sshll.u32 s1, $0xD;
	s1 =	sshrl.u32 s1, $0x2  }
0xba: {  	s3 =	sand.u32 $0x4000, s31;
	s1 =	sadd.s32 s1, s30  }
0xbb: {  	s0 =	sor.u32 s3, s0;
	s1 =	sshll.u32 s1, $0x11  }
0xbc: {  	s0 =	sor.u32 s1, s0  }
0xbd: {  	s0 =	sadd.s32 $0x8F2B, s0  }
0xbe: {  	[sflag:s0] =	ssyncadd.remote.s32 $0x1  }
0xbf: {  	_ =	sfence.sel $0xFFFF  }
0xc0: {  	[dreg:$0x0] =	wrdreg $0xFFFFFFFF;
	(pc) =	sbr.abs _section_cstart, $3  }
0xc1: {  	[dreg:$0x1] =	wrdreg $0xFFFFFFFF  }
0xc2: {  	_ =	task.clear_ibuf [dreg:s7], $0x2FFFF;
	_ =	strace $0x9FFFFFFF  }
0xc3: {  	(tm) =	ssettm $0x7FFFFFFF  }
tec
execute0_lowered:
.L_overlay_start_1:
0x0: {  	(tag) =	ssettag $0x1  }
0x1: {  	s0 =	rddreg [dreg:$0x0]  }
0x2: {  	s2 =	rddreg [dreg:$0x1]  }
0x3: {  	s3 =	srdreg.scid;
	s1 =	rddreg [dreg:$0x2]  }
0x4: {  	s11 =	stileid.u32;
	s13 =	simm.s32 $0x400;
	s14 =	simm.s32 $0x80  }
0x5: {  	s15 =	simm.s32 $0x800;
	s16 =	simm.s32 $0x1;
	s17 =	simm.s32 $0x480  }
0x6: {  	s18 =	simm.s32 $0x100;
	s19 =	simm.s32 $0x500;
	s20 =	simm.s32 $0x180  }
0x7: {  	s21 =	simm.s32 $0x580;
	s22 =	simm.s32 $0x200;
	s28 =	simm.s32 $0x300  }
0x8: {  	s29 =	simm.s32 $0x700;
	s30 =	simm.s32 $0x380;
	s7 =	smul.u32 $0x1D4C0, s11  }
0x9: {  	s31 =	simm.s32 $0x780;
	s5 =	sand.u32 $0x1, s3;
	s9 =	smul.u32 $0x75400, s11  }
0xa: {  	s3 =	simm.s32 $0x0;
	s24 =	sshll.u32 s11, $0x6;
	s11 =	smul.u32 $0x1D80, s11  }
0xb: {  	s10 =	sadd.s32 $0x2C00, s0;
	s4 =	smul.u32 $0x1D800, s5;
	[smem:$0x7FF] =	sst s3  }
0xc: {  	s6 =	smul.u32 $0x1D4C00, s5;
	s5 =	ssub.s32 $0x2, s5;
	_ =	strace $0x80000050  }
0xd: {  	[dreg:$0x4] =	wrdreg s10;
	s23 =	sshrl.u32 s5, $0x1;
	s9 =	sshrl.u32 s9, $0x2  }
0xe: {  	s10 =	sadd.s32 s11, s2;
	s8 =	sadd.s32 s4, s0;
	s4 =	sadd.s32 $0x26D800, s0  }
0xf: {  	s6 =	sadd.s32 s7, s6;
	s5 =	ssub.s32 s5, s23;
	s12 =	sadd.s32 s9, s1  }
0x10: {  	s23 =	simm.s32 $0x600;
	s6 =	sshrl.u32 s6, $0x3;
	s25 =	sadd.s32 s11, s8  }
0x11: {  	s5 =	smax.u32 s5, $0x1;
	s26 =	sshrl.u32 s12, $0x3;
	s12 =	simm.s32 $0x2  }
0x12: {  	s0 =	sadd.s32 s6, s0;
	s6 =	sor.u32 $0x1C02, s24;
	[dreg:$0x6] =	wrdreg s5  }
0x13: {  	s9 =	sadd.s32 $0x5DC00, s25;
	[dreg:$0x7] =	wrdreg s26;
	s0 =	sadd.s32 $0x183200, s0  }
0x14: {  	s24 =	simm.s32 $0x280;
	[dreg:$0x5] =	wrdreg s0;
	s0 =	sadd.s32 s7, s1  }
0x15: {  	s26 =	simm.s32 $0x680;
	s25 =	sshrl.u32 s0, $0x3;
	s0 =	simm.s32 $0x0  }
.LBB2_1:
0x16: {  	s2 =	rddreg [dreg:$0x4]  }
0x17: {  	s5 =	rddreg [dreg:$0x7]  }
0x18: {  	[spmem:s5], [sflag:s6] =	dma.local [hbm:s2], $0x3AA0  }
0x19: {  	_ =	swait.ge [sflag:s12], $0x3AA0  }
0x1a: {  	[sflag:s12] =	ssyncset.done $0x0  }
0x1b: {  	[sflag:s12] =	ssyncadd.s32 $0xFFFFC560  }
0x1c: {  	s8 =	sadd.s32 $0x0, s9;
	[bflag:$0x0] =	sbarrier.arrive $0xFFFF  }
0x1d: {  	[tilespmem:s3], [sflag:$0x2] =	stream.linear.gather [hbm4b:s8+s3], $0x400, $0x38;
	[tilespmem:$0x1FD00] =	vst v63  }
0x1e: {  	_ =	swait.ge [sflag:s12], $0x400  }
0x1f: {  	[sflag:s12] =	ssyncset.done $0x0  }
0x20: {  	s11 =	sadd.s32 $0x0, s10;
	[sflag:s12] =	ssyncadd.s32 $0xFFFFFC00  }
0x21: {  	[tilespmem:s13], [sflag:$0x2] =	stream.linear.gather [hbm4b:s11+s3], $0x400, $0x38;
	[tilespmem:$0x1FD00] =	vst v63  }
0x22: {  	_ =	swait.ge [sflag:s12], $0x400  }
0x23: {  	[sflag:s12] =	ssyncset.done $0x0  }
0x24: {  	[sflag:s12] =	ssyncadd.s32 $0xFFFFFC00  }
0x25: {  	[tilespmem:s15], [sflag:$0x1] =	stream.indirect.gather [hbm4b:s4+s14], $0x40, s3, s14, $0xb8;
	[tilespmem:$0x1FD00] =	vst v63  }
0x26: {  	_ =	swait.ge [sflag:s16], $0x2000  }
0x27: {  	[sflag:s16] =	ssyncset.done $0x0  }
0x28: {  	[sflag:s16] =	ssyncadd.s32 $0xFFFFE000  }
0x29: {  	[spmem:s1] =	stream.indirect.scatter.add.f32 [tilespmem:s15], [sflag:$0x2], $0x40, s13, s14, $0xb8;
	[tilespmem:$0x1FD00] =	vst v63  }
0x2a: {  	_ =	swait.ge [sflag:s12], $0x2000  }
0x2b: {  	[sflag:s12] =	ssyncset.done $0x0  }
0x2c: {  	[sflag:s12] =	ssyncadd.s32 $0xFFFFE000  }
0x2d: {  	[tilespmem:s15], [sflag:$0x1] =	stream.indirect.gather [hbm4b:s4+s14], $0x40, s14, s14, $0xb8;
	[tilespmem:$0x1FD00] =	vst v63  }
0x2e: {  	_ =	swait.ge [sflag:s16], $0x2000  }
0x2f: {  	[sflag:s16] =	ssyncset.done $0x0  }
0x30: {  	[sflag:s16] =	ssyncadd.s32 $0xFFFFE000  }
0x31: {  	[spmem:s1] =	stream.indirect.scatter.add.f32 [tilespmem:s15], [sflag:$0x2], $0x40, s17, s14, $0xb8;
	[tilespmem:$0x1FD00] =	vst v63  }
0x32: {  	_ =	swait.ge [sflag:s12], $0x2000  }
0x33: {  	[sflag:s12] =	ssyncset.done $0x0  }
0x34: {  	[sflag:s12] =	ssyncadd.s32 $0xFFFFE000  }
0x35: {  	[tilespmem:s15], [sflag:$0x1] =	stream.indirect.gather [hbm4b:s4+s14], $0x40, s18, s14, $0xb8;
	[tilespmem:$0x1FD00] =	vst v63  }
0x36: {  	_ =	swait.ge [sflag:s16], $0x2000  }
0x37: {  	[sflag:s16] =	ssyncset.done $0x0  }
0x38: {  	[sflag:s16] =	ssyncadd.s32 $0xFFFFE000  }
0x39: {  	[spmem:s1] =	stream.indirect.scatter.add.f32 [tilespmem:s15], [sflag:$0x2], $0x40, s19, s14, $0xb8;
	[tilespmem:$0x1FD00] =	vst v63  }
0x3a: {  	_ =	swait.ge [sflag:s12], $0x2000  }
0x3b: {  	[sflag:s12] =	ssyncset.done $0x0  }
0x3c: {  	[sflag:s12] =	ssyncadd.s32 $0xFFFFE000  }
0x3d: {  	[tilespmem:s15], [sflag:$0x1] =	stream.indirect.gather [hbm4b:s4+s14], $0x40, s20, s14, $0xb8;
	[tilespmem:$0x1FD00] =	vst v63  }
0x3e: {  	_ =	swait.ge [sflag:s16], $0x2000  }
0x3f: {  	[sflag:s16] =	ssyncset.done $0x0  }
0x40: {  	[sflag:s16] =	ssyncadd.s32 $0xFFFFE000  }
0x41: {  	[spmem:s1] =	stream.indirect.scatter.add.f32 [tilespmem:s15], [sflag:$0x2], $0x40, s21, s14, $0xb8;
	[tilespmem:$0x1FD00] =	vst v63  }
0x42: {  	_ =	swait.ge [sflag:s12], $0x2000  }
0x43: {  	[sflag:s12] =	ssyncset.done $0x0  }
0x44: {  	[sflag:s12] =	ssyncadd.s32 $0xFFFFE000  }
0x45: {  	[tilespmem:s15], [sflag:$0x1] =	stream.indirect.gather [hbm4b:s4+s14], $0x40, s22, s14, $0xb8;
	[tilespmem:$0x1FD00] =	vst v63  }
0x46: {  	_ =	swait.ge [sflag:s16], $0x2000  }
0x47: {  	[sflag:s16] =	ssyncset.done $0x0  }
0x48: {  	[sflag:s16] =	ssyncadd.s32 $0xFFFFE000  }
0x49: {  	[spmem:s1] =	stream.indirect.scatter.add.f32 [tilespmem:s15], [sflag:$0x2], $0x40, s23, s14, $0xb8;
	[tilespmem:$0x1FD00] =	vst v63  }
0x4a: {  	_ =	swait.ge [sflag:s12], $0x2000  }
0x4b: {  	[sflag:s12] =	ssyncset.done $0x0  }
0x4c: {  	[sflag:s12] =	ssyncadd.s32 $0xFFFFE000  }
0x4d: {  	[tilespmem:s15], [sflag:$0x1] =	stream.indirect.gather [hbm4b:s4+s14], $0x40, s24, s14, $0xb8;
	[tilespmem:$0x1FD00] =	vst v63  }
0x4e: {  	_ =	swait.ge [sflag:s16], $0x2000  }
0x4f: {  	[sflag:s16] =	ssyncset.done $0x0  }
0x50: {  	[sflag:s16] =	ssyncadd.s32 $0xFFFFE000  }
0x51: {  	[spmem:s1] =	stream.indirect.scatter.add.f32 [tilespmem:s15], [sflag:$0x2], $0x40, s26, s14, $0xb8;
	[tilespmem:$0x1FD00] =	vst v63  }
0x52: {  	_ =	swait.ge [sflag:s12], $0x2000  }
0x53: {  	[sflag:s12] =	ssyncset.done $0x0  }
0x54: {  	[sflag:s12] =	ssyncadd.s32 $0xFFFFE000  }
0x55: {  	[tilespmem:s15], [sflag:$0x1] =	stream.indirect.gather [hbm4b:s4+s14], $0x40, s28, s14, $0xb8;
	[tilespmem:$0x1FD00] =	vst v63  }
0x56: {  	_ =	swait.ge [sflag:s16], $0x2000  }
0x57: {  	[sflag:s16] =	ssyncset.done $0x0  }
0x58: {  	[sflag:s16] =	ssyncadd.s32 $0xFFFFE000  }
0x59: {  	[spmem:s1] =	stream.indirect.scatter.add.f32 [tilespmem:s15], [sflag:$0x2], $0x40, s29, s14, $0xb8;
	[tilespmem:$0x1FD00] =	vst v63  }
0x5a: {  	_ =	swait.ge [sflag:s12], $0x2000  }
0x5b: {  	[sflag:s12] =	ssyncset.done $0x0  }
0x5c: {  	[sflag:s12] =	ssyncadd.s32 $0xFFFFE000  }
0x5d: {  	[tilespmem:s15], [sflag:$0x1] =	stream.indirect.gather [hbm4b:s4+s14], $0x40, s30, s14, $0xb8;
	[tilespmem:$0x1FD00] =	vst v63  }
0x5e: {  	_ =	swait.ge [sflag:s16], $0x2000  }
0x5f: {  	[sflag:s16] =	ssyncset.done $0x0  }
0x60: {  	[sflag:s16] =	ssyncadd.s32 $0xFFFFE000  }
0x61: {  	[spmem:s1] =	stream.indirect.scatter.add.f32 [tilespmem:s15], [sflag:$0x2], $0x40, s31, s14, $0xb8;
	[tilespmem:$0x1FD00] =	vst v63  }
0x62: {  	_ =	swait.ge [sflag:s12], $0x2000  }
0x63: {  	s2 =	simm.s32 $0x80;
	s5 =	simm.s32 $0x100;
	[sflag:s12] =	ssyncset.done $0x0  }
.LBB2_2:
0x64: {  	s8 =	sadd.s32 s2, s9  }
0x65: {  	[sflag:s12] =	ssyncadd.s32 $0xFFFFE000;
	s11 =	smov.u32 s5;
	s7 =	sadd.s32 $0x80, s5  }
0x66: {  	[tilespmem:s3], [sflag:$0x2] =	stream.linear.gather [hbm4b:s8+s3], $0x400, $0x38;
	[tilespmem:$0x1FD00] =	vst v63  }
0x67: {  	p0 =	sne.s32 s5, $0x1D00;
	_ =	swait.ge [sflag:s12], $0x400  }
0x68: {  	[sflag:s12] =	ssyncset.done $0x0  }
0x69: {  	s5 =	sadd.s32 s2, s10;
	s2 =	smov.u32 s11;
	[sflag:s12] =	ssyncadd.s32 $0xFFFFFC00  }
0x6a: {  	[tilespmem:s13], [sflag:$0x2] =	stream.linear.gather [hbm4b:s5+s3], $0x400, $0x38;
	[tilespmem:$0x1FD00] =	vst v63  }
0x6b: {  	_ =	swait.ge [sflag:s12], $0x400  }
0x6c: {  	[sflag:s12] =	ssyncset.done $0x0  }
0x6d: {  	[sflag:s12] =	ssyncadd.s32 $0xFFFFFC00  }
0x6e: {  	[tilespmem:s15], [sflag:$0x1] =	stream.indirect.gather [hbm4b:s4+s14], $0x40, s3, s14, $0xb8;
	[tilespmem:$0x1FD00] =	vst v63  }
0x6f: {  	_ =	swait.ge [sflag:s16], $0x2000  }
0x70: {  	[sflag:s16] =	ssyncset.done $0x0  }
0x71: {  	[sflag:s16] =	ssyncadd.s32 $0xFFFFE000  }
0x72: {  	[spmem:s1] =	stream.indirect.scatter.add.f32 [tilespmem:s15], [sflag:$0x2], $0x40, s13, s14, $0xb8;
	[tilespmem:$0x1FD00] =	vst v63  }
0x73: {  	_ =	swait.ge [sflag:s12], $0x2000  }
0x74: {  	[sflag:s12] =	ssyncset.done $0x0  }
0x75: {  	[sflag:s12] =	ssyncadd.s32 $0xFFFFE000  }
0x76: {  	[tilespmem:s15], [sflag:$0x1] =	stream.indirect.gather [hbm4b:s4+s14], $0x40, s14, s14, $0xb8;
	[tilespmem:$0x1FD00] =	vst v63  }
0x77: {  	_ =	swait.ge [sflag:s16], $0x2000  }
0x78: {  	[sflag:s16] =	ssyncset.done $0x0  }
0x79: {  	[sflag:s16] =	ssyncadd.s32 $0xFFFFE000  }
0x7a: {  	[spmem:s1] =	stream.indirect.scatter.add.f32 [tilespmem:s15], [sflag:$0x2], $0x40, s17, s14, $0xb8;
	[tilespmem:$0x1FD00] =	vst v63  }
0x7b: {  	_ =	swait.ge [sflag:s12], $0x2000  }
0x7c: {  	[sflag:s12] =	ssyncset.done $0x0  }
0x7d: {  	[sflag:s12] =	ssyncadd.s32 $0xFFFFE000  }
0x7e: {  	[tilespmem:s15], [sflag:$0x1] =	stream.indirect.gather [hbm4b:s4+s14], $0x40, s18, s14, $0xb8;
	[tilespmem:$0x1FD00] =	vst v63  }
0x7f: {  	_ =	swait.ge [sflag:s16], $0x2000  }
0x80: {  	[sflag:s16] =	ssyncset.done $0x0  }
0x81: {  	[sflag:s16] =	ssyncadd.s32 $0xFFFFE000  }
0x82: {  	[spmem:s1] =	stream.indirect.scatter.add.f32 [tilespmem:s15], [sflag:$0x2], $0x40, s19, s14, $0xb8;
	[tilespmem:$0x1FD00] =	vst v63  }
0x83: {  	_ =	swait.ge [sflag:s12], $0x2000  }
0x84: {  	[sflag:s12] =	ssyncset.done $0x0  }
0x85: {  	[sflag:s12] =	ssyncadd.s32 $0xFFFFE000  }
0x86: {  	[tilespmem:s15], [sflag:$0x1] =	stream.indirect.gather [hbm4b:s4+s14], $0x40, s20, s14, $0xb8;
	[tilespmem:$0x1FD00] =	vst v63  }
0x87: {  	_ =	swait.ge [sflag:s16], $0x2000  }
0x88: {  	[sflag:s16] =	ssyncset.done $0x0  }
0x89: {  	[sflag:s16] =	ssyncadd.s32 $0xFFFFE000  }
0x8a: {  	[spmem:s1] =	stream.indirect.scatter.add.f32 [tilespmem:s15], [sflag:$0x2], $0x40, s21, s14, $0xb8;
	[tilespmem:$0x1FD00] =	vst v63  }
0x8b: {  	_ =	swait.ge [sflag:s12], $0x2000  }
0x8c: {  	[sflag:s12] =	ssyncset.done $0x0  }
0x8d: {  	[sflag:s12] =	ssyncadd.s32 $0xFFFFE000  }
0x8e: {  	[tilespmem:s15], [sflag:$0x1] =	stream.indirect.gather [hbm4b:s4+s14], $0x40, s22, s14, $0xb8;
	[tilespmem:$0x1FD00] =	vst v63  }
0x8f: {  	_ =	swait.ge [sflag:s16], $0x2000  }
0x90: {  	[sflag:s16] =	ssyncset.done $0x0  }
0x91: {  	[sflag:s16] =	ssyncadd.s32 $0xFFFFE000  }
0x92: {  	[spmem:s1] =	stream.indirect.scatter.add.f32 [tilespmem:s15], [sflag:$0x2], $0x40, s23, s14, $0xb8;
	[tilespmem:$0x1FD00] =	vst v63  }
0x93: {  	_ =	swait.ge [sflag:s12], $0x2000  }
0x94: {  	[sflag:s12] =	ssyncset.done $0x0  }
0x95: {  	[sflag:s12] =	ssyncadd.s32 $0xFFFFE000  }
0x96: {  	[tilespmem:s15], [sflag:$0x1] =	stream.indirect.gather [hbm4b:s4+s14], $0x40, s24, s14, $0xb8;
	[tilespmem:$0x1FD00] =	vst v63  }
0x97: {  	_ =	swait.ge [sflag:s16], $0x2000  }
0x98: {  	[sflag:s16] =	ssyncset.done $0x0  }
0x99: {  	[sflag:s16] =	ssyncadd.s32 $0xFFFFE000  }
0x9a: {  	[spmem:s1] =	stream.indirect.scatter.add.f32 [tilespmem:s15], [sflag:$0x2], $0x40, s26, s14, $0xb8;
	[tilespmem:$0x1FD00] =	vst v63  }
0x9b: {  	_ =	swait.ge [sflag:s12], $0x2000  }
0x9c: {  	[sflag:s12] =	ssyncset.done $0x0  }
0x9d: {  	[sflag:s12] =	ssyncadd.s32 $0xFFFFE000  }
0x9e: {  	[tilespmem:s15], [sflag:$0x1] =	stream.indirect.gather [hbm4b:s4+s14], $0x40, s28, s14, $0xb8;
	[tilespmem:$0x1FD00] =	vst v63  }
0x9f: {  	_ =	swait.ge [sflag:s16], $0x2000  }
0xa0: {  	[sflag:s16] =	ssyncset.done $0x0  }
0xa1: {  	[sflag:s16] =	ssyncadd.s32 $0xFFFFE000  }
0xa2: {  	[spmem:s1] =	stream.indirect.scatter.add.f32 [tilespmem:s15], [sflag:$0x2], $0x40, s29, s14, $0xb8;
	[tilespmem:$0x1FD00] =	vst v63  }
0xa3: {  	_ =	swait.ge [sflag:s12], $0x2000  }
0xa4: {  	[sflag:s12] =	ssyncset.done $0x0  }
0xa5: {  	[sflag:s12] =	ssyncadd.s32 $0xFFFFE000  }
0xa6: {  	[tilespmem:s15], [sflag:$0x1] =	stream.indirect.gather [hbm4b:s4+s14], $0x40, s30, s14, $0xb8;
	[tilespmem:$0x1FD00] =	vst v63  }
0xa7: {  	_ =	swait.ge [sflag:s16], $0x2000  }
.Ltmp0:
0xa8: {  	[sflag:s16] =	ssyncset.done $0x0;
	(pc) =	sbr.rel @p0 .LBB2_2-.Ltmp0, $4  }
0xa9: {  	[sflag:s16] =	ssyncadd.s32 $0xFFFFE000  }
0xaa: {  	[spmem:s1] =	stream.indirect.scatter.add.f32 [tilespmem:s15], [sflag:$0x2], $0x40, s31, s14, $0xb8;
	[tilespmem:$0x1FD00] =	vst v63  }
0xab: {  	_ =	swait.ge [sflag:s12], $0x2000  }
0xac: {  	s5 =	smov.u32 s7;
	[sflag:s12] =	ssyncset.done $0x0  }
0xad: {  	s5 =	sadd.s32 s2, s9;
	[sflag:s12] =	ssyncadd.s32 $0xFFFFE000  }
0xae: {  	[tilespmem:s3], [sflag:$0x2] =	stream.linear.gather [hbm4b:s5+s3], $0x400, $0x38;
	[tilespmem:$0x1FD00] =	vst v63  }
0xaf: {  	_ =	swait.ge [sflag:s12], $0x400  }
0xb0: {  	[sflag:s12] =	ssyncset.done $0x0  }
0xb1: {  	s7 =	sadd.s32 s2, s10;
	[sflag:s12] =	ssyncadd.s32 $0xFFFFFC00  }
0xb2: {  	[tilespmem:s13], [sflag:$0x2] =	stream.linear.gather [hbm4b:s7+s3], $0x400, $0x38;
	[tilespmem:$0x1FD00] =	vst v63  }
0xb3: {  	_ =	swait.ge [sflag:s12], $0x400  }
0xb4: {  	[sflag:s12] =	ssyncset.done $0x0  }
0xb5: {  	[sflag:s12] =	ssyncadd.s32 $0xFFFFFC00  }
0xb6: {  	[tilespmem:s15], [sflag:$0x1] =	stream.indirect.gather [hbm4b:s4+s14], $0x40, s3, s14, $0xb8;
	[tilespmem:$0x1FD00] =	vst v63  }
0xb7: {  	_ =	swait.ge [sflag:s16], $0x2000  }
0xb8: {  	[sflag:s16] =	ssyncset.done $0x0  }
0xb9: {  	[sflag:s16] =	ssyncadd.s32 $0xFFFFE000  }
0xba: {  	[spmem:s1] =	stream.indirect.scatter.add.f32 [tilespmem:s15], [sflag:$0x2], $0x40, s13, s14, $0xb8;
	[tilespmem:$0x1FD00] =	vst v63  }
0xbb: {  	_ =	swait.ge [sflag:s12], $0x2000  }
0xbc: {  	[sflag:s12] =	ssyncset.done $0x0  }
0xbd: {  	[sflag:s12] =	ssyncadd.s32 $0xFFFFE000  }
0xbe: {  	[tilespmem:s15], [sflag:$0x1] =	stream.indirect.gather [hbm4b:s4+s14], $0x40, s14, s14, $0xb8;
	[tilespmem:$0x1FD00] =	vst v63  }
0xbf: {  	_ =	swait.ge [sflag:s16], $0x2000  }
0xc0: {  	[sflag:s16] =	ssyncset.done $0x0  }
0xc1: {  	[sflag:s16] =	ssyncadd.s32 $0xFFFFE000  }
0xc2: {  	[spmem:s1] =	stream.indirect.scatter.add.f32 [tilespmem:s15], [sflag:$0x2], $0x40, s17, s14, $0xb8;
	[tilespmem:$0x1FD00] =	vst v63  }
0xc3: {  	_ =	swait.ge [sflag:s12], $0x2000  }
0xc4: {  	[sflag:s12] =	ssyncset.done $0x0  }
0xc5: {  	[sflag:s12] =	ssyncadd.s32 $0xFFFFE000  }
0xc6: {  	[tilespmem:s15], [sflag:$0x1] =	stream.indirect.gather [hbm4b:s4+s14], $0x40, s18, s14, $0xb8;
	[tilespmem:$0x1FD00] =	vst v63  }
0xc7: {  	_ =	swait.ge [sflag:s16], $0x2000  }
0xc8: {  	[sflag:s16] =	ssyncset.done $0x0  }
0xc9: {  	[sflag:s16] =	ssyncadd.s32 $0xFFFFE000  }
0xca: {  	[spmem:s1] =	stream.indirect.scatter.add.f32 [tilespmem:s15], [sflag:$0x2], $0x40, s19, s14, $0xb8;
	[tilespmem:$0x1FD00] =	vst v63  }
0xcb: {  	_ =	swait.ge [sflag:s12], $0x2000  }
0xcc: {  	[sflag:s12] =	ssyncset.done $0x0  }
0xcd: {  	[sflag:s12] =	ssyncadd.s32 $0xFFFFE000  }
0xce: {  	[tilespmem:s15], [sflag:$0x1] =	stream.indirect.gather [hbm4b:s4+s14], $0x40, s20, s14, $0xb8;
	[tilespmem:$0x1FD00] =	vst v63  }
0xcf: {  	_ =	swait.ge [sflag:s16], $0x2000  }
0xd0: {  	[sflag:s16] =	ssyncset.done $0x0  }
0xd1: {  	[sflag:s16] =	ssyncadd.s32 $0xFFFFE000  }
0xd2: {  	[spmem:s1] =	stream.indirect.scatter.add.f32 [tilespmem:s15], [sflag:$0x2], $0x40, s21, s14, $0xb8;
	[tilespmem:$0x1FD00] =	vst v63  }
0xd3: {  	_ =	swait.ge [sflag:s12], $0x2000  }
0xd4: {  	[sflag:s12] =	ssyncset.done $0x0  }
0xd5: {  	[sflag:s12] =	ssyncadd.s32 $0xFFFFE000  }
0xd6: {  	[tilespmem:s15], [sflag:$0x1] =	stream.indirect.gather [hbm4b:s4+s14], $0x40, s22, s14, $0xb8;
	[tilespmem:$0x1FD00] =	vst v63  }
0xd7: {  	_ =	swait.ge [sflag:s16], $0x2000  }
0xd8: {  	[sflag:s16] =	ssyncset.done $0x0  }
0xd9: {  	[sflag:s16] =	ssyncadd.s32 $0xFFFFE000  }
0xda: {  	[spmem:s1] =	stream.indirect.scatter.add.f32 [tilespmem:s15], [sflag:$0x2], $0x40, s23, s14, $0xb8;
	[tilespmem:$0x1FD00] =	vst v63  }
0xdb: {  	_ =	swait.ge [sflag:s12], $0x2000  }
0xdc: {  	[sflag:s12] =	ssyncset.done $0x0  }
0xdd: {  	[sflag:s12] =	ssyncadd.s32 $0xFFFFE000  }
0xde: {  	[tilespmem:s15], [sflag:$0x1] =	stream.indirect.gather [hbm4b:s4+s14], $0x40, s24, s14, $0xb8;
	[tilespmem:$0x1FD00] =	vst v63  }
0xdf: {  	_ =	swait.ge [sflag:s16], $0x2000  }
0xe0: {  	[sflag:s16] =	ssyncset.done $0x0  }
0xe1: {  	[sflag:s16] =	ssyncadd.s32 $0xFFFFE000  }
0xe2: {  	[spmem:s1] =	stream.indirect.scatter.add.f32 [tilespmem:s15], [sflag:$0x2], $0x40, s26, s14, $0xb8;
	[tilespmem:$0x1FD00] =	vst v63  }
0xe3: {  	_ =	swait.ge [sflag:s12], $0x2000  }
0xe4: {  	[sflag:s12] =	ssyncset.done $0x0  }
0xe5: {  	[sflag:s12] =	ssyncadd.s32 $0xFFFFE000  }
0xe6: {  	[tilespmem:s15], [sflag:$0x1] =	stream.indirect.gather [hbm4b:s4+s14], $0x40, s28, s14, $0xb8;
	[tilespmem:$0x1FD00] =	vst v63  }
0xe7: {  	_ =	swait.ge [sflag:s16], $0x2000  }
0xe8: {  	[sflag:s16] =	ssyncset.done $0x0  }
0xe9: {  	[sflag:s16] =	ssyncadd.s32 $0xFFFFE000  }
0xea: {  	[spmem:s1] =	stream.indirect.scatter.add.f32 [tilespmem:s15], [sflag:$0x2], $0x40, s29, s14, $0xb8;
	[tilespmem:$0x1FD00] =	vst v63  }
0xeb: {  	_ =	swait.ge [sflag:s12], $0x2000  }
0xec: {  	[sflag:s12] =	ssyncset.done $0x0  }
0xed: {  	[sflag:s12] =	ssyncadd.s32 $0xFFFFE000  }
0xee: {  	[tilespmem:s15], [sflag:$0x1] =	stream.indirect.gather [hbm4b:s4+s14], $0x40, s30, s14, $0xb8;
	[tilespmem:$0x1FD00] =	vst v63  }
0xef: {  	_ =	swait.ge [sflag:s16], $0x2000  }
0xf0: {  	[sflag:s16] =	ssyncset.done $0x0  }
0xf1: {  	[sflag:s16] =	ssyncadd.s32 $0xFFFFE000  }
0xf2: {  	[spmem:s1] =	stream.indirect.scatter.add.f32 [tilespmem:s15], [sflag:$0x2], $0x40, s31, s14, $0xb8;
	[tilespmem:$0x1FD00] =	vst v63  }
0xf3: {  	_ =	swait.ge [sflag:s12], $0x2000  }
0xf4: {  	[sflag:s12] =	ssyncset.done $0x0  }
0xf5: {  	[sflag:s12] =	ssyncadd.s32 $0xFFFFE000  }
0xf6: {  	[bflag:$0x0] =	sbarrier.arrive $0xFFFF  }
0xf7: {  	s8 =	rddreg [dreg:$0x5]  }
0xf8: {  	[hbm:s8], [sflag:s6] =	dma.local [spmem:s25], $0x3A98  }
0xf9: {  	_ =	swait.ge [sflag:s12], $0x3A98  }
0xfa: {  	s0 =	sadd.s32 $0x1, s0;
	s11 =	rddreg [dreg:$0x6]  }
0xfb: {  	p0 =	sne.s32 s0, s11  }
.Ltmp1:
0xfc: {  	_ = 	snop;
	(pc) =	sbr.rel @p0 .LBB2_1-.Ltmp1, $3  }
0xfd: {  	_ =	sdelay $0x1  }
0xfe: {  	[sflag:s12] =	ssyncset.done $0x0  }
0xff: {  	[sflag:s12] =	ssyncadd.s32 $0xFFFFC568  }
0x100: {  	_ =	sfence.sel $0x180000  }
0x101: {  	[bflag:$0x0] =	sbarrier.arrive $0xFFFF  }
0x102: {  	_ =	strace $0x90000050  }
0x103: {  	s0 =	stileid.u32;
	[bflag:$0x2] =	sbarrier.arrive $0xFFFF  }
0x104: {  	p0 =	sne.s32 s0, $0x0;
	s0 =	rddreg [dreg:$0x3]  }
0x105: {  	s0 =	sadd.s32 @!p0 $0x100000, s0  }
0x106: {  	[sflag:s0] =	ssyncadd.tile.s32 @!p0 $0x1;
	_ =	shalt  }
.Lfunc_end2:
_tile_overlayer_lowered:
.L_overlay_start_2:
0x107: {  	(tag) =	ssettag $0x2  }
0x108: {  	s0 =	rddreg [dreg:$0x0];
	s2 =	stileid.u32  }
0x109: {  	s1 =	rddreg [dreg:$0x1];
	p0 =	sne.s32 s2, $0x0  }
0x10a: {  	s3 =	rddreg [dreg:$0x2];
	[bflag:$0x3] =	sbarrier.arrive $0xFFFF;
	s2 =	simm.s32 @!p0 $0x1C02  }
0x10b: {  	[timem:s3], [sflag:s2] =	dma.local @!p0 [hbm:s0], s1  }
0x10c: {  	s0 =	simm.s32 @!p0 $0x2  }
0x10d: {  	_ =	swait.ge @!p0 [sflag:s0], s1  }
0x10e: {  	s1 =	ssub.s32 @!p0 $0x0, s1;
	[sflag:s0] =	ssyncset.done @!p0 $0x0  }
0x10f: {  	[sflag:s0] =	ssyncadd.s32 @!p0 s1  }
0x110: {  	[bflag:$0x3] =	sbarrier.arrive $0xFFFF  }
0x111: {  	_ =	shalt  }

</sc_bundles>
